<compile_context>
chip_gen: v7x
topology: tpu7x:2x2x1
jax: 0.10.2.dev20260603
libtpu: 0.0.44.dev20260713+nightly
codegen_flags: <defaults>
</compile_context>

<pallas_src>
import jax
import jax.numpy as jnp
from jax import lax
from jax.experimental import pallas as pl
from jax.experimental.pallas import tpu as pltpu
from jax.experimental.pallas import tpu_sc as plsc

NUM_IMGS = 5000
NUM_PTS = 500000
NUM_OBS = 2000000

NC = 2
NS = 16
NW = NC * NS
L = 16

C = 4096
NFULL = NUM_OBS // C
TAIL = NUM_OBS - NFULL * C
TAIL_WORKER = NFULL % NW


def _rsqrt_nr(s2):
    bits = plsc.bitcast(s2, jnp.int32)
    bits = jnp.int32(0x5F3759DF) - lax.shift_right_arithmetic(bits, 1)
    y = plsc.bitcast(bits, jnp.float32)
    half = jnp.float32(0.5) * s2
    for _ in range(3):
        y = y * (jnp.float32(1.5) - half * y * y)
    return y


def _body(tx_hbm, ty_hbm, tz_hbm, iidx_hbm, pidx_hbm, calib_hbm,
          cx_hbm, cy_hbm, cz_hbm, px_hbm, py_hbm, pz_hbm, s_hbm,
          ox_hbm, oy_hbm, oz_hbm,
          iidx_v, pidx_v, tx_v, ty_v, tz_v, s_v, gx_v, gy_v, gz_v,
          ox_v, oy_v, oz_v, cam_v, calib_v,
          sem_idx, sem_in, sem_g, sem_out):
    wid = lax.axis_index("s") * NC + lax.axis_index("c")

    pltpu.sync_copy(cx_hbm, cam_v.at[0])
    pltpu.sync_copy(cy_hbm, cam_v.at[1])
    pltpu.sync_copy(cz_hbm, cam_v.at[2])
    pltpu.sync_copy(calib_hbm, calib_v)

    dsl = pl.ds(0, C)

    def fire_in(off, b):
        ssl = pl.ds(off, C)
        pltpu.async_copy(pidx_hbm.at[ssl], pidx_v.at[b, dsl], sem_idx.at[b])
        pltpu.async_copy(iidx_hbm.at[ssl], iidx_v.at[b, dsl], sem_in.at[b])
        pltpu.async_copy(tx_hbm.at[ssl], tx_v.at[b, dsl], sem_in.at[b])
        pltpu.async_copy(ty_hbm.at[ssl], ty_v.at[b, dsl], sem_in.at[b])
        pltpu.async_copy(tz_hbm.at[ssl], tz_v.at[b, dsl], sem_in.at[b])
        pltpu.async_copy(s_hbm.at[ssl], s_v.at[b, dsl], sem_in.at[b])
        pltpu.make_async_copy(pidx_hbm.at[ssl], pidx_v.at[b, dsl],
                              sem_idx.at[b]).wait()
        idx = pidx_v.at[b, dsl]
        pltpu.async_copy(px_hbm.at[idx], gx_v.at[b, dsl], sem_g.at[b])
        pltpu.async_copy(py_hbm.at[idx], gy_v.at[b, dsl], sem_g.at[b])
        pltpu.async_copy(pz_hbm.at[idx], gz_v.at[b, dsl], sem_g.at[b])

    def wait_in(b):
        for ref, hbm in ((iidx_v, iidx_hbm), (tx_v, tx_hbm), (ty_v, ty_hbm),
                         (tz_v, tz_hbm), (s_v, s_hbm)):
            pltpu.make_async_copy(hbm.at[pl.ds(0, C)],
                                  ref.at[b, dsl], sem_in.at[b]).wait()
        for ref in (gx_v, gy_v, gz_v):
            pltpu.make_async_copy(px_hbm.at[pl.ds(0, C)],
                                  ref.at[b, dsl], sem_g.at[b]).wait()

    def drain_out(b, n):
        nsl = pl.ds(0, n)
        pltpu.make_async_copy(ox_v.at[b, nsl], ox_hbm.at[nsl],
                              sem_out.at[b]).wait()
        pltpu.make_async_copy(oy_v.at[b, nsl], oy_hbm.at[nsl],
                              sem_out.at[b]).wait()
        pltpu.make_async_copy(oz_v.at[b, nsl], oz_hbm.at[nsl],
                              sem_out.at[b]).wait()

    def compute(b, n):
        def group(g, carry):
            o = g * L
            sl = pl.ds(o, L)
            img = iidx_v[b, sl]
            tx = tx_v[b, sl]
            ty = ty_v[b, sl]
            tz = tz_v[b, sl]
            px = gx_v[b, sl]
            py = gy_v[b, sl]
            pz = gz_v[b, sl]
            s = s_v[b, sl]
            cx = plsc.load_gather(cam_v, [jnp.zeros((L,), jnp.int32), img])
            cy = plsc.load_gather(cam_v, [jnp.full((L,), 1, jnp.int32), img])
            cz = plsc.load_gather(cam_v, [jnp.full((L,), 2, jnp.int32), img])
            cal = plsc.load_gather(calib_v, [img])

            s2 = tx * tx + ty * ty + tz * tz
            rinv = jnp.where(s2 >= jnp.float32(1e-16), _rsqrt_nr(s2),
                             jnp.float32(1e8))
            f = s * jnp.where(cal > jnp.float32(0.5), jnp.float32(1.0), rinv)
            ox_v[b, sl] = px - cx - f * tx
            oy_v[b, sl] = py - cy - f * ty
            oz_v[b, sl] = pz - cz - f * tz
            return carry

        lax.fori_loop(0, n // L, group, 0, unroll=4)

    def fire_out(off, b, n):
        nsl = pl.ds(0, n)
        ssl = pl.ds(off, n)
        pltpu.async_copy(ox_v.at[b, nsl], ox_hbm.at[ssl], sem_out.at[b])
        pltpu.async_copy(oy_v.at[b, nsl], oy_hbm.at[ssl], sem_out.at[b])
        pltpu.async_copy(oz_v.at[b, nsl], oz_hbm.at[ssl], sem_out.at[b])

    nj = (NFULL - wid + NW - 1) // NW

    def step(j, carry):
        b = j % 2
        bb = 1 - b

        @pl.when(j < nj)
        def _():
            chunk = wid + NW * j
            fire_in(pl.multiple_of(chunk * C, C), b)

        @pl.when(j >= 1)
        def _():
            wait_in(bb)

            @pl.when(j >= 3)
            def _():
                drain_out(bb, C)

            compute(bb, C)
            chunkp = wid + NW * (j - 1)
            fire_out(pl.multiple_of(chunkp * C, C), bb, C)

        return carry

    lax.fori_loop(0, nj + 1, step, 0)
    drain_out(0, C)
    drain_out(1, C)

    if TAIL:
        @pl.when(wid == TAIL_WORKER)
        def _():
            off = NFULL * C
            nsl = pl.ds(0, TAIL)
            ssl = pl.ds(off, TAIL)
            pltpu.async_copy(pidx_hbm.at[ssl], pidx_v.at[0, nsl],
                             sem_idx.at[0])
            pltpu.async_copy(iidx_hbm.at[ssl], iidx_v.at[0, nsl],
                             sem_in.at[0])
            pltpu.async_copy(tx_hbm.at[ssl], tx_v.at[0, nsl], sem_in.at[0])
            pltpu.async_copy(ty_hbm.at[ssl], ty_v.at[0, nsl], sem_in.at[0])
            pltpu.async_copy(tz_hbm.at[ssl], tz_v.at[0, nsl], sem_in.at[0])
            pltpu.async_copy(s_hbm.at[ssl], s_v.at[0, nsl], sem_in.at[0])
            pltpu.make_async_copy(pidx_hbm.at[ssl], pidx_v.at[0, nsl],
                                  sem_idx.at[0]).wait()
            idx = pidx_v.at[0, nsl]
            pltpu.async_copy(px_hbm.at[idx], gx_v.at[0, nsl], sem_g.at[0])
            pltpu.async_copy(py_hbm.at[idx], gy_v.at[0, nsl], sem_g.at[0])
            pltpu.async_copy(pz_hbm.at[idx], gz_v.at[0, nsl], sem_g.at[0])
            for ref, hbm in ((iidx_v, iidx_hbm), (tx_v, tx_hbm),
                             (ty_v, ty_hbm), (tz_v, tz_hbm), (s_v, s_hbm)):
                pltpu.make_async_copy(hbm.at[pl.ds(0, TAIL)],
                                      ref.at[0, nsl], sem_in.at[0]).wait()
            for ref in (gx_v, gy_v, gz_v):
                pltpu.make_async_copy(px_hbm.at[pl.ds(0, TAIL)],
                                      ref.at[0, nsl], sem_g.at[0]).wait()
            compute(0, TAIL)
            pltpu.sync_copy(ox_v.at[0, nsl], ox_hbm.at[ssl])
            pltpu.sync_copy(oy_v.at[0, nsl], oy_hbm.at[ssl])
            pltpu.sync_copy(oz_v.at[0, nsl], oz_hbm.at[ssl])


@jax.jit
def _run(tx, ty, tz, iidx, pidx, calib_f, cx, cy, cz, px, py, pz, s):
    mesh = plsc.VectorSubcoreMesh(core_axis_name="c", subcore_axis_name="s")
    kfn = pl.kernel(
        _body,
        out_type=(jax.ShapeDtypeStruct((NUM_OBS,), jnp.float32),
                  jax.ShapeDtypeStruct((NUM_OBS,), jnp.float32),
                  jax.ShapeDtypeStruct((NUM_OBS,), jnp.float32)),
        mesh=mesh,
        compiler_params=pltpu.CompilerParams(needs_layout_passes=False,
                                             use_tc_tiling_on_sc=False,
                                             disable_bounds_checks=True),
        scratch_types=[
            pltpu.VMEM((2, C), jnp.int32),
            pltpu.VMEM((2, C), jnp.int32),
            pltpu.VMEM((2, C), jnp.float32),
            pltpu.VMEM((2, C), jnp.float32),
            pltpu.VMEM((2, C), jnp.float32),
            pltpu.VMEM((2, C), jnp.float32),
            pltpu.VMEM((2, C), jnp.float32),
            pltpu.VMEM((2, C), jnp.float32),
            pltpu.VMEM((2, C), jnp.float32),
            pltpu.VMEM((2, C), jnp.float32),
            pltpu.VMEM((2, C), jnp.float32),
            pltpu.VMEM((2, C), jnp.float32),
            pltpu.VMEM((3, NUM_IMGS), jnp.float32),
            pltpu.VMEM((NUM_IMGS,), jnp.float32),
            pltpu.SemaphoreType.DMA((2,)),
            pltpu.SemaphoreType.DMA((2,)),
            pltpu.SemaphoreType.DMA((2,)),
            pltpu.SemaphoreType.DMA((2,)),
        ],
    )
    return kfn(tx, ty, tz, iidx, pidx, calib_f, cx, cy, cz, px, py, pz, s)


def kernel(translations, image_indices, point_indices, is_calibrated,
           cam_translations, points_3d, scales):
    ox, oy, oz = _run(
        translations[:, 0], translations[:, 1], translations[:, 2],
        image_indices.astype(jnp.int32), point_indices.astype(jnp.int32),
        is_calibrated.astype(jnp.float32),
        cam_translations[:, 0], cam_translations[:, 1],
        cam_translations[:, 2],
        points_3d[:, 0], points_3d[:, 1], points_3d[:, 2],
        scales.reshape(-1))
    return jnp.stack([ox, oy, oz], axis=1)

# --- scband reference (transcript-rebuilt; emitter-appended) ---
"""Pipeline reference for scband-pairwise-single-camera-model-68839735820968 (READ-ONLY COPY).

The authoritative reference and input builder live on the scoring server;
editing this copy changes nothing except your own understanding.
"""

import jax, jax.numpy as jnp
import numpy as np

NUM_IMGS = 5000
NUM_PTS = 500000
NUM_OBS = 2000000


def cost_fn(points, cam_trans, scales, rays, is_calibrated):
    # Pairwise positioning residual: point should equal camera center + scale * ray.
    # Uncalibrated cameras use unit-normalized ray directions.
    norm = jnp.linalg.norm(rays, axis=-1, keepdims=True)
    rays_n = jnp.where(is_calibrated[:, None], rays, rays / jnp.maximum(norm, 1e-8))
    return points - cam_trans - scales * rays_n


def setup_inputs(seed: int = 0) -> dict:
    key = jax.random.key(seed)
    ks = jax.random.split(key, 7)
    translations = jax.random.normal(ks[0], (NUM_OBS, 3), dtype=jnp.float32)
    image_indices = jax.random.randint(ks[1], (NUM_OBS,), 0, NUM_IMGS, dtype=jnp.int64 if jax.config.jax_enable_x64 else jnp.int32)
    point_indices = jax.random.randint(ks[2], (NUM_OBS,), 0, NUM_PTS, dtype=jnp.int64 if jax.config.jax_enable_x64 else jnp.int32)
    is_calibrated = jax.random.randint(ks[3], (NUM_IMGS,), 0, 2).astype(bool)
    # learned parameters (nn.Parameter equivalents)
    cam_translations = jax.random.normal(ks[4], (NUM_IMGS, 3), dtype=jnp.float32)
    points_3d = jax.random.normal(ks[5], (NUM_PTS, 3), dtype=jnp.float32)
    scales = jax.random.uniform(ks[6], (NUM_OBS, 1), dtype=jnp.float32, minval=0.1, maxval=10.0)
    return {
        "translations": translations,
        "image_indices": image_indices,
        "point_indices": point_indices,
        "is_calibrated": is_calibrated,
        "cam_translations": cam_translations,
        "points_3d": points_3d,
        "scales": scales,
    }


def reference(translations, image_indices, point_indices, is_calibrated, cam_translations, points_3d, scales):
    pts = jnp.take(points_3d, point_indices, axis=0)
    cam_t = jnp.take(cam_translations, image_indices, axis=0)
    calib = jnp.take(is_calibrated, image_indices, axis=0)
    return cost_fn(pts, cam_t, scales, translations, calib)

if __name__ == "__main__":
    import jax
    _d = setup_inputs()
    print(jax.jit(kernel)(*tuple(_d.values())))

</pallas_src>

<mosaic_0001>
#map = affine_map<(d0, d1) -> (0)>
module attributes {stable_mosaic.version = 14 : i64} {
  func.func @_body(%arg0: i32, %arg1: i32, %arg2: memref<2000000xf32, #tpu.memory_space<hbm>>, %arg3: memref<2000000xf32, #tpu.memory_space<hbm>>, %arg4: memref<2000000xf32, #tpu.memory_space<hbm>>, %arg5: memref<2000000xi32, #tpu.memory_space<hbm>>, %arg6: memref<2000000xi32, #tpu.memory_space<hbm>>, %arg7: memref<5000xf32, #tpu.memory_space<hbm>>, %arg8: memref<5000xf32, #tpu.memory_space<hbm>>, %arg9: memref<5000xf32, #tpu.memory_space<hbm>>, %arg10: memref<5000xf32, #tpu.memory_space<hbm>>, %arg11: memref<500000xf32, #tpu.memory_space<hbm>>, %arg12: memref<500000xf32, #tpu.memory_space<hbm>>, %arg13: memref<500000xf32, #tpu.memory_space<hbm>>, %arg14: memref<2000000xf32, #tpu.memory_space<hbm>>, %arg15: memref<2000000xf32, #tpu.memory_space<hbm>>, %arg16: memref<2000000xf32, #tpu.memory_space<hbm>>, %arg17: memref<2000000xf32, #tpu.memory_space<hbm>>, %arg18: memref<2x4096xi32, #tpu.memory_space<vmem>>, %arg19: memref<2x4096xi32, #tpu.memory_space<vmem>>, %arg20: memref<2x4096xf32, #tpu.memory_space<vmem>>, %arg21: memref<2x4096xf32, #tpu.memory_space<vmem>>, %arg22: memref<2x4096xf32, #tpu.memory_space<vmem>>, %arg23: memref<2x4096xf32, #tpu.memory_space<vmem>>, %arg24: memref<2x4096xf32, #tpu.memory_space<vmem>>, %arg25: memref<2x4096xf32, #tpu.memory_space<vmem>>, %arg26: memref<2x4096xf32, #tpu.memory_space<vmem>>, %arg27: memref<2x4096xf32, #tpu.memory_space<vmem>>, %arg28: memref<2x4096xf32, #tpu.memory_space<vmem>>, %arg29: memref<2x4096xf32, #tpu.memory_space<vmem>>, %arg30: memref<3x5000xf32, #tpu.memory_space<vmem>>, %arg31: memref<5000xf32, #tpu.memory_space<vmem>>, %arg32: memref<2x!tpu.dma_semaphore, #tpu.memory_space<semaphore_mem>>, %arg33: memref<2x!tpu.dma_semaphore, #tpu.memory_space<semaphore_mem>>, %arg34: memref<2x!tpu.dma_semaphore, #tpu.memory_space<semaphore_mem>>, %arg35: memref<2x!tpu.dma_semaphore, #tpu.memory_space<semaphore_mem>>) attributes {dimension_semantics = [#tpu.dimension_semantics<core_parallel>, #tpu.dimension_semantics<subcore_parallel>], iteration_bounds = array<i64: 2, 16>, scalar_prefetch = 0 : i64, scratch_operands = 18 : i64, tpu.core_type = #tpu.core_type<sc_vector_subcore>, window_params = [{transform_indices = #map}, {transform_indices = #map}, {transform_indices = #map}, {transform_indices = #map}, {transform_indices = #map}, {transform_indices = #map}, {transform_indices = #map}, {transform_indices = #map}, {transform_indices = #map}, {transform_indices = #map}, {transform_indices = #map}, {transform_indices = #map}, {transform_indices = #map}, {transform_indices = #map}, {transform_indices = #map}, {transform_indices = #map}]} {
    %mul3A = arith.constant 2 : i32
    %mul3A_0 = arith.muli %arg1, %mul3A : i32
    %add3A = arith.addi %mul3A_0, %arg0 : i32
    %run_scoped3A = arith.constant 0 : i32
    "tpu.region"() ({
      %run_scoped3A_121 = tpu.sem_alloc : memref<!tpu.dma_semaphore, #tpu.memory_space<semaphore_mem>>
      %dma_start3A = arith.constant 0 : i32
      %dma_start3A_122 = tpu.memref_slice %arg30[%run_scoped3A, %dma_start3A] : memref<3x5000xf32, #tpu.memory_space<vmem>> -> memref<1x5000xf32, #tpu.memory_space<vmem>>
      %dma_start3A_123 = tpu.memref_squeeze %dma_start3A_122 : memref<1x5000xf32, #tpu.memory_space<vmem>> -> memref<5000xf32, #tpu.memory_space<vmem>>
      %dma_start3A_124 = arith.constant 0 : i32
      %dma_start3A_125 = tpu.memref_slice %arg30[%run_scoped3A, %dma_start3A_124] : memref<3x5000xf32, #tpu.memory_space<vmem>> -> memref<1x5000xf32, #tpu.memory_space<vmem>>
      %dma_start3A_126 = tpu.memref_squeeze %dma_start3A_125 : memref<1x5000xf32, #tpu.memory_space<vmem>> -> memref<5000xf32, #tpu.memory_space<vmem>>
      tpu.enqueue_dma source(%arg8 : memref<5000xf32, #tpu.memory_space<hbm>>) target(%dma_start3A_126 : memref<5000xf32, #tpu.memory_space<vmem>>) target_semaphore(%run_scoped3A_121 : memref<!tpu.dma_semaphore, #tpu.memory_space<semaphore_mem>>)
      %dma_wait3A_127 = arith.constant 0 : i32
      %dma_wait3A_128 = tpu.memref_slice %arg30[%run_scoped3A, %dma_wait3A_127] : memref<3x5000xf32, #tpu.memory_space<vmem>> -> memref<1x5000xf32, #tpu.memory_space<vmem>>
      %dma_wait3A_129 = tpu.memref_squeeze %dma_wait3A_128 : memref<1x5000xf32, #tpu.memory_space<vmem>> -> memref<5000xf32, #tpu.memory_space<vmem>>
      %dma_wait3A_130 = arith.constant 0 : i32
      %dma_wait3A_131 = tpu.memref_slice %arg30[%run_scoped3A, %dma_wait3A_130] : memref<3x5000xf32, #tpu.memory_space<vmem>> -> memref<1x5000xf32, #tpu.memory_space<vmem>>
      %dma_wait3A_132 = tpu.memref_squeeze %dma_wait3A_131 : memref<1x5000xf32, #tpu.memory_space<vmem>> -> memref<5000xf32, #tpu.memory_space<vmem>>
      tpu.wait_dma2 semaphore(%run_scoped3A_121 : memref<!tpu.dma_semaphore, #tpu.memory_space<semaphore_mem>>) src(%arg8 : memref<5000xf32, #tpu.memory_space<hbm>>) dst(%dma_wait3A_132 : memref<5000xf32, #tpu.memory_space<vmem>>)
      tpu.yield
    }) : () -> ()
    %run_scoped3A_1 = arith.constant 1 : i32
    "tpu.region"() ({
      %run_scoped3A_121 = tpu.sem_alloc : memref<!tpu.dma_semaphore, #tpu.memory_space<semaphore_mem>>
      %dma_start3A = arith.constant 0 : i32
      %dma_start3A_122 = tpu.memref_slice %arg30[%run_scoped3A_1, %dma_start3A] : memref<3x5000xf32, #tpu.memory_space<vmem>> -> memref<1x5000xf32, #tpu.memory_space<vmem>>
      %dma_start3A_123 = tpu.memref_squeeze %dma_start3A_122 : memref<1x5000xf32, #tpu.memory_space<vmem>> -> memref<5000xf32, #tpu.memory_space<vmem>>
      %dma_start3A_124 = arith.constant 0 : i32
      %dma_start3A_125 = tpu.memref_slice %arg30[%run_scoped3A_1, %dma_start3A_124] : memref<3x5000xf32, #tpu.memory_space<vmem>> -> memref<1x5000xf32, #tpu.memory_space<vmem>>
      %dma_start3A_126 = tpu.memref_squeeze %dma_start3A_125 : memref<1x5000xf32, #tpu.memory_space<vmem>> -> memref<5000xf32, #tpu.memory_space<vmem>>
      tpu.enqueue_dma source(%arg9 : memref<5000xf32, #tpu.memory_space<hbm>>) target(%dma_start3A_126 : memref<5000xf32, #tpu.memory_space<vmem>>) target_semaphore(%run_scoped3A_121 : memref<!tpu.dma_semaphore, #tpu.memory_space<semaphore_mem>>)
      %dma_wait3A_127 = arith.constant 0 : i32
      %dma_wait3A_128 = tpu.memref_slice %arg30[%run_scoped3A_1, %dma_wait3A_127] : memref<3x5000xf32, #tpu.memory_space<vmem>> -> memref<1x5000xf32, #tpu.memory_space<vmem>>
      %dma_wait3A_129 = tpu.memref_squeeze %dma_wait3A_128 : memref<1x5000xf32, #tpu.memory_space<vmem>> -> memref<5000xf32, #tpu.memory_space<vmem>>
      %dma_wait3A_130 = arith.constant 0 : i32
      %dma_wait3A_131 = tpu.memref_slice %arg30[%run_scoped3A_1, %dma_wait3A_130] : memref<3x5000xf32, #tpu.memory_space<vmem>> -> memref<1x5000xf32, #tpu.memory_space<vmem>>
      %dma_wait3A_132 = tpu.memref_squeeze %dma_wait3A_131 : memref<1x5000xf32, #tpu.memory_space<vmem>> -> memref<5000xf32, #tpu.memory_space<vmem>>
      tpu.wait_dma2 semaphore(%run_scoped3A_121 : memref<!tpu.dma_semaphore, #tpu.memory_space<semaphore_mem>>) src(%arg9 : memref<5000xf32, #tpu.memory_space<hbm>>) dst(%dma_wait3A_132 : memref<5000xf32, #tpu.memory_space<vmem>>)
      tpu.yield
    }) : () -> ()
    %run_scoped3A_2 = arith.constant 2 : i32
    "tpu.region"() ({
      %run_scoped3A_121 = tpu.sem_alloc : memref<!tpu.dma_semaphore, #tpu.memory_space<semaphore_mem>>
      %dma_start3A = arith.constant 0 : i32
      %dma_start3A_122 = tpu.memref_slice %arg30[%run_scoped3A_2, %dma_start3A] : memref<3x5000xf32, #tpu.memory_space<vmem>> -> memref<1x5000xf32, #tpu.memory_space<vmem>>
      %dma_start3A_123 = tpu.memref_squeeze %dma_start3A_122 : memref<1x5000xf32, #tpu.memory_space<vmem>> -> memref<5000xf32, #tpu.memory_space<vmem>>
      %dma_start3A_124 = arith.constant 0 : i32
      %dma_start3A_125 = tpu.memref_slice %arg30[%run_scoped3A_2, %dma_start3A_124] : memref<3x5000xf32, #tpu.memory_space<vmem>> -> memref<1x5000xf32, #tpu.memory_space<vmem>>
      %dma_start3A_126 = tpu.memref_squeeze %dma_start3A_125 : memref<1x5000xf32, #tpu.memory_space<vmem>> -> memref<5000xf32, #tpu.memory_space<vmem>>
      tpu.enqueue_dma source(%arg10 : memref<5000xf32, #tpu.memory_space<hbm>>) target(%dma_start3A_126 : memref<5000xf32, #tpu.memory_space<vmem>>) target_semaphore(%run_scoped3A_121 : memref<!tpu.dma_semaphore, #tpu.memory_space<semaphore_mem>>)
      %dma_wait3A_127 = arith.constant 0 : i32
      %dma_wait3A_128 = tpu.memref_slice %arg30[%run_scoped3A_2, %dma_wait3A_127] : memref<3x5000xf32, #tpu.memory_space<vmem>> -> memref<1x5000xf32, #tpu.memory_space<vmem>>
      %dma_wait3A_129 = tpu.memref_squeeze %dma_wait3A_128 : memref<1x5000xf32, #tpu.memory_space<vmem>> -> memref<5000xf32, #tpu.memory_space<vmem>>
      %dma_wait3A_130 = arith.constant 0 : i32
      %dma_wait3A_131 = tpu.memref_slice %arg30[%run_scoped3A_2, %dma_wait3A_130] : memref<3x5000xf32, #tpu.memory_space<vmem>> -> memref<1x5000xf32, #tpu.memory_space<vmem>>
      %dma_wait3A_132 = tpu.memref_squeeze %dma_wait3A_131 : memref<1x5000xf32, #tpu.memory_space<vmem>> -> memref<5000xf32, #tpu.memory_space<vmem>>
      tpu.wait_dma2 semaphore(%run_scoped3A_121 : memref<!tpu.dma_semaphore, #tpu.memory_space<semaphore_mem>>) src(%arg10 : memref<5000xf32, #tpu.memory_space<hbm>>) dst(%dma_wait3A_132 : memref<5000xf32, #tpu.memory_space<vmem>>)
      tpu.yield
    }) : () -> ()
    "tpu.region"() ({
      %run_scoped3A_121 = tpu.sem_alloc : memref<!tpu.dma_semaphore, #tpu.memory_space<semaphore_mem>>
      tpu.enqueue_dma source(%arg7 : memref<5000xf32, #tpu.memory_space<hbm>>) target(%arg31 : memref<5000xf32, #tpu.memory_space<vmem>>) target_semaphore(%run_scoped3A_121 : memref<!tpu.dma_semaphore, #tpu.memory_space<semaphore_mem>>)
      tpu.wait_dma2 semaphore(%run_scoped3A_121 : memref<!tpu.dma_semaphore, #tpu.memory_space<semaphore_mem>>) src(%arg7 : memref<5000xf32, #tpu.memory_space<hbm>>) dst(%arg31 : memref<5000xf32, #tpu.memory_space<vmem>>)
      tpu.yield
    }) : () -> ()
    %sub3A = arith.constant 488 : i32
    %sub3A_3 = arith.subi %sub3A, %add3A : i32
    %add3A_4 = arith.constant 32 : i32
    %add3A_5 = arith.addi %sub3A_3, %add3A_4 : i32
    %sub3A_6 = arith.constant 1 : i32
    %sub3A_7 = arith.subi %add3A_5, %sub3A_6 : i32
    %jit3A = arith.constant 32 : i32
    %div3A = arith.divsi %sub3A_7, %jit3A : i32
    %sign3A = arith.constant 0 : i32
    %sign3A_8 = arith.cmpi sgt, %sub3A_7, %sign3A : i32
    %sign3A_9 = arith.extui %sign3A_8 : i1 to i32
    %sign3A_10 = arith.constant 0 : i32
    %sign3A_11 = arith.cmpi slt, %sub3A_7, %sign3A_10 : i32
    %sign3A_12 = arith.extui %sign3A_11 : i1 to i32
    %sign3A_13 = arith.subi %sign3A_9, %sign3A_12 : i32
    %sign3A_14 = arith.constant 0 : i32
    %sign3A_15 = arith.cmpi sgt, %jit3A, %sign3A_14 : i32
    %sign3A_16 = arith.extui %sign3A_15 : i1 to i32
    %sign3A_17 = arith.constant 0 : i32
    %sign3A_18 = arith.cmpi slt, %jit3A, %sign3A_17 : i32
    %sign3A_19 = arith.extui %sign3A_18 : i1 to i32
    %sign3A_20 = arith.subi %sign3A_16, %sign3A_19 : i32
    %ne3A = arith.cmpi ne, %sign3A_13, %sign3A_20 : i32
    %rem3A = arith.remsi %sub3A_7, %jit3A : i32
    %ne3A_21 = arith.constant 0 : i32
    %ne3A_22 = arith.cmpi ne, %rem3A, %ne3A_21 : i32
    %and3A = arith.andi %ne3A, %ne3A_22 : i1
    %sub3A_23 = arith.constant 1 : i32
    %sub3A_24 = arith.subi %div3A, %sub3A_23 : i32
    %select_n3A = arith.select %and3A, %sub3A_24, %div3A : i32
    %add3A_25 = arith.constant 1 : i32
    %add3A_26 = arith.addi %select_n3A, %add3A_25 : i32
    %while3A = arith.constant 0 : i32
    %while3A_27 = arith.constant 0 : i32
    %while3A_28 = arith.subi %add3A_26, %while3A_27 : i32
    %while3A_29 = arith.addi %while3A_27, %while3A_28 : i32
    %while3A_30 = arith.constant 1 : i32
    %while3A_31 = arith.divsi %while3A_28, %while3A_30 : i32
    %while3A_32 = arith.muli %while3A_31, %while3A_30 : i32
    %while3A_33 = arith.addi %while3A_27, %while3A_32 : i32
    %while3A_34 = arith.constant 1 : i32
    scf.for %while3A_121 = %while3A_27 to %while3A_33 step %while3A_34  : i32 {
      %jit3A_122 = arith.constant 2 : i32
      %eq3A_123 = arith.constant 0 : i32
      %eq3A_124 = arith.cmpi eq, %jit3A_122, %eq3A_123 : i32
      %jit3A_125 = arith.constant 1 : i32
      %select_n3A_126 = arith.select %eq3A_124, %jit3A_125, %jit3A_122 : i32
      %rem3A_127 = arith.remsi %while3A_121, %select_n3A_126 : i32
      %ne3A_128 = arith.constant 0 : i32
      %ne3A_129 = arith.cmpi ne, %rem3A_127, %ne3A_128 : i32
      %lt3A = arith.constant 0 : i32
      %lt3A_130 = arith.cmpi slt, %rem3A_127, %lt3A : i32
      %lt3A_131 = arith.constant 0 : i32
      %lt3A_132 = arith.cmpi slt, %select_n3A_126, %lt3A_131 : i32
      %ne3A_133 = arith.xori %lt3A_130, %lt3A_132 : i1
      %and3A_134 = arith.andi %ne3A_133, %ne3A_129 : i1
      %add3A_135 = arith.addi %rem3A_127, %select_n3A_126 : i32
      %select_n3A_136 = arith.select %and3A_134, %add3A_135, %rem3A_127 : i32
      %sub3A_137 = arith.constant 1 : i32
      %sub3A_138 = arith.subi %sub3A_137, %select_n3A_136 : i32
      %lt3A_139 = arith.cmpi slt, %while3A_121, %select_n3A : i32
      %convert_element_type3A_140 = arith.extui %lt3A_139 : i1 to i32
      %cond3A_141 = arith.constant 0 : i32
      %cond3A_142 = arith.cmpi ne, %convert_element_type3A_140, %cond3A_141 : i32
      scf.if %cond3A_142 {
        %mul3A_147 = arith.constant 32 : i32
        %mul3A_148 = arith.muli %mul3A_147, %while3A_121 : i32
        %add3A_149 = arith.addi %add3A, %mul3A_148 : i32
        %mul3A_150 = arith.constant 4096 : i32
        %mul3A_151 = arith.muli %add3A_149, %mul3A_150 : i32
        %multiple_of3A = tpu.assume_multiple %mul3A_151, 4096 : i32
        %dma_start3A = arith.constant 0 : i32
        %dma_start3A_152 = tpu.memref_slice %arg19[%select_n3A_136, %dma_start3A] : memref<2x4096xi32, #tpu.memory_space<vmem>> -> memref<1x4096xi32, #tpu.memory_space<vmem>>
        %dma_start3A_153 = tpu.memref_squeeze %dma_start3A_152 : memref<1x4096xi32, #tpu.memory_space<vmem>> -> memref<4096xi32, #tpu.memory_space<vmem>>
        %dma_start3A_154 = tpu.memref_slice %arg6[%multiple_of3A] : memref<2000000xi32, #tpu.memory_space<hbm>> -> memref<4096xi32, #tpu.memory_space<hbm>>
        %dma_start3A_155 = tpu.memref_slice %arg32[%select_n3A_136] : memref<2x!tpu.dma_semaphore, #tpu.memory_space<semaphore_mem>> -> memref<1x!tpu.dma_semaphore, #tpu.memory_space<semaphore_mem>>
        %dma_start3A_156 = tpu.memref_squeeze %dma_start3A_155 : memref<1x!tpu.dma_semaphore, #tpu.memory_space<semaphore_mem>> -> memref<!tpu.dma_semaphore, #tpu.memory_space<semaphore_mem>>
        %dma_start3A_157 = arith.constant 0 : i32
        %dma_start3A_158 = tpu.memref_slice %arg19[%select_n3A_136, %dma_start3A_157] : memref<2x4096xi32, #tpu.memory_space<vmem>> -> memref<1x4096xi32, #tpu.memory_space<vmem>>
        %dma_start3A_159 = tpu.memref_squeeze %dma_start3A_158 : memref<1x4096xi32, #tpu.memory_space<vmem>> -> memref<4096xi32, #tpu.memory_space<vmem>>
        %dma_start3A_160 = tpu.memref_slice %arg6[%multiple_of3A] : memref<2000000xi32, #tpu.memory_space<hbm>> -> memref<4096xi32, #tpu.memory_space<hbm>>
        tpu.enqueue_dma source(%dma_start3A_160 : memref<4096xi32, #tpu.memory_space<hbm>>) target(%dma_start3A_159 : memref<4096xi32, #tpu.memory_space<vmem>>) target_semaphore(%dma_start3A_156 : memref<!tpu.dma_semaphore, #tpu.memory_space<semaphore_mem>>)
        %dma_start3A_161 = arith.constant 0 : i32
        %dma_start3A_162 = tpu.memref_slice %arg18[%select_n3A_136, %dma_start3A_161] : memref<2x4096xi32, #tpu.memory_space<vmem>> -> memref<1x4096xi32, #tpu.memory_space<vmem>>
        %dma_start3A_163 = tpu.memref_squeeze %dma_start3A_162 : memref<1x4096xi32, #tpu.memory_space<vmem>> -> memref<4096xi32, #tpu.memory_space<vmem>>
        %dma_start3A_164 = tpu.memref_slice %arg5[%multiple_of3A] : memref<2000000xi32, #tpu.memory_space<hbm>> -> memref<4096xi32, #tpu.memory_space<hbm>>
        %dma_start3A_165 = tpu.memref_slice %arg33[%select_n3A_136] : memref<2x!tpu.dma_semaphore, #tpu.memory_space<semaphore_mem>> -> memref<1x!tpu.dma_semaphore, #tpu.memory_space<semaphore_mem>>
        %dma_start3A_166 = tpu.memref_squeeze %dma_start3A_165 : memref<1x!tpu.dma_semaphore, #tpu.memory_space<semaphore_mem>> -> memref<!tpu.dma_semaphore, #tpu.memory_space<semaphore_mem>>
        %dma_start3A_167 = arith.constant 0 : i32
        %dma_start3A_168 = tpu.memref_slice %arg18[%select_n3A_136, %dma_start3A_167] : memref<2x4096xi32, #tpu.memory_space<vmem>> -> memref<1x4096xi32, #tpu.memory_space<vmem>>
        %dma_start3A_169 = tpu.memref_squeeze %dma_start3A_168 : memref<1x4096xi32, #tpu.memory_space<vmem>> -> memref<4096xi32, #tpu.memory_space<vmem>>
        %dma_start3A_170 = tpu.memref_slice %arg5[%multiple_of3A] : memref<2000000xi32, #tpu.memory_space<hbm>> -> memref<4096xi32, #tpu.memory_space<hbm>>
        tpu.enqueue_dma source(%dma_start3A_170 : memref<4096xi32, #tpu.memory_space<hbm>>) target(%dma_start3A_169 : memref<4096xi32, #tpu.memory_space<vmem>>) target_semaphore(%dma_start3A_166 : memref<!tpu.dma_semaphore, #tpu.memory_space<semaphore_mem>>)
        %dma_start3A_171 = arith.constant 0 : i32
        %dma_start3A_172 = tpu.memref_slice %arg20[%select_n3A_136, %dma_start3A_171] : memref<2x4096xf32, #tpu.memory_space<vmem>> -> memref<1x4096xf32, #tpu.memory_space<vmem>>
        %dma_start3A_173 = tpu.memref_squeeze %dma_start3A_172 : memref<1x4096xf32, #tpu.memory_space<vmem>> -> memref<4096xf32, #tpu.memory_space<vmem>>
        %dma_start3A_174 = tpu.memref_slice %arg2[%multiple_of3A] : memref<2000000xf32, #tpu.memory_space<hbm>> -> memref<4096xf32, #tpu.memory_space<hbm>>
        %dma_start3A_175 = tpu.memref_slice %arg33[%select_n3A_136] : memref<2x!tpu.dma_semaphore, #tpu.memory_space<semaphore_mem>> -> memref<1x!tpu.dma_semaphore, #tpu.memory_space<semaphore_mem>>
        %dma_start3A_176 = tpu.memref_squeeze %dma_start3A_175 : memref<1x!tpu.dma_semaphore, #tpu.memory_space<semaphore_mem>> -> memref<!tpu.dma_semaphore, #tpu.memory_space<semaphore_mem>>
        %dma_start3A_177 = arith.constant 0 : i32
        %dma_start3A_178 = tpu.memref_slice %arg20[%select_n3A_136, %dma_start3A_177] : memref<2x4096xf32, #tpu.memory_space<vmem>> -> memref<1x4096xf32, #tpu.memory_space<vmem>>
        %dma_start3A_179 = tpu.memref_squeeze %dma_start3A_178 : memref<1x4096xf32, #tpu.memory_space<vmem>> -> memref<4096xf32, #tpu.memory_space<vmem>>
        %dma_start3A_180 = tpu.memref_slice %arg2[%multiple_of3A] : memref<2000000xf32, #tpu.memory_space<hbm>> -> memref<4096xf32, #tpu.memory_space<hbm>>
        tpu.enqueue_dma source(%dma_start3A_180 : memref<4096xf32, #tpu.memory_space<hbm>>) target(%dma_start3A_179 : memref<4096xf32, #tpu.memory_space<vmem>>) target_semaphore(%dma_start3A_176 : memref<!tpu.dma_semaphore, #tpu.memory_space<semaphore_mem>>)
        %dma_start3A_181 = arith.constant 0 : i32
        %dma_start3A_182 = tpu.memref_slice %arg21[%select_n3A_136, %dma_start3A_181] : memref<2x4096xf32, #tpu.memory_space<vmem>> -> memref<1x4096xf32, #tpu.memory_space<vmem>>
        %dma_start3A_183 = tpu.memref_squeeze %dma_start3A_182 : memref<1x4096xf32, #tpu.memory_space<vmem>> -> memref<4096xf32, #tpu.memory_space<vmem>>
        %dma_start3A_184 = tpu.memref_slice %arg3[%multiple_of3A] : memref<2000000xf32, #tpu.memory_space<hbm>> -> memref<4096xf32, #tpu.memory_space<hbm>>
        %dma_start3A_185 = tpu.memref_slice %arg33[%select_n3A_136] : memref<2x!tpu.dma_semaphore, #tpu.memory_space<semaphore_mem>> -> memref<1x!tpu.dma_semaphore, #tpu.memory_space<semaphore_mem>>
        %dma_start3A_186 = tpu.memref_squeeze %dma_start3A_185 : memref<1x!tpu.dma_semaphore, #tpu.memory_space<semaphore_mem>> -> memref<!tpu.dma_semaphore, #tpu.memory_space<semaphore_mem>>
        %dma_start3A_187 = arith.constant 0 : i32
        %dma_start3A_188 = tpu.memref_slice %arg21[%select_n3A_136, %dma_start3A_187] : memref<2x4096xf32, #tpu.memory_space<vmem>> -> memref<1x4096xf32, #tpu.memory_space<vmem>>
        %dma_start3A_189 = tpu.memref_squeeze %dma_start3A_188 : memref<1x4096xf32, #tpu.memory_space<vmem>> -> memref<4096xf32, #tpu.memory_space<vmem>>
        %dma_start3A_190 = tpu.memref_slice %arg3[%multiple_of3A] : memref<2000000xf32, #tpu.memory_space<hbm>> -> memref<4096xf32, #tpu.memory_space<hbm>>
        tpu.enqueue_dma source(%dma_start3A_190 : memref<4096xf32, #tpu.memory_space<hbm>>) target(%dma_start3A_189 : memref<4096xf32, #tpu.memory_space<vmem>>) target_semaphore(%dma_start3A_186 : memref<!tpu.dma_semaphore, #tpu.memory_space<semaphore_mem>>)
        %dma_start3A_191 = arith.constant 0 : i32
        %dma_start3A_192 = tpu.memref_slice %arg22[%select_n3A_136, %dma_start3A_191] : memref<2x4096xf32, #tpu.memory_space<vmem>> -> memref<1x4096xf32, #tpu.memory_space<vmem>>
        %dma_start3A_193 = tpu.memref_squeeze %dma_start3A_192 : memref<1x4096xf32, #tpu.memory_space<vmem>> -> memref<4096xf32, #tpu.memory_space<vmem>>
        %dma_start3A_194 = tpu.memref_slice %arg4[%multiple_of3A] : memref<2000000xf32, #tpu.memory_space<hbm>> -> memref<4096xf32, #tpu.memory_space<hbm>>
        %dma_start3A_195 = tpu.memref_slice %arg33[%select_n3A_136] : memref<2x!tpu.dma_semaphore, #tpu.memory_space<semaphore_mem>> -> memref<1x!tpu.dma_semaphore, #tpu.memory_space<semaphore_mem>>
        %dma_start3A_196 = tpu.memref_squeeze %dma_start3A_195 : memref<1x!tpu.dma_semaphore, #tpu.memory_space<semaphore_mem>> -> memref<!tpu.dma_semaphore, #tpu.memory_space<semaphore_mem>>
        %dma_start3A_197 = arith.constant 0 : i32
        %dma_start3A_198 = tpu.memref_slice %arg22[%select_n3A_136, %dma_start3A_197] : memref<2x4096xf32, #tpu.memory_space<vmem>> -> memref<1x4096xf32, #tpu.memory_space<vmem>>
        %dma_start3A_199 = tpu.memref_squeeze %dma_start3A_198 : memref<1x4096xf32, #tpu.memory_space<vmem>> -> memref<4096xf32, #tpu.memory_space<vmem>>
        %dma_start3A_200 = tpu.memref_slice %arg4[%multiple_of3A] : memref<2000000xf32, #tpu.memory_space<hbm>> -> memref<4096xf32, #tpu.memory_space<hbm>>
        tpu.enqueue_dma source(%dma_start3A_200 : memref<4096xf32, #tpu.memory_space<hbm>>) target(%dma_start3A_199 : memref<4096xf32, #tpu.memory_space<vmem>>) target_semaphore(%dma_start3A_196 : memref<!tpu.dma_semaphore, #tpu.memory_space<semaphore_mem>>)
        %dma_start3A_201 = arith.constant 0 : i32
        %dma_start3A_202 = tpu.memref_slice %arg23[%select_n3A_136, %dma_start3A_201] : memref<2x4096xf32, #tpu.memory_space<vmem>> -> memref<1x4096xf32, #tpu.memory_space<vmem>>
        %dma_start3A_203 = tpu.memref_squeeze %dma_start3A_202 : memref<1x4096xf32, #tpu.memory_space<vmem>> -> memref<4096xf32, #tpu.memory_space<vmem>>
        %dma_start3A_204 = tpu.memref_slice %arg14[%multiple_of3A] : memref<2000000xf32, #tpu.memory_space<hbm>> -> memref<4096xf32, #tpu.memory_space<hbm>>
        %dma_start3A_205 = tpu.memref_slice %arg33[%select_n3A_136] : memref<2x!tpu.dma_semaphore, #tpu.memory_space<semaphore_mem>> -> memref<1x!tpu.dma_semaphore, #tpu.memory_space<semaphore_mem>>
        %dma_start3A_206 = tpu.memref_squeeze %dma_start3A_205 : memref<1x!tpu.dma_semaphore, #tpu.memory_space<semaphore_mem>> -> memref<!tpu.dma_semaphore, #tpu.memory_space<semaphore_mem>>
        %dma_start3A_207 = arith.constant 0 : i32
        %dma_start3A_208 = tpu.memref_slice %arg23[%select_n3A_136, %dma_start3A_207] : memref<2x4096xf32, #tpu.memory_space<vmem>> -> memref<1x4096xf32, #tpu.memory_space<vmem>>
        %dma_start3A_209 = tpu.memref_squeeze %dma_start3A_208 : memref<1x4096xf32, #tpu.memory_space<vmem>> -> memref<4096xf32, #tpu.memory_space<vmem>>
        %dma_start3A_210 = tpu.memref_slice %arg14[%multiple_of3A] : memref<2000000xf32, #tpu.memory_space<hbm>> -> memref<4096xf32, #tpu.memory_space<hbm>>
        tpu.enqueue_dma source(%dma_start3A_210 : memref<4096xf32, #tpu.memory_space<hbm>>) target(%dma_start3A_209 : memref<4096xf32, #tpu.memory_space<vmem>>) target_semaphore(%dma_start3A_206 : memref<!tpu.dma_semaphore, #tpu.memory_space<semaphore_mem>>)
        %dma_wait3A_211 = arith.constant 0 : i32
        %dma_wait3A_212 = tpu.memref_slice %arg19[%select_n3A_136, %dma_wait3A_211] : memref<2x4096xi32, #tpu.memory_space<vmem>> -> memref<1x4096xi32, #tpu.memory_space<vmem>>
        %dma_wait3A_213 = tpu.memref_squeeze %dma_wait3A_212 : memref<1x4096xi32, #tpu.memory_space<vmem>> -> memref<4096xi32, #tpu.memory_space<vmem>>
        %dma_wait3A_214 = tpu.memref_slice %arg6[%multiple_of3A] : memref<2000000xi32, #tpu.memory_space<hbm>> -> memref<4096xi32, #tpu.memory_space<hbm>>
        %dma_wait3A_215 = tpu.memref_slice %arg32[%select_n3A_136] : memref<2x!tpu.dma_semaphore, #tpu.memory_space<semaphore_mem>> -> memref<1x!tpu.dma_semaphore, #tpu.memory_space<semaphore_mem>>
        %dma_wait3A_216 = tpu.memref_squeeze %dma_wait3A_215 : memref<1x!tpu.dma_semaphore, #tpu.memory_space<semaphore_mem>> -> memref<!tpu.dma_semaphore, #tpu.memory_space<semaphore_mem>>
        %dma_wait3A_217 = arith.constant 0 : i32
        %dma_wait3A_218 = tpu.memref_slice %arg19[%select_n3A_136, %dma_wait3A_217] : memref<2x4096xi32, #tpu.memory_space<vmem>> -> memref<1x4096xi32, #tpu.memory_space<vmem>>
        %dma_wait3A_219 = tpu.memref_squeeze %dma_wait3A_218 : memref<1x4096xi32, #tpu.memory_space<vmem>> -> memref<4096xi32, #tpu.memory_space<vmem>>
        %dma_wait3A_220 = tpu.memref_slice %arg6[%multiple_of3A] : memref<2000000xi32, #tpu.memory_space<hbm>> -> memref<4096xi32, #tpu.memory_space<hbm>>
        tpu.wait_dma2 semaphore(%dma_wait3A_216 : memref<!tpu.dma_semaphore, #tpu.memory_space<semaphore_mem>>) src(%dma_wait3A_220 : memref<4096xi32, #tpu.memory_space<hbm>>) dst(%dma_wait3A_219 : memref<4096xi32, #tpu.memory_space<vmem>>)
        %dma_start3A_221 = arith.constant 0 : i32
        %dma_start3A_222 = tpu.memref_slice %arg24[%select_n3A_136, %dma_start3A_221] : memref<2x4096xf32, #tpu.memory_space<vmem>> -> memref<1x4096xf32, #tpu.memory_space<vmem>>
        %dma_start3A_223 = tpu.memref_squeeze %dma_start3A_222 : memref<1x4096xf32, #tpu.memory_space<vmem>> -> memref<4096xf32, #tpu.memory_space<vmem>>
        %dma_start3A_224 = arith.constant 0 : i32
        %dma_start3A_225 = tpu.memref_slice %arg19[%select_n3A_136, %dma_start3A_224] : memref<2x4096xi32, #tpu.memory_space<vmem>> -> memref<1x4096xi32, #tpu.memory_space<vmem>>
        %dma_start3A_226 = tpu.memref_squeeze %dma_start3A_225 : memref<1x4096xi32, #tpu.memory_space<vmem>> -> memref<4096xi32, #tpu.memory_space<vmem>>
        %dma_start3A_227 = arith.constant 0 : i32
        %dma_start3A_228 = tpu.memref_slice %arg11[%dma_start3A_227] : memref<500000xf32, #tpu.memory_space<hbm>> -> memref<500000xf32, #tpu.memory_space<hbm>>
        %dma_start3A_229 = tpu.memref_slice %arg34[%select_n3A_136] : memref<2x!tpu.dma_semaphore, #tpu.memory_space<semaphore_mem>> -> memref<1x!tpu.dma_semaphore, #tpu.memory_space<semaphore_mem>>
        %dma_start3A_230 = tpu.memref_squeeze %dma_start3A_229 : memref<1x!tpu.dma_semaphore, #tpu.memory_space<semaphore_mem>> -> memref<!tpu.dma_semaphore, #tpu.memory_space<semaphore_mem>>
        tpu.enqueue_indirect_dma source(%dma_start3A_228 : memref<500000xf32, #tpu.memory_space<hbm>>) target(%dma_start3A_223 : memref<4096xf32, #tpu.memory_space<vmem>>) offsets(%dma_start3A_226 : memref<4096xi32, #tpu.memory_space<vmem>>) semaphore(%dma_start3A_230 : memref<!tpu.dma_semaphore, #tpu.memory_space<semaphore_mem>>)
        %dma_start3A_231 = arith.constant 0 : i32
        %dma_start3A_232 = tpu.memref_slice %arg25[%select_n3A_136, %dma_start3A_231] : memref<2x4096xf32, #tpu.memory_space<vmem>> -> memref<1x4096xf32, #tpu.memory_space<vmem>>
        %dma_start3A_233 = tpu.memref_squeeze %dma_start3A_232 : memref<1x4096xf32, #tpu.memory_space<vmem>> -> memref<4096xf32, #tpu.memory_space<vmem>>
        %dma_start3A_234 = arith.constant 0 : i32
        %dma_start3A_235 = tpu.memref_slice %arg19[%select_n3A_136, %dma_start3A_234] : memref<2x4096xi32, #tpu.memory_space<vmem>> -> memref<1x4096xi32, #tpu.memory_space<vmem>>
        %dma_start3A_236 = tpu.memref_squeeze %dma_start3A_235 : memref<1x4096xi32, #tpu.memory_space<vmem>> -> memref<4096xi32, #tpu.memory_space<vmem>>
        %dma_start3A_237 = arith.constant 0 : i32
        %dma_start3A_238 = tpu.memref_slice %arg12[%dma_start3A_237] : memref<500000xf32, #tpu.memory_space<hbm>> -> memref<500000xf32, #tpu.memory_space<hbm>>
        %dma_start3A_239 = tpu.memref_slice %arg34[%select_n3A_136] : memref<2x!tpu.dma_semaphore, #tpu.memory_space<semaphore_mem>> -> memref<1x!tpu.dma_semaphore, #tpu.memory_space<semaphore_mem>>
        %dma_start3A_240 = tpu.memref_squeeze %dma_start3A_239 : memref<1x!tpu.dma_semaphore, #tpu.memory_space<semaphore_mem>> -> memref<!tpu.dma_semaphore, #tpu.memory_space<semaphore_mem>>
        tpu.enqueue_indirect_dma source(%dma_start3A_238 : memref<500000xf32, #tpu.memory_space<hbm>>) target(%dma_start3A_233 : memref<4096xf32, #tpu.memory_space<vmem>>) offsets(%dma_start3A_236 : memref<4096xi32, #tpu.memory_space<vmem>>) semaphore(%dma_start3A_240 : memref<!tpu.dma_semaphore, #tpu.memory_space<semaphore_mem>>)
        %dma_start3A_241 = arith.constant 0 : i32
        %dma_start3A_242 = tpu.memref_slice %arg26[%select_n3A_136, %dma_start3A_241] : memref<2x4096xf32, #tpu.memory_space<vmem>> -> memref<1x4096xf32, #tpu.memory_space<vmem>>
        %dma_start3A_243 = tpu.memref_squeeze %dma_start3A_242 : memref<1x4096xf32, #tpu.memory_space<vmem>> -> memref<4096xf32, #tpu.memory_space<vmem>>
        %dma_start3A_244 = arith.constant 0 : i32
        %dma_start3A_245 = tpu.memref_slice %arg19[%select_n3A_136, %dma_start3A_244] : memref<2x4096xi32, #tpu.memory_space<vmem>> -> memref<1x4096xi32, #tpu.memory_space<vmem>>
        %dma_start3A_246 = tpu.memref_squeeze %dma_start3A_245 : memref<1x4096xi32, #tpu.memory_space<vmem>> -> memref<4096xi32, #tpu.memory_space<vmem>>
        %dma_start3A_247 = arith.constant 0 : i32
        %dma_start3A_248 = tpu.memref_slice %arg13[%dma_start3A_247] : memref<500000xf32, #tpu.memory_space<hbm>> -> memref<500000xf32, #tpu.memory_space<hbm>>
        %dma_start3A_249 = tpu.memref_slice %arg34[%select_n3A_136] : memref<2x!tpu.dma_semaphore, #tpu.memory_space<semaphore_mem>> -> memref<1x!tpu.dma_semaphore, #tpu.memory_space<semaphore_mem>>
        %dma_start3A_250 = tpu.memref_squeeze %dma_start3A_249 : memref<1x!tpu.dma_semaphore, #tpu.memory_space<semaphore_mem>> -> memref<!tpu.dma_semaphore, #tpu.memory_space<semaphore_mem>>
        tpu.enqueue_indirect_dma source(%dma_start3A_248 : memref<500000xf32, #tpu.memory_space<hbm>>) target(%dma_start3A_243 : memref<4096xf32, #tpu.memory_space<vmem>>) offsets(%dma_start3A_246 : memref<4096xi32, #tpu.memory_space<vmem>>) semaphore(%dma_start3A_250 : memref<!tpu.dma_semaphore, #tpu.memory_space<semaphore_mem>>)
      } else {
      }
      %ge3A = arith.constant 1 : i32
      %ge3A_143 = arith.cmpi sge, %while3A_121, %ge3A : i32
      %convert_element_type3A_144 = arith.extui %ge3A_143 : i1 to i32
      %cond3A_145 = arith.constant 0 : i32
      %cond3A_146 = arith.cmpi ne, %convert_element_type3A_144, %cond3A_145 : i32
      scf.if %cond3A_146 {
        %dma_wait3A_147 = arith.constant 0 : i32
        %dma_wait3A_148 = tpu.memref_slice %arg18[%sub3A_138, %dma_wait3A_147] : memref<2x4096xi32, #tpu.memory_space<vmem>> -> memref<1x4096xi32, #tpu.memory_space<vmem>>
        %dma_wait3A_149 = tpu.memref_squeeze %dma_wait3A_148 : memref<1x4096xi32, #tpu.memory_space<vmem>> -> memref<4096xi32, #tpu.memory_space<vmem>>
        %dma_wait3A_150 = arith.constant 0 : i32
        %dma_wait3A_151 = tpu.memref_slice %arg5[%dma_wait3A_150] : memref<2000000xi32, #tpu.memory_space<hbm>> -> memref<4096xi32, #tpu.memory_space<hbm>>
        %dma_wait3A_152 = tpu.memref_slice %arg33[%sub3A_138] : memref<2x!tpu.dma_semaphore, #tpu.memory_space<semaphore_mem>> -> memref<1x!tpu.dma_semaphore, #tpu.memory_space<semaphore_mem>>
        %dma_wait3A_153 = tpu.memref_squeeze %dma_wait3A_152 : memref<1x!tpu.dma_semaphore, #tpu.memory_space<semaphore_mem>> -> memref<!tpu.dma_semaphore, #tpu.memory_space<semaphore_mem>>
        %dma_wait3A_154 = arith.constant 0 : i32
        %dma_wait3A_155 = tpu.memref_slice %arg18[%sub3A_138, %dma_wait3A_154] : memref<2x4096xi32, #tpu.memory_space<vmem>> -> memref<1x4096xi32, #tpu.memory_space<vmem>>
        %dma_wait3A_156 = tpu.memref_squeeze %dma_wait3A_155 : memref<1x4096xi32, #tpu.memory_space<vmem>> -> memref<4096xi32, #tpu.memory_space<vmem>>
        %dma_wait3A_157 = arith.constant 0 : i32
        %dma_wait3A_158 = tpu.memref_slice %arg5[%dma_wait3A_157] : memref<2000000xi32, #tpu.memory_space<hbm>> -> memref<4096xi32, #tpu.memory_space<hbm>>
        tpu.wait_dma2 semaphore(%dma_wait3A_153 : memref<!tpu.dma_semaphore, #tpu.memory_space<semaphore_mem>>) src(%dma_wait3A_158 : memref<4096xi32, #tpu.memory_space<hbm>>) dst(%dma_wait3A_156 : memref<4096xi32, #tpu.memory_space<vmem>>)
        %dma_wait3A_159 = arith.constant 0 : i32
        %dma_wait3A_160 = tpu.memref_slice %arg20[%sub3A_138, %dma_wait3A_159] : memref<2x4096xf32, #tpu.memory_space<vmem>> -> memref<1x4096xf32, #tpu.memory_space<vmem>>
        %dma_wait3A_161 = tpu.memref_squeeze %dma_wait3A_160 : memref<1x4096xf32, #tpu.memory_space<vmem>> -> memref<4096xf32, #tpu.memory_space<vmem>>
        %dma_wait3A_162 = arith.constant 0 : i32
        %dma_wait3A_163 = tpu.memref_slice %arg2[%dma_wait3A_162] : memref<2000000xf32, #tpu.memory_space<hbm>> -> memref<4096xf32, #tpu.memory_space<hbm>>
        %dma_wait3A_164 = tpu.memref_slice %arg33[%sub3A_138] : memref<2x!tpu.dma_semaphore, #tpu.memory_space<semaphore_mem>> -> memref<1x!tpu.dma_semaphore, #tpu.memory_space<semaphore_mem>>
        %dma_wait3A_165 = tpu.memref_squeeze %dma_wait3A_164 : memref<1x!tpu.dma_semaphore, #tpu.memory_space<semaphore_mem>> -> memref<!tpu.dma_semaphore, #tpu.memory_space<semaphore_mem>>
        %dma_wait3A_166 = arith.constant 0 : i32
        %dma_wait3A_167 = tpu.memref_slice %arg20[%sub3A_138, %dma_wait3A_166] : memref<2x4096xf32, #tpu.memory_space<vmem>> -> memref<1x4096xf32, #tpu.memory_space<vmem>>
        %dma_wait3A_168 = tpu.memref_squeeze %dma_wait3A_167 : memref<1x4096xf32, #tpu.memory_space<vmem>> -> memref<4096xf32, #tpu.memory_space<vmem>>
        %dma_wait3A_169 = arith.constant 0 : i32
        %dma_wait3A_170 = tpu.memref_slice %arg2[%dma_wait3A_169] : memref<2000000xf32, #tpu.memory_space<hbm>> -> memref<4096xf32, #tpu.memory_space<hbm>>
        tpu.wait_dma2 semaphore(%dma_wait3A_165 : memref<!tpu.dma_semaphore, #tpu.memory_space<semaphore_mem>>) src(%dma_wait3A_170 : memref<4096xf32, #tpu.memory_space<hbm>>) dst(%dma_wait3A_168 : memref<4096xf32, #tpu.memory_space<vmem>>)
        %dma_wait3A_171 = arith.constant 0 : i32
        %dma_wait3A_172 = tpu.memref_slice %arg21[%sub3A_138, %dma_wait3A_171] : memref<2x4096xf32, #tpu.memory_space<vmem>> -> memref<1x4096xf32, #tpu.memory_space<vmem>>
        %dma_wait3A_173 = tpu.memref_squeeze %dma_wait3A_172 : memref<1x4096xf32, #tpu.memory_space<vmem>> -> memref<4096xf32, #tpu.memory_space<vmem>>
        %dma_wait3A_174 = arith.constant 0 : i32
        %dma_wait3A_175 = tpu.memref_slice %arg3[%dma_wait3A_174] : memref<2000000xf32, #tpu.memory_space<hbm>> -> memref<4096xf32, #tpu.memory_space<hbm>>
        %dma_wait3A_176 = tpu.memref_slice %arg33[%sub3A_138] : memref<2x!tpu.dma_semaphore, #tpu.memory_space<semaphore_mem>> -> memref<1x!tpu.dma_semaphore, #tpu.memory_space<semaphore_mem>>
        %dma_wait3A_177 = tpu.memref_squeeze %dma_wait3A_176 : memref<1x!tpu.dma_semaphore, #tpu.memory_space<semaphore_mem>> -> memref<!tpu.dma_semaphore, #tpu.memory_space<semaphore_mem>>
        %dma_wait3A_178 = arith.constant 0 : i32
        %dma_wait3A_179 = tpu.memref_slice %arg21[%sub3A_138, %dma_wait3A_178] : memref<2x4096xf32, #tpu.memory_space<vmem>> -> memref<1x4096xf32, #tpu.memory_space<vmem>>
        %dma_wait3A_180 = tpu.memref_squeeze %dma_wait3A_179 : memref<1x4096xf32, #tpu.memory_space<vmem>> -> memref<4096xf32, #tpu.memory_space<vmem>>
        %dma_wait3A_181 = arith.constant 0 : i32
        %dma_wait3A_182 = tpu.memref_slice %arg3[%dma_wait3A_181] : memref<2000000xf32, #tpu.memory_space<hbm>> -> memref<4096xf32, #tpu.memory_space<hbm>>
        tpu.wait_dma2 semaphore(%dma_wait3A_177 : memref<!tpu.dma_semaphore, #tpu.memory_space<semaphore_mem>>) src(%dma_wait3A_182 : memref<4096xf32, #tpu.memory_space<hbm>>) dst(%dma_wait3A_180 : memref<4096xf32, #tpu.memory_space<vmem>>)
        %dma_wait3A_183 = arith.constant 0 : i32
        %dma_wait3A_184 = tpu.memref_slice %arg22[%sub3A_138, %dma_wait3A_183] : memref<2x4096xf32, #tpu.memory_space<vmem>> -> memref<1x4096xf32, #tpu.memory_space<vmem>>
        %dma_wait3A_185 = tpu.memref_squeeze %dma_wait3A_184 : memref<1x4096xf32, #tpu.memory_space<vmem>> -> memref<4096xf32, #tpu.memory_space<vmem>>
        %dma_wait3A_186 = arith.constant 0 : i32
        %dma_wait3A_187 = tpu.memref_slice %arg4[%dma_wait3A_186] : memref<2000000xf32, #tpu.memory_space<hbm>> -> memref<4096xf32, #tpu.memory_space<hbm>>
        %dma_wait3A_188 = tpu.memref_slice %arg33[%sub3A_138] : memref<2x!tpu.dma_semaphore, #tpu.memory_space<semaphore_mem>> -> memref<1x!tpu.dma_semaphore, #tpu.memory_space<semaphore_mem>>
        %dma_wait3A_189 = tpu.memref_squeeze %dma_wait3A_188 : memref<1x!tpu.dma_semaphore, #tpu.memory_space<semaphore_mem>> -> memref<!tpu.dma_semaphore, #tpu.memory_space<semaphore_mem>>
        %dma_wait3A_190 = arith.constant 0 : i32
        %dma_wait3A_191 = tpu.memref_slice %arg22[%sub3A_138, %dma_wait3A_190] : memref<2x4096xf32, #tpu.memory_space<vmem>> -> memref<1x4096xf32, #tpu.memory_space<vmem>>
        %dma_wait3A_192 = tpu.memref_squeeze %dma_wait3A_191 : memref<1x4096xf32, #tpu.memory_space<vmem>> -> memref<4096xf32, #tpu.memory_space<vmem>>
        %dma_wait3A_193 = arith.constant 0 : i32
        %dma_wait3A_194 = tpu.memref_slice %arg4[%dma_wait3A_193] : memref<2000000xf32, #tpu.memory_space<hbm>> -> memref<4096xf32, #tpu.memory_space<hbm>>
        tpu.wait_dma2 semaphore(%dma_wait3A_189 : memref<!tpu.dma_semaphore, #tpu.memory_space<semaphore_mem>>) src(%dma_wait3A_194 : memref<4096xf32, #tpu.memory_space<hbm>>) dst(%dma_wait3A_192 : memref<4096xf32, #tpu.memory_space<vmem>>)
        %dma_wait3A_195 = arith.constant 0 : i32
        %dma_wait3A_196 = tpu.memref_slice %arg23[%sub3A_138, %dma_wait3A_195] : memref<2x4096xf32, #tpu.memory_space<vmem>> -> memref<1x4096xf32, #tpu.memory_space<vmem>>
        %dma_wait3A_197 = tpu.memref_squeeze %dma_wait3A_196 : memref<1x4096xf32, #tpu.memory_space<vmem>> -> memref<4096xf32, #tpu.memory_space<vmem>>
        %dma_wait3A_198 = arith.constant 0 : i32
        %dma_wait3A_199 = tpu.memref_slice %arg14[%dma_wait3A_198] : memref<2000000xf32, #tpu.memory_space<hbm>> -> memref<4096xf32, #tpu.memory_space<hbm>>
        %dma_wait3A_200 = tpu.memref_slice %arg33[%sub3A_138] : memref<2x!tpu.dma_semaphore, #tpu.memory_space<semaphore_mem>> -> memref<1x!tpu.dma_semaphore, #tpu.memory_space<semaphore_mem>>
        %dma_wait3A_201 = tpu.memref_squeeze %dma_wait3A_200 : memref<1x!tpu.dma_semaphore, #tpu.memory_space<semaphore_mem>> -> memref<!tpu.dma_semaphore, #tpu.memory_space<semaphore_mem>>
        %dma_wait3A_202 = arith.constant 0 : i32
        %dma_wait3A_203 = tpu.memref_slice %arg23[%sub3A_138, %dma_wait3A_202] : memref<2x4096xf32, #tpu.memory_space<vmem>> -> memref<1x4096xf32, #tpu.memory_space<vmem>>
        %dma_wait3A_204 = tpu.memref_squeeze %dma_wait3A_203 : memref<1x4096xf32, #tpu.memory_space<vmem>> -> memref<4096xf32, #tpu.memory_space<vmem>>
        %dma_wait3A_205 = arith.constant 0 : i32
        %dma_wait3A_206 = tpu.memref_slice %arg14[%dma_wait3A_205] : memref<2000000xf32, #tpu.memory_space<hbm>> -> memref<4096xf32, #tpu.memory_space<hbm>>
        tpu.wait_dma2 semaphore(%dma_wait3A_201 : memref<!tpu.dma_semaphore, #tpu.memory_space<semaphore_mem>>) src(%dma_wait3A_206 : memref<4096xf32, #tpu.memory_space<hbm>>) dst(%dma_wait3A_204 : memref<4096xf32, #tpu.memory_space<vmem>>)
        %dma_wait3A_207 = arith.constant 0 : i32
        %dma_wait3A_208 = tpu.memref_slice %arg24[%sub3A_138, %dma_wait3A_207] : memref<2x4096xf32, #tpu.memory_space<vmem>> -> memref<1x4096xf32, #tpu.memory_space<vmem>>
        %dma_wait3A_209 = tpu.memref_squeeze %dma_wait3A_208 : memref<1x4096xf32, #tpu.memory_space<vmem>> -> memref<4096xf32, #tpu.memory_space<vmem>>
        %dma_wait3A_210 = arith.constant 0 : i32
        %dma_wait3A_211 = tpu.memref_slice %arg11[%dma_wait3A_210] : memref<500000xf32, #tpu.memory_space<hbm>> -> memref<4096xf32, #tpu.memory_space<hbm>>
        %dma_wait3A_212 = tpu.memref_slice %arg34[%sub3A_138] : memref<2x!tpu.dma_semaphore, #tpu.memory_space<semaphore_mem>> -> memref<1x!tpu.dma_semaphore, #tpu.memory_space<semaphore_mem>>
        %dma_wait3A_213 = tpu.memref_squeeze %dma_wait3A_212 : memref<1x!tpu.dma_semaphore, #tpu.memory_space<semaphore_mem>> -> memref<!tpu.dma_semaphore, #tpu.memory_space<semaphore_mem>>
        %dma_wait3A_214 = arith.constant 0 : i32
        %dma_wait3A_215 = tpu.memref_slice %arg24[%sub3A_138, %dma_wait3A_214] : memref<2x4096xf32, #tpu.memory_space<vmem>> -> memref<1x4096xf32, #tpu.memory_space<vmem>>
        %dma_wait3A_216 = tpu.memref_squeeze %dma_wait3A_215 : memref<1x4096xf32, #tpu.memory_space<vmem>> -> memref<4096xf32, #tpu.memory_space<vmem>>
        %dma_wait3A_217 = arith.constant 0 : i32
        %dma_wait3A_218 = tpu.memref_slice %arg11[%dma_wait3A_217] : memref<500000xf32, #tpu.memory_space<hbm>> -> memref<4096xf32, #tpu.memory_space<hbm>>
        tpu.wait_dma2 semaphore(%dma_wait3A_213 : memref<!tpu.dma_semaphore, #tpu.memory_space<semaphore_mem>>) src(%dma_wait3A_218 : memref<4096xf32, #tpu.memory_space<hbm>>) dst(%dma_wait3A_216 : memref<4096xf32, #tpu.memory_space<vmem>>)
        %dma_wait3A_219 = arith.constant 0 : i32
        %dma_wait3A_220 = tpu.memref_slice %arg25[%sub3A_138, %dma_wait3A_219] : memref<2x4096xf32, #tpu.memory_space<vmem>> -> memref<1x4096xf32, #tpu.memory_space<vmem>>
        %dma_wait3A_221 = tpu.memref_squeeze %dma_wait3A_220 : memref<1x4096xf32, #tpu.memory_space<vmem>> -> memref<4096xf32, #tpu.memory_space<vmem>>
        %dma_wait3A_222 = arith.constant 0 : i32
        %dma_wait3A_223 = tpu.memref_slice %arg11[%dma_wait3A_222] : memref<500000xf32, #tpu.memory_space<hbm>> -> memref<4096xf32, #tpu.memory_space<hbm>>
        %dma_wait3A_224 = tpu.memref_slice %arg34[%sub3A_138] : memref<2x!tpu.dma_semaphore, #tpu.memory_space<semaphore_mem>> -> memref<1x!tpu.dma_semaphore, #tpu.memory_space<semaphore_mem>>
        %dma_wait3A_225 = tpu.memref_squeeze %dma_wait3A_224 : memref<1x!tpu.dma_semaphore, #tpu.memory_space<semaphore_mem>> -> memref<!tpu.dma_semaphore, #tpu.memory_space<semaphore_mem>>
        %dma_wait3A_226 = arith.constant 0 : i32
        %dma_wait3A_227 = tpu.memref_slice %arg25[%sub3A_138, %dma_wait3A_226] : memref<2x4096xf32, #tpu.memory_space<vmem>> -> memref<1x4096xf32, #tpu.memory_space<vmem>>
        %dma_wait3A_228 = tpu.memref_squeeze %dma_wait3A_227 : memref<1x4096xf32, #tpu.memory_space<vmem>> -> memref<4096xf32, #tpu.memory_space<vmem>>
        %dma_wait3A_229 = arith.constant 0 : i32
        %dma_wait3A_230 = tpu.memref_slice %arg11[%dma_wait3A_229] : memref<500000xf32, #tpu.memory_space<hbm>> -> memref<4096xf32, #tpu.memory_space<hbm>>
        tpu.wait_dma2 semaphore(%dma_wait3A_225 : memref<!tpu.dma_semaphore, #tpu.memory_space<semaphore_mem>>) src(%dma_wait3A_230 : memref<4096xf32, #tpu.memory_space<hbm>>) dst(%dma_wait3A_228 : memref<4096xf32, #tpu.memory_space<vmem>>)
        %dma_wait3A_231 = arith.constant 0 : i32
        %dma_wait3A_232 = tpu.memref_slice %arg26[%sub3A_138, %dma_wait3A_231] : memref<2x4096xf32, #tpu.memory_space<vmem>> -> memref<1x4096xf32, #tpu.memory_space<vmem>>
        %dma_wait3A_233 = tpu.memref_squeeze %dma_wait3A_232 : memref<1x4096xf32, #tpu.memory_space<vmem>> -> memref<4096xf32, #tpu.memory_space<vmem>>
        %dma_wait3A_234 = arith.constant 0 : i32
        %dma_wait3A_235 = tpu.memref_slice %arg11[%dma_wait3A_234] : memref<500000xf32, #tpu.memory_space<hbm>> -> memref<4096xf32, #tpu.memory_space<hbm>>
        %dma_wait3A_236 = tpu.memref_slice %arg34[%sub3A_138] : memref<2x!tpu.dma_semaphore, #tpu.memory_space<semaphore_mem>> -> memref<1x!tpu.dma_semaphore, #tpu.memory_space<semaphore_mem>>
        %dma_wait3A_237 = tpu.memref_squeeze %dma_wait3A_236 : memref<1x!tpu.dma_semaphore, #tpu.memory_space<semaphore_mem>> -> memref<!tpu.dma_semaphore, #tpu.memory_space<semaphore_mem>>
        %dma_wait3A_238 = arith.constant 0 : i32
        %dma_wait3A_239 = tpu.memref_slice %arg26[%sub3A_138, %dma_wait3A_238] : memref<2x4096xf32, #tpu.memory_space<vmem>> -> memref<1x4096xf32, #tpu.memory_space<vmem>>
        %dma_wait3A_240 = tpu.memref_squeeze %dma_wait3A_239 : memref<1x4096xf32, #tpu.memory_space<vmem>> -> memref<4096xf32, #tpu.memory_space<vmem>>
        %dma_wait3A_241 = arith.constant 0 : i32
        %dma_wait3A_242 = tpu.memref_slice %arg11[%dma_wait3A_241] : memref<500000xf32, #tpu.memory_space<hbm>> -> memref<4096xf32, #tpu.memory_space<hbm>>
        tpu.wait_dma2 semaphore(%dma_wait3A_237 : memref<!tpu.dma_semaphore, #tpu.memory_space<semaphore_mem>>) src(%dma_wait3A_242 : memref<4096xf32, #tpu.memory_space<hbm>>) dst(%dma_wait3A_240 : memref<4096xf32, #tpu.memory_space<vmem>>)
        %ge3A_243 = arith.constant 3 : i32
        %ge3A_244 = arith.cmpi sge, %while3A_121, %ge3A_243 : i32
        %convert_element_type3A_245 = arith.extui %ge3A_244 : i1 to i32
        %cond3A_246 = arith.constant 0 : i32
        %cond3A_247 = arith.cmpi ne, %convert_element_type3A_245, %cond3A_246 : i32
        scf.if %cond3A_247 {
          %dma_wait3A_289 = arith.constant 0 : i32
          %dma_wait3A_290 = tpu.memref_slice %arg27[%sub3A_138, %dma_wait3A_289] : memref<2x4096xf32, #tpu.memory_space<vmem>> -> memref<1x4096xf32, #tpu.memory_space<vmem>>
          %dma_wait3A_291 = tpu.memref_squeeze %dma_wait3A_290 : memref<1x4096xf32, #tpu.memory_space<vmem>> -> memref<4096xf32, #tpu.memory_space<vmem>>
          %dma_wait3A_292 = arith.constant 0 : i32
          %dma_wait3A_293 = tpu.memref_slice %arg15[%dma_wait3A_292] : memref<2000000xf32, #tpu.memory_space<hbm>> -> memref<4096xf32, #tpu.memory_space<hbm>>
          %dma_wait3A_294 = tpu.memref_slice %arg35[%sub3A_138] : memref<2x!tpu.dma_semaphore, #tpu.memory_space<semaphore_mem>> -> memref<1x!tpu.dma_semaphore, #tpu.memory_space<semaphore_mem>>
          %dma_wait3A_295 = tpu.memref_squeeze %dma_wait3A_294 : memref<1x!tpu.dma_semaphore, #tpu.memory_space<semaphore_mem>> -> memref<!tpu.dma_semaphore, #tpu.memory_space<semaphore_mem>>
          %dma_wait3A_296 = arith.constant 0 : i32
          %dma_wait3A_297 = tpu.memref_slice %arg15[%dma_wait3A_296] : memref<2000000xf32, #tpu.memory_space<hbm>> -> memref<4096xf32, #tpu.memory_space<hbm>>
          %dma_wait3A_298 = arith.constant 0 : i32
          %dma_wait3A_299 = tpu.memref_slice %arg27[%sub3A_138, %dma_wait3A_298] : memref<2x4096xf32, #tpu.memory_space<vmem>> -> memref<1x4096xf32, #tpu.memory_space<vmem>>
          %dma_wait3A_300 = tpu.memref_squeeze %dma_wait3A_299 : memref<1x4096xf32, #tpu.memory_space<vmem>> -> memref<4096xf32, #tpu.memory_space<vmem>>
          tpu.wait_dma2 semaphore(%dma_wait3A_295 : memref<!tpu.dma_semaphore, #tpu.memory_space<semaphore_mem>>) src(%dma_wait3A_300 : memref<4096xf32, #tpu.memory_space<vmem>>) dst(%dma_wait3A_297 : memref<4096xf32, #tpu.memory_space<hbm>>)
          %dma_wait3A_301 = arith.constant 0 : i32
          %dma_wait3A_302 = tpu.memref_slice %arg28[%sub3A_138, %dma_wait3A_301] : memref<2x4096xf32, #tpu.memory_space<vmem>> -> memref<1x4096xf32, #tpu.memory_space<vmem>>
          %dma_wait3A_303 = tpu.memref_squeeze %dma_wait3A_302 : memref<1x4096xf32, #tpu.memory_space<vmem>> -> memref<4096xf32, #tpu.memory_space<vmem>>
          %dma_wait3A_304 = arith.constant 0 : i32
          %dma_wait3A_305 = tpu.memref_slice %arg16[%dma_wait3A_304] : memref<2000000xf32, #tpu.memory_space<hbm>> -> memref<4096xf32, #tpu.memory_space<hbm>>
          %dma_wait3A_306 = tpu.memref_slice %arg35[%sub3A_138] : memref<2x!tpu.dma_semaphore, #tpu.memory_space<semaphore_mem>> -> memref<1x!tpu.dma_semaphore, #tpu.memory_space<semaphore_mem>>
          %dma_wait3A_307 = tpu.memref_squeeze %dma_wait3A_306 : memref<1x!tpu.dma_semaphore, #tpu.memory_space<semaphore_mem>> -> memref<!tpu.dma_semaphore, #tpu.memory_space<semaphore_mem>>
          %dma_wait3A_308 = arith.constant 0 : i32
          %dma_wait3A_309 = tpu.memref_slice %arg16[%dma_wait3A_308] : memref<2000000xf32, #tpu.memory_space<hbm>> -> memref<4096xf32, #tpu.memory_space<hbm>>
          %dma_wait3A_310 = arith.constant 0 : i32
          %dma_wait3A_311 = tpu.memref_slice %arg28[%sub3A_138, %dma_wait3A_310] : memref<2x4096xf32, #tpu.memory_space<vmem>> -> memref<1x4096xf32, #tpu.memory_space<vmem>>
          %dma_wait3A_312 = tpu.memref_squeeze %dma_wait3A_311 : memref<1x4096xf32, #tpu.memory_space<vmem>> -> memref<4096xf32, #tpu.memory_space<vmem>>
          tpu.wait_dma2 semaphore(%dma_wait3A_307 : memref<!tpu.dma_semaphore, #tpu.memory_space<semaphore_mem>>) src(%dma_wait3A_312 : memref<4096xf32, #tpu.memory_space<vmem>>) dst(%dma_wait3A_309 : memref<4096xf32, #tpu.memory_space<hbm>>)
          %dma_wait3A_313 = arith.constant 0 : i32
          %dma_wait3A_314 = tpu.memref_slice %arg29[%sub3A_138, %dma_wait3A_313] : memref<2x4096xf32, #tpu.memory_space<vmem>> -> memref<1x4096xf32, #tpu.memory_space<vmem>>
          %dma_wait3A_315 = tpu.memref_squeeze %dma_wait3A_314 : memref<1x4096xf32, #tpu.memory_space<vmem>> -> memref<4096xf32, #tpu.memory_space<vmem>>
          %dma_wait3A_316 = arith.constant 0 : i32
          %dma_wait3A_317 = tpu.memref_slice %arg17[%dma_wait3A_316] : memref<2000000xf32, #tpu.memory_space<hbm>> -> memref<4096xf32, #tpu.memory_space<hbm>>
          %dma_wait3A_318 = tpu.memref_slice %arg35[%sub3A_138] : memref<2x!tpu.dma_semaphore, #tpu.memory_space<semaphore_mem>> -> memref<1x!tpu.dma_semaphore, #tpu.memory_space<semaphore_mem>>
          %dma_wait3A_319 = tpu.memref_squeeze %dma_wait3A_318 : memref<1x!tpu.dma_semaphore, #tpu.memory_space<semaphore_mem>> -> memref<!tpu.dma_semaphore, #tpu.memory_space<semaphore_mem>>
          %dma_wait3A_320 = arith.constant 0 : i32
          %dma_wait3A_321 = tpu.memref_slice %arg17[%dma_wait3A_320] : memref<2000000xf32, #tpu.memory_space<hbm>> -> memref<4096xf32, #tpu.memory_space<hbm>>
          %dma_wait3A_322 = arith.constant 0 : i32
          %dma_wait3A_323 = tpu.memref_slice %arg29[%sub3A_138, %dma_wait3A_322] : memref<2x4096xf32, #tpu.memory_space<vmem>> -> memref<1x4096xf32, #tpu.memory_space<vmem>>
          %dma_wait3A_324 = tpu.memref_squeeze %dma_wait3A_323 : memref<1x4096xf32, #tpu.memory_space<vmem>> -> memref<4096xf32, #tpu.memory_space<vmem>>
          tpu.wait_dma2 semaphore(%dma_wait3A_319 : memref<!tpu.dma_semaphore, #tpu.memory_space<semaphore_mem>>) src(%dma_wait3A_324 : memref<4096xf32, #tpu.memory_space<vmem>>) dst(%dma_wait3A_321 : memref<4096xf32, #tpu.memory_space<hbm>>)
        } else {
        }
        %scan3A = arith.constant 0 : i32
        %scan3A_248 = arith.constant 0 : i32
        %scan3A_249 = arith.constant 256 : i32
        %scan3A_250 = arith.addi %scan3A_248, %scan3A_249 : i32
        %scan3A_251 = arith.constant 4 : i32
        scf.for %scan3A_289 = %scan3A_248 to %scan3A_250 step %scan3A_251  : i32 {
          %mul3A_290 = arith.constant 16 : i32
          %mul3A_291 = arith.muli %scan3A_289, %mul3A_290 : i32
          %get3A = arith.index_cast %sub3A_138 : i32 to index
          %get3A_292 = arith.index_cast %mul3A_291 : i32 to index
          %get3A_293 = tpu.vector_load %arg18[%get3A, %get3A_292] {strides = array<i32>} : memref<2x4096xi32, #tpu.memory_space<vmem>>, vector<16xi32>,
          %get3A_294 = arith.index_cast %sub3A_138 : i32 to index
          %get3A_295 = arith.index_cast %mul3A_291 : i32 to index
          %get3A_296 = tpu.vector_load %arg20[%get3A_294, %get3A_295] {strides = array<i32>} : memref<2x4096xf32, #tpu.memory_space<vmem>>, vector<16xf32>,
          %get3A_297 = arith.index_cast %sub3A_138 : i32 to index
          %get3A_298 = arith.index_cast %mul3A_291 : i32 to index
          %get3A_299 = tpu.vector_load %arg21[%get3A_297, %get3A_298] {strides = array<i32>} : memref<2x4096xf32, #tpu.memory_space<vmem>>, vector<16xf32>,
          %get3A_300 = arith.index_cast %sub3A_138 : i32 to index
          %get3A_301 = arith.index_cast %mul3A_291 : i32 to index
          %get3A_302 = tpu.vector_load %arg22[%get3A_300, %get3A_301] {strides = array<i32>} : memref<2x4096xf32, #tpu.memory_space<vmem>>, vector<16xf32>,
          %get3A_303 = arith.index_cast %sub3A_138 : i32 to index
          %get3A_304 = arith.index_cast %mul3A_291 : i32 to index
          %get3A_305 = tpu.vector_load %arg24[%get3A_303, %get3A_304] {strides = array<i32>} : memref<2x4096xf32, #tpu.memory_space<vmem>>, vector<16xf32>,
          %get3A_306 = arith.index_cast %sub3A_138 : i32 to index
          %get3A_307 = arith.index_cast %mul3A_291 : i32 to index
          %get3A_308 = tpu.vector_load %arg25[%get3A_306, %get3A_307] {strides = array<i32>} : memref<2x4096xf32, #tpu.memory_space<vmem>>, vector<16xf32>,
          %get3A_309 = arith.index_cast %sub3A_138 : i32 to index
          %get3A_310 = arith.index_cast %mul3A_291 : i32 to index
          %get3A_311 = tpu.vector_load %arg26[%get3A_309, %get3A_310] {strides = array<i32>} : memref<2x4096xf32, #tpu.memory_space<vmem>>, vector<16xf32>,
          %get3A_312 = arith.index_cast %sub3A_138 : i32 to index
          %get3A_313 = arith.index_cast %mul3A_291 : i32 to index
          %get3A_314 = tpu.vector_load %arg23[%get3A_312, %get3A_313] {strides = array<i32>} : memref<2x4096xf32, #tpu.memory_space<vmem>>, vector<16xf32>,
          %broadcast_in_dim3A = arith.constant 0 : i32
          %broadcast_in_dim3A_315 = vector.broadcast %broadcast_in_dim3A : i32 to vector<16xi32>
          %gather3A = tpu.vector_load_idx %arg30[%broadcast_in_dim3A_315, %get3A_293] : memref<3x5000xf32, #tpu.memory_space<vmem>>[vector<16xi32>, vector<16xi32>], vector<16xf32>,
          %broadcast_in_dim3A_316 = arith.constant 1 : i32
          %broadcast_in_dim3A_317 = vector.broadcast %broadcast_in_dim3A_316 : i32 to vector<16xi32>
          %gather3A_318 = tpu.vector_load_idx %arg30[%broadcast_in_dim3A_317, %get3A_293] : memref<3x5000xf32, #tpu.memory_space<vmem>>[vector<16xi32>, vector<16xi32>], vector<16xf32>,
          %broadcast_in_dim3A_319 = arith.constant 2 : i32
          %broadcast_in_dim3A_320 = vector.broadcast %broadcast_in_dim3A_319 : i32 to vector<16xi32>
          %gather3A_321 = tpu.vector_load_idx %arg30[%broadcast_in_dim3A_320, %get3A_293] : memref<3x5000xf32, #tpu.memory_space<vmem>>[vector<16xi32>, vector<16xi32>], vector<16xf32>,
          %gather3A_322 = tpu.vector_load_idx %arg31[%get3A_293] : memref<5000xf32, #tpu.memory_space<vmem>>[vector<16xi32>], vector<16xf32>,
          %mul3A_323 = arith.mulf %get3A_296, %get3A_296 : vector<16xf32>
          %mul3A_324 = arith.mulf %get3A_299, %get3A_299 : vector<16xf32>
          %add3A_325 = arith.addf %mul3A_323, %mul3A_324 : vector<16xf32>
          %mul3A_326 = arith.mulf %get3A_302, %get3A_302 : vector<16xf32>
          %add3A_327 = arith.addf %add3A_325, %mul3A_326 : vector<16xf32>
          %ge3A_328 = arith.constant 1.000000e-16 : f32
          %ge3A_329 = vector.broadcast %ge3A_328 : f32 to vector<16xf32>
          %ge3A_330 = arith.cmpf oge, %add3A_327, %ge3A_329 : vector<16xf32>
          %bitcast3A = vector.bitcast %add3A_327 : vector<16xf32> to vector<16xi32>
          %shift_right_arithmetic3A = arith.constant 1 : i32
          %shift_right_arithmetic3A_331 = vector.broadcast %shift_right_arithmetic3A : i32 to vector<16xi32>
          %shift_right_arithmetic3A_332 = arith.shrsi %bitcast3A, %shift_right_arithmetic3A_331 : vector<16xi32>
          %sub3A_333 = arith.constant 1597463007 : i32
          %sub3A_334 = vector.broadcast %sub3A_333 : i32 to vector<16xi32>
          %sub3A_335 = arith.subi %sub3A_334, %shift_right_arithmetic3A_332 : vector<16xi32>
          %bitcast3A_336 = vector.bitcast %sub3A_335 : vector<16xi32> to vector<16xf32>
          %mul3A_337 = arith.constant 5.000000e-01 : f32
          %mul3A_338 = vector.broadcast %mul3A_337 : f32 to vector<16xf32>
          %mul3A_339 = arith.mulf %mul3A_338, %add3A_327 : vector<16xf32>
          %mul3A_340 = arith.mulf %mul3A_339, %bitcast3A_336 : vector<16xf32>
          %mul3A_341 = arith.mulf %mul3A_340, %bitcast3A_336 : vector<16xf32>
          %sub3A_342 = arith.constant 1.500000e+00 : f32
          %sub3A_343 = vector.broadcast %sub3A_342 : f32 to vector<16xf32>
          %sub3A_344 = arith.subf %sub3A_343, %mul3A_341 : vector<16xf32>
          %mul3A_345 = arith.mulf %bitcast3A_336, %sub3A_344 : vector<16xf32>
          %mul3A_346 = arith.mulf %mul3A_339, %mul3A_345 : vector<16xf32>
          %mul3A_347 = arith.mulf %mul3A_346, %mul3A_345 : vector<16xf32>
          %sub3A_348 = arith.constant 1.500000e+00 : f32
          %sub3A_349 = vector.broadcast %sub3A_348 : f32 to vector<16xf32>
          %sub3A_350 = arith.subf %sub3A_349, %mul3A_347 : vector<16xf32>
          %mul3A_351 = arith.mulf %mul3A_345, %sub3A_350 : vector<16xf32>
          %mul3A_352 = arith.mulf %mul3A_339, %mul3A_351 : vector<16xf32>
          %mul3A_353 = arith.mulf %mul3A_352, %mul3A_351 : vector<16xf32>
          %sub3A_354 = arith.constant 1.500000e+00 : f32
          %sub3A_355 = vector.broadcast %sub3A_354 : f32 to vector<16xf32>
          %sub3A_356 = arith.subf %sub3A_355, %mul3A_353 : vector<16xf32>
          %mul3A_357 = arith.mulf %mul3A_351, %sub3A_356 : vector<16xf32>
          %jit3A_358 = arith.constant 1.000000e+08 : f32
          %broadcast_in_dim3A_359 = vector.broadcast %jit3A_358 : f32 to vector<16xf32>
          %select_n3A_360 = arith.select %ge3A_330, %mul3A_357, %broadcast_in_dim3A_359 : vector<16xi1>, vector<16xf32>
          %gt3A = arith.constant 5.000000e-01 : f32
          %gt3A_361 = vector.broadcast %gt3A : f32 to vector<16xf32>
          %gt3A_362 = arith.cmpf ogt, %gather3A_322, %gt3A_361 : vector<16xf32>
          %jit3A_363 = arith.constant 1.000000e+00 : f32
          %broadcast_in_dim3A_364 = vector.broadcast %jit3A_363 : f32 to vector<16xf32>
          %select_n3A_365 = arith.select %gt3A_362, %broadcast_in_dim3A_364, %select_n3A_360 : vector<16xi1>, vector<16xf32>
          %mul3A_366 = arith.mulf %get3A_314, %select_n3A_365 : vector<16xf32>
          %sub3A_367 = arith.subf %get3A_305, %gather3A : vector<16xf32>
          %mul3A_368 = arith.mulf %mul3A_366, %get3A_296 : vector<16xf32>
          %sub3A_369 = arith.subf %sub3A_367, %mul3A_368 : vector<16xf32>
          %swap3A = arith.index_cast %sub3A_138 : i32 to index
          %swap3A_370 = arith.index_cast %mul3A_291 : i32 to index
          %swap3A_371 = tpu.vector_load %arg27[%swap3A, %swap3A_370] {strides = array<i32>} : memref<2x4096xf32, #tpu.memory_space<vmem>>, vector<16xf32>,
          tpu.vector_store %arg27[%swap3A, %swap3A_370], %sub3A_369 {strides = array<i32>} : memref<2x4096xf32, #tpu.memory_space<vmem>>, vector<16xf32>,
          %sub3A_372 = arith.subf %get3A_308, %gather3A_318 : vector<16xf32>
          %mul3A_373 = arith.mulf %mul3A_366, %get3A_299 : vector<16xf32>
          %sub3A_374 = arith.subf %sub3A_372, %mul3A_373 : vector<16xf32>
          %swap3A_375 = arith.index_cast %sub3A_138 : i32 to index
          %swap3A_376 = arith.index_cast %mul3A_291 : i32 to index
          %swap3A_377 = tpu.vector_load %arg28[%swap3A_375, %swap3A_376] {strides = array<i32>} : memref<2x4096xf32, #tpu.memory_space<vmem>>, vector<16xf32>,
          tpu.vector_store %arg28[%swap3A_375, %swap3A_376], %sub3A_374 {strides = array<i32>} : memref<2x4096xf32, #tpu.memory_space<vmem>>, vector<16xf32>,
          %sub3A_378 = arith.subf %get3A_311, %gather3A_321 : vector<16xf32>
          %mul3A_379 = arith.mulf %mul3A_366, %get3A_302 : vector<16xf32>
          %sub3A_380 = arith.subf %sub3A_378, %mul3A_379 : vector<16xf32>
          %swap3A_381 = arith.index_cast %sub3A_138 : i32 to index
          %swap3A_382 = arith.index_cast %mul3A_291 : i32 to index
          %swap3A_383 = tpu.vector_load %arg29[%swap3A_381, %swap3A_382] {strides = array<i32>} : memref<2x4096xf32, #tpu.memory_space<vmem>>, vector<16xf32>,
          tpu.vector_store %arg29[%swap3A_381, %swap3A_382], %sub3A_380 {strides = array<i32>} : memref<2x4096xf32, #tpu.memory_space<vmem>>, vector<16xf32>,
          %scan3A_384 = arith.constant 1 : i32
          %scan3A_385 = arith.addi %scan3A_289, %scan3A_384 : i32
          %mul3A_386 = arith.constant 16 : i32
          %mul3A_387 = arith.muli %scan3A_385, %mul3A_386 : i32
          %get3A_388 = arith.index_cast %sub3A_138 : i32 to index
          %get3A_389 = arith.index_cast %mul3A_387 : i32 to index
          %get3A_390 = tpu.vector_load %arg18[%get3A_388, %get3A_389] {strides = array<i32>} : memref<2x4096xi32, #tpu.memory_space<vmem>>, vector<16xi32>,
          %get3A_391 = arith.index_cast %sub3A_138 : i32 to index
          %get3A_392 = arith.index_cast %mul3A_387 : i32 to index
          %get3A_393 = tpu.vector_load %arg20[%get3A_391, %get3A_392] {strides = array<i32>} : memref<2x4096xf32, #tpu.memory_space<vmem>>, vector<16xf32>,
          %get3A_394 = arith.index_cast %sub3A_138 : i32 to index
          %get3A_395 = arith.index_cast %mul3A_387 : i32 to index
          %get3A_396 = tpu.vector_load %arg21[%get3A_394, %get3A_395] {strides = array<i32>} : memref<2x4096xf32, #tpu.memory_space<vmem>>, vector<16xf32>,
          %get3A_397 = arith.index_cast %sub3A_138 : i32 to index
          %get3A_398 = arith.index_cast %mul3A_387 : i32 to index
          %get3A_399 = tpu.vector_load %arg22[%get3A_397, %get3A_398] {strides = array<i32>} : memref<2x4096xf32, #tpu.memory_space<vmem>>, vector<16xf32>,
          %get3A_400 = arith.index_cast %sub3A_138 : i32 to index
          %get3A_401 = arith.index_cast %mul3A_387 : i32 to index
          %get3A_402 = tpu.vector_load %arg24[%get3A_400, %get3A_401] {strides = array<i32>} : memref<2x4096xf32, #tpu.memory_space<vmem>>, vector<16xf32>,
          %get3A_403 = arith.index_cast %sub3A_138 : i32 to index
          %get3A_404 = arith.index_cast %mul3A_387 : i32 to index
          %get3A_405 = tpu.vector_load %arg25[%get3A_403, %get3A_404] {strides = array<i32>} : memref<2x4096xf32, #tpu.memory_space<vmem>>, vector<16xf32>,
          %get3A_406 = arith.index_cast %sub3A_138 : i32 to index
          %get3A_407 = arith.index_cast %mul3A_387 : i32 to index
          %get3A_408 = tpu.vector_load %arg26[%get3A_406, %get3A_407] {strides = array<i32>} : memref<2x4096xf32, #tpu.memory_space<vmem>>, vector<16xf32>,
          %get3A_409 = arith.index_cast %sub3A_138 : i32 to index
          %get3A_410 = arith.index_cast %mul3A_387 : i32 to index
          %get3A_411 = tpu.vector_load %arg23[%get3A_409, %get3A_410] {strides = array<i32>} : memref<2x4096xf32, #tpu.memory_space<vmem>>, vector<16xf32>,
          %broadcast_in_dim3A_412 = arith.constant 0 : i32
          %broadcast_in_dim3A_413 = vector.broadcast %broadcast_in_dim3A_412 : i32 to vector<16xi32>
          %gather3A_414 = tpu.vector_load_idx %arg30[%broadcast_in_dim3A_413, %get3A_390] : memref<3x5000xf32, #tpu.memory_space<vmem>>[vector<16xi32>, vector<16xi32>], vector<16xf32>,
          %broadcast_in_dim3A_415 = arith.constant 1 : i32
          %broadcast_in_dim3A_416 = vector.broadcast %broadcast_in_dim3A_415 : i32 to vector<16xi32>
          %gather3A_417 = tpu.vector_load_idx %arg30[%broadcast_in_dim3A_416, %get3A_390] : memref<3x5000xf32, #tpu.memory_space<vmem>>[vector<16xi32>, vector<16xi32>], vector<16xf32>,
          %broadcast_in_dim3A_418 = arith.constant 2 : i32
          %broadcast_in_dim3A_419 = vector.broadcast %broadcast_in_dim3A_418 : i32 to vector<16xi32>
          %gather3A_420 = tpu.vector_load_idx %arg30[%broadcast_in_dim3A_419, %get3A_390] : memref<3x5000xf32, #tpu.memory_space<vmem>>[vector<16xi32>, vector<16xi32>], vector<16xf32>,
          %gather3A_421 = tpu.vector_load_idx %arg31[%get3A_390] : memref<5000xf32, #tpu.memory_space<vmem>>[vector<16xi32>], vector<16xf32>,
          %mul3A_422 = arith.mulf %get3A_393, %get3A_393 : vector<16xf32>
          %mul3A_423 = arith.mulf %get3A_396, %get3A_396 : vector<16xf32>
          %add3A_424 = arith.addf %mul3A_422, %mul3A_423 : vector<16xf32>
          %mul3A_425 = arith.mulf %get3A_399, %get3A_399 : vector<16xf32>
          %add3A_426 = arith.addf %add3A_424, %mul3A_425 : vector<16xf32>
          %ge3A_427 = arith.constant 1.000000e-16 : f32
          %ge3A_428 = vector.broadcast %ge3A_427 : f32 to vector<16xf32>
          %ge3A_429 = arith.cmpf oge, %add3A_426, %ge3A_428 : vector<16xf32>
          %bitcast3A_430 = vector.bitcast %add3A_426 : vector<16xf32> to vector<16xi32>
          %shift_right_arithmetic3A_431 = arith.constant 1 : i32
          %shift_right_arithmetic3A_432 = vector.broadcast %shift_right_arithmetic3A_431 : i32 to vector<16xi32>
          %shift_right_arithmetic3A_433 = arith.shrsi %bitcast3A_430, %shift_right_arithmetic3A_432 : vector<16xi32>
          %sub3A_434 = arith.constant 1597463007 : i32
          %sub3A_435 = vector.broadcast %sub3A_434 : i32 to vector<16xi32>
          %sub3A_436 = arith.subi %sub3A_435, %shift_right_arithmetic3A_433 : vector<16xi32>
          %bitcast3A_437 = vector.bitcast %sub3A_436 : vector<16xi32> to vector<16xf32>
          %mul3A_438 = arith.constant 5.000000e-01 : f32
          %mul3A_439 = vector.broadcast %mul3A_438 : f32 to vector<16xf32>
          %mul3A_440 = arith.mulf %mul3A_439, %add3A_426 : vector<16xf32>
          %mul3A_441 = arith.mulf %mul3A_440, %bitcast3A_437 : vector<16xf32>
          %mul3A_442 = arith.mulf %mul3A_441, %bitcast3A_437 : vector<16xf32>
          %sub3A_443 = arith.constant 1.500000e+00 : f32
          %sub3A_444 = vector.broadcast %sub3A_443 : f32 to vector<16xf32>
          %sub3A_445 = arith.subf %sub3A_444, %mul3A_442 : vector<16xf32>
          %mul3A_446 = arith.mulf %bitcast3A_437, %sub3A_445 : vector<16xf32>
          %mul3A_447 = arith.mulf %mul3A_440, %mul3A_446 : vector<16xf32>
          %mul3A_448 = arith.mulf %mul3A_447, %mul3A_446 : vector<16xf32>
          %sub3A_449 = arith.constant 1.500000e+00 : f32
          %sub3A_450 = vector.broadcast %sub3A_449 : f32 to vector<16xf32>
          %sub3A_451 = arith.subf %sub3A_450, %mul3A_448 : vector<16xf32>
          %mul3A_452 = arith.mulf %mul3A_446, %sub3A_451 : vector<16xf32>
          %mul3A_453 = arith.mulf %mul3A_440, %mul3A_452 : vector<16xf32>
          %mul3A_454 = arith.mulf %mul3A_453, %mul3A_452 : vector<16xf32>
          %sub3A_455 = arith.constant 1.500000e+00 : f32
          %sub3A_456 = vector.broadcast %sub3A_455 : f32 to vector<16xf32>
          %sub3A_457 = arith.subf %sub3A_456, %mul3A_454 : vector<16xf32>
          %mul3A_458 = arith.mulf %mul3A_452, %sub3A_457 : vector<16xf32>
          %jit3A_459 = arith.constant 1.000000e+08 : f32
          %broadcast_in_dim3A_460 = vector.broadcast %jit3A_459 : f32 to vector<16xf32>
          %select_n3A_461 = arith.select %ge3A_429, %mul3A_458, %broadcast_in_dim3A_460 : vector<16xi1>, vector<16xf32>
          %gt3A_462 = arith.constant 5.000000e-01 : f32
          %gt3A_463 = vector.broadcast %gt3A_462 : f32 to vector<16xf32>
          %gt3A_464 = arith.cmpf ogt, %gather3A_421, %gt3A_463 : vector<16xf32>
          %jit3A_465 = arith.constant 1.000000e+00 : f32
          %broadcast_in_dim3A_466 = vector.broadcast %jit3A_465 : f32 to vector<16xf32>
          %select_n3A_467 = arith.select %gt3A_464, %broadcast_in_dim3A_466, %select_n3A_461 : vector<16xi1>, vector<16xf32>
          %mul3A_468 = arith.mulf %get3A_411, %select_n3A_467 : vector<16xf32>
          %sub3A_469 = arith.subf %get3A_402, %gather3A_414 : vector<16xf32>
          %mul3A_470 = arith.mulf %mul3A_468, %get3A_393 : vector<16xf32>
          %sub3A_471 = arith.subf %sub3A_469, %mul3A_470 : vector<16xf32>
          %swap3A_472 = arith.index_cast %sub3A_138 : i32 to index
          %swap3A_473 = arith.index_cast %mul3A_387 : i32 to index
          %swap3A_474 = tpu.vector_load %arg27[%swap3A_472, %swap3A_473] {strides = array<i32>} : memref<2x4096xf32, #tpu.memory_space<vmem>>, vector<16xf32>,
          tpu.vector_store %arg27[%swap3A_472, %swap3A_473], %sub3A_471 {strides = array<i32>} : memref<2x4096xf32, #tpu.memory_space<vmem>>, vector<16xf32>,
          %sub3A_475 = arith.subf %get3A_405, %gather3A_417 : vector<16xf32>
          %mul3A_476 = arith.mulf %mul3A_468, %get3A_396 : vector<16xf32>
          %sub3A_477 = arith.subf %sub3A_475, %mul3A_476 : vector<16xf32>
          %swap3A_478 = arith.index_cast %sub3A_138 : i32 to index
          %swap3A_479 = arith.index_cast %mul3A_387 : i32 to index
          %swap3A_480 = tpu.vector_load %arg28[%swap3A_478, %swap3A_479] {strides = array<i32>} : memref<2x4096xf32, #tpu.memory_space<vmem>>, vector<16xf32>,
          tpu.vector_store %arg28[%swap3A_478, %swap3A_479], %sub3A_477 {strides = array<i32>} : memref<2x4096xf32, #tpu.memory_space<vmem>>, vector<16xf32>,
          %sub3A_481 = arith.subf %get3A_408, %gather3A_420 : vector<16xf32>
          %mul3A_482 = arith.mulf %mul3A_468, %get3A_399 : vector<16xf32>
          %sub3A_483 = arith.subf %sub3A_481, %mul3A_482 : vector<16xf32>
          %swap3A_484 = arith.index_cast %sub3A_138 : i32 to index
          %swap3A_485 = arith.index_cast %mul3A_387 : i32 to index
          %swap3A_486 = tpu.vector_load %arg29[%swap3A_484, %swap3A_485] {strides = array<i32>} : memref<2x4096xf32, #tpu.memory_space<vmem>>, vector<16xf32>,
          tpu.vector_store %arg29[%swap3A_484, %swap3A_485], %sub3A_483 {strides = array<i32>} : memref<2x4096xf32, #tpu.memory_space<vmem>>, vector<16xf32>,
          %scan3A_487 = arith.constant 2 : i32
          %scan3A_488 = arith.addi %scan3A_289, %scan3A_487 : i32
          %mul3A_489 = arith.constant 16 : i32
          %mul3A_490 = arith.muli %scan3A_488, %mul3A_489 : i32
          %get3A_491 = arith.index_cast %sub3A_138 : i32 to index
          %get3A_492 = arith.index_cast %mul3A_490 : i32 to index
          %get3A_493 = tpu.vector_load %arg18[%get3A_491, %get3A_492] {strides = array<i32>} : memref<2x4096xi32, #tpu.memory_space<vmem>>, vector<16xi32>,
          %get3A_494 = arith.index_cast %sub3A_138 : i32 to index
          %get3A_495 = arith.index_cast %mul3A_490 : i32 to index
          %get3A_496 = tpu.vector_load %arg20[%get3A_494, %get3A_495] {strides = array<i32>} : memref<2x4096xf32, #tpu.memory_space<vmem>>, vector<16xf32>,
          %get3A_497 = arith.index_cast %sub3A_138 : i32 to index
          %get3A_498 = arith.index_cast %mul3A_490 : i32 to index
          %get3A_499 = tpu.vector_load %arg21[%get3A_497, %get3A_498] {strides = array<i32>} : memref<2x4096xf32, #tpu.memory_space<vmem>>, vector<16xf32>,
          %get3A_500 = arith.index_cast %sub3A_138 : i32 to index
          %get3A_501 = arith.index_cast %mul3A_490 : i32 to index
          %get3A_502 = tpu.vector_load %arg22[%get3A_500, %get3A_501] {strides = array<i32>} : memref<2x4096xf32, #tpu.memory_space<vmem>>, vector<16xf32>,
          %get3A_503 = arith.index_cast %sub3A_138 : i32 to index
          %get3A_504 = arith.index_cast %mul3A_490 : i32 to index
          %get3A_505 = tpu.vector_load %arg24[%get3A_503, %get3A_504] {strides = array<i32>} : memref<2x4096xf32, #tpu.memory_space<vmem>>, vector<16xf32>,
          %get3A_506 = arith.index_cast %sub3A_138 : i32 to index
          %get3A_507 = arith.index_cast %mul3A_490 : i32 to index
          %get3A_508 = tpu.vector_load %arg25[%get3A_506, %get3A_507] {strides = array<i32>} : memref<2x4096xf32, #tpu.memory_space<vmem>>, vector<16xf32>,
          %get3A_509 = arith.index_cast %sub3A_138 : i32 to index
          %get3A_510 = arith.index_cast %mul3A_490 : i32 to index
          %get3A_511 = tpu.vector_load %arg26[%get3A_509, %get3A_510] {strides = array<i32>} : memref<2x4096xf32, #tpu.memory_space<vmem>>, vector<16xf32>,
          %get3A_512 = arith.index_cast %sub3A_138 : i32 to index
          %get3A_513 = arith.index_cast %mul3A_490 : i32 to index
          %get3A_514 = tpu.vector_load %arg23[%get3A_512, %get3A_513] {strides = array<i32>} : memref<2x4096xf32, #tpu.memory_space<vmem>>, vector<16xf32>,
          %broadcast_in_dim3A_515 = arith.constant 0 : i32
          %broadcast_in_dim3A_516 = vector.broadcast %broadcast_in_dim3A_515 : i32 to vector<16xi32>
          %gather3A_517 = tpu.vector_load_idx %arg30[%broadcast_in_dim3A_516, %get3A_493] : memref<3x5000xf32, #tpu.memory_space<vmem>>[vector<16xi32>, vector<16xi32>], vector<16xf32>,
          %broadcast_in_dim3A_518 = arith.constant 1 : i32
          %broadcast_in_dim3A_519 = vector.broadcast %broadcast_in_dim3A_518 : i32 to vector<16xi32>
          %gather3A_520 = tpu.vector_load_idx %arg30[%broadcast_in_dim3A_519, %get3A_493] : memref<3x5000xf32, #tpu.memory_space<vmem>>[vector<16xi32>, vector<16xi32>], vector<16xf32>,
          %broadcast_in_dim3A_521 = arith.constant 2 : i32
          %broadcast_in_dim3A_522 = vector.broadcast %broadcast_in_dim3A_521 : i32 to vector<16xi32>
          %gather3A_523 = tpu.vector_load_idx %arg30[%broadcast_in_dim3A_522, %get3A_493] : memref<3x5000xf32, #tpu.memory_space<vmem>>[vector<16xi32>, vector<16xi32>], vector<16xf32>,
          %gather3A_524 = tpu.vector_load_idx %arg31[%get3A_493] : memref<5000xf32, #tpu.memory_space<vmem>>[vector<16xi32>], vector<16xf32>,
          %mul3A_525 = arith.mulf %get3A_496, %get3A_496 : vector<16xf32>
          %mul3A_526 = arith.mulf %get3A_499, %get3A_499 : vector<16xf32>
          %add3A_527 = arith.addf %mul3A_525, %mul3A_526 : vector<16xf32>
          %mul3A_528 = arith.mulf %get3A_502, %get3A_502 : vector<16xf32>
          %add3A_529 = arith.addf %add3A_527, %mul3A_528 : vector<16xf32>
          %ge3A_530 = arith.constant 1.000000e-16 : f32
          %ge3A_531 = vector.broadcast %ge3A_530 : f32 to vector<16xf32>
          %ge3A_532 = arith.cmpf oge, %add3A_529, %ge3A_531 : vector<16xf32>
          %bitcast3A_533 = vector.bitcast %add3A_529 : vector<16xf32> to vector<16xi32>
          %shift_right_arithmetic3A_534 = arith.constant 1 : i32
          %shift_right_arithmetic3A_535 = vector.broadcast %shift_right_arithmetic3A_534 : i32 to vector<16xi32>
          %shift_right_arithmetic3A_536 = arith.shrsi %bitcast3A_533, %shift_right_arithmetic3A_535 : vector<16xi32>
          %sub3A_537 = arith.constant 1597463007 : i32
          %sub3A_538 = vector.broadcast %sub3A_537 : i32 to vector<16xi32>
          %sub3A_539 = arith.subi %sub3A_538, %shift_right_arithmetic3A_536 : vector<16xi32>
          %bitcast3A_540 = vector.bitcast %sub3A_539 : vector<16xi32> to vector<16xf32>
          %mul3A_541 = arith.constant 5.000000e-01 : f32
          %mul3A_542 = vector.broadcast %mul3A_541 : f32 to vector<16xf32>
          %mul3A_543 = arith.mulf %mul3A_542, %add3A_529 : vector<16xf32>
          %mul3A_544 = arith.mulf %mul3A_543, %bitcast3A_540 : vector<16xf32>
          %mul3A_545 = arith.mulf %mul3A_544, %bitcast3A_540 : vector<16xf32>
          %sub3A_546 = arith.constant 1.500000e+00 : f32
          %sub3A_547 = vector.broadcast %sub3A_546 : f32 to vector<16xf32>
          %sub3A_548 = arith.subf %sub3A_547, %mul3A_545 : vector<16xf32>
          %mul3A_549 = arith.mulf %bitcast3A_540, %sub3A_548 : vector<16xf32>
          %mul3A_550 = arith.mulf %mul3A_543, %mul3A_549 : vector<16xf32>
          %mul3A_551 = arith.mulf %mul3A_550, %mul3A_549 : vector<16xf32>
          %sub3A_552 = arith.constant 1.500000e+00 : f32
          %sub3A_553 = vector.broadcast %sub3A_552 : f32 to vector<16xf32>
          %sub3A_554 = arith.subf %sub3A_553, %mul3A_551 : vector<16xf32>
          %mul3A_555 = arith.mulf %mul3A_549, %sub3A_554 : vector<16xf32>
          %mul3A_556 = arith.mulf %mul3A_543, %mul3A_555 : vector<16xf32>
          %mul3A_557 = arith.mulf %mul3A_556, %mul3A_555 : vector<16xf32>
          %sub3A_558 = arith.constant 1.500000e+00 : f32
          %sub3A_559 = vector.broadcast %sub3A_558 : f32 to vector<16xf32>
          %sub3A_560 = arith.subf %sub3A_559, %mul3A_557 : vector<16xf32>
          %mul3A_561 = arith.mulf %mul3A_555, %sub3A_560 : vector<16xf32>
          %jit3A_562 = arith.constant 1.000000e+08 : f32
          %broadcast_in_dim3A_563 = vector.broadcast %jit3A_562 : f32 to vector<16xf32>
          %select_n3A_564 = arith.select %ge3A_532, %mul3A_561, %broadcast_in_dim3A_563 : vector<16xi1>, vector<16xf32>
          %gt3A_565 = arith.constant 5.000000e-01 : f32
          %gt3A_566 = vector.broadcast %gt3A_565 : f32 to vector<16xf32>
          %gt3A_567 = arith.cmpf ogt, %gather3A_524, %gt3A_566 : vector<16xf32>
          %jit3A_568 = arith.constant 1.000000e+00 : f32
          %broadcast_in_dim3A_569 = vector.broadcast %jit3A_568 : f32 to vector<16xf32>
          %select_n3A_570 = arith.select %gt3A_567, %broadcast_in_dim3A_569, %select_n3A_564 : vector<16xi1>, vector<16xf32>
          %mul3A_571 = arith.mulf %get3A_514, %select_n3A_570 : vector<16xf32>
          %sub3A_572 = arith.subf %get3A_505, %gather3A_517 : vector<16xf32>
          %mul3A_573 = arith.mulf %mul3A_571, %get3A_496 : vector<16xf32>
          %sub3A_574 = arith.subf %sub3A_572, %mul3A_573 : vector<16xf32>
          %swap3A_575 = arith.index_cast %sub3A_138 : i32 to index
          %swap3A_576 = arith.index_cast %mul3A_490 : i32 to index
          %swap3A_577 = tpu.vector_load %arg27[%swap3A_575, %swap3A_576] {strides = array<i32>} : memref<2x4096xf32, #tpu.memory_space<vmem>>, vector<16xf32>,
          tpu.vector_store %arg27[%swap3A_575, %swap3A_576], %sub3A_574 {strides = array<i32>} : memref<2x4096xf32, #tpu.memory_space<vmem>>, vector<16xf32>,
          %sub3A_578 = arith.subf %get3A_508, %gather3A_520 : vector<16xf32>
          %mul3A_579 = arith.mulf %mul3A_571, %get3A_499 : vector<16xf32>
          %sub3A_580 = arith.subf %sub3A_578, %mul3A_579 : vector<16xf32>
          %swap3A_581 = arith.index_cast %sub3A_138 : i32 to index
          %swap3A_582 = arith.index_cast %mul3A_490 : i32 to index
          %swap3A_583 = tpu.vector_load %arg28[%swap3A_581, %swap3A_582] {strides = array<i32>} : memref<2x4096xf32, #tpu.memory_space<vmem>>, vector<16xf32>,
          tpu.vector_store %arg28[%swap3A_581, %swap3A_582], %sub3A_580 {strides = array<i32>} : memref<2x4096xf32, #tpu.memory_space<vmem>>, vector<16xf32>,
          %sub3A_584 = arith.subf %get3A_511, %gather3A_523 : vector<16xf32>
          %mul3A_585 = arith.mulf %mul3A_571, %get3A_502 : vector<16xf32>
          %sub3A_586 = arith.subf %sub3A_584, %mul3A_585 : vector<16xf32>
          %swap3A_587 = arith.index_cast %sub3A_138 : i32 to index
          %swap3A_588 = arith.index_cast %mul3A_490 : i32 to index
          %swap3A_589 = tpu.vector_load %arg29[%swap3A_587, %swap3A_588] {strides = array<i32>} : memref<2x4096xf32, #tpu.memory_space<vmem>>, vector<16xf32>,
          tpu.vector_store %arg29[%swap3A_587, %swap3A_588], %sub3A_586 {strides = array<i32>} : memref<2x4096xf32, #tpu.memory_space<vmem>>, vector<16xf32>,
          %scan3A_590 = arith.constant 3 : i32
          %scan3A_591 = arith.addi %scan3A_289, %scan3A_590 : i32
          %mul3A_592 = arith.constant 16 : i32
          %mul3A_593 = arith.muli %scan3A_591, %mul3A_592 : i32
          %get3A_594 = arith.index_cast %sub3A_138 : i32 to index
          %get3A_595 = arith.index_cast %mul3A_593 : i32 to index
          %get3A_596 = tpu.vector_load %arg18[%get3A_594, %get3A_595] {strides = array<i32>} : memref<2x4096xi32, #tpu.memory_space<vmem>>, vector<16xi32>,
          %get3A_597 = arith.index_cast %sub3A_138 : i32 to index
          %get3A_598 = arith.index_cast %mul3A_593 : i32 to index
          %get3A_599 = tpu.vector_load %arg20[%get3A_597, %get3A_598] {strides = array<i32>} : memref<2x4096xf32, #tpu.memory_space<vmem>>, vector<16xf32>,
          %get3A_600 = arith.index_cast %sub3A_138 : i32 to index
          %get3A_601 = arith.index_cast %mul3A_593 : i32 to index
          %get3A_602 = tpu.vector_load %arg21[%get3A_600, %get3A_601] {strides = array<i32>} : memref<2x4096xf32, #tpu.memory_space<vmem>>, vector<16xf32>,
          %get3A_603 = arith.index_cast %sub3A_138 : i32 to index
          %get3A_604 = arith.index_cast %mul3A_593 : i32 to index
          %get3A_605 = tpu.vector_load %arg22[%get3A_603, %get3A_604] {strides = array<i32>} : memref<2x4096xf32, #tpu.memory_space<vmem>>, vector<16xf32>,
          %get3A_606 = arith.index_cast %sub3A_138 : i32 to index
          %get3A_607 = arith.index_cast %mul3A_593 : i32 to index
          %get3A_608 = tpu.vector_load %arg24[%get3A_606, %get3A_607] {strides = array<i32>} : memref<2x4096xf32, #tpu.memory_space<vmem>>, vector<16xf32>,
          %get3A_609 = arith.index_cast %sub3A_138 : i32 to index
          %get3A_610 = arith.index_cast %mul3A_593 : i32 to index
          %get3A_611 = tpu.vector_load %arg25[%get3A_609, %get3A_610] {strides = array<i32>} : memref<2x4096xf32, #tpu.memory_space<vmem>>, vector<16xf32>,
          %get3A_612 = arith.index_cast %sub3A_138 : i32 to index
          %get3A_613 = arith.index_cast %mul3A_593 : i32 to index
          %get3A_614 = tpu.vector_load %arg26[%get3A_612, %get3A_613] {strides = array<i32>} : memref<2x4096xf32, #tpu.memory_space<vmem>>, vector<16xf32>,
          %get3A_615 = arith.index_cast %sub3A_138 : i32 to index
          %get3A_616 = arith.index_cast %mul3A_593 : i32 to index
          %get3A_617 = tpu.vector_load %arg23[%get3A_615, %get3A_616] {strides = array<i32>} : memref<2x4096xf32, #tpu.memory_space<vmem>>, vector<16xf32>,
          %broadcast_in_dim3A_618 = arith.constant 0 : i32
          %broadcast_in_dim3A_619 = vector.broadcast %broadcast_in_dim3A_618 : i32 to vector<16xi32>
          %gather3A_620 = tpu.vector_load_idx %arg30[%broadcast_in_dim3A_619, %get3A_596] : memref<3x5000xf32, #tpu.memory_space<vmem>>[vector<16xi32>, vector<16xi32>], vector<16xf32>,
          %broadcast_in_dim3A_621 = arith.constant 1 : i32
          %broadcast_in_dim3A_622 = vector.broadcast %broadcast_in_dim3A_621 : i32 to vector<16xi32>
          %gather3A_623 = tpu.vector_load_idx %arg30[%broadcast_in_dim3A_622, %get3A_596] : memref<3x5000xf32, #tpu.memory_space<vmem>>[vector<16xi32>, vector<16xi32>], vector<16xf32>,
          %broadcast_in_dim3A_624 = arith.constant 2 : i32
          %broadcast_in_dim3A_625 = vector.broadcast %broadcast_in_dim3A_624 : i32 to vector<16xi32>
          %gather3A_626 = tpu.vector_load_idx %arg30[%broadcast_in_dim3A_625, %get3A_596] : memref<3x5000xf32, #tpu.memory_space<vmem>>[vector<16xi32>, vector<16xi32>], vector<16xf32>,
          %gather3A_627 = tpu.vector_load_idx %arg31[%get3A_596] : memref<5000xf32, #tpu.memory_space<vmem>>[vector<16xi32>], vector<16xf32>,
          %mul3A_628 = arith.mulf %get3A_599, %get3A_599 : vector<16xf32>
          %mul3A_629 = arith.mulf %get3A_602, %get3A_602 : vector<16xf32>
          %add3A_630 = arith.addf %mul3A_628, %mul3A_629 : vector<16xf32>
          %mul3A_631 = arith.mulf %get3A_605, %get3A_605 : vector<16xf32>
          %add3A_632 = arith.addf %add3A_630, %mul3A_631 : vector<16xf32>
          %ge3A_633 = arith.constant 1.000000e-16 : f32
          %ge3A_634 = vector.broadcast %ge3A_633 : f32 to vector<16xf32>
          %ge3A_635 = arith.cmpf oge, %add3A_632, %ge3A_634 : vector<16xf32>
          %bitcast3A_636 = vector.bitcast %add3A_632 : vector<16xf32> to vector<16xi32>
          %shift_right_arithmetic3A_637 = arith.constant 1 : i32
          %shift_right_arithmetic3A_638 = vector.broadcast %shift_right_arithmetic3A_637 : i32 to vector<16xi32>
          %shift_right_arithmetic3A_639 = arith.shrsi %bitcast3A_636, %shift_right_arithmetic3A_638 : vector<16xi32>
          %sub3A_640 = arith.constant 1597463007 : i32
          %sub3A_641 = vector.broadcast %sub3A_640 : i32 to vector<16xi32>
          %sub3A_642 = arith.subi %sub3A_641, %shift_right_arithmetic3A_639 : vector<16xi32>
          %bitcast3A_643 = vector.bitcast %sub3A_642 : vector<16xi32> to vector<16xf32>
          %mul3A_644 = arith.constant 5.000000e-01 : f32
          %mul3A_645 = vector.broadcast %mul3A_644 : f32 to vector<16xf32>
          %mul3A_646 = arith.mulf %mul3A_645, %add3A_632 : vector<16xf32>
          %mul3A_647 = arith.mulf %mul3A_646, %bitcast3A_643 : vector<16xf32>
          %mul3A_648 = arith.mulf %mul3A_647, %bitcast3A_643 : vector<16xf32>
          %sub3A_649 = arith.constant 1.500000e+00 : f32
          %sub3A_650 = vector.broadcast %sub3A_649 : f32 to vector<16xf32>
          %sub3A_651 = arith.subf %sub3A_650, %mul3A_648 : vector<16xf32>
          %mul3A_652 = arith.mulf %bitcast3A_643, %sub3A_651 : vector<16xf32>
          %mul3A_653 = arith.mulf %mul3A_646, %mul3A_652 : vector<16xf32>
          %mul3A_654 = arith.mulf %mul3A_653, %mul3A_652 : vector<16xf32>
          %sub3A_655 = arith.constant 1.500000e+00 : f32
          %sub3A_656 = vector.broadcast %sub3A_655 : f32 to vector<16xf32>
          %sub3A_657 = arith.subf %sub3A_656, %mul3A_654 : vector<16xf32>
          %mul3A_658 = arith.mulf %mul3A_652, %sub3A_657 : vector<16xf32>
          %mul3A_659 = arith.mulf %mul3A_646, %mul3A_658 : vector<16xf32>
          %mul3A_660 = arith.mulf %mul3A_659, %mul3A_658 : vector<16xf32>
          %sub3A_661 = arith.constant 1.500000e+00 : f32
          %sub3A_662 = vector.broadcast %sub3A_661 : f32 to vector<16xf32>
          %sub3A_663 = arith.subf %sub3A_662, %mul3A_660 : vector<16xf32>
          %mul3A_664 = arith.mulf %mul3A_658, %sub3A_663 : vector<16xf32>
          %jit3A_665 = arith.constant 1.000000e+08 : f32
          %broadcast_in_dim3A_666 = vector.broadcast %jit3A_665 : f32 to vector<16xf32>
          %select_n3A_667 = arith.select %ge3A_635, %mul3A_664, %broadcast_in_dim3A_666 : vector<16xi1>, vector<16xf32>
          %gt3A_668 = arith.constant 5.000000e-01 : f32
          %gt3A_669 = vector.broadcast %gt3A_668 : f32 to vector<16xf32>
          %gt3A_670 = arith.cmpf ogt, %gather3A_627, %gt3A_669 : vector<16xf32>
          %jit3A_671 = arith.constant 1.000000e+00 : f32
          %broadcast_in_dim3A_672 = vector.broadcast %jit3A_671 : f32 to vector<16xf32>
          %select_n3A_673 = arith.select %gt3A_670, %broadcast_in_dim3A_672, %select_n3A_667 : vector<16xi1>, vector<16xf32>
          %mul3A_674 = arith.mulf %get3A_617, %select_n3A_673 : vector<16xf32>
          %sub3A_675 = arith.subf %get3A_608, %gather3A_620 : vector<16xf32>
          %mul3A_676 = arith.mulf %mul3A_674, %get3A_599 : vector<16xf32>
          %sub3A_677 = arith.subf %sub3A_675, %mul3A_676 : vector<16xf32>
          %swap3A_678 = arith.index_cast %sub3A_138 : i32 to index
          %swap3A_679 = arith.index_cast %mul3A_593 : i32 to index
          %swap3A_680 = tpu.vector_load %arg27[%swap3A_678, %swap3A_679] {strides = array<i32>} : memref<2x4096xf32, #tpu.memory_space<vmem>>, vector<16xf32>,
          tpu.vector_store %arg27[%swap3A_678, %swap3A_679], %sub3A_677 {strides = array<i32>} : memref<2x4096xf32, #tpu.memory_space<vmem>>, vector<16xf32>,
          %sub3A_681 = arith.subf %get3A_611, %gather3A_623 : vector<16xf32>
          %mul3A_682 = arith.mulf %mul3A_674, %get3A_602 : vector<16xf32>
          %sub3A_683 = arith.subf %sub3A_681, %mul3A_682 : vector<16xf32>
          %swap3A_684 = arith.index_cast %sub3A_138 : i32 to index
          %swap3A_685 = arith.index_cast %mul3A_593 : i32 to index
          %swap3A_686 = tpu.vector_load %arg28[%swap3A_684, %swap3A_685] {strides = array<i32>} : memref<2x4096xf32, #tpu.memory_space<vmem>>, vector<16xf32>,
          tpu.vector_store %arg28[%swap3A_684, %swap3A_685], %sub3A_683 {strides = array<i32>} : memref<2x4096xf32, #tpu.memory_space<vmem>>, vector<16xf32>,
          %sub3A_687 = arith.subf %get3A_614, %gather3A_626 : vector<16xf32>
          %mul3A_688 = arith.mulf %mul3A_674, %get3A_605 : vector<16xf32>
          %sub3A_689 = arith.subf %sub3A_687, %mul3A_688 : vector<16xf32>
          %swap3A_690 = arith.index_cast %sub3A_138 : i32 to index
          %swap3A_691 = arith.index_cast %mul3A_593 : i32 to index
          %swap3A_692 = tpu.vector_load %arg29[%swap3A_690, %swap3A_691] {strides = array<i32>} : memref<2x4096xf32, #tpu.memory_space<vmem>>, vector<16xf32>,
          tpu.vector_store %arg29[%swap3A_690, %swap3A_691], %sub3A_689 {strides = array<i32>} : memref<2x4096xf32, #tpu.memory_space<vmem>>, vector<16xf32>,
        }
        %scan3A_252 = arith.constant 256 : i32
        %sub3A_253 = arith.constant 1 : i32
        %sub3A_254 = arith.subi %while3A_121, %sub3A_253 : i32
        %mul3A_255 = arith.constant 32 : i32
        %mul3A_256 = arith.muli %mul3A_255, %sub3A_254 : i32
        %add3A_257 = arith.addi %add3A, %mul3A_256 : i32
        %mul3A_258 = arith.constant 4096 : i32
        %mul3A_259 = arith.muli %add3A_257, %mul3A_258 : i32
        %multiple_of3A = tpu.assume_multiple %mul3A_259, 4096 : i32
        %dma_start3A = arith.constant 0 : i32
        %dma_start3A_260 = tpu.memref_slice %arg27[%sub3A_138, %dma_start3A] : memref<2x4096xf32, #tpu.memory_space<vmem>> -> memref<1x4096xf32, #tpu.memory_space<vmem>>
        %dma_start3A_261 = tpu.memref_squeeze %dma_start3A_260 : memref<1x4096xf32, #tpu.memory_space<vmem>> -> memref<4096xf32, #tpu.memory_space<vmem>>
        %dma_start3A_262 = tpu.memref_slice %arg15[%multiple_of3A] : memref<2000000xf32, #tpu.memory_space<hbm>> -> memref<4096xf32, #tpu.memory_space<hbm>>
        %dma_start3A_263 = tpu.memref_slice %arg35[%sub3A_138] : memref<2x!tpu.dma_semaphore, #tpu.memory_space<semaphore_mem>> -> memref<1x!tpu.dma_semaphore, #tpu.memory_space<semaphore_mem>>
        %dma_start3A_264 = tpu.memref_squeeze %dma_start3A_263 : memref<1x!tpu.dma_semaphore, #tpu.memory_space<semaphore_mem>> -> memref<!tpu.dma_semaphore, #tpu.memory_space<semaphore_mem>>
        %dma_start3A_265 = tpu.memref_slice %arg15[%multiple_of3A] : memref<2000000xf32, #tpu.memory_space<hbm>> -> memref<4096xf32, #tpu.memory_space<hbm>>
        %dma_start3A_266 = arith.constant 0 : i32
        %dma_start3A_267 = tpu.memref_slice %arg27[%sub3A_138, %dma_start3A_266] : memref<2x4096xf32, #tpu.memory_space<vmem>> -> memref<1x4096xf32, #tpu.memory_space<vmem>>
        %dma_start3A_268 = tpu.memref_squeeze %dma_start3A_267 : memref<1x4096xf32, #tpu.memory_space<vmem>> -> memref<4096xf32, #tpu.memory_space<vmem>>
        tpu.enqueue_dma source(%dma_start3A_268 : memref<4096xf32, #tpu.memory_space<vmem>>) target(%dma_start3A_265 : memref<4096xf32, #tpu.memory_space<hbm>>) target_semaphore(%dma_start3A_264 : memref<!tpu.dma_semaphore, #tpu.memory_space<semaphore_mem>>)
        %dma_start3A_269 = arith.constant 0 : i32
        %dma_start3A_270 = tpu.memref_slice %arg28[%sub3A_138, %dma_start3A_269] : memref<2x4096xf32, #tpu.memory_space<vmem>> -> memref<1x4096xf32, #tpu.memory_space<vmem>>
        %dma_start3A_271 = tpu.memref_squeeze %dma_start3A_270 : memref<1x4096xf32, #tpu.memory_space<vmem>> -> memref<4096xf32, #tpu.memory_space<vmem>>
        %dma_start3A_272 = tpu.memref_slice %arg16[%multiple_of3A] : memref<2000000xf32, #tpu.memory_space<hbm>> -> memref<4096xf32, #tpu.memory_space<hbm>>
        %dma_start3A_273 = tpu.memref_slice %arg35[%sub3A_138] : memref<2x!tpu.dma_semaphore, #tpu.memory_space<semaphore_mem>> -> memref<1x!tpu.dma_semaphore, #tpu.memory_space<semaphore_mem>>
        %dma_start3A_274 = tpu.memref_squeeze %dma_start3A_273 : memref<1x!tpu.dma_semaphore, #tpu.memory_space<semaphore_mem>> -> memref<!tpu.dma_semaphore, #tpu.memory_space<semaphore_mem>>
        %dma_start3A_275 = tpu.memref_slice %arg16[%multiple_of3A] : memref<2000000xf32, #tpu.memory_space<hbm>> -> memref<4096xf32, #tpu.memory_space<hbm>>
        %dma_start3A_276 = arith.constant 0 : i32
        %dma_start3A_277 = tpu.memref_slice %arg28[%sub3A_138, %dma_start3A_276] : memref<2x4096xf32, #tpu.memory_space<vmem>> -> memref<1x4096xf32, #tpu.memory_space<vmem>>
        %dma_start3A_278 = tpu.memref_squeeze %dma_start3A_277 : memref<1x4096xf32, #tpu.memory_space<vmem>> -> memref<4096xf32, #tpu.memory_space<vmem>>
        tpu.enqueue_dma source(%dma_start3A_278 : memref<4096xf32, #tpu.memory_space<vmem>>) target(%dma_start3A_275 : memref<4096xf32, #tpu.memory_space<hbm>>) target_semaphore(%dma_start3A_274 : memref<!tpu.dma_semaphore, #tpu.memory_space<semaphore_mem>>)
        %dma_start3A_279 = arith.constant 0 : i32
        %dma_start3A_280 = tpu.memref_slice %arg29[%sub3A_138, %dma_start3A_279] : memref<2x4096xf32, #tpu.memory_space<vmem>> -> memref<1x4096xf32, #tpu.memory_space<vmem>>
        %dma_start3A_281 = tpu.memref_squeeze %dma_start3A_280 : memref<1x4096xf32, #tpu.memory_space<vmem>> -> memref<4096xf32, #tpu.memory_space<vmem>>
        %dma_start3A_282 = tpu.memref_slice %arg17[%multiple_of3A] : memref<2000000xf32, #tpu.memory_space<hbm>> -> memref<4096xf32, #tpu.memory_space<hbm>>
        %dma_start3A_283 = tpu.memref_slice %arg35[%sub3A_138] : memref<2x!tpu.dma_semaphore, #tpu.memory_space<semaphore_mem>> -> memref<1x!tpu.dma_semaphore, #tpu.memory_space<semaphore_mem>>
        %dma_start3A_284 = tpu.memref_squeeze %dma_start3A_283 : memref<1x!tpu.dma_semaphore, #tpu.memory_space<semaphore_mem>> -> memref<!tpu.dma_semaphore, #tpu.memory_space<semaphore_mem>>
        %dma_start3A_285 = tpu.memref_slice %arg17[%multiple_of3A] : memref<2000000xf32, #tpu.memory_space<hbm>> -> memref<4096xf32, #tpu.memory_space<hbm>>
        %dma_start3A_286 = arith.constant 0 : i32
        %dma_start3A_287 = tpu.memref_slice %arg29[%sub3A_138, %dma_start3A_286] : memref<2x4096xf32, #tpu.memory_space<vmem>> -> memref<1x4096xf32, #tpu.memory_space<vmem>>
        %dma_start3A_288 = tpu.memref_squeeze %dma_start3A_287 : memref<1x4096xf32, #tpu.memory_space<vmem>> -> memref<4096xf32, #tpu.memory_space<vmem>>
        tpu.enqueue_dma source(%dma_start3A_288 : memref<4096xf32, #tpu.memory_space<vmem>>) target(%dma_start3A_285 : memref<4096xf32, #tpu.memory_space<hbm>>) target_semaphore(%dma_start3A_284 : memref<!tpu.dma_semaphore, #tpu.memory_space<semaphore_mem>>)
      } else {
      }
    }
    %while3A_35 = arith.constant 1 : i32
    scf.for %while3A_121 = %while3A_33 to %while3A_29 step %while3A_35  : i32 {
      %jit3A_122 = arith.constant 2 : i32
      %eq3A_123 = arith.constant 0 : i32
      %eq3A_124 = arith.cmpi eq, %jit3A_122, %eq3A_123 : i32
      %jit3A_125 = arith.constant 1 : i32
      %select_n3A_126 = arith.select %eq3A_124, %jit3A_125, %jit3A_122 : i32
      %rem3A_127 = arith.remsi %while3A_121, %select_n3A_126 : i32
      %ne3A_128 = arith.constant 0 : i32
      %ne3A_129 = arith.cmpi ne, %rem3A_127, %ne3A_128 : i32
      %lt3A = arith.constant 0 : i32
      %lt3A_130 = arith.cmpi slt, %rem3A_127, %lt3A : i32
      %lt3A_131 = arith.constant 0 : i32
      %lt3A_132 = arith.cmpi slt, %select_n3A_126, %lt3A_131 : i32
      %ne3A_133 = arith.xori %lt3A_130, %lt3A_132 : i1
      %and3A_134 = arith.andi %ne3A_133, %ne3A_129 : i1
      %add3A_135 = arith.addi %rem3A_127, %select_n3A_126 : i32
      %select_n3A_136 = arith.select %and3A_134, %add3A_135, %rem3A_127 : i32
      %sub3A_137 = arith.constant 1 : i32
      %sub3A_138 = arith.subi %sub3A_137, %select_n3A_136 : i32
      %lt3A_139 = arith.cmpi slt, %while3A_121, %select_n3A : i32
      %convert_element_type3A_140 = arith.extui %lt3A_139 : i1 to i32
      %cond3A_141 = arith.constant 0 : i32
      %cond3A_142 = arith.cmpi ne, %convert_element_type3A_140, %cond3A_141 : i32
      scf.if %cond3A_142 {
        %mul3A_147 = arith.constant 32 : i32
        %mul3A_148 = arith.muli %mul3A_147, %while3A_121 : i32
        %add3A_149 = arith.addi %add3A, %mul3A_148 : i32
        %mul3A_150 = arith.constant 4096 : i32
        %mul3A_151 = arith.muli %add3A_149, %mul3A_150 : i32
        %multiple_of3A = tpu.assume_multiple %mul3A_151, 4096 : i32
        %dma_start3A = arith.constant 0 : i32
        %dma_start3A_152 = tpu.memref_slice %arg19[%select_n3A_136, %dma_start3A] : memref<2x4096xi32, #tpu.memory_space<vmem>> -> memref<1x4096xi32, #tpu.memory_space<vmem>>
        %dma_start3A_153 = tpu.memref_squeeze %dma_start3A_152 : memref<1x4096xi32, #tpu.memory_space<vmem>> -> memref<4096xi32, #tpu.memory_space<vmem>>
        %dma_start3A_154 = tpu.memref_slice %arg6[%multiple_of3A] : memref<2000000xi32, #tpu.memory_space<hbm>> -> memref<4096xi32, #tpu.memory_space<hbm>>
        %dma_start3A_155 = tpu.memref_slice %arg32[%select_n3A_136] : memref<2x!tpu.dma_semaphore, #tpu.memory_space<semaphore_mem>> -> memref<1x!tpu.dma_semaphore, #tpu.memory_space<semaphore_mem>>
        %dma_start3A_156 = tpu.memref_squeeze %dma_start3A_155 : memref<1x!tpu.dma_semaphore, #tpu.memory_space<semaphore_mem>> -> memref<!tpu.dma_semaphore, #tpu.memory_space<semaphore_mem>>
        %dma_start3A_157 = arith.constant 0 : i32
        %dma_start3A_158 = tpu.memref_slice %arg19[%select_n3A_136, %dma_start3A_157] : memref<2x4096xi32, #tpu.memory_space<vmem>> -> memref<1x4096xi32, #tpu.memory_space<vmem>>
        %dma_start3A_159 = tpu.memref_squeeze %dma_start3A_158 : memref<1x4096xi32, #tpu.memory_space<vmem>> -> memref<4096xi32, #tpu.memory_space<vmem>>
        %dma_start3A_160 = tpu.memref_slice %arg6[%multiple_of3A] : memref<2000000xi32, #tpu.memory_space<hbm>> -> memref<4096xi32, #tpu.memory_space<hbm>>
        tpu.enqueue_dma source(%dma_start3A_160 : memref<4096xi32, #tpu.memory_space<hbm>>) target(%dma_start3A_159 : memref<4096xi32, #tpu.memory_space<vmem>>) target_semaphore(%dma_start3A_156 : memref<!tpu.dma_semaphore, #tpu.memory_space<semaphore_mem>>)
        %dma_start3A_161 = arith.constant 0 : i32
        %dma_start3A_162 = tpu.memref_slice %arg18[%select_n3A_136, %dma_start3A_161] : memref<2x4096xi32, #tpu.memory_space<vmem>> -> memref<1x4096xi32, #tpu.memory_space<vmem>>
        %dma_start3A_163 = tpu.memref_squeeze %dma_start3A_162 : memref<1x4096xi32, #tpu.memory_space<vmem>> -> memref<4096xi32, #tpu.memory_space<vmem>>
        %dma_start3A_164 = tpu.memref_slice %arg5[%multiple_of3A] : memref<2000000xi32, #tpu.memory_space<hbm>> -> memref<4096xi32, #tpu.memory_space<hbm>>
        %dma_start3A_165 = tpu.memref_slice %arg33[%select_n3A_136] : memref<2x!tpu.dma_semaphore, #tpu.memory_space<semaphore_mem>> -> memref<1x!tpu.dma_semaphore, #tpu.memory_space<semaphore_mem>>
        %dma_start3A_166 = tpu.memref_squeeze %dma_start3A_165 : memref<1x!tpu.dma_semaphore, #tpu.memory_space<semaphore_mem>> -> memref<!tpu.dma_semaphore, #tpu.memory_space<semaphore_mem>>
        %dma_start3A_167 = arith.constant 0 : i32
        %dma_start3A_168 = tpu.memref_slice %arg18[%select_n3A_136, %dma_start3A_167] : memref<2x4096xi32, #tpu.memory_space<vmem>> -> memref<1x4096xi32, #tpu.memory_space<vmem>>
        %dma_start3A_169 = tpu.memref_squeeze %dma_start3A_168 : memref<1x4096xi32, #tpu.memory_space<vmem>> -> memref<4096xi32, #tpu.memory_space<vmem>>
        %dma_start3A_170 = tpu.memref_slice %arg5[%multiple_of3A] : memref<2000000xi32, #tpu.memory_space<hbm>> -> memref<4096xi32, #tpu.memory_space<hbm>>
        tpu.enqueue_dma source(%dma_start3A_170 : memref<4096xi32, #tpu.memory_space<hbm>>) target(%dma_start3A_169 : memref<4096xi32, #tpu.memory_space<vmem>>) target_semaphore(%dma_start3A_166 : memref<!tpu.dma_semaphore, #tpu.memory_space<semaphore_mem>>)
        %dma_start3A_171 = arith.constant 0 : i32
        %dma_start3A_172 = tpu.memref_slice %arg20[%select_n3A_136, %dma_start3A_171] : memref<2x4096xf32, #tpu.memory_space<vmem>> -> memref<1x4096xf32, #tpu.memory_space<vmem>>
        %dma_start3A_173 = tpu.memref_squeeze %dma_start3A_172 : memref<1x4096xf32, #tpu.memory_space<vmem>> -> memref<4096xf32, #tpu.memory_space<vmem>>
        %dma_start3A_174 = tpu.memref_slice %arg2[%multiple_of3A] : memref<2000000xf32, #tpu.memory_space<hbm>> -> memref<4096xf32, #tpu.memory_space<hbm>>
        %dma_start3A_175 = tpu.memref_slice %arg33[%select_n3A_136] : memref<2x!tpu.dma_semaphore, #tpu.memory_space<semaphore_mem>> -> memref<1x!tpu.dma_semaphore, #tpu.memory_space<semaphore_mem>>
        %dma_start3A_176 = tpu.memref_squeeze %dma_start3A_175 : memref<1x!tpu.dma_semaphore, #tpu.memory_space<semaphore_mem>> -> memref<!tpu.dma_semaphore, #tpu.memory_space<semaphore_mem>>
        %dma_start3A_177 = arith.constant 0 : i32
        %dma_start3A_178 = tpu.memref_slice %arg20[%select_n3A_136, %dma_start3A_177] : memref<2x4096xf32, #tpu.memory_space<vmem>> -> memref<1x4096xf32, #tpu.memory_space<vmem>>
        %dma_start3A_179 = tpu.memref_squeeze %dma_start3A_178 : memref<1x4096xf32, #tpu.memory_space<vmem>> -> memref<4096xf32, #tpu.memory_space<vmem>>
        %dma_start3A_180 = tpu.memref_slice %arg2[%multiple_of3A] : memref<2000000xf32, #tpu.memory_space<hbm>> -> memref<4096xf32, #tpu.memory_space<hbm>>
        tpu.enqueue_dma source(%dma_start3A_180 : memref<4096xf32, #tpu.memory_space<hbm>>) target(%dma_start3A_179 : memref<4096xf32, #tpu.memory_space<vmem>>) target_semaphore(%dma_start3A_176 : memref<!tpu.dma_semaphore, #tpu.memory_space<semaphore_mem>>)
        %dma_start3A_181 = arith.constant 0 : i32
        %dma_start3A_182 = tpu.memref_slice %arg21[%select_n3A_136, %dma_start3A_181] : memref<2x4096xf32, #tpu.memory_space<vmem>> -> memref<1x4096xf32, #tpu.memory_space<vmem>>
        %dma_start3A_183 = tpu.memref_squeeze %dma_start3A_182 : memref<1x4096xf32, #tpu.memory_space<vmem>> -> memref<4096xf32, #tpu.memory_space<vmem>>
        %dma_start3A_184 = tpu.memref_slice %arg3[%multiple_of3A] : memref<2000000xf32, #tpu.memory_space<hbm>> -> memref<4096xf32, #tpu.memory_space<hbm>>
        %dma_start3A_185 = tpu.memref_slice %arg33[%select_n3A_136] : memref<2x!tpu.dma_semaphore, #tpu.memory_space<semaphore_mem>> -> memref<1x!tpu.dma_semaphore, #tpu.memory_space<semaphore_mem>>
        %dma_start3A_186 = tpu.memref_squeeze %dma_start3A_185 : memref<1x!tpu.dma_semaphore, #tpu.memory_space<semaphore_mem>> -> memref<!tpu.dma_semaphore, #tpu.memory_space<semaphore_mem>>
        %dma_start3A_187 = arith.constant 0 : i32
        %dma_start3A_188 = tpu.memref_slice %arg21[%select_n3A_136, %dma_start3A_187] : memref<2x4096xf32, #tpu.memory_space<vmem>> -> memref<1x4096xf32, #tpu.memory_space<vmem>>
        %dma_start3A_189 = tpu.memref_squeeze %dma_start3A_188 : memref<1x4096xf32, #tpu.memory_space<vmem>> -> memref<4096xf32, #tpu.memory_space<vmem>>
        %dma_start3A_190 = tpu.memref_slice %arg3[%multiple_of3A] : memref<2000000xf32, #tpu.memory_space<hbm>> -> memref<4096xf32, #tpu.memory_space<hbm>>
        tpu.enqueue_dma source(%dma_start3A_190 : memref<4096xf32, #tpu.memory_space<hbm>>) target(%dma_start3A_189 : memref<4096xf32, #tpu.memory_space<vmem>>) target_semaphore(%dma_start3A_186 : memref<!tpu.dma_semaphore, #tpu.memory_space<semaphore_mem>>)
        %dma_start3A_191 = arith.constant 0 : i32
        %dma_start3A_192 = tpu.memref_slice %arg22[%select_n3A_136, %dma_start3A_191] : memref<2x4096xf32, #tpu.memory_space<vmem>> -> memref<1x4096xf32, #tpu.memory_space<vmem>>
        %dma_start3A_193 = tpu.memref_squeeze %dma_start3A_192 : memref<1x4096xf32, #tpu.memory_space<vmem>> -> memref<4096xf32, #tpu.memory_space<vmem>>
        %dma_start3A_194 = tpu.memref_slice %arg4[%multiple_of3A] : memref<2000000xf32, #tpu.memory_space<hbm>> -> memref<4096xf32, #tpu.memory_space<hbm>>
        %dma_start3A_195 = tpu.memref_slice %arg33[%select_n3A_136] : memref<2x!tpu.dma_semaphore, #tpu.memory_space<semaphore_mem>> -> memref<1x!tpu.dma_semaphore, #tpu.memory_space<semaphore_mem>>
        %dma_start3A_196 = tpu.memref_squeeze %dma_start3A_195 : memref<1x!tpu.dma_semaphore, #tpu.memory_space<semaphore_mem>> -> memref<!tpu.dma_semaphore, #tpu.memory_space<semaphore_mem>>
        %dma_start3A_197 = arith.constant 0 : i32
        %dma_start3A_198 = tpu.memref_slice %arg22[%select_n3A_136, %dma_start3A_197] : memref<2x4096xf32, #tpu.memory_space<vmem>> -> memref<1x4096xf32, #tpu.memory_space<vmem>>
        %dma_start3A_199 = tpu.memref_squeeze %dma_start3A_198 : memref<1x4096xf32, #tpu.memory_space<vmem>> -> memref<4096xf32, #tpu.memory_space<vmem>>
        %dma_start3A_200 = tpu.memref_slice %arg4[%multiple_of3A] : memref<2000000xf32, #tpu.memory_space<hbm>> -> memref<4096xf32, #tpu.memory_space<hbm>>
        tpu.enqueue_dma source(%dma_start3A_200 : memref<4096xf32, #tpu.memory_space<hbm>>) target(%dma_start3A_199 : memref<4096xf32, #tpu.memory_space<vmem>>) target_semaphore(%dma_start3A_196 : memref<!tpu.dma_semaphore, #tpu.memory_space<semaphore_mem>>)
        %dma_start3A_201 = arith.constant 0 : i32
        %dma_start3A_202 = tpu.memref_slice %arg23[%select_n3A_136, %dma_start3A_201] : memref<2x4096xf32, #tpu.memory_space<vmem>> -> memref<1x4096xf32, #tpu.memory_space<vmem>>
        %dma_start3A_203 = tpu.memref_squeeze %dma_start3A_202 : memref<1x4096xf32, #tpu.memory_space<vmem>> -> memref<4096xf32, #tpu.memory_space<vmem>>
        %dma_start3A_204 = tpu.memref_slice %arg14[%multiple_of3A] : memref<2000000xf32, #tpu.memory_space<hbm>> -> memref<4096xf32, #tpu.memory_space<hbm>>
        %dma_start3A_205 = tpu.memref_slice %arg33[%select_n3A_136] : memref<2x!tpu.dma_semaphore, #tpu.memory_space<semaphore_mem>> -> memref<1x!tpu.dma_semaphore, #tpu.memory_space<semaphore_mem>>
        %dma_start3A_206 = tpu.memref_squeeze %dma_start3A_205 : memref<1x!tpu.dma_semaphore, #tpu.memory_space<semaphore_mem>> -> memref<!tpu.dma_semaphore, #tpu.memory_space<semaphore_mem>>
        %dma_start3A_207 = arith.constant 0 : i32
        %dma_start3A_208 = tpu.memref_slice %arg23[%select_n3A_136, %dma_start3A_207] : memref<2x4096xf32, #tpu.memory_space<vmem>> -> memref<1x4096xf32, #tpu.memory_space<vmem>>
        %dma_start3A_209 = tpu.memref_squeeze %dma_start3A_208 : memref<1x4096xf32, #tpu.memory_space<vmem>> -> memref<4096xf32, #tpu.memory_space<vmem>>
        %dma_start3A_210 = tpu.memref_slice %arg14[%multiple_of3A] : memref<2000000xf32, #tpu.memory_space<hbm>> -> memref<4096xf32, #tpu.memory_space<hbm>>
        tpu.enqueue_dma source(%dma_start3A_210 : memref<4096xf32, #tpu.memory_space<hbm>>) target(%dma_start3A_209 : memref<4096xf32, #tpu.memory_space<vmem>>) target_semaphore(%dma_start3A_206 : memref<!tpu.dma_semaphore, #tpu.memory_space<semaphore_mem>>)
        %dma_wait3A_211 = arith.constant 0 : i32
        %dma_wait3A_212 = tpu.memref_slice %arg19[%select_n3A_136, %dma_wait3A_211] : memref<2x4096xi32, #tpu.memory_space<vmem>> -> memref<1x4096xi32, #tpu.memory_space<vmem>>
        %dma_wait3A_213 = tpu.memref_squeeze %dma_wait3A_212 : memref<1x4096xi32, #tpu.memory_space<vmem>> -> memref<4096xi32, #tpu.memory_space<vmem>>
        %dma_wait3A_214 = tpu.memref_slice %arg6[%multiple_of3A] : memref<2000000xi32, #tpu.memory_space<hbm>> -> memref<4096xi32, #tpu.memory_space<hbm>>
        %dma_wait3A_215 = tpu.memref_slice %arg32[%select_n3A_136] : memref<2x!tpu.dma_semaphore, #tpu.memory_space<semaphore_mem>> -> memref<1x!tpu.dma_semaphore, #tpu.memory_space<semaphore_mem>>
        %dma_wait3A_216 = tpu.memref_squeeze %dma_wait3A_215 : memref<1x!tpu.dma_semaphore, #tpu.memory_space<semaphore_mem>> -> memref<!tpu.dma_semaphore, #tpu.memory_space<semaphore_mem>>
        %dma_wait3A_217 = arith.constant 0 : i32
        %dma_wait3A_218 = tpu.memref_slice %arg19[%select_n3A_136, %dma_wait3A_217] : memref<2x4096xi32, #tpu.memory_space<vmem>> -> memref<1x4096xi32, #tpu.memory_space<vmem>>
        %dma_wait3A_219 = tpu.memref_squeeze %dma_wait3A_218 : memref<1x4096xi32, #tpu.memory_space<vmem>> -> memref<4096xi32, #tpu.memory_space<vmem>>
        %dma_wait3A_220 = tpu.memref_slice %arg6[%multiple_of3A] : memref<2000000xi32, #tpu.memory_space<hbm>> -> memref<4096xi32, #tpu.memory_space<hbm>>
        tpu.wait_dma2 semaphore(%dma_wait3A_216 : memref<!tpu.dma_semaphore, #tpu.memory_space<semaphore_mem>>) src(%dma_wait3A_220 : memref<4096xi32, #tpu.memory_space<hbm>>) dst(%dma_wait3A_219 : memref<4096xi32, #tpu.memory_space<vmem>>)
        %dma_start3A_221 = arith.constant 0 : i32
        %dma_start3A_222 = tpu.memref_slice %arg24[%select_n3A_136, %dma_start3A_221] : memref<2x4096xf32, #tpu.memory_space<vmem>> -> memref<1x4096xf32, #tpu.memory_space<vmem>>
        %dma_start3A_223 = tpu.memref_squeeze %dma_start3A_222 : memref<1x4096xf32, #tpu.memory_space<vmem>> -> memref<4096xf32, #tpu.memory_space<vmem>>
        %dma_start3A_224 = arith.constant 0 : i32
        %dma_start3A_225 = tpu.memref_slice %arg19[%select_n3A_136, %dma_start3A_224] : memref<2x4096xi32, #tpu.memory_space<vmem>> -> memref<1x4096xi32, #tpu.memory_space<vmem>>
        %dma_start3A_226 = tpu.memref_squeeze %dma_start3A_225 : memref<1x4096xi32, #tpu.memory_space<vmem>> -> memref<4096xi32, #tpu.memory_space<vmem>>
        %dma_start3A_227 = arith.constant 0 : i32
        %dma_start3A_228 = tpu.memref_slice %arg11[%dma_start3A_227] : memref<500000xf32, #tpu.memory_space<hbm>> -> memref<500000xf32, #tpu.memory_space<hbm>>
        %dma_start3A_229 = tpu.memref_slice %arg34[%select_n3A_136] : memref<2x!tpu.dma_semaphore, #tpu.memory_space<semaphore_mem>> -> memref<1x!tpu.dma_semaphore, #tpu.memory_space<semaphore_mem>>
        %dma_start3A_230 = tpu.memref_squeeze %dma_start3A_229 : memref<1x!tpu.dma_semaphore, #tpu.memory_space<semaphore_mem>> -> memref<!tpu.dma_semaphore, #tpu.memory_space<semaphore_mem>>
        tpu.enqueue_indirect_dma source(%dma_start3A_228 : memref<500000xf32, #tpu.memory_space<hbm>>) target(%dma_start3A_223 : memref<4096xf32, #tpu.memory_space<vmem>>) offsets(%dma_start3A_226 : memref<4096xi32, #tpu.memory_space<vmem>>) semaphore(%dma_start3A_230 : memref<!tpu.dma_semaphore, #tpu.memory_space<semaphore_mem>>)
        %dma_start3A_231 = arith.constant 0 : i32
        %dma_start3A_232 = tpu.memref_slice %arg25[%select_n3A_136, %dma_start3A_231] : memref<2x4096xf32, #tpu.memory_space<vmem>> -> memref<1x4096xf32, #tpu.memory_space<vmem>>
        %dma_start3A_233 = tpu.memref_squeeze %dma_start3A_232 : memref<1x4096xf32, #tpu.memory_space<vmem>> -> memref<4096xf32, #tpu.memory_space<vmem>>
        %dma_start3A_234 = arith.constant 0 : i32
        %dma_start3A_235 = tpu.memref_slice %arg19[%select_n3A_136, %dma_start3A_234] : memref<2x4096xi32, #tpu.memory_space<vmem>> -> memref<1x4096xi32, #tpu.memory_space<vmem>>
        %dma_start3A_236 = tpu.memref_squeeze %dma_start3A_235 : memref<1x4096xi32, #tpu.memory_space<vmem>> -> memref<4096xi32, #tpu.memory_space<vmem>>
        %dma_start3A_237 = arith.constant 0 : i32
        %dma_start3A_238 = tpu.memref_slice %arg12[%dma_start3A_237] : memref<500000xf32, #tpu.memory_space<hbm>> -> memref<500000xf32, #tpu.memory_space<hbm>>
        %dma_start3A_239 = tpu.memref_slice %arg34[%select_n3A_136] : memref<2x!tpu.dma_semaphore, #tpu.memory_space<semaphore_mem>> -> memref<1x!tpu.dma_semaphore, #tpu.memory_space<semaphore_mem>>
        %dma_start3A_240 = tpu.memref_squeeze %dma_start3A_239 : memref<1x!tpu.dma_semaphore, #tpu.memory_space<semaphore_mem>> -> memref<!tpu.dma_semaphore, #tpu.memory_space<semaphore_mem>>
        tpu.enqueue_indirect_dma source(%dma_start3A_238 : memref<500000xf32, #tpu.memory_space<hbm>>) target(%dma_start3A_233 : memref<4096xf32, #tpu.memory_space<vmem>>) offsets(%dma_start3A_236 : memref<4096xi32, #tpu.memory_space<vmem>>) semaphore(%dma_start3A_240 : memref<!tpu.dma_semaphore, #tpu.memory_space<semaphore_mem>>)
        %dma_start3A_241 = arith.constant 0 : i32
        %dma_start3A_242 = tpu.memref_slice %arg26[%select_n3A_136, %dma_start3A_241] : memref<2x4096xf32, #tpu.memory_space<vmem>> -> memref<1x4096xf32, #tpu.memory_space<vmem>>
        %dma_start3A_243 = tpu.memref_squeeze %dma_start3A_242 : memref<1x4096xf32, #tpu.memory_space<vmem>> -> memref<4096xf32, #tpu.memory_space<vmem>>
        %dma_start3A_244 = arith.constant 0 : i32
        %dma_start3A_245 = tpu.memref_slice %arg19[%select_n3A_136, %dma_start3A_244] : memref<2x4096xi32, #tpu.memory_space<vmem>> -> memref<1x4096xi32, #tpu.memory_space<vmem>>
        %dma_start3A_246 = tpu.memref_squeeze %dma_start3A_245 : memref<1x4096xi32, #tpu.memory_space<vmem>> -> memref<4096xi32, #tpu.memory_space<vmem>>
        %dma_start3A_247 = arith.constant 0 : i32
        %dma_start3A_248 = tpu.memref_slice %arg13[%dma_start3A_247] : memref<500000xf32, #tpu.memory_space<hbm>> -> memref<500000xf32, #tpu.memory_space<hbm>>
        %dma_start3A_249 = tpu.memref_slice %arg34[%select_n3A_136] : memref<2x!tpu.dma_semaphore, #tpu.memory_space<semaphore_mem>> -> memref<1x!tpu.dma_semaphore, #tpu.memory_space<semaphore_mem>>
        %dma_start3A_250 = tpu.memref_squeeze %dma_start3A_249 : memref<1x!tpu.dma_semaphore, #tpu.memory_space<semaphore_mem>> -> memref<!tpu.dma_semaphore, #tpu.memory_space<semaphore_mem>>
        tpu.enqueue_indirect_dma source(%dma_start3A_248 : memref<500000xf32, #tpu.memory_space<hbm>>) target(%dma_start3A_243 : memref<4096xf32, #tpu.memory_space<vmem>>) offsets(%dma_start3A_246 : memref<4096xi32, #tpu.memory_space<vmem>>) semaphore(%dma_start3A_250 : memref<!tpu.dma_semaphore, #tpu.memory_space<semaphore_mem>>)
      } else {
      }
      %ge3A = arith.constant 1 : i32
      %ge3A_143 = arith.cmpi sge, %while3A_121, %ge3A : i32
      %convert_element_type3A_144 = arith.extui %ge3A_143 : i1 to i32
      %cond3A_145 = arith.constant 0 : i32
      %cond3A_146 = arith.cmpi ne, %convert_element_type3A_144, %cond3A_145 : i32
      scf.if %cond3A_146 {
        %dma_wait3A_147 = arith.constant 0 : i32
        %dma_wait3A_148 = tpu.memref_slice %arg18[%sub3A_138, %dma_wait3A_147] : memref<2x4096xi32, #tpu.memory_space<vmem>> -> memref<1x4096xi32, #tpu.memory_space<vmem>>
        %dma_wait3A_149 = tpu.memref_squeeze %dma_wait3A_148 : memref<1x4096xi32, #tpu.memory_space<vmem>> -> memref<4096xi32, #tpu.memory_space<vmem>>
        %dma_wait3A_150 = arith.constant 0 : i32
        %dma_wait3A_151 = tpu.memref_slice %arg5[%dma_wait3A_150] : memref<2000000xi32, #tpu.memory_space<hbm>> -> memref<4096xi32, #tpu.memory_space<hbm>>
        %dma_wait3A_152 = tpu.memref_slice %arg33[%sub3A_138] : memref<2x!tpu.dma_semaphore, #tpu.memory_space<semaphore_mem>> -> memref<1x!tpu.dma_semaphore, #tpu.memory_space<semaphore_mem>>
        %dma_wait3A_153 = tpu.memref_squeeze %dma_wait3A_152 : memref<1x!tpu.dma_semaphore, #tpu.memory_space<semaphore_mem>> -> memref<!tpu.dma_semaphore, #tpu.memory_space<semaphore_mem>>
        %dma_wait3A_154 = arith.constant 0 : i32
        %dma_wait3A_155 = tpu.memref_slice %arg18[%sub3A_138, %dma_wait3A_154] : memref<2x4096xi32, #tpu.memory_space<vmem>> -> memref<1x4096xi32, #tpu.memory_space<vmem>>
        %dma_wait3A_156 = tpu.memref_squeeze %dma_wait3A_155 : memref<1x4096xi32, #tpu.memory_space<vmem>> -> memref<4096xi32, #tpu.memory_space<vmem>>
        %dma_wait3A_157 = arith.constant 0 : i32
        %dma_wait3A_158 = tpu.memref_slice %arg5[%dma_wait3A_157] : memref<2000000xi32, #tpu.memory_space<hbm>> -> memref<4096xi32, #tpu.memory_space<hbm>>
        tpu.wait_dma2 semaphore(%dma_wait3A_153 : memref<!tpu.dma_semaphore, #tpu.memory_space<semaphore_mem>>) src(%dma_wait3A_158 : memref<4096xi32, #tpu.memory_space<hbm>>) dst(%dma_wait3A_156 : memref<4096xi32, #tpu.memory_space<vmem>>)
        %dma_wait3A_159 = arith.constant 0 : i32
        %dma_wait3A_160 = tpu.memref_slice %arg20[%sub3A_138, %dma_wait3A_159] : memref<2x4096xf32, #tpu.memory_space<vmem>> -> memref<1x4096xf32, #tpu.memory_space<vmem>>
        %dma_wait3A_161 = tpu.memref_squeeze %dma_wait3A_160 : memref<1x4096xf32, #tpu.memory_space<vmem>> -> memref<4096xf32, #tpu.memory_space<vmem>>
        %dma_wait3A_162 = arith.constant 0 : i32
        %dma_wait3A_163 = tpu.memref_slice %arg2[%dma_wait3A_162] : memref<2000000xf32, #tpu.memory_space<hbm>> -> memref<4096xf32, #tpu.memory_space<hbm>>
        %dma_wait3A_164 = tpu.memref_slice %arg33[%sub3A_138] : memref<2x!tpu.dma_semaphore, #tpu.memory_space<semaphore_mem>> -> memref<1x!tpu.dma_semaphore, #tpu.memory_space<semaphore_mem>>
        %dma_wait3A_165 = tpu.memref_squeeze %dma_wait3A_164 : memref<1x!tpu.dma_semaphore, #tpu.memory_space<semaphore_mem>> -> memref<!tpu.dma_semaphore, #tpu.memory_space<semaphore_mem>>
        %dma_wait3A_166 = arith.constant 0 : i32
        %dma_wait3A_167 = tpu.memref_slice %arg20[%sub3A_138, %dma_wait3A_166] : memref<2x4096xf32, #tpu.memory_space<vmem>> -> memref<1x4096xf32, #tpu.memory_space<vmem>>
        %dma_wait3A_168 = tpu.memref_squeeze %dma_wait3A_167 : memref<1x4096xf32, #tpu.memory_space<vmem>> -> memref<4096xf32, #tpu.memory_space<vmem>>
        %dma_wait3A_169 = arith.constant 0 : i32
        %dma_wait3A_170 = tpu.memref_slice %arg2[%dma_wait3A_169] : memref<2000000xf32, #tpu.memory_space<hbm>> -> memref<4096xf32, #tpu.memory_space<hbm>>
        tpu.wait_dma2 semaphore(%dma_wait3A_165 : memref<!tpu.dma_semaphore, #tpu.memory_space<semaphore_mem>>) src(%dma_wait3A_170 : memref<4096xf32, #tpu.memory_space<hbm>>) dst(%dma_wait3A_168 : memref<4096xf32, #tpu.memory_space<vmem>>)
        %dma_wait3A_171 = arith.constant 0 : i32
        %dma_wait3A_172 = tpu.memref_slice %arg21[%sub3A_138, %dma_wait3A_171] : memref<2x4096xf32, #tpu.memory_space<vmem>> -> memref<1x4096xf32, #tpu.memory_space<vmem>>
        %dma_wait3A_173 = tpu.memref_squeeze %dma_wait3A_172 : memref<1x4096xf32, #tpu.memory_space<vmem>> -> memref<4096xf32, #tpu.memory_space<vmem>>
        %dma_wait3A_174 = arith.constant 0 : i32
        %dma_wait3A_175 = tpu.memref_slice %arg3[%dma_wait3A_174] : memref<2000000xf32, #tpu.memory_space<hbm>> -> memref<4096xf32, #tpu.memory_space<hbm>>
        %dma_wait3A_176 = tpu.memref_slice %arg33[%sub3A_138] : memref<2x!tpu.dma_semaphore, #tpu.memory_space<semaphore_mem>> -> memref<1x!tpu.dma_semaphore, #tpu.memory_space<semaphore_mem>>
        %dma_wait3A_177 = tpu.memref_squeeze %dma_wait3A_176 : memref<1x!tpu.dma_semaphore, #tpu.memory_space<semaphore_mem>> -> memref<!tpu.dma_semaphore, #tpu.memory_space<semaphore_mem>>
        %dma_wait3A_178 = arith.constant 0 : i32
        %dma_wait3A_179 = tpu.memref_slice %arg21[%sub3A_138, %dma_wait3A_178] : memref<2x4096xf32, #tpu.memory_space<vmem>> -> memref<1x4096xf32, #tpu.memory_space<vmem>>
        %dma_wait3A_180 = tpu.memref_squeeze %dma_wait3A_179 : memref<1x4096xf32, #tpu.memory_space<vmem>> -> memref<4096xf32, #tpu.memory_space<vmem>>
        %dma_wait3A_181 = arith.constant 0 : i32
        %dma_wait3A_182 = tpu.memref_slice %arg3[%dma_wait3A_181] : memref<2000000xf32, #tpu.memory_space<hbm>> -> memref<4096xf32, #tpu.memory_space<hbm>>
        tpu.wait_dma2 semaphore(%dma_wait3A_177 : memref<!tpu.dma_semaphore, #tpu.memory_space<semaphore_mem>>) src(%dma_wait3A_182 : memref<4096xf32, #tpu.memory_space<hbm>>) dst(%dma_wait3A_180 : memref<4096xf32, #tpu.memory_space<vmem>>)
        %dma_wait3A_183 = arith.constant 0 : i32
        %dma_wait3A_184 = tpu.memref_slice %arg22[%sub3A_138, %dma_wait3A_183] : memref<2x4096xf32, #tpu.memory_space<vmem>> -> memref<1x4096xf32, #tpu.memory_space<vmem>>
        %dma_wait3A_185 = tpu.memref_squeeze %dma_wait3A_184 : memref<1x4096xf32, #tpu.memory_space<vmem>> -> memref<4096xf32, #tpu.memory_space<vmem>>
        %dma_wait3A_186 = arith.constant 0 : i32
        %dma_wait3A_187 = tpu.memref_slice %arg4[%dma_wait3A_186] : memref<2000000xf32, #tpu.memory_space<hbm>> -> memref<4096xf32, #tpu.memory_space<hbm>>
        %dma_wait3A_188 = tpu.memref_slice %arg33[%sub3A_138] : memref<2x!tpu.dma_semaphore, #tpu.memory_space<semaphore_mem>> -> memref<1x!tpu.dma_semaphore, #tpu.memory_space<semaphore_mem>>
        %dma_wait3A_189 = tpu.memref_squeeze %dma_wait3A_188 : memref<1x!tpu.dma_semaphore, #tpu.memory_space<semaphore_mem>> -> memref<!tpu.dma_semaphore, #tpu.memory_space<semaphore_mem>>
        %dma_wait3A_190 = arith.constant 0 : i32
        %dma_wait3A_191 = tpu.memref_slice %arg22[%sub3A_138, %dma_wait3A_190] : memref<2x4096xf32, #tpu.memory_space<vmem>> -> memref<1x4096xf32, #tpu.memory_space<vmem>>
        %dma_wait3A_192 = tpu.memref_squeeze %dma_wait3A_191 : memref<1x4096xf32, #tpu.memory_space<vmem>> -> memref<4096xf32, #tpu.memory_space<vmem>>
        %dma_wait3A_193 = arith.constant 0 : i32
        %dma_wait3A_194 = tpu.memref_slice %arg4[%dma_wait3A_193] : memref<2000000xf32, #tpu.memory_space<hbm>> -> memref<4096xf32, #tpu.memory_space<hbm>>
        tpu.wait_dma2 semaphore(%dma_wait3A_189 : memref<!tpu.dma_semaphore, #tpu.memory_space<semaphore_mem>>) src(%dma_wait3A_194 : memref<4096xf32, #tpu.memory_space<hbm>>) dst(%dma_wait3A_192 : memref<4096xf32, #tpu.memory_space<vmem>>)
        %dma_wait3A_195 = arith.constant 0 : i32
        %dma_wait3A_196 = tpu.memref_slice %arg23[%sub3A_138, %dma_wait3A_195] : memref<2x4096xf32, #tpu.memory_space<vmem>> -> memref<1x4096xf32, #tpu.memory_space<vmem>>
        %dma_wait3A_197 = tpu.memref_squeeze %dma_wait3A_196 : memref<1x4096xf32, #tpu.memory_space<vmem>> -> memref<4096xf32, #tpu.memory_space<vmem>>
        %dma_wait3A_198 = arith.constant 0 : i32
        %dma_wait3A_199 = tpu.memref_slice %arg14[%dma_wait3A_198] : memref<2000000xf32, #tpu.memory_space<hbm>> -> memref<4096xf32, #tpu.memory_space<hbm>>
        %dma_wait3A_200 = tpu.memref_slice %arg33[%sub3A_138] : memref<2x!tpu.dma_semaphore, #tpu.memory_space<semaphore_mem>> -> memref<1x!tpu.dma_semaphore, #tpu.memory_space<semaphore_mem>>
        %dma_wait3A_201 = tpu.memref_squeeze %dma_wait3A_200 : memref<1x!tpu.dma_semaphore, #tpu.memory_space<semaphore_mem>> -> memref<!tpu.dma_semaphore, #tpu.memory_space<semaphore_mem>>
        %dma_wait3A_202 = arith.constant 0 : i32
        %dma_wait3A_203 = tpu.memref_slice %arg23[%sub3A_138, %dma_wait3A_202] : memref<2x4096xf32, #tpu.memory_space<vmem>> -> memref<1x4096xf32, #tpu.memory_space<vmem>>
        %dma_wait3A_204 = tpu.memref_squeeze %dma_wait3A_203 : memref<1x4096xf32, #tpu.memory_space<vmem>> -> memref<4096xf32, #tpu.memory_space<vmem>>
        %dma_wait3A_205 = arith.constant 0 : i32
        %dma_wait3A_206 = tpu.memref_slice %arg14[%dma_wait3A_205] : memref<2000000xf32, #tpu.memory_space<hbm>> -> memref<4096xf32, #tpu.memory_space<hbm>>
        tpu.wait_dma2 semaphore(%dma_wait3A_201 : memref<!tpu.dma_semaphore, #tpu.memory_space<semaphore_mem>>) src(%dma_wait3A_206 : memref<4096xf32, #tpu.memory_space<hbm>>) dst(%dma_wait3A_204 : memref<4096xf32, #tpu.memory_space<vmem>>)
        %dma_wait3A_207 = arith.constant 0 : i32
        %dma_wait3A_208 = tpu.memref_slice %arg24[%sub3A_138, %dma_wait3A_207] : memref<2x4096xf32, #tpu.memory_space<vmem>> -> memref<1x4096xf32, #tpu.memory_space<vmem>>
        %dma_wait3A_209 = tpu.memref_squeeze %dma_wait3A_208 : memref<1x4096xf32, #tpu.memory_space<vmem>> -> memref<4096xf32, #tpu.memory_space<vmem>>
        %dma_wait3A_210 = arith.constant 0 : i32
        %dma_wait3A_211 = tpu.memref_slice %arg11[%dma_wait3A_210] : memref<500000xf32, #tpu.memory_space<hbm>> -> memref<4096xf32, #tpu.memory_space<hbm>>
        %dma_wait3A_212 = tpu.memref_slice %arg34[%sub3A_138] : memref<2x!tpu.dma_semaphore, #tpu.memory_space<semaphore_mem>> -> memref<1x!tpu.dma_semaphore, #tpu.memory_space<semaphore_mem>>
        %dma_wait3A_213 = tpu.memref_squeeze %dma_wait3A_212 : memref<1x!tpu.dma_semaphore, #tpu.memory_space<semaphore_mem>> -> memref<!tpu.dma_semaphore, #tpu.memory_space<semaphore_mem>>
        %dma_wait3A_214 = arith.constant 0 : i32
        %dma_wait3A_215 = tpu.memref_slice %arg24[%sub3A_138, %dma_wait3A_214] : memref<2x4096xf32, #tpu.memory_space<vmem>> -> memref<1x4096xf32, #tpu.memory_space<vmem>>
        %dma_wait3A_216 = tpu.memref_squeeze %dma_wait3A_215 : memref<1x4096xf32, #tpu.memory_space<vmem>> -> memref<4096xf32, #tpu.memory_space<vmem>>
        %dma_wait3A_217 = arith.constant 0 : i32
        %dma_wait3A_218 = tpu.memref_slice %arg11[%dma_wait3A_217] : memref<500000xf32, #tpu.memory_space<hbm>> -> memref<4096xf32, #tpu.memory_space<hbm>>
        tpu.wait_dma2 semaphore(%dma_wait3A_213 : memref<!tpu.dma_semaphore, #tpu.memory_space<semaphore_mem>>) src(%dma_wait3A_218 : memref<4096xf32, #tpu.memory_space<hbm>>) dst(%dma_wait3A_216 : memref<4096xf32, #tpu.memory_space<vmem>>)
        %dma_wait3A_219 = arith.constant 0 : i32
        %dma_wait3A_220 = tpu.memref_slice %arg25[%sub3A_138, %dma_wait3A_219] : memref<2x4096xf32, #tpu.memory_space<vmem>> -> memref<1x4096xf32, #tpu.memory_space<vmem>>
        %dma_wait3A_221 = tpu.memref_squeeze %dma_wait3A_220 : memref<1x4096xf32, #tpu.memory_space<vmem>> -> memref<4096xf32, #tpu.memory_space<vmem>>
        %dma_wait3A_222 = arith.constant 0 : i32
        %dma_wait3A_223 = tpu.memref_slice %arg11[%dma_wait3A_222] : memref<500000xf32, #tpu.memory_space<hbm>> -> memref<4096xf32, #tpu.memory_space<hbm>>
        %dma_wait3A_224 = tpu.memref_slice %arg34[%sub3A_138] : memref<2x!tpu.dma_semaphore, #tpu.memory_space<semaphore_mem>> -> memref<1x!tpu.dma_semaphore, #tpu.memory_space<semaphore_mem>>
        %dma_wait3A_225 = tpu.memref_squeeze %dma_wait3A_224 : memref<1x!tpu.dma_semaphore, #tpu.memory_space<semaphore_mem>> -> memref<!tpu.dma_semaphore, #tpu.memory_space<semaphore_mem>>
        %dma_wait3A_226 = arith.constant 0 : i32
        %dma_wait3A_227 = tpu.memref_slice %arg25[%sub3A_138, %dma_wait3A_226] : memref<2x4096xf32, #tpu.memory_space<vmem>> -> memref<1x4096xf32, #tpu.memory_space<vmem>>
        %dma_wait3A_228 = tpu.memref_squeeze %dma_wait3A_227 : memref<1x4096xf32, #tpu.memory_space<vmem>> -> memref<4096xf32, #tpu.memory_space<vmem>>
        %dma_wait3A_229 = arith.constant 0 : i32
        %dma_wait3A_230 = tpu.memref_slice %arg11[%dma_wait3A_229] : memref<500000xf32, #tpu.memory_space<hbm>> -> memref<4096xf32, #tpu.memory_space<hbm>>
        tpu.wait_dma2 semaphore(%dma_wait3A_225 : memref<!tpu.dma_semaphore, #tpu.memory_space<semaphore_mem>>) src(%dma_wait3A_230 : memref<4096xf32, #tpu.memory_space<hbm>>) dst(%dma_wait3A_228 : memref<4096xf32, #tpu.memory_space<vmem>>)
        %dma_wait3A_231 = arith.constant 0 : i32
        %dma_wait3A_232 = tpu.memref_slice %arg26[%sub3A_138, %dma_wait3A_231] : memref<2x4096xf32, #tpu.memory_space<vmem>> -> memref<1x4096xf32, #tpu.memory_space<vmem>>
        %dma_wait3A_233 = tpu.memref_squeeze %dma_wait3A_232 : memref<1x4096xf32, #tpu.memory_space<vmem>> -> memref<4096xf32, #tpu.memory_space<vmem>>
        %dma_wait3A_234 = arith.constant 0 : i32
        %dma_wait3A_235 = tpu.memref_slice %arg11[%dma_wait3A_234] : memref<500000xf32, #tpu.memory_space<hbm>> -> memref<4096xf32, #tpu.memory_space<hbm>>
        %dma_wait3A_236 = tpu.memref_slice %arg34[%sub3A_138] : memref<2x!tpu.dma_semaphore, #tpu.memory_space<semaphore_mem>> -> memref<1x!tpu.dma_semaphore, #tpu.memory_space<semaphore_mem>>
        %dma_wait3A_237 = tpu.memref_squeeze %dma_wait3A_236 : memref<1x!tpu.dma_semaphore, #tpu.memory_space<semaphore_mem>> -> memref<!tpu.dma_semaphore, #tpu.memory_space<semaphore_mem>>
        %dma_wait3A_238 = arith.constant 0 : i32
        %dma_wait3A_239 = tpu.memref_slice %arg26[%sub3A_138, %dma_wait3A_238] : memref<2x4096xf32, #tpu.memory_space<vmem>> -> memref<1x4096xf32, #tpu.memory_space<vmem>>
        %dma_wait3A_240 = tpu.memref_squeeze %dma_wait3A_239 : memref<1x4096xf32, #tpu.memory_space<vmem>> -> memref<4096xf32, #tpu.memory_space<vmem>>
        %dma_wait3A_241 = arith.constant 0 : i32
        %dma_wait3A_242 = tpu.memref_slice %arg11[%dma_wait3A_241] : memref<500000xf32, #tpu.memory_space<hbm>> -> memref<4096xf32, #tpu.memory_space<hbm>>
        tpu.wait_dma2 semaphore(%dma_wait3A_237 : memref<!tpu.dma_semaphore, #tpu.memory_space<semaphore_mem>>) src(%dma_wait3A_242 : memref<4096xf32, #tpu.memory_space<hbm>>) dst(%dma_wait3A_240 : memref<4096xf32, #tpu.memory_space<vmem>>)
        %ge3A_243 = arith.constant 3 : i32
        %ge3A_244 = arith.cmpi sge, %while3A_121, %ge3A_243 : i32
        %convert_element_type3A_245 = arith.extui %ge3A_244 : i1 to i32
        %cond3A_246 = arith.constant 0 : i32
        %cond3A_247 = arith.cmpi ne, %convert_element_type3A_245, %cond3A_246 : i32
        scf.if %cond3A_247 {
          %dma_wait3A_289 = arith.constant 0 : i32
          %dma_wait3A_290 = tpu.memref_slice %arg27[%sub3A_138, %dma_wait3A_289] : memref<2x4096xf32, #tpu.memory_space<vmem>> -> memref<1x4096xf32, #tpu.memory_space<vmem>>
          %dma_wait3A_291 = tpu.memref_squeeze %dma_wait3A_290 : memref<1x4096xf32, #tpu.memory_space<vmem>> -> memref<4096xf32, #tpu.memory_space<vmem>>
          %dma_wait3A_292 = arith.constant 0 : i32
          %dma_wait3A_293 = tpu.memref_slice %arg15[%dma_wait3A_292] : memref<2000000xf32, #tpu.memory_space<hbm>> -> memref<4096xf32, #tpu.memory_space<hbm>>
          %dma_wait3A_294 = tpu.memref_slice %arg35[%sub3A_138] : memref<2x!tpu.dma_semaphore, #tpu.memory_space<semaphore_mem>> -> memref<1x!tpu.dma_semaphore, #tpu.memory_space<semaphore_mem>>
          %dma_wait3A_295 = tpu.memref_squeeze %dma_wait3A_294 : memref<1x!tpu.dma_semaphore, #tpu.memory_space<semaphore_mem>> -> memref<!tpu.dma_semaphore, #tpu.memory_space<semaphore_mem>>
          %dma_wait3A_296 = arith.constant 0 : i32
          %dma_wait3A_297 = tpu.memref_slice %arg15[%dma_wait3A_296] : memref<2000000xf32, #tpu.memory_space<hbm>> -> memref<4096xf32, #tpu.memory_space<hbm>>
          %dma_wait3A_298 = arith.constant 0 : i32
          %dma_wait3A_299 = tpu.memref_slice %arg27[%sub3A_138, %dma_wait3A_298] : memref<2x4096xf32, #tpu.memory_space<vmem>> -> memref<1x4096xf32, #tpu.memory_space<vmem>>
          %dma_wait3A_300 = tpu.memref_squeeze %dma_wait3A_299 : memref<1x4096xf32, #tpu.memory_space<vmem>> -> memref<4096xf32, #tpu.memory_space<vmem>>
          tpu.wait_dma2 semaphore(%dma_wait3A_295 : memref<!tpu.dma_semaphore, #tpu.memory_space<semaphore_mem>>) src(%dma_wait3A_300 : memref<4096xf32, #tpu.memory_space<vmem>>) dst(%dma_wait3A_297 : memref<4096xf32, #tpu.memory_space<hbm>>)
          %dma_wait3A_301 = arith.constant 0 : i32
          %dma_wait3A_302 = tpu.memref_slice %arg28[%sub3A_138, %dma_wait3A_301] : memref<2x4096xf32, #tpu.memory_space<vmem>> -> memref<1x4096xf32, #tpu.memory_space<vmem>>
          %dma_wait3A_303 = tpu.memref_squeeze %dma_wait3A_302 : memref<1x4096xf32, #tpu.memory_space<vmem>> -> memref<4096xf32, #tpu.memory_space<vmem>>
          %dma_wait3A_304 = arith.constant 0 : i32
          %dma_wait3A_305 = tpu.memref_slice %arg16[%dma_wait3A_304] : memref<2000000xf32, #tpu.memory_space<hbm>> -> memref<4096xf32, #tpu.memory_space<hbm>>
          %dma_wait3A_306 = tpu.memref_slice %arg35[%sub3A_138] : memref<2x!tpu.dma_semaphore, #tpu.memory_space<semaphore_mem>> -> memref<1x!tpu.dma_semaphore, #tpu.memory_space<semaphore_mem>>
          %dma_wait3A_307 = tpu.memref_squeeze %dma_wait3A_306 : memref<1x!tpu.dma_semaphore, #tpu.memory_space<semaphore_mem>> -> memref<!tpu.dma_semaphore, #tpu.memory_space<semaphore_mem>>
          %dma_wait3A_308 = arith.constant 0 : i32
          %dma_wait3A_309 = tpu.memref_slice %arg16[%dma_wait3A_308] : memref<2000000xf32, #tpu.memory_space<hbm>> -> memref<4096xf32, #tpu.memory_space<hbm>>
          %dma_wait3A_310 = arith.constant 0 : i32
          %dma_wait3A_311 = tpu.memref_slice %arg28[%sub3A_138, %dma_wait3A_310] : memref<2x4096xf32, #tpu.memory_space<vmem>> -> memref<1x4096xf32, #tpu.memory_space<vmem>>
          %dma_wait3A_312 = tpu.memref_squeeze %dma_wait3A_311 : memref<1x4096xf32, #tpu.memory_space<vmem>> -> memref<4096xf32, #tpu.memory_space<vmem>>
          tpu.wait_dma2 semaphore(%dma_wait3A_307 : memref<!tpu.dma_semaphore, #tpu.memory_space<semaphore_mem>>) src(%dma_wait3A_312 : memref<4096xf32, #tpu.memory_space<vmem>>) dst(%dma_wait3A_309 : memref<4096xf32, #tpu.memory_space<hbm>>)
          %dma_wait3A_313 = arith.constant 0 : i32
          %dma_wait3A_314 = tpu.memref_slice %arg29[%sub3A_138, %dma_wait3A_313] : memref<2x4096xf32, #tpu.memory_space<vmem>> -> memref<1x4096xf32, #tpu.memory_space<vmem>>
          %dma_wait3A_315 = tpu.memref_squeeze %dma_wait3A_314 : memref<1x4096xf32, #tpu.memory_space<vmem>> -> memref<4096xf32, #tpu.memory_space<vmem>>
          %dma_wait3A_316 = arith.constant 0 : i32
          %dma_wait3A_317 = tpu.memref_slice %arg17[%dma_wait3A_316] : memref<2000000xf32, #tpu.memory_space<hbm>> -> memref<4096xf32, #tpu.memory_space<hbm>>
          %dma_wait3A_318 = tpu.memref_slice %arg35[%sub3A_138] : memref<2x!tpu.dma_semaphore, #tpu.memory_space<semaphore_mem>> -> memref<1x!tpu.dma_semaphore, #tpu.memory_space<semaphore_mem>>
          %dma_wait3A_319 = tpu.memref_squeeze %dma_wait3A_318 : memref<1x!tpu.dma_semaphore, #tpu.memory_space<semaphore_mem>> -> memref<!tpu.dma_semaphore, #tpu.memory_space<semaphore_mem>>
          %dma_wait3A_320 = arith.constant 0 : i32
          %dma_wait3A_321 = tpu.memref_slice %arg17[%dma_wait3A_320] : memref<2000000xf32, #tpu.memory_space<hbm>> -> memref<4096xf32, #tpu.memory_space<hbm>>
          %dma_wait3A_322 = arith.constant 0 : i32
          %dma_wait3A_323 = tpu.memref_slice %arg29[%sub3A_138, %dma_wait3A_322] : memref<2x4096xf32, #tpu.memory_space<vmem>> -> memref<1x4096xf32, #tpu.memory_space<vmem>>
          %dma_wait3A_324 = tpu.memref_squeeze %dma_wait3A_323 : memref<1x4096xf32, #tpu.memory_space<vmem>> -> memref<4096xf32, #tpu.memory_space<vmem>>
          tpu.wait_dma2 semaphore(%dma_wait3A_319 : memref<!tpu.dma_semaphore, #tpu.memory_space<semaphore_mem>>) src(%dma_wait3A_324 : memref<4096xf32, #tpu.memory_space<vmem>>) dst(%dma_wait3A_321 : memref<4096xf32, #tpu.memory_space<hbm>>)
        } else {
        }
        %scan3A = arith.constant 0 : i32
        %scan3A_248 = arith.constant 0 : i32
        %scan3A_249 = arith.constant 256 : i32
        %scan3A_250 = arith.addi %scan3A_248, %scan3A_249 : i32
        %scan3A_251 = arith.constant 4 : i32
        scf.for %scan3A_289 = %scan3A_248 to %scan3A_250 step %scan3A_251  : i32 {
          %mul3A_290 = arith.constant 16 : i32
          %mul3A_291 = arith.muli %scan3A_289, %mul3A_290 : i32
          %get3A = arith.index_cast %sub3A_138 : i32 to index
          %get3A_292 = arith.index_cast %mul3A_291 : i32 to index
          %get3A_293 = tpu.vector_load %arg18[%get3A, %get3A_292] {strides = array<i32>} : memref<2x4096xi32, #tpu.memory_space<vmem>>, vector<16xi32>,
          %get3A_294 = arith.index_cast %sub3A_138 : i32 to index
          %get3A_295 = arith.index_cast %mul3A_291 : i32 to index
          %get3A_296 = tpu.vector_load %arg20[%get3A_294, %get3A_295] {strides = array<i32>} : memref<2x4096xf32, #tpu.memory_space<vmem>>, vector<16xf32>,
          %get3A_297 = arith.index_cast %sub3A_138 : i32 to index
          %get3A_298 = arith.index_cast %mul3A_291 : i32 to index
          %get3A_299 = tpu.vector_load %arg21[%get3A_297, %get3A_298] {strides = array<i32>} : memref<2x4096xf32, #tpu.memory_space<vmem>>, vector<16xf32>,
          %get3A_300 = arith.index_cast %sub3A_138 : i32 to index
          %get3A_301 = arith.index_cast %mul3A_291 : i32 to index
          %get3A_302 = tpu.vector_load %arg22[%get3A_300, %get3A_301] {strides = array<i32>} : memref<2x4096xf32, #tpu.memory_space<vmem>>, vector<16xf32>,
          %get3A_303 = arith.index_cast %sub3A_138 : i32 to index
          %get3A_304 = arith.index_cast %mul3A_291 : i32 to index
          %get3A_305 = tpu.vector_load %arg24[%get3A_303, %get3A_304] {strides = array<i32>} : memref<2x4096xf32, #tpu.memory_space<vmem>>, vector<16xf32>,
          %get3A_306 = arith.index_cast %sub3A_138 : i32 to index
          %get3A_307 = arith.index_cast %mul3A_291 : i32 to index
          %get3A_308 = tpu.vector_load %arg25[%get3A_306, %get3A_307] {strides = array<i32>} : memref<2x4096xf32, #tpu.memory_space<vmem>>, vector<16xf32>,
          %get3A_309 = arith.index_cast %sub3A_138 : i32 to index
          %get3A_310 = arith.index_cast %mul3A_291 : i32 to index
          %get3A_311 = tpu.vector_load %arg26[%get3A_309, %get3A_310] {strides = array<i32>} : memref<2x4096xf32, #tpu.memory_space<vmem>>, vector<16xf32>,
          %get3A_312 = arith.index_cast %sub3A_138 : i32 to index
          %get3A_313 = arith.index_cast %mul3A_291 : i32 to index
          %get3A_314 = tpu.vector_load %arg23[%get3A_312, %get3A_313] {strides = array<i32>} : memref<2x4096xf32, #tpu.memory_space<vmem>>, vector<16xf32>,
          %broadcast_in_dim3A = arith.constant 0 : i32
          %broadcast_in_dim3A_315 = vector.broadcast %broadcast_in_dim3A : i32 to vector<16xi32>
          %gather3A = tpu.vector_load_idx %arg30[%broadcast_in_dim3A_315, %get3A_293] : memref<3x5000xf32, #tpu.memory_space<vmem>>[vector<16xi32>, vector<16xi32>], vector<16xf32>,
          %broadcast_in_dim3A_316 = arith.constant 1 : i32
          %broadcast_in_dim3A_317 = vector.broadcast %broadcast_in_dim3A_316 : i32 to vector<16xi32>
          %gather3A_318 = tpu.vector_load_idx %arg30[%broadcast_in_dim3A_317, %get3A_293] : memref<3x5000xf32, #tpu.memory_space<vmem>>[vector<16xi32>, vector<16xi32>], vector<16xf32>,
          %broadcast_in_dim3A_319 = arith.constant 2 : i32
          %broadcast_in_dim3A_320 = vector.broadcast %broadcast_in_dim3A_319 : i32 to vector<16xi32>
          %gather3A_321 = tpu.vector_load_idx %arg30[%broadcast_in_dim3A_320, %get3A_293] : memref<3x5000xf32, #tpu.memory_space<vmem>>[vector<16xi32>, vector<16xi32>], vector<16xf32>,
          %gather3A_322 = tpu.vector_load_idx %arg31[%get3A_293] : memref<5000xf32, #tpu.memory_space<vmem>>[vector<16xi32>], vector<16xf32>,
          %mul3A_323 = arith.mulf %get3A_296, %get3A_296 : vector<16xf32>
          %mul3A_324 = arith.mulf %get3A_299, %get3A_299 : vector<16xf32>
          %add3A_325 = arith.addf %mul3A_323, %mul3A_324 : vector<16xf32>
          %mul3A_326 = arith.mulf %get3A_302, %get3A_302 : vector<16xf32>
          %add3A_327 = arith.addf %add3A_325, %mul3A_326 : vector<16xf32>
          %ge3A_328 = arith.constant 1.000000e-16 : f32
          %ge3A_329 = vector.broadcast %ge3A_328 : f32 to vector<16xf32>
          %ge3A_330 = arith.cmpf oge, %add3A_327, %ge3A_329 : vector<16xf32>
          %bitcast3A = vector.bitcast %add3A_327 : vector<16xf32> to vector<16xi32>
          %shift_right_arithmetic3A = arith.constant 1 : i32
          %shift_right_arithmetic3A_331 = vector.broadcast %shift_right_arithmetic3A : i32 to vector<16xi32>
          %shift_right_arithmetic3A_332 = arith.shrsi %bitcast3A, %shift_right_arithmetic3A_331 : vector<16xi32>
          %sub3A_333 = arith.constant 1597463007 : i32
          %sub3A_334 = vector.broadcast %sub3A_333 : i32 to vector<16xi32>
          %sub3A_335 = arith.subi %sub3A_334, %shift_right_arithmetic3A_332 : vector<16xi32>
          %bitcast3A_336 = vector.bitcast %sub3A_335 : vector<16xi32> to vector<16xf32>
          %mul3A_337 = arith.constant 5.000000e-01 : f32
          %mul3A_338 = vector.broadcast %mul3A_337 : f32 to vector<16xf32>
          %mul3A_339 = arith.mulf %mul3A_338, %add3A_327 : vector<16xf32>
          %mul3A_340 = arith.mulf %mul3A_339, %bitcast3A_336 : vector<16xf32>
          %mul3A_341 = arith.mulf %mul3A_340, %bitcast3A_336 : vector<16xf32>
          %sub3A_342 = arith.constant 1.500000e+00 : f32
          %sub3A_343 = vector.broadcast %sub3A_342 : f32 to vector<16xf32>
          %sub3A_344 = arith.subf %sub3A_343, %mul3A_341 : vector<16xf32>
          %mul3A_345 = arith.mulf %bitcast3A_336, %sub3A_344 : vector<16xf32>
          %mul3A_346 = arith.mulf %mul3A_339, %mul3A_345 : vector<16xf32>
          %mul3A_347 = arith.mulf %mul3A_346, %mul3A_345 : vector<16xf32>
          %sub3A_348 = arith.constant 1.500000e+00 : f32
          %sub3A_349 = vector.broadcast %sub3A_348 : f32 to vector<16xf32>
          %sub3A_350 = arith.subf %sub3A_349, %mul3A_347 : vector<16xf32>
          %mul3A_351 = arith.mulf %mul3A_345, %sub3A_350 : vector<16xf32>
          %mul3A_352 = arith.mulf %mul3A_339, %mul3A_351 : vector<16xf32>
          %mul3A_353 = arith.mulf %mul3A_352, %mul3A_351 : vector<16xf32>
          %sub3A_354 = arith.constant 1.500000e+00 : f32
          %sub3A_355 = vector.broadcast %sub3A_354 : f32 to vector<16xf32>
          %sub3A_356 = arith.subf %sub3A_355, %mul3A_353 : vector<16xf32>
          %mul3A_357 = arith.mulf %mul3A_351, %sub3A_356 : vector<16xf32>
          %jit3A_358 = arith.constant 1.000000e+08 : f32
          %broadcast_in_dim3A_359 = vector.broadcast %jit3A_358 : f32 to vector<16xf32>
          %select_n3A_360 = arith.select %ge3A_330, %mul3A_357, %broadcast_in_dim3A_359 : vector<16xi1>, vector<16xf32>
          %gt3A = arith.constant 5.000000e-01 : f32
          %gt3A_361 = vector.broadcast %gt3A : f32 to vector<16xf32>
          %gt3A_362 = arith.cmpf ogt, %gather3A_322, %gt3A_361 : vector<16xf32>
          %jit3A_363 = arith.constant 1.000000e+00 : f32
          %broadcast_in_dim3A_364 = vector.broadcast %jit3A_363 : f32 to vector<16xf32>
          %select_n3A_365 = arith.select %gt3A_362, %broadcast_in_dim3A_364, %select_n3A_360 : vector<16xi1>, vector<16xf32>
          %mul3A_366 = arith.mulf %get3A_314, %select_n3A_365 : vector<16xf32>
          %sub3A_367 = arith.subf %get3A_305, %gather3A : vector<16xf32>
          %mul3A_368 = arith.mulf %mul3A_366, %get3A_296 : vector<16xf32>
          %sub3A_369 = arith.subf %sub3A_367, %mul3A_368 : vector<16xf32>
          %swap3A = arith.index_cast %sub3A_138 : i32 to index
          %swap3A_370 = arith.index_cast %mul3A_291 : i32 to index
          %swap3A_371 = tpu.vector_load %arg27[%swap3A, %swap3A_370] {strides = array<i32>} : memref<2x4096xf32, #tpu.memory_space<vmem>>, vector<16xf32>,
          tpu.vector_store %arg27[%swap3A, %swap3A_370], %sub3A_369 {strides = array<i32>} : memref<2x4096xf32, #tpu.memory_space<vmem>>, vector<16xf32>,
          %sub3A_372 = arith.subf %get3A_308, %gather3A_318 : vector<16xf32>
          %mul3A_373 = arith.mulf %mul3A_366, %get3A_299 : vector<16xf32>
          %sub3A_374 = arith.subf %sub3A_372, %mul3A_373 : vector<16xf32>
          %swap3A_375 = arith.index_cast %sub3A_138 : i32 to index
          %swap3A_376 = arith.index_cast %mul3A_291 : i32 to index
          %swap3A_377 = tpu.vector_load %arg28[%swap3A_375, %swap3A_376] {strides = array<i32>} : memref<2x4096xf32, #tpu.memory_space<vmem>>, vector<16xf32>,
          tpu.vector_store %arg28[%swap3A_375, %swap3A_376], %sub3A_374 {strides = array<i32>} : memref<2x4096xf32, #tpu.memory_space<vmem>>, vector<16xf32>,
          %sub3A_378 = arith.subf %get3A_311, %gather3A_321 : vector<16xf32>
          %mul3A_379 = arith.mulf %mul3A_366, %get3A_302 : vector<16xf32>
          %sub3A_380 = arith.subf %sub3A_378, %mul3A_379 : vector<16xf32>
          %swap3A_381 = arith.index_cast %sub3A_138 : i32 to index
          %swap3A_382 = arith.index_cast %mul3A_291 : i32 to index
          %swap3A_383 = tpu.vector_load %arg29[%swap3A_381, %swap3A_382] {strides = array<i32>} : memref<2x4096xf32, #tpu.memory_space<vmem>>, vector<16xf32>,
          tpu.vector_store %arg29[%swap3A_381, %swap3A_382], %sub3A_380 {strides = array<i32>} : memref<2x4096xf32, #tpu.memory_space<vmem>>, vector<16xf32>,
          %scan3A_384 = arith.constant 1 : i32
          %scan3A_385 = arith.addi %scan3A_289, %scan3A_384 : i32
          %mul3A_386 = arith.constant 16 : i32
          %mul3A_387 = arith.muli %scan3A_385, %mul3A_386 : i32
          %get3A_388 = arith.index_cast %sub3A_138 : i32 to index
          %get3A_389 = arith.index_cast %mul3A_387 : i32 to index
          %get3A_390 = tpu.vector_load %arg18[%get3A_388, %get3A_389] {strides = array<i32>} : memref<2x4096xi32, #tpu.memory_space<vmem>>, vector<16xi32>,
          %get3A_391 = arith.index_cast %sub3A_138 : i32 to index
          %get3A_392 = arith.index_cast %mul3A_387 : i32 to index
          %get3A_393 = tpu.vector_load %arg20[%get3A_391, %get3A_392] {strides = array<i32>} : memref<2x4096xf32, #tpu.memory_space<vmem>>, vector<16xf32>,
          %get3A_394 = arith.index_cast %sub3A_138 : i32 to index
          %get3A_395 = arith.index_cast %mul3A_387 : i32 to index
          %get3A_396 = tpu.vector_load %arg21[%get3A_394, %get3A_395] {strides = array<i32>} : memref<2x4096xf32, #tpu.memory_space<vmem>>, vector<16xf32>,
          %get3A_397 = arith.index_cast %sub3A_138 : i32 to index
          %get3A_398 = arith.index_cast %mul3A_387 : i32 to index
          %get3A_399 = tpu.vector_load %arg22[%get3A_397, %get3A_398] {strides = array<i32>} : memref<2x4096xf32, #tpu.memory_space<vmem>>, vector<16xf32>,
          %get3A_400 = arith.index_cast %sub3A_138 : i32 to index
          %get3A_401 = arith.index_cast %mul3A_387 : i32 to index
          %get3A_402 = tpu.vector_load %arg24[%get3A_400, %get3A_401] {strides = array<i32>} : memref<2x4096xf32, #tpu.memory_space<vmem>>, vector<16xf32>,
          %get3A_403 = arith.index_cast %sub3A_138 : i32 to index
          %get3A_404 = arith.index_cast %mul3A_387 : i32 to index
          %get3A_405 = tpu.vector_load %arg25[%get3A_403, %get3A_404] {strides = array<i32>} : memref<2x4096xf32, #tpu.memory_space<vmem>>, vector<16xf32>,
          %get3A_406 = arith.index_cast %sub3A_138 : i32 to index
          %get3A_407 = arith.index_cast %mul3A_387 : i32 to index
          %get3A_408 = tpu.vector_load %arg26[%get3A_406, %get3A_407] {strides = array<i32>} : memref<2x4096xf32, #tpu.memory_space<vmem>>, vector<16xf32>,
          %get3A_409 = arith.index_cast %sub3A_138 : i32 to index
          %get3A_410 = arith.index_cast %mul3A_387 : i32 to index
          %get3A_411 = tpu.vector_load %arg23[%get3A_409, %get3A_410] {strides = array<i32>} : memref<2x4096xf32, #tpu.memory_space<vmem>>, vector<16xf32>,
          %broadcast_in_dim3A_412 = arith.constant 0 : i32
          %broadcast_in_dim3A_413 = vector.broadcast %broadcast_in_dim3A_412 : i32 to vector<16xi32>
          %gather3A_414 = tpu.vector_load_idx %arg30[%broadcast_in_dim3A_413, %get3A_390] : memref<3x5000xf32, #tpu.memory_space<vmem>>[vector<16xi32>, vector<16xi32>], vector<16xf32>,
          %broadcast_in_dim3A_415 = arith.constant 1 : i32
          %broadcast_in_dim3A_416 = vector.broadcast %broadcast_in_dim3A_415 : i32 to vector<16xi32>
          %gather3A_417 = tpu.vector_load_idx %arg30[%broadcast_in_dim3A_416, %get3A_390] : memref<3x5000xf32, #tpu.memory_space<vmem>>[vector<16xi32>, vector<16xi32>], vector<16xf32>,
          %broadcast_in_dim3A_418 = arith.constant 2 : i32
          %broadcast_in_dim3A_419 = vector.broadcast %broadcast_in_dim3A_418 : i32 to vector<16xi32>
          %gather3A_420 = tpu.vector_load_idx %arg30[%broadcast_in_dim3A_419, %get3A_390] : memref<3x5000xf32, #tpu.memory_space<vmem>>[vector<16xi32>, vector<16xi32>], vector<16xf32>,
          %gather3A_421 = tpu.vector_load_idx %arg31[%get3A_390] : memref<5000xf32, #tpu.memory_space<vmem>>[vector<16xi32>], vector<16xf32>,
          %mul3A_422 = arith.mulf %get3A_393, %get3A_393 : vector<16xf32>
          %mul3A_423 = arith.mulf %get3A_396, %get3A_396 : vector<16xf32>
          %add3A_424 = arith.addf %mul3A_422, %mul3A_423 : vector<16xf32>
          %mul3A_425 = arith.mulf %get3A_399, %get3A_399 : vector<16xf32>
          %add3A_426 = arith.addf %add3A_424, %mul3A_425 : vector<16xf32>
          %ge3A_427 = arith.constant 1.000000e-16 : f32
          %ge3A_428 = vector.broadcast %ge3A_427 : f32 to vector<16xf32>
          %ge3A_429 = arith.cmpf oge, %add3A_426, %ge3A_428 : vector<16xf32>
          %bitcast3A_430 = vector.bitcast %add3A_426 : vector<16xf32> to vector<16xi32>
          %shift_right_arithmetic3A_431 = arith.constant 1 : i32
          %shift_right_arithmetic3A_432 = vector.broadcast %shift_right_arithmetic3A_431 : i32 to vector<16xi32>
          %shift_right_arithmetic3A_433 = arith.shrsi %bitcast3A_430, %shift_right_arithmetic3A_432 : vector<16xi32>
          %sub3A_434 = arith.constant 1597463007 : i32
          %sub3A_435 = vector.broadcast %sub3A_434 : i32 to vector<16xi32>
          %sub3A_436 = arith.subi %sub3A_435, %shift_right_arithmetic3A_433 : vector<16xi32>
          %bitcast3A_437 = vector.bitcast %sub3A_436 : vector<16xi32> to vector<16xf32>
          %mul3A_438 = arith.constant 5.000000e-01 : f32
          %mul3A_439 = vector.broadcast %mul3A_438 : f32 to vector<16xf32>
          %mul3A_440 = arith.mulf %mul3A_439, %add3A_426 : vector<16xf32>
          %mul3A_441 = arith.mulf %mul3A_440, %bitcast3A_437 : vector<16xf32>
          %mul3A_442 = arith.mulf %mul3A_441, %bitcast3A_437 : vector<16xf32>
          %sub3A_443 = arith.constant 1.500000e+00 : f32
          %sub3A_444 = vector.broadcast %sub3A_443 : f32 to vector<16xf32>
          %sub3A_445 = arith.subf %sub3A_444, %mul3A_442 : vector<16xf32>
          %mul3A_446 = arith.mulf %bitcast3A_437, %sub3A_445 : vector<16xf32>
          %mul3A_447 = arith.mulf %mul3A_440, %mul3A_446 : vector<16xf32>
          %mul3A_448 = arith.mulf %mul3A_447, %mul3A_446 : vector<16xf32>
          %sub3A_449 = arith.constant 1.500000e+00 : f32
          %sub3A_450 = vector.broadcast %sub3A_449 : f32 to vector<16xf32>
          %sub3A_451 = arith.subf %sub3A_450, %mul3A_448 : vector<16xf32>
          %mul3A_452 = arith.mulf %mul3A_446, %sub3A_451 : vector<16xf32>
          %mul3A_453 = arith.mulf %mul3A_440, %mul3A_452 : vector<16xf32>
          %mul3A_454 = arith.mulf %mul3A_453, %mul3A_452 : vector<16xf32>
          %sub3A_455 = arith.constant 1.500000e+00 : f32
          %sub3A_456 = vector.broadcast %sub3A_455 : f32 to vector<16xf32>
          %sub3A_457 = arith.subf %sub3A_456, %mul3A_454 : vector<16xf32>
          %mul3A_458 = arith.mulf %mul3A_452, %sub3A_457 : vector<16xf32>
          %jit3A_459 = arith.constant 1.000000e+08 : f32
          %broadcast_in_dim3A_460 = vector.broadcast %jit3A_459 : f32 to vector<16xf32>
          %select_n3A_461 = arith.select %ge3A_429, %mul3A_458, %broadcast_in_dim3A_460 : vector<16xi1>, vector<16xf32>
          %gt3A_462 = arith.constant 5.000000e-01 : f32
          %gt3A_463 = vector.broadcast %gt3A_462 : f32 to vector<16xf32>
          %gt3A_464 = arith.cmpf ogt, %gather3A_421, %gt3A_463 : vector<16xf32>
          %jit3A_465 = arith.constant 1.000000e+00 : f32
          %broadcast_in_dim3A_466 = vector.broadcast %jit3A_465 : f32 to vector<16xf32>
          %select_n3A_467 = arith.select %gt3A_464, %broadcast_in_dim3A_466, %select_n3A_461 : vector<16xi1>, vector<16xf32>
          %mul3A_468 = arith.mulf %get3A_411, %select_n3A_467 : vector<16xf32>
          %sub3A_469 = arith.subf %get3A_402, %gather3A_414 : vector<16xf32>
          %mul3A_470 = arith.mulf %mul3A_468, %get3A_393 : vector<16xf32>
          %sub3A_471 = arith.subf %sub3A_469, %mul3A_470 : vector<16xf32>
          %swap3A_472 = arith.index_cast %sub3A_138 : i32 to index
          %swap3A_473 = arith.index_cast %mul3A_387 : i32 to index
          %swap3A_474 = tpu.vector_load %arg27[%swap3A_472, %swap3A_473] {strides = array<i32>} : memref<2x4096xf32, #tpu.memory_space<vmem>>, vector<16xf32>,
          tpu.vector_store %arg27[%swap3A_472, %swap3A_473], %sub3A_471 {strides = array<i32>} : memref<2x4096xf32, #tpu.memory_space<vmem>>, vector<16xf32>,
          %sub3A_475 = arith.subf %get3A_405, %gather3A_417 : vector<16xf32>
          %mul3A_476 = arith.mulf %mul3A_468, %get3A_396 : vector<16xf32>
          %sub3A_477 = arith.subf %sub3A_475, %mul3A_476 : vector<16xf32>
          %swap3A_478 = arith.index_cast %sub3A_138 : i32 to index
          %swap3A_479 = arith.index_cast %mul3A_387 : i32 to index
          %swap3A_480 = tpu.vector_load %arg28[%swap3A_478, %swap3A_479] {strides = array<i32>} : memref<2x4096xf32, #tpu.memory_space<vmem>>, vector<16xf32>,
          tpu.vector_store %arg28[%swap3A_478, %swap3A_479], %sub3A_477 {strides = array<i32>} : memref<2x4096xf32, #tpu.memory_space<vmem>>, vector<16xf32>,
          %sub3A_481 = arith.subf %get3A_408, %gather3A_420 : vector<16xf32>
          %mul3A_482 = arith.mulf %mul3A_468, %get3A_399 : vector<16xf32>
          %sub3A_483 = arith.subf %sub3A_481, %mul3A_482 : vector<16xf32>
          %swap3A_484 = arith.index_cast %sub3A_138 : i32 to index
          %swap3A_485 = arith.index_cast %mul3A_387 : i32 to index
          %swap3A_486 = tpu.vector_load %arg29[%swap3A_484, %swap3A_485] {strides = array<i32>} : memref<2x4096xf32, #tpu.memory_space<vmem>>, vector<16xf32>,
          tpu.vector_store %arg29[%swap3A_484, %swap3A_485], %sub3A_483 {strides = array<i32>} : memref<2x4096xf32, #tpu.memory_space<vmem>>, vector<16xf32>,
          %scan3A_487 = arith.constant 2 : i32
          %scan3A_488 = arith.addi %scan3A_289, %scan3A_487 : i32
          %mul3A_489 = arith.constant 16 : i32
          %mul3A_490 = arith.muli %scan3A_488, %mul3A_489 : i32
          %get3A_491 = arith.index_cast %sub3A_138 : i32 to index
          %get3A_492 = arith.index_cast %mul3A_490 : i32 to index
          %get3A_493 = tpu.vector_load %arg18[%get3A_491, %get3A_492] {strides = array<i32>} : memref<2x4096xi32, #tpu.memory_space<vmem>>, vector<16xi32>,
          %get3A_494 = arith.index_cast %sub3A_138 : i32 to index
          %get3A_495 = arith.index_cast %mul3A_490 : i32 to index
          %get3A_496 = tpu.vector_load %arg20[%get3A_494, %get3A_495] {strides = array<i32>} : memref<2x4096xf32, #tpu.memory_space<vmem>>, vector<16xf32>,
          %get3A_497 = arith.index_cast %sub3A_138 : i32 to index
          %get3A_498 = arith.index_cast %mul3A_490 : i32 to index
          %get3A_499 = tpu.vector_load %arg21[%get3A_497, %get3A_498] {strides = array<i32>} : memref<2x4096xf32, #tpu.memory_space<vmem>>, vector<16xf32>,
          %get3A_500 = arith.index_cast %sub3A_138 : i32 to index
          %get3A_501 = arith.index_cast %mul3A_490 : i32 to index
          %get3A_502 = tpu.vector_load %arg22[%get3A_500, %get3A_501] {strides = array<i32>} : memref<2x4096xf32, #tpu.memory_space<vmem>>, vector<16xf32>,
          %get3A_503 = arith.index_cast %sub3A_138 : i32 to index
          %get3A_504 = arith.index_cast %mul3A_490 : i32 to index
          %get3A_505 = tpu.vector_load %arg24[%get3A_503, %get3A_504] {strides = array<i32>} : memref<2x4096xf32, #tpu.memory_space<vmem>>, vector<16xf32>,
          %get3A_506 = arith.index_cast %sub3A_138 : i32 to index
          %get3A_507 = arith.index_cast %mul3A_490 : i32 to index
          %get3A_508 = tpu.vector_load %arg25[%get3A_506, %get3A_507] {strides = array<i32>} : memref<2x4096xf32, #tpu.memory_space<vmem>>, vector<16xf32>,
          %get3A_509 = arith.index_cast %sub3A_138 : i32 to index
          %get3A_510 = arith.index_cast %mul3A_490 : i32 to index
          %get3A_511 = tpu.vector_load %arg26[%get3A_509, %get3A_510] {strides = array<i32>} : memref<2x4096xf32, #tpu.memory_space<vmem>>, vector<16xf32>,
          %get3A_512 = arith.index_cast %sub3A_138 : i32 to index
          %get3A_513 = arith.index_cast %mul3A_490 : i32 to index
          %get3A_514 = tpu.vector_load %arg23[%get3A_512, %get3A_513] {strides = array<i32>} : memref<2x4096xf32, #tpu.memory_space<vmem>>, vector<16xf32>,
          %broadcast_in_dim3A_515 = arith.constant 0 : i32
          %broadcast_in_dim3A_516 = vector.broadcast %broadcast_in_dim3A_515 : i32 to vector<16xi32>
          %gather3A_517 = tpu.vector_load_idx %arg30[%broadcast_in_dim3A_516, %get3A_493] : memref<3x5000xf32, #tpu.memory_space<vmem>>[vector<16xi32>, vector<16xi32>], vector<16xf32>,
          %broadcast_in_dim3A_518 = arith.constant 1 : i32
          %broadcast_in_dim3A_519 = vector.broadcast %broadcast_in_dim3A_518 : i32 to vector<16xi32>
          %gather3A_520 = tpu.vector_load_idx %arg30[%broadcast_in_dim3A_519, %get3A_493] : memref<3x5000xf32, #tpu.memory_space<vmem>>[vector<16xi32>, vector<16xi32>], vector<16xf32>,
          %broadcast_in_dim3A_521 = arith.constant 2 : i32
          %broadcast_in_dim3A_522 = vector.broadcast %broadcast_in_dim3A_521 : i32 to vector<16xi32>
          %gather3A_523 = tpu.vector_load_idx %arg30[%broadcast_in_dim3A_522, %get3A_493] : memref<3x5000xf32, #tpu.memory_space<vmem>>[vector<16xi32>, vector<16xi32>], vector<16xf32>,
          %gather3A_524 = tpu.vector_load_idx %arg31[%get3A_493] : memref<5000xf32, #tpu.memory_space<vmem>>[vector<16xi32>], vector<16xf32>,
          %mul3A_525 = arith.mulf %get3A_496, %get3A_496 : vector<16xf32>
          %mul3A_526 = arith.mulf %get3A_499, %get3A_499 : vector<16xf32>
          %add3A_527 = arith.addf %mul3A_525, %mul3A_526 : vector<16xf32>
          %mul3A_528 = arith.mulf %get3A_502, %get3A_502 : vector<16xf32>
          %add3A_529 = arith.addf %add3A_527, %mul3A_528 : vector<16xf32>
          %ge3A_530 = arith.constant 1.000000e-16 : f32
          %ge3A_531 = vector.broadcast %ge3A_530 : f32 to vector<16xf32>
          %ge3A_532 = arith.cmpf oge, %add3A_529, %ge3A_531 : vector<16xf32>
          %bitcast3A_533 = vector.bitcast %add3A_529 : vector<16xf32> to vector<16xi32>
          %shift_right_arithmetic3A_534 = arith.constant 1 : i32
          %shift_right_arithmetic3A_535 = vector.broadcast %shift_right_arithmetic3A_534 : i32 to vector<16xi32>
          %shift_right_arithmetic3A_536 = arith.shrsi %bitcast3A_533, %shift_right_arithmetic3A_535 : vector<16xi32>
          %sub3A_537 = arith.constant 1597463007 : i32
          %sub3A_538 = vector.broadcast %sub3A_537 : i32 to vector<16xi32>
          %sub3A_539 = arith.subi %sub3A_538, %shift_right_arithmetic3A_536 : vector<16xi32>
          %bitcast3A_540 = vector.bitcast %sub3A_539 : vector<16xi32> to vector<16xf32>
          %mul3A_541 = arith.constant 5.000000e-01 : f32
          %mul3A_542 = vector.broadcast %mul3A_541 : f32 to vector<16xf32>
          %mul3A_543 = arith.mulf %mul3A_542, %add3A_529 : vector<16xf32>
          %mul3A_544 = arith.mulf %mul3A_543, %bitcast3A_540 : vector<16xf32>
          %mul3A_545 = arith.mulf %mul3A_544, %bitcast3A_540 : vector<16xf32>
          %sub3A_546 = arith.constant 1.500000e+00 : f32
          %sub3A_547 = vector.broadcast %sub3A_546 : f32 to vector<16xf32>
          %sub3A_548 = arith.subf %sub3A_547, %mul3A_545 : vector<16xf32>
          %mul3A_549 = arith.mulf %bitcast3A_540, %sub3A_548 : vector<16xf32>
          %mul3A_550 = arith.mulf %mul3A_543, %mul3A_549 : vector<16xf32>
          %mul3A_551 = arith.mulf %mul3A_550, %mul3A_549 : vector<16xf32>
          %sub3A_552 = arith.constant 1.500000e+00 : f32
          %sub3A_553 = vector.broadcast %sub3A_552 : f32 to vector<16xf32>
          %sub3A_554 = arith.subf %sub3A_553, %mul3A_551 : vector<16xf32>
          %mul3A_555 = arith.mulf %mul3A_549, %sub3A_554 : vector<16xf32>
          %mul3A_556 = arith.mulf %mul3A_543, %mul3A_555 : vector<16xf32>
          %mul3A_557 = arith.mulf %mul3A_556, %mul3A_555 : vector<16xf32>
          %sub3A_558 = arith.constant 1.500000e+00 : f32
          %sub3A_559 = vector.broadcast %sub3A_558 : f32 to vector<16xf32>
          %sub3A_560 = arith.subf %sub3A_559, %mul3A_557 : vector<16xf32>
          %mul3A_561 = arith.mulf %mul3A_555, %sub3A_560 : vector<16xf32>
          %jit3A_562 = arith.constant 1.000000e+08 : f32
          %broadcast_in_dim3A_563 = vector.broadcast %jit3A_562 : f32 to vector<16xf32>
          %select_n3A_564 = arith.select %ge3A_532, %mul3A_561, %broadcast_in_dim3A_563 : vector<16xi1>, vector<16xf32>
          %gt3A_565 = arith.constant 5.000000e-01 : f32
          %gt3A_566 = vector.broadcast %gt3A_565 : f32 to vector<16xf32>
          %gt3A_567 = arith.cmpf ogt, %gather3A_524, %gt3A_566 : vector<16xf32>
          %jit3A_568 = arith.constant 1.000000e+00 : f32
          %broadcast_in_dim3A_569 = vector.broadcast %jit3A_568 : f32 to vector<16xf32>
          %select_n3A_570 = arith.select %gt3A_567, %broadcast_in_dim3A_569, %select_n3A_564 : vector<16xi1>, vector<16xf32>
          %mul3A_571 = arith.mulf %get3A_514, %select_n3A_570 : vector<16xf32>
          %sub3A_572 = arith.subf %get3A_505, %gather3A_517 : vector<16xf32>
          %mul3A_573 = arith.mulf %mul3A_571, %get3A_496 : vector<16xf32>
          %sub3A_574 = arith.subf %sub3A_572, %mul3A_573 : vector<16xf32>
          %swap3A_575 = arith.index_cast %sub3A_138 : i32 to index
          %swap3A_576 = arith.index_cast %mul3A_490 : i32 to index
          %swap3A_577 = tpu.vector_load %arg27[%swap3A_575, %swap3A_576] {strides = array<i32>} : memref<2x4096xf32, #tpu.memory_space<vmem>>, vector<16xf32>,
          tpu.vector_store %arg27[%swap3A_575, %swap3A_576], %sub3A_574 {strides = array<i32>} : memref<2x4096xf32, #tpu.memory_space<vmem>>, vector<16xf32>,
          %sub3A_578 = arith.subf %get3A_508, %gather3A_520 : vector<16xf32>
          %mul3A_579 = arith.mulf %mul3A_571, %get3A_499 : vector<16xf32>
          %sub3A_580 = arith.subf %sub3A_578, %mul3A_579 : vector<16xf32>
          %swap3A_581 = arith.index_cast %sub3A_138 : i32 to index
          %swap3A_582 = arith.index_cast %mul3A_490 : i32 to index
          %swap3A_583 = tpu.vector_load %arg28[%swap3A_581, %swap3A_582] {strides = array<i32>} : memref<2x4096xf32, #tpu.memory_space<vmem>>, vector<16xf32>,
          tpu.vector_store %arg28[%swap3A_581, %swap3A_582], %sub3A_580 {strides = array<i32>} : memref<2x4096xf32, #tpu.memory_space<vmem>>, vector<16xf32>,
          %sub3A_584 = arith.subf %get3A_511, %gather3A_523 : vector<16xf32>
          %mul3A_585 = arith.mulf %mul3A_571, %get3A_502 : vector<16xf32>
          %sub3A_586 = arith.subf %sub3A_584, %mul3A_585 : vector<16xf32>
          %swap3A_587 = arith.index_cast %sub3A_138 : i32 to index
          %swap3A_588 = arith.index_cast %mul3A_490 : i32 to index
          %swap3A_589 = tpu.vector_load %arg29[%swap3A_587, %swap3A_588] {strides = array<i32>} : memref<2x4096xf32, #tpu.memory_space<vmem>>, vector<16xf32>,
          tpu.vector_store %arg29[%swap3A_587, %swap3A_588], %sub3A_586 {strides = array<i32>} : memref<2x4096xf32, #tpu.memory_space<vmem>>, vector<16xf32>,
          %scan3A_590 = arith.constant 3 : i32
          %scan3A_591 = arith.addi %scan3A_289, %scan3A_590 : i32
          %mul3A_592 = arith.constant 16 : i32
          %mul3A_593 = arith.muli %scan3A_591, %mul3A_592 : i32
          %get3A_594 = arith.index_cast %sub3A_138 : i32 to index
          %get3A_595 = arith.index_cast %mul3A_593 : i32 to index
          %get3A_596 = tpu.vector_load %arg18[%get3A_594, %get3A_595] {strides = array<i32>} : memref<2x4096xi32, #tpu.memory_space<vmem>>, vector<16xi32>,
          %get3A_597 = arith.index_cast %sub3A_138 : i32 to index
          %get3A_598 = arith.index_cast %mul3A_593 : i32 to index
          %get3A_599 = tpu.vector_load %arg20[%get3A_597, %get3A_598] {strides = array<i32>} : memref<2x4096xf32, #tpu.memory_space<vmem>>, vector<16xf32>,
          %get3A_600 = arith.index_cast %sub3A_138 : i32 to index
          %get3A_601 = arith.index_cast %mul3A_593 : i32 to index
          %get3A_602 = tpu.vector_load %arg21[%get3A_600, %get3A_601] {strides = array<i32>} : memref<2x4096xf32, #tpu.memory_space<vmem>>, vector<16xf32>,
          %get3A_603 = arith.index_cast %sub3A_138 : i32 to index
          %get3A_604 = arith.index_cast %mul3A_593 : i32 to index
          %get3A_605 = tpu.vector_load %arg22[%get3A_603, %get3A_604] {strides = array<i32>} : memref<2x4096xf32, #tpu.memory_space<vmem>>, vector<16xf32>,
          %get3A_606 = arith.index_cast %sub3A_138 : i32 to index
          %get3A_607 = arith.index_cast %mul3A_593 : i32 to index
          %get3A_608 = tpu.vector_load %arg24[%get3A_606, %get3A_607] {strides = array<i32>} : memref<2x4096xf32, #tpu.memory_space<vmem>>, vector<16xf32>,
          %get3A_609 = arith.index_cast %sub3A_138 : i32 to index
          %get3A_610 = arith.index_cast %mul3A_593 : i32 to index
          %get3A_611 = tpu.vector_load %arg25[%get3A_609, %get3A_610] {strides = array<i32>} : memref<2x4096xf32, #tpu.memory_space<vmem>>, vector<16xf32>,
          %get3A_612 = arith.index_cast %sub3A_138 : i32 to index
          %get3A_613 = arith.index_cast %mul3A_593 : i32 to index
          %get3A_614 = tpu.vector_load %arg26[%get3A_612, %get3A_613] {strides = array<i32>} : memref<2x4096xf32, #tpu.memory_space<vmem>>, vector<16xf32>,
          %get3A_615 = arith.index_cast %sub3A_138 : i32 to index
          %get3A_616 = arith.index_cast %mul3A_593 : i32 to index
          %get3A_617 = tpu.vector_load %arg23[%get3A_615, %get3A_616] {strides = array<i32>} : memref<2x4096xf32, #tpu.memory_space<vmem>>, vector<16xf32>,
          %broadcast_in_dim3A_618 = arith.constant 0 : i32
          %broadcast_in_dim3A_619 = vector.broadcast %broadcast_in_dim3A_618 : i32 to vector<16xi32>
          %gather3A_620 = tpu.vector_load_idx %arg30[%broadcast_in_dim3A_619, %get3A_596] : memref<3x5000xf32, #tpu.memory_space<vmem>>[vector<16xi32>, vector<16xi32>], vector<16xf32>,
          %broadcast_in_dim3A_621 = arith.constant 1 : i32
          %broadcast_in_dim3A_622 = vector.broadcast %broadcast_in_dim3A_621 : i32 to vector<16xi32>
          %gather3A_623 = tpu.vector_load_idx %arg30[%broadcast_in_dim3A_622, %get3A_596] : memref<3x5000xf32, #tpu.memory_space<vmem>>[vector<16xi32>, vector<16xi32>], vector<16xf32>,
          %broadcast_in_dim3A_624 = arith.constant 2 : i32
          %broadcast_in_dim3A_625 = vector.broadcast %broadcast_in_dim3A_624 : i32 to vector<16xi32>
          %gather3A_626 = tpu.vector_load_idx %arg30[%broadcast_in_dim3A_625, %get3A_596] : memref<3x5000xf32, #tpu.memory_space<vmem>>[vector<16xi32>, vector<16xi32>], vector<16xf32>,
          %gather3A_627 = tpu.vector_load_idx %arg31[%get3A_596] : memref<5000xf32, #tpu.memory_space<vmem>>[vector<16xi32>], vector<16xf32>,
          %mul3A_628 = arith.mulf %get3A_599, %get3A_599 : vector<16xf32>
          %mul3A_629 = arith.mulf %get3A_602, %get3A_602 : vector<16xf32>
          %add3A_630 = arith.addf %mul3A_628, %mul3A_629 : vector<16xf32>
          %mul3A_631 = arith.mulf %get3A_605, %get3A_605 : vector<16xf32>
          %add3A_632 = arith.addf %add3A_630, %mul3A_631 : vector<16xf32>
          %ge3A_633 = arith.constant 1.000000e-16 : f32
          %ge3A_634 = vector.broadcast %ge3A_633 : f32 to vector<16xf32>
          %ge3A_635 = arith.cmpf oge, %add3A_632, %ge3A_634 : vector<16xf32>
          %bitcast3A_636 = vector.bitcast %add3A_632 : vector<16xf32> to vector<16xi32>
          %shift_right_arithmetic3A_637 = arith.constant 1 : i32
          %shift_right_arithmetic3A_638 = vector.broadcast %shift_right_arithmetic3A_637 : i32 to vector<16xi32>
          %shift_right_arithmetic3A_639 = arith.shrsi %bitcast3A_636, %shift_right_arithmetic3A_638 : vector<16xi32>
          %sub3A_640 = arith.constant 1597463007 : i32
          %sub3A_641 = vector.broadcast %sub3A_640 : i32 to vector<16xi32>
          %sub3A_642 = arith.subi %sub3A_641, %shift_right_arithmetic3A_639 : vector<16xi32>
          %bitcast3A_643 = vector.bitcast %sub3A_642 : vector<16xi32> to vector<16xf32>
          %mul3A_644 = arith.constant 5.000000e-01 : f32
          %mul3A_645 = vector.broadcast %mul3A_644 : f32 to vector<16xf32>
          %mul3A_646 = arith.mulf %mul3A_645, %add3A_632 : vector<16xf32>
          %mul3A_647 = arith.mulf %mul3A_646, %bitcast3A_643 : vector<16xf32>
          %mul3A_648 = arith.mulf %mul3A_647, %bitcast3A_643 : vector<16xf32>
          %sub3A_649 = arith.constant 1.500000e+00 : f32
          %sub3A_650 = vector.broadcast %sub3A_649 : f32 to vector<16xf32>
          %sub3A_651 = arith.subf %sub3A_650, %mul3A_648 : vector<16xf32>
          %mul3A_652 = arith.mulf %bitcast3A_643, %sub3A_651 : vector<16xf32>
          %mul3A_653 = arith.mulf %mul3A_646, %mul3A_652 : vector<16xf32>
          %mul3A_654 = arith.mulf %mul3A_653, %mul3A_652 : vector<16xf32>
          %sub3A_655 = arith.constant 1.500000e+00 : f32
          %sub3A_656 = vector.broadcast %sub3A_655 : f32 to vector<16xf32>
          %sub3A_657 = arith.subf %sub3A_656, %mul3A_654 : vector<16xf32>
          %mul3A_658 = arith.mulf %mul3A_652, %sub3A_657 : vector<16xf32>
          %mul3A_659 = arith.mulf %mul3A_646, %mul3A_658 : vector<16xf32>
          %mul3A_660 = arith.mulf %mul3A_659, %mul3A_658 : vector<16xf32>
          %sub3A_661 = arith.constant 1.500000e+00 : f32
          %sub3A_662 = vector.broadcast %sub3A_661 : f32 to vector<16xf32>
          %sub3A_663 = arith.subf %sub3A_662, %mul3A_660 : vector<16xf32>
          %mul3A_664 = arith.mulf %mul3A_658, %sub3A_663 : vector<16xf32>
          %jit3A_665 = arith.constant 1.000000e+08 : f32
          %broadcast_in_dim3A_666 = vector.broadcast %jit3A_665 : f32 to vector<16xf32>
          %select_n3A_667 = arith.select %ge3A_635, %mul3A_664, %broadcast_in_dim3A_666 : vector<16xi1>, vector<16xf32>
          %gt3A_668 = arith.constant 5.000000e-01 : f32
          %gt3A_669 = vector.broadcast %gt3A_668 : f32 to vector<16xf32>
          %gt3A_670 = arith.cmpf ogt, %gather3A_627, %gt3A_669 : vector<16xf32>
          %jit3A_671 = arith.constant 1.000000e+00 : f32
          %broadcast_in_dim3A_672 = vector.broadcast %jit3A_671 : f32 to vector<16xf32>
          %select_n3A_673 = arith.select %gt3A_670, %broadcast_in_dim3A_672, %select_n3A_667 : vector<16xi1>, vector<16xf32>
          %mul3A_674 = arith.mulf %get3A_617, %select_n3A_673 : vector<16xf32>
          %sub3A_675 = arith.subf %get3A_608, %gather3A_620 : vector<16xf32>
          %mul3A_676 = arith.mulf %mul3A_674, %get3A_599 : vector<16xf32>
          %sub3A_677 = arith.subf %sub3A_675, %mul3A_676 : vector<16xf32>
          %swap3A_678 = arith.index_cast %sub3A_138 : i32 to index
          %swap3A_679 = arith.index_cast %mul3A_593 : i32 to index
          %swap3A_680 = tpu.vector_load %arg27[%swap3A_678, %swap3A_679] {strides = array<i32>} : memref<2x4096xf32, #tpu.memory_space<vmem>>, vector<16xf32>,
          tpu.vector_store %arg27[%swap3A_678, %swap3A_679], %sub3A_677 {strides = array<i32>} : memref<2x4096xf32, #tpu.memory_space<vmem>>, vector<16xf32>,
          %sub3A_681 = arith.subf %get3A_611, %gather3A_623 : vector<16xf32>
          %mul3A_682 = arith.mulf %mul3A_674, %get3A_602 : vector<16xf32>
          %sub3A_683 = arith.subf %sub3A_681, %mul3A_682 : vector<16xf32>
          %swap3A_684 = arith.index_cast %sub3A_138 : i32 to index
          %swap3A_685 = arith.index_cast %mul3A_593 : i32 to index
          %swap3A_686 = tpu.vector_load %arg28[%swap3A_684, %swap3A_685] {strides = array<i32>} : memref<2x4096xf32, #tpu.memory_space<vmem>>, vector<16xf32>,
          tpu.vector_store %arg28[%swap3A_684, %swap3A_685], %sub3A_683 {strides = array<i32>} : memref<2x4096xf32, #tpu.memory_space<vmem>>, vector<16xf32>,
          %sub3A_687 = arith.subf %get3A_614, %gather3A_626 : vector<16xf32>
          %mul3A_688 = arith.mulf %mul3A_674, %get3A_605 : vector<16xf32>
          %sub3A_689 = arith.subf %sub3A_687, %mul3A_688 : vector<16xf32>
          %swap3A_690 = arith.index_cast %sub3A_138 : i32 to index
          %swap3A_691 = arith.index_cast %mul3A_593 : i32 to index
          %swap3A_692 = tpu.vector_load %arg29[%swap3A_690, %swap3A_691] {strides = array<i32>} : memref<2x4096xf32, #tpu.memory_space<vmem>>, vector<16xf32>,
          tpu.vector_store %arg29[%swap3A_690, %swap3A_691], %sub3A_689 {strides = array<i32>} : memref<2x4096xf32, #tpu.memory_space<vmem>>, vector<16xf32>,
        }
        %scan3A_252 = arith.constant 256 : i32
        %sub3A_253 = arith.constant 1 : i32
        %sub3A_254 = arith.subi %while3A_121, %sub3A_253 : i32
        %mul3A_255 = arith.constant 32 : i32
        %mul3A_256 = arith.muli %mul3A_255, %sub3A_254 : i32
        %add3A_257 = arith.addi %add3A, %mul3A_256 : i32
        %mul3A_258 = arith.constant 4096 : i32
        %mul3A_259 = arith.muli %add3A_257, %mul3A_258 : i32
        %multiple_of3A = tpu.assume_multiple %mul3A_259, 4096 : i32
        %dma_start3A = arith.constant 0 : i32
        %dma_start3A_260 = tpu.memref_slice %arg27[%sub3A_138, %dma_start3A] : memref<2x4096xf32, #tpu.memory_space<vmem>> -> memref<1x4096xf32, #tpu.memory_space<vmem>>
        %dma_start3A_261 = tpu.memref_squeeze %dma_start3A_260 : memref<1x4096xf32, #tpu.memory_space<vmem>> -> memref<4096xf32, #tpu.memory_space<vmem>>
        %dma_start3A_262 = tpu.memref_slice %arg15[%multiple_of3A] : memref<2000000xf32, #tpu.memory_space<hbm>> -> memref<4096xf32, #tpu.memory_space<hbm>>
        %dma_start3A_263 = tpu.memref_slice %arg35[%sub3A_138] : memref<2x!tpu.dma_semaphore, #tpu.memory_space<semaphore_mem>> -> memref<1x!tpu.dma_semaphore, #tpu.memory_space<semaphore_mem>>
        %dma_start3A_264 = tpu.memref_squeeze %dma_start3A_263 : memref<1x!tpu.dma_semaphore, #tpu.memory_space<semaphore_mem>> -> memref<!tpu.dma_semaphore, #tpu.memory_space<semaphore_mem>>
        %dma_start3A_265 = tpu.memref_slice %arg15[%multiple_of3A] : memref<2000000xf32, #tpu.memory_space<hbm>> -> memref<4096xf32, #tpu.memory_space<hbm>>
        %dma_start3A_266 = arith.constant 0 : i32
        %dma_start3A_267 = tpu.memref_slice %arg27[%sub3A_138, %dma_start3A_266] : memref<2x4096xf32, #tpu.memory_space<vmem>> -> memref<1x4096xf32, #tpu.memory_space<vmem>>
        %dma_start3A_268 = tpu.memref_squeeze %dma_start3A_267 : memref<1x4096xf32, #tpu.memory_space<vmem>> -> memref<4096xf32, #tpu.memory_space<vmem>>
        tpu.enqueue_dma source(%dma_start3A_268 : memref<4096xf32, #tpu.memory_space<vmem>>) target(%dma_start3A_265 : memref<4096xf32, #tpu.memory_space<hbm>>) target_semaphore(%dma_start3A_264 : memref<!tpu.dma_semaphore, #tpu.memory_space<semaphore_mem>>)
        %dma_start3A_269 = arith.constant 0 : i32
        %dma_start3A_270 = tpu.memref_slice %arg28[%sub3A_138, %dma_start3A_269] : memref<2x4096xf32, #tpu.memory_space<vmem>> -> memref<1x4096xf32, #tpu.memory_space<vmem>>
        %dma_start3A_271 = tpu.memref_squeeze %dma_start3A_270 : memref<1x4096xf32, #tpu.memory_space<vmem>> -> memref<4096xf32, #tpu.memory_space<vmem>>
        %dma_start3A_272 = tpu.memref_slice %arg16[%multiple_of3A] : memref<2000000xf32, #tpu.memory_space<hbm>> -> memref<4096xf32, #tpu.memory_space<hbm>>
        %dma_start3A_273 = tpu.memref_slice %arg35[%sub3A_138] : memref<2x!tpu.dma_semaphore, #tpu.memory_space<semaphore_mem>> -> memref<1x!tpu.dma_semaphore, #tpu.memory_space<semaphore_mem>>
        %dma_start3A_274 = tpu.memref_squeeze %dma_start3A_273 : memref<1x!tpu.dma_semaphore, #tpu.memory_space<semaphore_mem>> -> memref<!tpu.dma_semaphore, #tpu.memory_space<semaphore_mem>>
        %dma_start3A_275 = tpu.memref_slice %arg16[%multiple_of3A] : memref<2000000xf32, #tpu.memory_space<hbm>> -> memref<4096xf32, #tpu.memory_space<hbm>>
        %dma_start3A_276 = arith.constant 0 : i32
        %dma_start3A_277 = tpu.memref_slice %arg28[%sub3A_138, %dma_start3A_276] : memref<2x4096xf32, #tpu.memory_space<vmem>> -> memref<1x4096xf32, #tpu.memory_space<vmem>>
        %dma_start3A_278 = tpu.memref_squeeze %dma_start3A_277 : memref<1x4096xf32, #tpu.memory_space<vmem>> -> memref<4096xf32, #tpu.memory_space<vmem>>
        tpu.enqueue_dma source(%dma_start3A_278 : memref<4096xf32, #tpu.memory_space<vmem>>) target(%dma_start3A_275 : memref<4096xf32, #tpu.memory_space<hbm>>) target_semaphore(%dma_start3A_274 : memref<!tpu.dma_semaphore, #tpu.memory_space<semaphore_mem>>)
        %dma_start3A_279 = arith.constant 0 : i32
        %dma_start3A_280 = tpu.memref_slice %arg29[%sub3A_138, %dma_start3A_279] : memref<2x4096xf32, #tpu.memory_space<vmem>> -> memref<1x4096xf32, #tpu.memory_space<vmem>>
        %dma_start3A_281 = tpu.memref_squeeze %dma_start3A_280 : memref<1x4096xf32, #tpu.memory_space<vmem>> -> memref<4096xf32, #tpu.memory_space<vmem>>
        %dma_start3A_282 = tpu.memref_slice %arg17[%multiple_of3A] : memref<2000000xf32, #tpu.memory_space<hbm>> -> memref<4096xf32, #tpu.memory_space<hbm>>
        %dma_start3A_283 = tpu.memref_slice %arg35[%sub3A_138] : memref<2x!tpu.dma_semaphore, #tpu.memory_space<semaphore_mem>> -> memref<1x!tpu.dma_semaphore, #tpu.memory_space<semaphore_mem>>
        %dma_start3A_284 = tpu.memref_squeeze %dma_start3A_283 : memref<1x!tpu.dma_semaphore, #tpu.memory_space<semaphore_mem>> -> memref<!tpu.dma_semaphore, #tpu.memory_space<semaphore_mem>>
        %dma_start3A_285 = tpu.memref_slice %arg17[%multiple_of3A] : memref<2000000xf32, #tpu.memory_space<hbm>> -> memref<4096xf32, #tpu.memory_space<hbm>>
        %dma_start3A_286 = arith.constant 0 : i32
        %dma_start3A_287 = tpu.memref_slice %arg29[%sub3A_138, %dma_start3A_286] : memref<2x4096xf32, #tpu.memory_space<vmem>> -> memref<1x4096xf32, #tpu.memory_space<vmem>>
        %dma_start3A_288 = tpu.memref_squeeze %dma_start3A_287 : memref<1x4096xf32, #tpu.memory_space<vmem>> -> memref<4096xf32, #tpu.memory_space<vmem>>
        tpu.enqueue_dma source(%dma_start3A_288 : memref<4096xf32, #tpu.memory_space<vmem>>) target(%dma_start3A_285 : memref<4096xf32, #tpu.memory_space<hbm>>) target_semaphore(%dma_start3A_284 : memref<!tpu.dma_semaphore, #tpu.memory_space<semaphore_mem>>)
      } else {
      }
    }
    %dma_wait3A = arith.constant 0 : i32
    %dma_wait3A_36 = arith.constant 0 : i32
    %dma_wait3A_37 = arith.constant 0 : i32
    %dma_wait3A_38 = tpu.memref_slice %arg27[%dma_wait3A, %dma_wait3A_37] : memref<2x4096xf32, #tpu.memory_space<vmem>> -> memref<1x4096xf32, #tpu.memory_space<vmem>>
    %dma_wait3A_39 = tpu.memref_squeeze %dma_wait3A_38 : memref<1x4096xf32, #tpu.memory_space<vmem>> -> memref<4096xf32, #tpu.memory_space<vmem>>
    %dma_wait3A_40 = arith.constant 0 : i32
    %dma_wait3A_41 = tpu.memref_slice %arg15[%dma_wait3A_40] : memref<2000000xf32, #tpu.memory_space<hbm>> -> memref<4096xf32, #tpu.memory_space<hbm>>
    %dma_wait3A_42 = tpu.memref_slice %arg35[%dma_wait3A_36] : memref<2x!tpu.dma_semaphore, #tpu.memory_space<semaphore_mem>> -> memref<1x!tpu.dma_semaphore, #tpu.memory_space<semaphore_mem>>
    %dma_wait3A_43 = tpu.memref_squeeze %dma_wait3A_42 : memref<1x!tpu.dma_semaphore, #tpu.memory_space<semaphore_mem>> -> memref<!tpu.dma_semaphore, #tpu.memory_space<semaphore_mem>>
    %dma_wait3A_44 = arith.constant 0 : i32
    %dma_wait3A_45 = tpu.memref_slice %arg15[%dma_wait3A_44] : memref<2000000xf32, #tpu.memory_space<hbm>> -> memref<4096xf32, #tpu.memory_space<hbm>>
    %dma_wait3A_46 = arith.constant 0 : i32
    %dma_wait3A_47 = tpu.memref_slice %arg27[%dma_wait3A, %dma_wait3A_46] : memref<2x4096xf32, #tpu.memory_space<vmem>> -> memref<1x4096xf32, #tpu.memory_space<vmem>>
    %dma_wait3A_48 = tpu.memref_squeeze %dma_wait3A_47 : memref<1x4096xf32, #tpu.memory_space<vmem>> -> memref<4096xf32, #tpu.memory_space<vmem>>
    tpu.wait_dma2 semaphore(%dma_wait3A_43 : memref<!tpu.dma_semaphore, #tpu.memory_space<semaphore_mem>>) src(%dma_wait3A_48 : memref<4096xf32, #tpu.memory_space<vmem>>) dst(%dma_wait3A_45 : memref<4096xf32, #tpu.memory_space<hbm>>)
    %dma_wait3A_49 = arith.constant 0 : i32
    %dma_wait3A_50 = arith.constant 0 : i32
    %dma_wait3A_51 = arith.constant 0 : i32
    %dma_wait3A_52 = tpu.memref_slice %arg28[%dma_wait3A_49, %dma_wait3A_51] : memref<2x4096xf32, #tpu.memory_space<vmem>> -> memref<1x4096xf32, #tpu.memory_space<vmem>>
    %dma_wait3A_53 = tpu.memref_squeeze %dma_wait3A_52 : memref<1x4096xf32, #tpu.memory_space<vmem>> -> memref<4096xf32, #tpu.memory_space<vmem>>
    %dma_wait3A_54 = arith.constant 0 : i32
    %dma_wait3A_55 = tpu.memref_slice %arg16[%dma_wait3A_54] : memref<2000000xf32, #tpu.memory_space<hbm>> -> memref<4096xf32, #tpu.memory_space<hbm>>
    %dma_wait3A_56 = tpu.memref_slice %arg35[%dma_wait3A_50] : memref<2x!tpu.dma_semaphore, #tpu.memory_space<semaphore_mem>> -> memref<1x!tpu.dma_semaphore, #tpu.memory_space<semaphore_mem>>
    %dma_wait3A_57 = tpu.memref_squeeze %dma_wait3A_56 : memref<1x!tpu.dma_semaphore, #tpu.memory_space<semaphore_mem>> -> memref<!tpu.dma_semaphore, #tpu.memory_space<semaphore_mem>>
    %dma_wait3A_58 = arith.constant 0 : i32
    %dma_wait3A_59 = tpu.memref_slice %arg16[%dma_wait3A_58] : memref<2000000xf32, #tpu.memory_space<hbm>> -> memref<4096xf32, #tpu.memory_space<hbm>>
    %dma_wait3A_60 = arith.constant 0 : i32
    %dma_wait3A_61 = tpu.memref_slice %arg28[%dma_wait3A_49, %dma_wait3A_60] : memref<2x4096xf32, #tpu.memory_space<vmem>> -> memref<1x4096xf32, #tpu.memory_space<vmem>>
    %dma_wait3A_62 = tpu.memref_squeeze %dma_wait3A_61 : memref<1x4096xf32, #tpu.memory_space<vmem>> -> memref<4096xf32, #tpu.memory_space<vmem>>
    tpu.wait_dma2 semaphore(%dma_wait3A_57 : memref<!tpu.dma_semaphore, #tpu.memory_space<semaphore_mem>>) src(%dma_wait3A_62 : memref<4096xf32, #tpu.memory_space<vmem>>) dst(%dma_wait3A_59 : memref<4096xf32, #tpu.memory_space<hbm>>)
    %dma_wait3A_63 = arith.constant 0 : i32
    %dma_wait3A_64 = arith.constant 0 : i32
    %dma_wait3A_65 = arith.constant 0 : i32
    %dma_wait3A_66 = tpu.memref_slice %arg29[%dma_wait3A_63, %dma_wait3A_65] : memref<2x4096xf32, #tpu.memory_space<vmem>> -> memref<1x4096xf32, #tpu.memory_space<vmem>>
    %dma_wait3A_67 = tpu.memref_squeeze %dma_wait3A_66 : memref<1x4096xf32, #tpu.memory_space<vmem>> -> memref<4096xf32, #tpu.memory_space<vmem>>
    %dma_wait3A_68 = arith.constant 0 : i32
    %dma_wait3A_69 = tpu.memref_slice %arg17[%dma_wait3A_68] : memref<2000000xf32, #tpu.memory_space<hbm>> -> memref<4096xf32, #tpu.memory_space<hbm>>
    %dma_wait3A_70 = tpu.memref_slice %arg35[%dma_wait3A_64] : memref<2x!tpu.dma_semaphore, #tpu.memory_space<semaphore_mem>> -> memref<1x!tpu.dma_semaphore, #tpu.memory_space<semaphore_mem>>
    %dma_wait3A_71 = tpu.memref_squeeze %dma_wait3A_70 : memref<1x!tpu.dma_semaphore, #tpu.memory_space<semaphore_mem>> -> memref<!tpu.dma_semaphore, #tpu.memory_space<semaphore_mem>>
    %dma_wait3A_72 = arith.constant 0 : i32
    %dma_wait3A_73 = tpu.memref_slice %arg17[%dma_wait3A_72] : memref<2000000xf32, #tpu.memory_space<hbm>> -> memref<4096xf32, #tpu.memory_space<hbm>>
    %dma_wait3A_74 = arith.constant 0 : i32
    %dma_wait3A_75 = tpu.memref_slice %arg29[%dma_wait3A_63, %dma_wait3A_74] : memref<2x4096xf32, #tpu.memory_space<vmem>> -> memref<1x4096xf32, #tpu.memory_space<vmem>>
    %dma_wait3A_76 = tpu.memref_squeeze %dma_wait3A_75 : memref<1x4096xf32, #tpu.memory_space<vmem>> -> memref<4096xf32, #tpu.memory_space<vmem>>
    tpu.wait_dma2 semaphore(%dma_wait3A_71 : memref<!tpu.dma_semaphore, #tpu.memory_space<semaphore_mem>>) src(%dma_wait3A_76 : memref<4096xf32, #tpu.memory_space<vmem>>) dst(%dma_wait3A_73 : memref<4096xf32, #tpu.memory_space<hbm>>)
    %dma_wait3A_77 = arith.constant 1 : i32
    %dma_wait3A_78 = arith.constant 1 : i32
    %dma_wait3A_79 = arith.constant 0 : i32
    %dma_wait3A_80 = tpu.memref_slice %arg27[%dma_wait3A_77, %dma_wait3A_79] : memref<2x4096xf32, #tpu.memory_space<vmem>> -> memref<1x4096xf32, #tpu.memory_space<vmem>>
    %dma_wait3A_81 = tpu.memref_squeeze %dma_wait3A_80 : memref<1x4096xf32, #tpu.memory_space<vmem>> -> memref<4096xf32, #tpu.memory_space<vmem>>
    %dma_wait3A_82 = arith.constant 0 : i32
    %dma_wait3A_83 = tpu.memref_slice %arg15[%dma_wait3A_82] : memref<2000000xf32, #tpu.memory_space<hbm>> -> memref<4096xf32, #tpu.memory_space<hbm>>
    %dma_wait3A_84 = tpu.memref_slice %arg35[%dma_wait3A_78] : memref<2x!tpu.dma_semaphore, #tpu.memory_space<semaphore_mem>> -> memref<1x!tpu.dma_semaphore, #tpu.memory_space<semaphore_mem>>
    %dma_wait3A_85 = tpu.memref_squeeze %dma_wait3A_84 : memref<1x!tpu.dma_semaphore, #tpu.memory_space<semaphore_mem>> -> memref<!tpu.dma_semaphore, #tpu.memory_space<semaphore_mem>>
    %dma_wait3A_86 = arith.constant 0 : i32
    %dma_wait3A_87 = tpu.memref_slice %arg15[%dma_wait3A_86] : memref<2000000xf32, #tpu.memory_space<hbm>> -> memref<4096xf32, #tpu.memory_space<hbm>>
    %dma_wait3A_88 = arith.constant 0 : i32
    %dma_wait3A_89 = tpu.memref_slice %arg27[%dma_wait3A_77, %dma_wait3A_88] : memref<2x4096xf32, #tpu.memory_space<vmem>> -> memref<1x4096xf32, #tpu.memory_space<vmem>>
    %dma_wait3A_90 = tpu.memref_squeeze %dma_wait3A_89 : memref<1x4096xf32, #tpu.memory_space<vmem>> -> memref<4096xf32, #tpu.memory_space<vmem>>
    tpu.wait_dma2 semaphore(%dma_wait3A_85 : memref<!tpu.dma_semaphore, #tpu.memory_space<semaphore_mem>>) src(%dma_wait3A_90 : memref<4096xf32, #tpu.memory_space<vmem>>) dst(%dma_wait3A_87 : memref<4096xf32, #tpu.memory_space<hbm>>)
    %dma_wait3A_91 = arith.constant 1 : i32
    %dma_wait3A_92 = arith.constant 1 : i32
    %dma_wait3A_93 = arith.constant 0 : i32
    %dma_wait3A_94 = tpu.memref_slice %arg28[%dma_wait3A_91, %dma_wait3A_93] : memref<2x4096xf32, #tpu.memory_space<vmem>> -> memref<1x4096xf32, #tpu.memory_space<vmem>>
    %dma_wait3A_95 = tpu.memref_squeeze %dma_wait3A_94 : memref<1x4096xf32, #tpu.memory_space<vmem>> -> memref<4096xf32, #tpu.memory_space<vmem>>
    %dma_wait3A_96 = arith.constant 0 : i32
    %dma_wait3A_97 = tpu.memref_slice %arg16[%dma_wait3A_96] : memref<2000000xf32, #tpu.memory_space<hbm>> -> memref<4096xf32, #tpu.memory_space<hbm>>
    %dma_wait3A_98 = tpu.memref_slice %arg35[%dma_wait3A_92] : memref<2x!tpu.dma_semaphore, #tpu.memory_space<semaphore_mem>> -> memref<1x!tpu.dma_semaphore, #tpu.memory_space<semaphore_mem>>
    %dma_wait3A_99 = tpu.memref_squeeze %dma_wait3A_98 : memref<1x!tpu.dma_semaphore, #tpu.memory_space<semaphore_mem>> -> memref<!tpu.dma_semaphore, #tpu.memory_space<semaphore_mem>>
    %dma_wait3A_100 = arith.constant 0 : i32
    %dma_wait3A_101 = tpu.memref_slice %arg16[%dma_wait3A_100] : memref<2000000xf32, #tpu.memory_space<hbm>> -> memref<4096xf32, #tpu.memory_space<hbm>>
    %dma_wait3A_102 = arith.constant 0 : i32
    %dma_wait3A_103 = tpu.memref_slice %arg28[%dma_wait3A_91, %dma_wait3A_102] : memref<2x4096xf32, #tpu.memory_space<vmem>> -> memref<1x4096xf32, #tpu.memory_space<vmem>>
    %dma_wait3A_104 = tpu.memref_squeeze %dma_wait3A_103 : memref<1x4096xf32, #tpu.memory_space<vmem>> -> memref<4096xf32, #tpu.memory_space<vmem>>
    tpu.wait_dma2 semaphore(%dma_wait3A_99 : memref<!tpu.dma_semaphore, #tpu.memory_space<semaphore_mem>>) src(%dma_wait3A_104 : memref<4096xf32, #tpu.memory_space<vmem>>) dst(%dma_wait3A_101 : memref<4096xf32, #tpu.memory_space<hbm>>)
    %dma_wait3A_105 = arith.constant 1 : i32
    %dma_wait3A_106 = arith.constant 1 : i32
    %dma_wait3A_107 = arith.constant 0 : i32
    %dma_wait3A_108 = tpu.memref_slice %arg29[%dma_wait3A_105, %dma_wait3A_107] : memref<2x4096xf32, #tpu.memory_space<vmem>> -> memref<1x4096xf32, #tpu.memory_space<vmem>>
    %dma_wait3A_109 = tpu.memref_squeeze %dma_wait3A_108 : memref<1x4096xf32, #tpu.memory_space<vmem>> -> memref<4096xf32, #tpu.memory_space<vmem>>
    %dma_wait3A_110 = arith.constant 0 : i32
    %dma_wait3A_111 = tpu.memref_slice %arg17[%dma_wait3A_110] : memref<2000000xf32, #tpu.memory_space<hbm>> -> memref<4096xf32, #tpu.memory_space<hbm>>
    %dma_wait3A_112 = tpu.memref_slice %arg35[%dma_wait3A_106] : memref<2x!tpu.dma_semaphore, #tpu.memory_space<semaphore_mem>> -> memref<1x!tpu.dma_semaphore, #tpu.memory_space<semaphore_mem>>
    %dma_wait3A_113 = tpu.memref_squeeze %dma_wait3A_112 : memref<1x!tpu.dma_semaphore, #tpu.memory_space<semaphore_mem>> -> memref<!tpu.dma_semaphore, #tpu.memory_space<semaphore_mem>>
    %dma_wait3A_114 = arith.constant 0 : i32
    %dma_wait3A_115 = tpu.memref_slice %arg17[%dma_wait3A_114] : memref<2000000xf32, #tpu.memory_space<hbm>> -> memref<4096xf32, #tpu.memory_space<hbm>>
    %dma_wait3A_116 = arith.constant 0 : i32
    %dma_wait3A_117 = tpu.memref_slice %arg29[%dma_wait3A_105, %dma_wait3A_116] : memref<2x4096xf32, #tpu.memory_space<vmem>> -> memref<1x4096xf32, #tpu.memory_space<vmem>>
    %dma_wait3A_118 = tpu.memref_squeeze %dma_wait3A_117 : memref<1x4096xf32, #tpu.memory_space<vmem>> -> memref<4096xf32, #tpu.memory_space<vmem>>
    tpu.wait_dma2 semaphore(%dma_wait3A_113 : memref<!tpu.dma_semaphore, #tpu.memory_space<semaphore_mem>>) src(%dma_wait3A_118 : memref<4096xf32, #tpu.memory_space<vmem>>) dst(%dma_wait3A_115 : memref<4096xf32, #tpu.memory_space<hbm>>)
    %eq3A = arith.constant 8 : i32
    %eq3A_119 = arith.cmpi eq, %add3A, %eq3A : i32
    %convert_element_type3A = arith.extui %eq3A_119 : i1 to i32
    %cond3A = arith.constant 0 : i32
    %cond3A_120 = arith.cmpi ne, %convert_element_type3A, %cond3A : i32
    scf.if %cond3A_120 {
      %dma_start3A = arith.constant 0 : i32
      %dma_start3A_121 = arith.constant 0 : i32
      %dma_start3A_122 = arith.constant 0 : i32
      %dma_start3A_123 = tpu.memref_slice %arg19[%dma_start3A, %dma_start3A_122] : memref<2x4096xi32, #tpu.memory_space<vmem>> -> memref<1x1152xi32, #tpu.memory_space<vmem>>
      %dma_start3A_124 = tpu.memref_squeeze %dma_start3A_123 : memref<1x1152xi32, #tpu.memory_space<vmem>> -> memref<1152xi32, #tpu.memory_space<vmem>>
      %dma_start3A_125 = arith.constant 1998848 : i32
      %dma_start3A_126 = tpu.memref_slice %arg6[%dma_start3A_125] : memref<2000000xi32, #tpu.memory_space<hbm>> -> memref<1152xi32, #tpu.memory_space<hbm>>
      %dma_start3A_127 = tpu.memref_slice %arg32[%dma_start3A_121] : memref<2x!tpu.dma_semaphore, #tpu.memory_space<semaphore_mem>> -> memref<1x!tpu.dma_semaphore, #tpu.memory_space<semaphore_mem>>
      %dma_start3A_128 = tpu.memref_squeeze %dma_start3A_127 : memref<1x!tpu.dma_semaphore, #tpu.memory_space<semaphore_mem>> -> memref<!tpu.dma_semaphore, #tpu.memory_space<semaphore_mem>>
      %dma_start3A_129 = arith.constant 0 : i32
      %dma_start3A_130 = tpu.memref_slice %arg19[%dma_start3A, %dma_start3A_129] : memref<2x4096xi32, #tpu.memory_space<vmem>> -> memref<1x1152xi32, #tpu.memory_space<vmem>>
      %dma_start3A_131 = tpu.memref_squeeze %dma_start3A_130 : memref<1x1152xi32, #tpu.memory_space<vmem>> -> memref<1152xi32, #tpu.memory_space<vmem>>
      %dma_start3A_132 = arith.constant 1998848 : i32
      %dma_start3A_133 = tpu.memref_slice %arg6[%dma_start3A_132] : memref<2000000xi32, #tpu.memory_space<hbm>> -> memref<1152xi32, #tpu.memory_space<hbm>>
      tpu.enqueue_dma source(%dma_start3A_133 : memref<1152xi32, #tpu.memory_space<hbm>>) target(%dma_start3A_131 : memref<1152xi32, #tpu.memory_space<vmem>>) target_semaphore(%dma_start3A_128 : memref<!tpu.dma_semaphore, #tpu.memory_space<semaphore_mem>>)
      %dma_start3A_134 = arith.constant 0 : i32
      %dma_start3A_135 = arith.constant 0 : i32
      %dma_start3A_136 = arith.constant 0 : i32
      %dma_start3A_137 = tpu.memref_slice %arg18[%dma_start3A_134, %dma_start3A_136] : memref<2x4096xi32, #tpu.memory_space<vmem>> -> memref<1x1152xi32, #tpu.memory_space<vmem>>
      %dma_start3A_138 = tpu.memref_squeeze %dma_start3A_137 : memref<1x1152xi32, #tpu.memory_space<vmem>> -> memref<1152xi32, #tpu.memory_space<vmem>>
      %dma_start3A_139 = arith.constant 1998848 : i32
      %dma_start3A_140 = tpu.memref_slice %arg5[%dma_start3A_139] : memref<2000000xi32, #tpu.memory_space<hbm>> -> memref<1152xi32, #tpu.memory_space<hbm>>
      %dma_start3A_141 = tpu.memref_slice %arg33[%dma_start3A_135] : memref<2x!tpu.dma_semaphore, #tpu.memory_space<semaphore_mem>> -> memref<1x!tpu.dma_semaphore, #tpu.memory_space<semaphore_mem>>
      %dma_start3A_142 = tpu.memref_squeeze %dma_start3A_141 : memref<1x!tpu.dma_semaphore, #tpu.memory_space<semaphore_mem>> -> memref<!tpu.dma_semaphore, #tpu.memory_space<semaphore_mem>>
      %dma_start3A_143 = arith.constant 0 : i32
      %dma_start3A_144 = tpu.memref_slice %arg18[%dma_start3A_134, %dma_start3A_143] : memref<2x4096xi32, #tpu.memory_space<vmem>> -> memref<1x1152xi32, #tpu.memory_space<vmem>>
      %dma_start3A_145 = tpu.memref_squeeze %dma_start3A_144 : memref<1x1152xi32, #tpu.memory_space<vmem>> -> memref<1152xi32, #tpu.memory_space<vmem>>
      %dma_start3A_146 = arith.constant 1998848 : i32
      %dma_start3A_147 = tpu.memref_slice %arg5[%dma_start3A_146] : memref<2000000xi32, #tpu.memory_space<hbm>> -> memref<1152xi32, #tpu.memory_space<hbm>>
      tpu.enqueue_dma source(%dma_start3A_147 : memref<1152xi32, #tpu.memory_space<hbm>>) target(%dma_start3A_145 : memref<1152xi32, #tpu.memory_space<vmem>>) target_semaphore(%dma_start3A_142 : memref<!tpu.dma_semaphore, #tpu.memory_space<semaphore_mem>>)
      %dma_start3A_148 = arith.constant 0 : i32
      %dma_start3A_149 = arith.constant 0 : i32
      %dma_start3A_150 = arith.constant 0 : i32
      %dma_start3A_151 = tpu.memref_slice %arg20[%dma_start3A_148, %dma_start3A_150] : memref<2x4096xf32, #tpu.memory_space<vmem>> -> memref<1x1152xf32, #tpu.memory_space<vmem>>
      %dma_start3A_152 = tpu.memref_squeeze %dma_start3A_151 : memref<1x1152xf32, #tpu.memory_space<vmem>> -> memref<1152xf32, #tpu.memory_space<vmem>>
      %dma_start3A_153 = arith.constant 1998848 : i32
      %dma_start3A_154 = tpu.memref_slice %arg2[%dma_start3A_153] : memref<2000000xf32, #tpu.memory_space<hbm>> -> memref<1152xf32, #tpu.memory_space<hbm>>
      %dma_start3A_155 = tpu.memref_slice %arg33[%dma_start3A_149] : memref<2x!tpu.dma_semaphore, #tpu.memory_space<semaphore_mem>> -> memref<1x!tpu.dma_semaphore, #tpu.memory_space<semaphore_mem>>
      %dma_start3A_156 = tpu.memref_squeeze %dma_start3A_155 : memref<1x!tpu.dma_semaphore, #tpu.memory_space<semaphore_mem>> -> memref<!tpu.dma_semaphore, #tpu.memory_space<semaphore_mem>>
      %dma_start3A_157 = arith.constant 0 : i32
      %dma_start3A_158 = tpu.memref_slice %arg20[%dma_start3A_148, %dma_start3A_157] : memref<2x4096xf32, #tpu.memory_space<vmem>> -> memref<1x1152xf32, #tpu.memory_space<vmem>>
      %dma_start3A_159 = tpu.memref_squeeze %dma_start3A_158 : memref<1x1152xf32, #tpu.memory_space<vmem>> -> memref<1152xf32, #tpu.memory_space<vmem>>
      %dma_start3A_160 = arith.constant 1998848 : i32
      %dma_start3A_161 = tpu.memref_slice %arg2[%dma_start3A_160] : memref<2000000xf32, #tpu.memory_space<hbm>> -> memref<1152xf32, #tpu.memory_space<hbm>>
      tpu.enqueue_dma source(%dma_start3A_161 : memref<1152xf32, #tpu.memory_space<hbm>>) target(%dma_start3A_159 : memref<1152xf32, #tpu.memory_space<vmem>>) target_semaphore(%dma_start3A_156 : memref<!tpu.dma_semaphore, #tpu.memory_space<semaphore_mem>>)
      %dma_start3A_162 = arith.constant 0 : i32
      %dma_start3A_163 = arith.constant 0 : i32
      %dma_start3A_164 = arith.constant 0 : i32
      %dma_start3A_165 = tpu.memref_slice %arg21[%dma_start3A_162, %dma_start3A_164] : memref<2x4096xf32, #tpu.memory_space<vmem>> -> memref<1x1152xf32, #tpu.memory_space<vmem>>
      %dma_start3A_166 = tpu.memref_squeeze %dma_start3A_165 : memref<1x1152xf32, #tpu.memory_space<vmem>> -> memref<1152xf32, #tpu.memory_space<vmem>>
      %dma_start3A_167 = arith.constant 1998848 : i32
      %dma_start3A_168 = tpu.memref_slice %arg3[%dma_start3A_167] : memref<2000000xf32, #tpu.memory_space<hbm>> -> memref<1152xf32, #tpu.memory_space<hbm>>
      %dma_start3A_169 = tpu.memref_slice %arg33[%dma_start3A_163] : memref<2x!tpu.dma_semaphore, #tpu.memory_space<semaphore_mem>> -> memref<1x!tpu.dma_semaphore, #tpu.memory_space<semaphore_mem>>
      %dma_start3A_170 = tpu.memref_squeeze %dma_start3A_169 : memref<1x!tpu.dma_semaphore, #tpu.memory_space<semaphore_mem>> -> memref<!tpu.dma_semaphore, #tpu.memory_space<semaphore_mem>>
      %dma_start3A_171 = arith.constant 0 : i32
      %dma_start3A_172 = tpu.memref_slice %arg21[%dma_start3A_162, %dma_start3A_171] : memref<2x4096xf32, #tpu.memory_space<vmem>> -> memref<1x1152xf32, #tpu.memory_space<vmem>>
      %dma_start3A_173 = tpu.memref_squeeze %dma_start3A_172 : memref<1x1152xf32, #tpu.memory_space<vmem>> -> memref<1152xf32, #tpu.memory_space<vmem>>
      %dma_start3A_174 = arith.constant 1998848 : i32
      %dma_start3A_175 = tpu.memref_slice %arg3[%dma_start3A_174] : memref<2000000xf32, #tpu.memory_space<hbm>> -> memref<1152xf32, #tpu.memory_space<hbm>>
      tpu.enqueue_dma source(%dma_start3A_175 : memref<1152xf32, #tpu.memory_space<hbm>>) target(%dma_start3A_173 : memref<1152xf32, #tpu.memory_space<vmem>>) target_semaphore(%dma_start3A_170 : memref<!tpu.dma_semaphore, #tpu.memory_space<semaphore_mem>>)
      %dma_start3A_176 = arith.constant 0 : i32
      %dma_start3A_177 = arith.constant 0 : i32
      %dma_start3A_178 = arith.constant 0 : i32
      %dma_start3A_179 = tpu.memref_slice %arg22[%dma_start3A_176, %dma_start3A_178] : memref<2x4096xf32, #tpu.memory_space<vmem>> -> memref<1x1152xf32, #tpu.memory_space<vmem>>
      %dma_start3A_180 = tpu.memref_squeeze %dma_start3A_179 : memref<1x1152xf32, #tpu.memory_space<vmem>> -> memref<1152xf32, #tpu.memory_space<vmem>>
      %dma_start3A_181 = arith.constant 1998848 : i32
      %dma_start3A_182 = tpu.memref_slice %arg4[%dma_start3A_181] : memref<2000000xf32, #tpu.memory_space<hbm>> -> memref<1152xf32, #tpu.memory_space<hbm>>
      %dma_start3A_183 = tpu.memref_slice %arg33[%dma_start3A_177] : memref<2x!tpu.dma_semaphore, #tpu.memory_space<semaphore_mem>> -> memref<1x!tpu.dma_semaphore, #tpu.memory_space<semaphore_mem>>
      %dma_start3A_184 = tpu.memref_squeeze %dma_start3A_183 : memref<1x!tpu.dma_semaphore, #tpu.memory_space<semaphore_mem>> -> memref<!tpu.dma_semaphore, #tpu.memory_space<semaphore_mem>>
      %dma_start3A_185 = arith.constant 0 : i32
      %dma_start3A_186 = tpu.memref_slice %arg22[%dma_start3A_176, %dma_start3A_185] : memref<2x4096xf32, #tpu.memory_space<vmem>> -> memref<1x1152xf32, #tpu.memory_space<vmem>>
      %dma_start3A_187 = tpu.memref_squeeze %dma_start3A_186 : memref<1x1152xf32, #tpu.memory_space<vmem>> -> memref<1152xf32, #tpu.memory_space<vmem>>
      %dma_start3A_188 = arith.constant 1998848 : i32
      %dma_start3A_189 = tpu.memref_slice %arg4[%dma_start3A_188] : memref<2000000xf32, #tpu.memory_space<hbm>> -> memref<1152xf32, #tpu.memory_space<hbm>>
      tpu.enqueue_dma source(%dma_start3A_189 : memref<1152xf32, #tpu.memory_space<hbm>>) target(%dma_start3A_187 : memref<1152xf32, #tpu.memory_space<vmem>>) target_semaphore(%dma_start3A_184 : memref<!tpu.dma_semaphore, #tpu.memory_space<semaphore_mem>>)
      %dma_start3A_190 = arith.constant 0 : i32
      %dma_start3A_191 = arith.constant 0 : i32
      %dma_start3A_192 = arith.constant 0 : i32
      %dma_start3A_193 = tpu.memref_slice %arg23[%dma_start3A_190, %dma_start3A_192] : memref<2x4096xf32, #tpu.memory_space<vmem>> -> memref<1x1152xf32, #tpu.memory_space<vmem>>
      %dma_start3A_194 = tpu.memref_squeeze %dma_start3A_193 : memref<1x1152xf32, #tpu.memory_space<vmem>> -> memref<1152xf32, #tpu.memory_space<vmem>>
      %dma_start3A_195 = arith.constant 1998848 : i32
      %dma_start3A_196 = tpu.memref_slice %arg14[%dma_start3A_195] : memref<2000000xf32, #tpu.memory_space<hbm>> -> memref<1152xf32, #tpu.memory_space<hbm>>
      %dma_start3A_197 = tpu.memref_slice %arg33[%dma_start3A_191] : memref<2x!tpu.dma_semaphore, #tpu.memory_space<semaphore_mem>> -> memref<1x!tpu.dma_semaphore, #tpu.memory_space<semaphore_mem>>
      %dma_start3A_198 = tpu.memref_squeeze %dma_start3A_197 : memref<1x!tpu.dma_semaphore, #tpu.memory_space<semaphore_mem>> -> memref<!tpu.dma_semaphore, #tpu.memory_space<semaphore_mem>>
      %dma_start3A_199 = arith.constant 0 : i32
      %dma_start3A_200 = tpu.memref_slice %arg23[%dma_start3A_190, %dma_start3A_199] : memref<2x4096xf32, #tpu.memory_space<vmem>> -> memref<1x1152xf32, #tpu.memory_space<vmem>>
      %dma_start3A_201 = tpu.memref_squeeze %dma_start3A_200 : memref<1x1152xf32, #tpu.memory_space<vmem>> -> memref<1152xf32, #tpu.memory_space<vmem>>
      %dma_start3A_202 = arith.constant 1998848 : i32
      %dma_start3A_203 = tpu.memref_slice %arg14[%dma_start3A_202] : memref<2000000xf32, #tpu.memory_space<hbm>> -> memref<1152xf32, #tpu.memory_space<hbm>>
      tpu.enqueue_dma source(%dma_start3A_203 : memref<1152xf32, #tpu.memory_space<hbm>>) target(%dma_start3A_201 : memref<1152xf32, #tpu.memory_space<vmem>>) target_semaphore(%dma_start3A_198 : memref<!tpu.dma_semaphore, #tpu.memory_space<semaphore_mem>>)
      %dma_wait3A_204 = arith.constant 0 : i32
      %dma_wait3A_205 = arith.constant 0 : i32
      %dma_wait3A_206 = arith.constant 0 : i32
      %dma_wait3A_207 = tpu.memref_slice %arg19[%dma_wait3A_204, %dma_wait3A_206] : memref<2x4096xi32, #tpu.memory_space<vmem>> -> memref<1x1152xi32, #tpu.memory_space<vmem>>
      %dma_wait3A_208 = tpu.memref_squeeze %dma_wait3A_207 : memref<1x1152xi32, #tpu.memory_space<vmem>> -> memref<1152xi32, #tpu.memory_space<vmem>>
      %dma_wait3A_209 = arith.constant 1998848 : i32
      %dma_wait3A_210 = tpu.memref_slice %arg6[%dma_wait3A_209] : memref<2000000xi32, #tpu.memory_space<hbm>> -> memref<1152xi32, #tpu.memory_space<hbm>>
      %dma_wait3A_211 = tpu.memref_slice %arg32[%dma_wait3A_205] : memref<2x!tpu.dma_semaphore, #tpu.memory_space<semaphore_mem>> -> memref<1x!tpu.dma_semaphore, #tpu.memory_space<semaphore_mem>>
      %dma_wait3A_212 = tpu.memref_squeeze %dma_wait3A_211 : memref<1x!tpu.dma_semaphore, #tpu.memory_space<semaphore_mem>> -> memref<!tpu.dma_semaphore, #tpu.memory_space<semaphore_mem>>
      %dma_wait3A_213 = arith.constant 0 : i32
      %dma_wait3A_214 = tpu.memref_slice %arg19[%dma_wait3A_204, %dma_wait3A_213] : memref<2x4096xi32, #tpu.memory_space<vmem>> -> memref<1x1152xi32, #tpu.memory_space<vmem>>
      %dma_wait3A_215 = tpu.memref_squeeze %dma_wait3A_214 : memref<1x1152xi32, #tpu.memory_space<vmem>> -> memref<1152xi32, #tpu.memory_space<vmem>>
      %dma_wait3A_216 = arith.constant 1998848 : i32
      %dma_wait3A_217 = tpu.memref_slice %arg6[%dma_wait3A_216] : memref<2000000xi32, #tpu.memory_space<hbm>> -> memref<1152xi32, #tpu.memory_space<hbm>>
      tpu.wait_dma2 semaphore(%dma_wait3A_212 : memref<!tpu.dma_semaphore, #tpu.memory_space<semaphore_mem>>) src(%dma_wait3A_217 : memref<1152xi32, #tpu.memory_space<hbm>>) dst(%dma_wait3A_215 : memref<1152xi32, #tpu.memory_space<vmem>>)
      %dma_start3A_218 = arith.constant 0 : i32
      %dma_start3A_219 = arith.constant 0 : i32
      %dma_start3A_220 = arith.constant 0 : i32
      %dma_start3A_221 = arith.constant 0 : i32
      %dma_start3A_222 = tpu.memref_slice %arg24[%dma_start3A_219, %dma_start3A_221] : memref<2x4096xf32, #tpu.memory_space<vmem>> -> memref<1x1152xf32, #tpu.memory_space<vmem>>
      %dma_start3A_223 = tpu.memref_squeeze %dma_start3A_222 : memref<1x1152xf32, #tpu.memory_space<vmem>> -> memref<1152xf32, #tpu.memory_space<vmem>>
      %dma_start3A_224 = arith.constant 0 : i32
      %dma_start3A_225 = tpu.memref_slice %arg19[%dma_start3A_218, %dma_start3A_224] : memref<2x4096xi32, #tpu.memory_space<vmem>> -> memref<1x1152xi32, #tpu.memory_space<vmem>>
      %dma_start3A_226 = tpu.memref_squeeze %dma_start3A_225 : memref<1x1152xi32, #tpu.memory_space<vmem>> -> memref<1152xi32, #tpu.memory_space<vmem>>
      %dma_start3A_227 = arith.constant 0 : i32
      %dma_start3A_228 = tpu.memref_slice %arg11[%dma_start3A_227] : memref<500000xf32, #tpu.memory_space<hbm>> -> memref<500000xf32, #tpu.memory_space<hbm>>
      %dma_start3A_229 = tpu.memref_slice %arg34[%dma_start3A_220] : memref<2x!tpu.dma_semaphore, #tpu.memory_space<semaphore_mem>> -> memref<1x!tpu.dma_semaphore, #tpu.memory_space<semaphore_mem>>
      %dma_start3A_230 = tpu.memref_squeeze %dma_start3A_229 : memref<1x!tpu.dma_semaphore, #tpu.memory_space<semaphore_mem>> -> memref<!tpu.dma_semaphore, #tpu.memory_space<semaphore_mem>>
      tpu.enqueue_indirect_dma source(%dma_start3A_228 : memref<500000xf32, #tpu.memory_space<hbm>>) target(%dma_start3A_223 : memref<1152xf32, #tpu.memory_space<vmem>>) offsets(%dma_start3A_226 : memref<1152xi32, #tpu.memory_space<vmem>>) semaphore(%dma_start3A_230 : memref<!tpu.dma_semaphore, #tpu.memory_space<semaphore_mem>>)
      %dma_start3A_231 = arith.constant 0 : i32
      %dma_start3A_232 = arith.constant 0 : i32
      %dma_start3A_233 = arith.constant 0 : i32
      %dma_start3A_234 = arith.constant 0 : i32
      %dma_start3A_235 = tpu.memref_slice %arg25[%dma_start3A_232, %dma_start3A_234] : memref<2x4096xf32, #tpu.memory_space<vmem>> -> memref<1x1152xf32, #tpu.memory_space<vmem>>
      %dma_start3A_236 = tpu.memref_squeeze %dma_start3A_235 : memref<1x1152xf32, #tpu.memory_space<vmem>> -> memref<1152xf32, #tpu.memory_space<vmem>>
      %dma_start3A_237 = arith.constant 0 : i32
      %dma_start3A_238 = tpu.memref_slice %arg19[%dma_start3A_231, %dma_start3A_237] : memref<2x4096xi32, #tpu.memory_space<vmem>> -> memref<1x1152xi32, #tpu.memory_space<vmem>>
      %dma_start3A_239 = tpu.memref_squeeze %dma_start3A_238 : memref<1x1152xi32, #tpu.memory_space<vmem>> -> memref<1152xi32, #tpu.memory_space<vmem>>
      %dma_start3A_240 = arith.constant 0 : i32
      %dma_start3A_241 = tpu.memref_slice %arg12[%dma_start3A_240] : memref<500000xf32, #tpu.memory_space<hbm>> -> memref<500000xf32, #tpu.memory_space<hbm>>
      %dma_start3A_242 = tpu.memref_slice %arg34[%dma_start3A_233] : memref<2x!tpu.dma_semaphore, #tpu.memory_space<semaphore_mem>> -> memref<1x!tpu.dma_semaphore, #tpu.memory_space<semaphore_mem>>
      %dma_start3A_243 = tpu.memref_squeeze %dma_start3A_242 : memref<1x!tpu.dma_semaphore, #tpu.memory_space<semaphore_mem>> -> memref<!tpu.dma_semaphore, #tpu.memory_space<semaphore_mem>>
      tpu.enqueue_indirect_dma source(%dma_start3A_241 : memref<500000xf32, #tpu.memory_space<hbm>>) target(%dma_start3A_236 : memref<1152xf32, #tpu.memory_space<vmem>>) offsets(%dma_start3A_239 : memref<1152xi32, #tpu.memory_space<vmem>>) semaphore(%dma_start3A_243 : memref<!tpu.dma_semaphore, #tpu.memory_space<semaphore_mem>>)
      %dma_start3A_244 = arith.constant 0 : i32
      %dma_start3A_245 = arith.constant 0 : i32
      %dma_start3A_246 = arith.constant 0 : i32
      %dma_start3A_247 = arith.constant 0 : i32
      %dma_start3A_248 = tpu.memref_slice %arg26[%dma_start3A_245, %dma_start3A_247] : memref<2x4096xf32, #tpu.memory_space<vmem>> -> memref<1x1152xf32, #tpu.memory_space<vmem>>
      %dma_start3A_249 = tpu.memref_squeeze %dma_start3A_248 : memref<1x1152xf32, #tpu.memory_space<vmem>> -> memref<1152xf32, #tpu.memory_space<vmem>>
      %dma_start3A_250 = arith.constant 0 : i32
      %dma_start3A_251 = tpu.memref_slice %arg19[%dma_start3A_244, %dma_start3A_250] : memref<2x4096xi32, #tpu.memory_space<vmem>> -> memref<1x1152xi32, #tpu.memory_space<vmem>>
      %dma_start3A_252 = tpu.memref_squeeze %dma_start3A_251 : memref<1x1152xi32, #tpu.memory_space<vmem>> -> memref<1152xi32, #tpu.memory_space<vmem>>
      %dma_start3A_253 = arith.constant 0 : i32
      %dma_start3A_254 = tpu.memref_slice %arg13[%dma_start3A_253] : memref<500000xf32, #tpu.memory_space<hbm>> -> memref<500000xf32, #tpu.memory_space<hbm>>
      %dma_start3A_255 = tpu.memref_slice %arg34[%dma_start3A_246] : memref<2x!tpu.dma_semaphore, #tpu.memory_space<semaphore_mem>> -> memref<1x!tpu.dma_semaphore, #tpu.memory_space<semaphore_mem>>
      %dma_start3A_256 = tpu.memref_squeeze %dma_start3A_255 : memref<1x!tpu.dma_semaphore, #tpu.memory_space<semaphore_mem>> -> memref<!tpu.dma_semaphore, #tpu.memory_space<semaphore_mem>>
      tpu.enqueue_indirect_dma source(%dma_start3A_254 : memref<500000xf32, #tpu.memory_space<hbm>>) target(%dma_start3A_249 : memref<1152xf32, #tpu.memory_space<vmem>>) offsets(%dma_start3A_252 : memref<1152xi32, #tpu.memory_space<vmem>>) semaphore(%dma_start3A_256 : memref<!tpu.dma_semaphore, #tpu.memory_space<semaphore_mem>>)
      %dma_wait3A_257 = arith.constant 0 : i32
      %dma_wait3A_258 = arith.constant 0 : i32
      %dma_wait3A_259 = arith.constant 0 : i32
      %dma_wait3A_260 = tpu.memref_slice %arg18[%dma_wait3A_257, %dma_wait3A_259] : memref<2x4096xi32, #tpu.memory_space<vmem>> -> memref<1x1152xi32, #tpu.memory_space<vmem>>
      %dma_wait3A_261 = tpu.memref_squeeze %dma_wait3A_260 : memref<1x1152xi32, #tpu.memory_space<vmem>> -> memref<1152xi32, #tpu.memory_space<vmem>>
      %dma_wait3A_262 = arith.constant 0 : i32
      %dma_wait3A_263 = tpu.memref_slice %arg5[%dma_wait3A_262] : memref<2000000xi32, #tpu.memory_space<hbm>> -> memref<1152xi32, #tpu.memory_space<hbm>>
      %dma_wait3A_264 = tpu.memref_slice %arg33[%dma_wait3A_258] : memref<2x!tpu.dma_semaphore, #tpu.memory_space<semaphore_mem>> -> memref<1x!tpu.dma_semaphore, #tpu.memory_space<semaphore_mem>>
      %dma_wait3A_265 = tpu.memref_squeeze %dma_wait3A_264 : memref<1x!tpu.dma_semaphore, #tpu.memory_space<semaphore_mem>> -> memref<!tpu.dma_semaphore, #tpu.memory_space<semaphore_mem>>
      %dma_wait3A_266 = arith.constant 0 : i32
      %dma_wait3A_267 = tpu.memref_slice %arg18[%dma_wait3A_257, %dma_wait3A_266] : memref<2x4096xi32, #tpu.memory_space<vmem>> -> memref<1x1152xi32, #tpu.memory_space<vmem>>
      %dma_wait3A_268 = tpu.memref_squeeze %dma_wait3A_267 : memref<1x1152xi32, #tpu.memory_space<vmem>> -> memref<1152xi32, #tpu.memory_space<vmem>>
      %dma_wait3A_269 = arith.constant 0 : i32
      %dma_wait3A_270 = tpu.memref_slice %arg5[%dma_wait3A_269] : memref<2000000xi32, #tpu.memory_space<hbm>> -> memref<1152xi32, #tpu.memory_space<hbm>>
      tpu.wait_dma2 semaphore(%dma_wait3A_265 : memref<!tpu.dma_semaphore, #tpu.memory_space<semaphore_mem>>) src(%dma_wait3A_270 : memref<1152xi32, #tpu.memory_space<hbm>>) dst(%dma_wait3A_268 : memref<1152xi32, #tpu.memory_space<vmem>>)
      %dma_wait3A_271 = arith.constant 0 : i32
      %dma_wait3A_272 = arith.constant 0 : i32
      %dma_wait3A_273 = arith.constant 0 : i32
      %dma_wait3A_274 = tpu.memref_slice %arg20[%dma_wait3A_271, %dma_wait3A_273] : memref<2x4096xf32, #tpu.memory_space<vmem>> -> memref<1x1152xf32, #tpu.memory_space<vmem>>
      %dma_wait3A_275 = tpu.memref_squeeze %dma_wait3A_274 : memref<1x1152xf32, #tpu.memory_space<vmem>> -> memref<1152xf32, #tpu.memory_space<vmem>>
      %dma_wait3A_276 = arith.constant 0 : i32
      %dma_wait3A_277 = tpu.memref_slice %arg2[%dma_wait3A_276] : memref<2000000xf32, #tpu.memory_space<hbm>> -> memref<1152xf32, #tpu.memory_space<hbm>>
      %dma_wait3A_278 = tpu.memref_slice %arg33[%dma_wait3A_272] : memref<2x!tpu.dma_semaphore, #tpu.memory_space<semaphore_mem>> -> memref<1x!tpu.dma_semaphore, #tpu.memory_space<semaphore_mem>>
      %dma_wait3A_279 = tpu.memref_squeeze %dma_wait3A_278 : memref<1x!tpu.dma_semaphore, #tpu.memory_space<semaphore_mem>> -> memref<!tpu.dma_semaphore, #tpu.memory_space<semaphore_mem>>
      %dma_wait3A_280 = arith.constant 0 : i32
      %dma_wait3A_281 = tpu.memref_slice %arg20[%dma_wait3A_271, %dma_wait3A_280] : memref<2x4096xf32, #tpu.memory_space<vmem>> -> memref<1x1152xf32, #tpu.memory_space<vmem>>
      %dma_wait3A_282 = tpu.memref_squeeze %dma_wait3A_281 : memref<1x1152xf32, #tpu.memory_space<vmem>> -> memref<1152xf32, #tpu.memory_space<vmem>>
      %dma_wait3A_283 = arith.constant 0 : i32
      %dma_wait3A_284 = tpu.memref_slice %arg2[%dma_wait3A_283] : memref<2000000xf32, #tpu.memory_space<hbm>> -> memref<1152xf32, #tpu.memory_space<hbm>>
      tpu.wait_dma2 semaphore(%dma_wait3A_279 : memref<!tpu.dma_semaphore, #tpu.memory_space<semaphore_mem>>) src(%dma_wait3A_284 : memref<1152xf32, #tpu.memory_space<hbm>>) dst(%dma_wait3A_282 : memref<1152xf32, #tpu.memory_space<vmem>>)
      %dma_wait3A_285 = arith.constant 0 : i32
      %dma_wait3A_286 = arith.constant 0 : i32
      %dma_wait3A_287 = arith.constant 0 : i32
      %dma_wait3A_288 = tpu.memref_slice %arg21[%dma_wait3A_285, %dma_wait3A_287] : memref<2x4096xf32, #tpu.memory_space<vmem>> -> memref<1x1152xf32, #tpu.memory_space<vmem>>
      %dma_wait3A_289 = tpu.memref_squeeze %dma_wait3A_288 : memref<1x1152xf32, #tpu.memory_space<vmem>> -> memref<1152xf32, #tpu.memory_space<vmem>>
      %dma_wait3A_290 = arith.constant 0 : i32
      %dma_wait3A_291 = tpu.memref_slice %arg3[%dma_wait3A_290] : memref<2000000xf32, #tpu.memory_space<hbm>> -> memref<1152xf32, #tpu.memory_space<hbm>>
      %dma_wait3A_292 = tpu.memref_slice %arg33[%dma_wait3A_286] : memref<2x!tpu.dma_semaphore, #tpu.memory_space<semaphore_mem>> -> memref<1x!tpu.dma_semaphore, #tpu.memory_space<semaphore_mem>>
      %dma_wait3A_293 = tpu.memref_squeeze %dma_wait3A_292 : memref<1x!tpu.dma_semaphore, #tpu.memory_space<semaphore_mem>> -> memref<!tpu.dma_semaphore, #tpu.memory_space<semaphore_mem>>
      %dma_wait3A_294 = arith.constant 0 : i32
      %dma_wait3A_295 = tpu.memref_slice %arg21[%dma_wait3A_285, %dma_wait3A_294] : memref<2x4096xf32, #tpu.memory_space<vmem>> -> memref<1x1152xf32, #tpu.memory_space<vmem>>
      %dma_wait3A_296 = tpu.memref_squeeze %dma_wait3A_295 : memref<1x1152xf32, #tpu.memory_space<vmem>> -> memref<1152xf32, #tpu.memory_space<vmem>>
      %dma_wait3A_297 = arith.constant 0 : i32
      %dma_wait3A_298 = tpu.memref_slice %arg3[%dma_wait3A_297] : memref<2000000xf32, #tpu.memory_space<hbm>> -> memref<1152xf32, #tpu.memory_space<hbm>>
      tpu.wait_dma2 semaphore(%dma_wait3A_293 : memref<!tpu.dma_semaphore, #tpu.memory_space<semaphore_mem>>) src(%dma_wait3A_298 : memref<1152xf32, #tpu.memory_space<hbm>>) dst(%dma_wait3A_296 : memref<1152xf32, #tpu.memory_space<vmem>>)
      %dma_wait3A_299 = arith.constant 0 : i32
      %dma_wait3A_300 = arith.constant 0 : i32
      %dma_wait3A_301 = arith.constant 0 : i32
      %dma_wait3A_302 = tpu.memref_slice %arg22[%dma_wait3A_299, %dma_wait3A_301] : memref<2x4096xf32, #tpu.memory_space<vmem>> -> memref<1x1152xf32, #tpu.memory_space<vmem>>
      %dma_wait3A_303 = tpu.memref_squeeze %dma_wait3A_302 : memref<1x1152xf32, #tpu.memory_space<vmem>> -> memref<1152xf32, #tpu.memory_space<vmem>>
      %dma_wait3A_304 = arith.constant 0 : i32
      %dma_wait3A_305 = tpu.memref_slice %arg4[%dma_wait3A_304] : memref<2000000xf32, #tpu.memory_space<hbm>> -> memref<1152xf32, #tpu.memory_space<hbm>>
      %dma_wait3A_306 = tpu.memref_slice %arg33[%dma_wait3A_300] : memref<2x!tpu.dma_semaphore, #tpu.memory_space<semaphore_mem>> -> memref<1x!tpu.dma_semaphore, #tpu.memory_space<semaphore_mem>>
      %dma_wait3A_307 = tpu.memref_squeeze %dma_wait3A_306 : memref<1x!tpu.dma_semaphore, #tpu.memory_space<semaphore_mem>> -> memref<!tpu.dma_semaphore, #tpu.memory_space<semaphore_mem>>
      %dma_wait3A_308 = arith.constant 0 : i32
      %dma_wait3A_309 = tpu.memref_slice %arg22[%dma_wait3A_299, %dma_wait3A_308] : memref<2x4096xf32, #tpu.memory_space<vmem>> -> memref<1x1152xf32, #tpu.memory_space<vmem>>
      %dma_wait3A_310 = tpu.memref_squeeze %dma_wait3A_309 : memref<1x1152xf32, #tpu.memory_space<vmem>> -> memref<1152xf32, #tpu.memory_space<vmem>>
      %dma_wait3A_311 = arith.constant 0 : i32
      %dma_wait3A_312 = tpu.memref_slice %arg4[%dma_wait3A_311] : memref<2000000xf32, #tpu.memory_space<hbm>> -> memref<1152xf32, #tpu.memory_space<hbm>>
      tpu.wait_dma2 semaphore(%dma_wait3A_307 : memref<!tpu.dma_semaphore, #tpu.memory_space<semaphore_mem>>) src(%dma_wait3A_312 : memref<1152xf32, #tpu.memory_space<hbm>>) dst(%dma_wait3A_310 : memref<1152xf32, #tpu.memory_space<vmem>>)
      %dma_wait3A_313 = arith.constant 0 : i32
      %dma_wait3A_314 = arith.constant 0 : i32
      %dma_wait3A_315 = arith.constant 0 : i32
      %dma_wait3A_316 = tpu.memref_slice %arg23[%dma_wait3A_313, %dma_wait3A_315] : memref<2x4096xf32, #tpu.memory_space<vmem>> -> memref<1x1152xf32, #tpu.memory_space<vmem>>
      %dma_wait3A_317 = tpu.memref_squeeze %dma_wait3A_316 : memref<1x1152xf32, #tpu.memory_space<vmem>> -> memref<1152xf32, #tpu.memory_space<vmem>>
      %dma_wait3A_318 = arith.constant 0 : i32
      %dma_wait3A_319 = tpu.memref_slice %arg14[%dma_wait3A_318] : memref<2000000xf32, #tpu.memory_space<hbm>> -> memref<1152xf32, #tpu.memory_space<hbm>>
      %dma_wait3A_320 = tpu.memref_slice %arg33[%dma_wait3A_314] : memref<2x!tpu.dma_semaphore, #tpu.memory_space<semaphore_mem>> -> memref<1x!tpu.dma_semaphore, #tpu.memory_space<semaphore_mem>>
      %dma_wait3A_321 = tpu.memref_squeeze %dma_wait3A_320 : memref<1x!tpu.dma_semaphore, #tpu.memory_space<semaphore_mem>> -> memref<!tpu.dma_semaphore, #tpu.memory_space<semaphore_mem>>
      %dma_wait3A_322 = arith.constant 0 : i32
      %dma_wait3A_323 = tpu.memref_slice %arg23[%dma_wait3A_313, %dma_wait3A_322] : memref<2x4096xf32, #tpu.memory_space<vmem>> -> memref<1x1152xf32, #tpu.memory_space<vmem>>
      %dma_wait3A_324 = tpu.memref_squeeze %dma_wait3A_323 : memref<1x1152xf32, #tpu.memory_space<vmem>> -> memref<1152xf32, #tpu.memory_space<vmem>>
      %dma_wait3A_325 = arith.constant 0 : i32
      %dma_wait3A_326 = tpu.memref_slice %arg14[%dma_wait3A_325] : memref<2000000xf32, #tpu.memory_space<hbm>> -> memref<1152xf32, #tpu.memory_space<hbm>>
      tpu.wait_dma2 semaphore(%dma_wait3A_321 : memref<!tpu.dma_semaphore, #tpu.memory_space<semaphore_mem>>) src(%dma_wait3A_326 : memref<1152xf32, #tpu.memory_space<hbm>>) dst(%dma_wait3A_324 : memref<1152xf32, #tpu.memory_space<vmem>>)
      %dma_wait3A_327 = arith.constant 0 : i32
      %dma_wait3A_328 = arith.constant 0 : i32
      %dma_wait3A_329 = arith.constant 0 : i32
      %dma_wait3A_330 = tpu.memref_slice %arg24[%dma_wait3A_327, %dma_wait3A_329] : memref<2x4096xf32, #tpu.memory_space<vmem>> -> memref<1x1152xf32, #tpu.memory_space<vmem>>
      %dma_wait3A_331 = tpu.memref_squeeze %dma_wait3A_330 : memref<1x1152xf32, #tpu.memory_space<vmem>> -> memref<1152xf32, #tpu.memory_space<vmem>>
      %dma_wait3A_332 = arith.constant 0 : i32
      %dma_wait3A_333 = tpu.memref_slice %arg11[%dma_wait3A_332] : memref<500000xf32, #tpu.memory_space<hbm>> -> memref<1152xf32, #tpu.memory_space<hbm>>
      %dma_wait3A_334 = tpu.memref_slice %arg34[%dma_wait3A_328] : memref<2x!tpu.dma_semaphore, #tpu.memory_space<semaphore_mem>> -> memref<1x!tpu.dma_semaphore, #tpu.memory_space<semaphore_mem>>
      %dma_wait3A_335 = tpu.memref_squeeze %dma_wait3A_334 : memref<1x!tpu.dma_semaphore, #tpu.memory_space<semaphore_mem>> -> memref<!tpu.dma_semaphore, #tpu.memory_space<semaphore_mem>>
      %dma_wait3A_336 = arith.constant 0 : i32
      %dma_wait3A_337 = tpu.memref_slice %arg24[%dma_wait3A_327, %dma_wait3A_336] : memref<2x4096xf32, #tpu.memory_space<vmem>> -> memref<1x1152xf32, #tpu.memory_space<vmem>>
      %dma_wait3A_338 = tpu.memref_squeeze %dma_wait3A_337 : memref<1x1152xf32, #tpu.memory_space<vmem>> -> memref<1152xf32, #tpu.memory_space<vmem>>
      %dma_wait3A_339 = arith.constant 0 : i32
      %dma_wait3A_340 = tpu.memref_slice %arg11[%dma_wait3A_339] : memref<500000xf32, #tpu.memory_space<hbm>> -> memref<1152xf32, #tpu.memory_space<hbm>>
      tpu.wait_dma2 semaphore(%dma_wait3A_335 : memref<!tpu.dma_semaphore, #tpu.memory_space<semaphore_mem>>) src(%dma_wait3A_340 : memref<1152xf32, #tpu.memory_space<hbm>>) dst(%dma_wait3A_338 : memref<1152xf32, #tpu.memory_space<vmem>>)
      %dma_wait3A_341 = arith.constant 0 : i32
      %dma_wait3A_342 = arith.constant 0 : i32
      %dma_wait3A_343 = arith.constant 0 : i32
      %dma_wait3A_344 = tpu.memref_slice %arg25[%dma_wait3A_341, %dma_wait3A_343] : memref<2x4096xf32, #tpu.memory_space<vmem>> -> memref<1x1152xf32, #tpu.memory_space<vmem>>
      %dma_wait3A_345 = tpu.memref_squeeze %dma_wait3A_344 : memref<1x1152xf32, #tpu.memory_space<vmem>> -> memref<1152xf32, #tpu.memory_space<vmem>>
      %dma_wait3A_346 = arith.constant 0 : i32
      %dma_wait3A_347 = tpu.memref_slice %arg11[%dma_wait3A_346] : memref<500000xf32, #tpu.memory_space<hbm>> -> memref<1152xf32, #tpu.memory_space<hbm>>
      %dma_wait3A_348 = tpu.memref_slice %arg34[%dma_wait3A_342] : memref<2x!tpu.dma_semaphore, #tpu.memory_space<semaphore_mem>> -> memref<1x!tpu.dma_semaphore, #tpu.memory_space<semaphore_mem>>
      %dma_wait3A_349 = tpu.memref_squeeze %dma_wait3A_348 : memref<1x!tpu.dma_semaphore, #tpu.memory_space<semaphore_mem>> -> memref<!tpu.dma_semaphore, #tpu.memory_space<semaphore_mem>>
      %dma_wait3A_350 = arith.constant 0 : i32
      %dma_wait3A_351 = tpu.memref_slice %arg25[%dma_wait3A_341, %dma_wait3A_350] : memref<2x4096xf32, #tpu.memory_space<vmem>> -> memref<1x1152xf32, #tpu.memory_space<vmem>>
      %dma_wait3A_352 = tpu.memref_squeeze %dma_wait3A_351 : memref<1x1152xf32, #tpu.memory_space<vmem>> -> memref<1152xf32, #tpu.memory_space<vmem>>
      %dma_wait3A_353 = arith.constant 0 : i32
      %dma_wait3A_354 = tpu.memref_slice %arg11[%dma_wait3A_353] : memref<500000xf32, #tpu.memory_space<hbm>> -> memref<1152xf32, #tpu.memory_space<hbm>>
      tpu.wait_dma2 semaphore(%dma_wait3A_349 : memref<!tpu.dma_semaphore, #tpu.memory_space<semaphore_mem>>) src(%dma_wait3A_354 : memref<1152xf32, #tpu.memory_space<hbm>>) dst(%dma_wait3A_352 : memref<1152xf32, #tpu.memory_space<vmem>>)
      %dma_wait3A_355 = arith.constant 0 : i32
      %dma_wait3A_356 = arith.constant 0 : i32
      %dma_wait3A_357 = arith.constant 0 : i32
      %dma_wait3A_358 = tpu.memref_slice %arg26[%dma_wait3A_355, %dma_wait3A_357] : memref<2x4096xf32, #tpu.memory_space<vmem>> -> memref<1x1152xf32, #tpu.memory_space<vmem>>
      %dma_wait3A_359 = tpu.memref_squeeze %dma_wait3A_358 : memref<1x1152xf32, #tpu.memory_space<vmem>> -> memref<1152xf32, #tpu.memory_space<vmem>>
      %dma_wait3A_360 = arith.constant 0 : i32
      %dma_wait3A_361 = tpu.memref_slice %arg11[%dma_wait3A_360] : memref<500000xf32, #tpu.memory_space<hbm>> -> memref<1152xf32, #tpu.memory_space<hbm>>
      %dma_wait3A_362 = tpu.memref_slice %arg34[%dma_wait3A_356] : memref<2x!tpu.dma_semaphore, #tpu.memory_space<semaphore_mem>> -> memref<1x!tpu.dma_semaphore, #tpu.memory_space<semaphore_mem>>
      %dma_wait3A_363 = tpu.memref_squeeze %dma_wait3A_362 : memref<1x!tpu.dma_semaphore, #tpu.memory_space<semaphore_mem>> -> memref<!tpu.dma_semaphore, #tpu.memory_space<semaphore_mem>>
      %dma_wait3A_364 = arith.constant 0 : i32
      %dma_wait3A_365 = tpu.memref_slice %arg26[%dma_wait3A_355, %dma_wait3A_364] : memref<2x4096xf32, #tpu.memory_space<vmem>> -> memref<1x1152xf32, #tpu.memory_space<vmem>>
      %dma_wait3A_366 = tpu.memref_squeeze %dma_wait3A_365 : memref<1x1152xf32, #tpu.memory_space<vmem>> -> memref<1152xf32, #tpu.memory_space<vmem>>
      %dma_wait3A_367 = arith.constant 0 : i32
      %dma_wait3A_368 = tpu.memref_slice %arg11[%dma_wait3A_367] : memref<500000xf32, #tpu.memory_space<hbm>> -> memref<1152xf32, #tpu.memory_space<hbm>>
      tpu.wait_dma2 semaphore(%dma_wait3A_363 : memref<!tpu.dma_semaphore, #tpu.memory_space<semaphore_mem>>) src(%dma_wait3A_368 : memref<1152xf32, #tpu.memory_space<hbm>>) dst(%dma_wait3A_366 : memref<1152xf32, #tpu.memory_space<vmem>>)
      %scan3A = arith.constant 0 : i32
      %scan3A_369 = arith.constant 0 : i32
      %scan3A_370 = arith.constant 72 : i32
      %scan3A_371 = arith.addi %scan3A_369, %scan3A_370 : i32
      %scan3A_372 = arith.constant 4 : i32
      scf.for %scan3A_377 = %scan3A_369 to %scan3A_371 step %scan3A_372  : i32 {
        %mul3A_378 = arith.constant 16 : i32
        %mul3A_379 = arith.muli %scan3A_377, %mul3A_378 : i32
        %get3A = arith.constant 0 : i32
        %get3A_380 = arith.index_cast %get3A : i32 to index
        %get3A_381 = arith.index_cast %mul3A_379 : i32 to index
        %get3A_382 = tpu.vector_load %arg18[%get3A_380, %get3A_381] {strides = array<i32>} : memref<2x4096xi32, #tpu.memory_space<vmem>>, vector<16xi32>,
        %get3A_383 = arith.constant 0 : i32
        %get3A_384 = arith.index_cast %get3A_383 : i32 to index
        %get3A_385 = arith.index_cast %mul3A_379 : i32 to index
        %get3A_386 = tpu.vector_load %arg20[%get3A_384, %get3A_385] {strides = array<i32>} : memref<2x4096xf32, #tpu.memory_space<vmem>>, vector<16xf32>,
        %get3A_387 = arith.constant 0 : i32
        %get3A_388 = arith.index_cast %get3A_387 : i32 to index
        %get3A_389 = arith.index_cast %mul3A_379 : i32 to index
        %get3A_390 = tpu.vector_load %arg21[%get3A_388, %get3A_389] {strides = array<i32>} : memref<2x4096xf32, #tpu.memory_space<vmem>>, vector<16xf32>,
        %get3A_391 = arith.constant 0 : i32
        %get3A_392 = arith.index_cast %get3A_391 : i32 to index
        %get3A_393 = arith.index_cast %mul3A_379 : i32 to index
        %get3A_394 = tpu.vector_load %arg22[%get3A_392, %get3A_393] {strides = array<i32>} : memref<2x4096xf32, #tpu.memory_space<vmem>>, vector<16xf32>,
        %get3A_395 = arith.constant 0 : i32
        %get3A_396 = arith.index_cast %get3A_395 : i32 to index
        %get3A_397 = arith.index_cast %mul3A_379 : i32 to index
        %get3A_398 = tpu.vector_load %arg24[%get3A_396, %get3A_397] {strides = array<i32>} : memref<2x4096xf32, #tpu.memory_space<vmem>>, vector<16xf32>,
        %get3A_399 = arith.constant 0 : i32
        %get3A_400 = arith.index_cast %get3A_399 : i32 to index
        %get3A_401 = arith.index_cast %mul3A_379 : i32 to index
        %get3A_402 = tpu.vector_load %arg25[%get3A_400, %get3A_401] {strides = array<i32>} : memref<2x4096xf32, #tpu.memory_space<vmem>>, vector<16xf32>,
        %get3A_403 = arith.constant 0 : i32
        %get3A_404 = arith.index_cast %get3A_403 : i32 to index
        %get3A_405 = arith.index_cast %mul3A_379 : i32 to index
        %get3A_406 = tpu.vector_load %arg26[%get3A_404, %get3A_405] {strides = array<i32>} : memref<2x4096xf32, #tpu.memory_space<vmem>>, vector<16xf32>,
        %get3A_407 = arith.constant 0 : i32
        %get3A_408 = arith.index_cast %get3A_407 : i32 to index
        %get3A_409 = arith.index_cast %mul3A_379 : i32 to index
        %get3A_410 = tpu.vector_load %arg23[%get3A_408, %get3A_409] {strides = array<i32>} : memref<2x4096xf32, #tpu.memory_space<vmem>>, vector<16xf32>,
        %broadcast_in_dim3A = arith.constant 0 : i32
        %broadcast_in_dim3A_411 = vector.broadcast %broadcast_in_dim3A : i32 to vector<16xi32>
        %gather3A = tpu.vector_load_idx %arg30[%broadcast_in_dim3A_411, %get3A_382] : memref<3x5000xf32, #tpu.memory_space<vmem>>[vector<16xi32>, vector<16xi32>], vector<16xf32>,
        %broadcast_in_dim3A_412 = arith.constant 1 : i32
        %broadcast_in_dim3A_413 = vector.broadcast %broadcast_in_dim3A_412 : i32 to vector<16xi32>
        %gather3A_414 = tpu.vector_load_idx %arg30[%broadcast_in_dim3A_413, %get3A_382] : memref<3x5000xf32, #tpu.memory_space<vmem>>[vector<16xi32>, vector<16xi32>], vector<16xf32>,
        %broadcast_in_dim3A_415 = arith.constant 2 : i32
        %broadcast_in_dim3A_416 = vector.broadcast %broadcast_in_dim3A_415 : i32 to vector<16xi32>
        %gather3A_417 = tpu.vector_load_idx %arg30[%broadcast_in_dim3A_416, %get3A_382] : memref<3x5000xf32, #tpu.memory_space<vmem>>[vector<16xi32>, vector<16xi32>], vector<16xf32>,
        %gather3A_418 = tpu.vector_load_idx %arg31[%get3A_382] : memref<5000xf32, #tpu.memory_space<vmem>>[vector<16xi32>], vector<16xf32>,
        %mul3A_419 = arith.mulf %get3A_386, %get3A_386 : vector<16xf32>
        %mul3A_420 = arith.mulf %get3A_390, %get3A_390 : vector<16xf32>
        %add3A_421 = arith.addf %mul3A_419, %mul3A_420 : vector<16xf32>
        %mul3A_422 = arith.mulf %get3A_394, %get3A_394 : vector<16xf32>
        %add3A_423 = arith.addf %add3A_421, %mul3A_422 : vector<16xf32>
        %ge3A = arith.constant 1.000000e-16 : f32
        %ge3A_424 = vector.broadcast %ge3A : f32 to vector<16xf32>
        %ge3A_425 = arith.cmpf oge, %add3A_423, %ge3A_424 : vector<16xf32>
        %bitcast3A = vector.bitcast %add3A_423 : vector<16xf32> to vector<16xi32>
        %shift_right_arithmetic3A = arith.constant 1 : i32
        %shift_right_arithmetic3A_426 = vector.broadcast %shift_right_arithmetic3A : i32 to vector<16xi32>
        %shift_right_arithmetic3A_427 = arith.shrsi %bitcast3A, %shift_right_arithmetic3A_426 : vector<16xi32>
        %sub3A_428 = arith.constant 1597463007 : i32
        %sub3A_429 = vector.broadcast %sub3A_428 : i32 to vector<16xi32>
        %sub3A_430 = arith.subi %sub3A_429, %shift_right_arithmetic3A_427 : vector<16xi32>
        %bitcast3A_431 = vector.bitcast %sub3A_430 : vector<16xi32> to vector<16xf32>
        %mul3A_432 = arith.constant 5.000000e-01 : f32
        %mul3A_433 = vector.broadcast %mul3A_432 : f32 to vector<16xf32>
        %mul3A_434 = arith.mulf %mul3A_433, %add3A_423 : vector<16xf32>
        %mul3A_435 = arith.mulf %mul3A_434, %bitcast3A_431 : vector<16xf32>
        %mul3A_436 = arith.mulf %mul3A_435, %bitcast3A_431 : vector<16xf32>
        %sub3A_437 = arith.constant 1.500000e+00 : f32
        %sub3A_438 = vector.broadcast %sub3A_437 : f32 to vector<16xf32>
        %sub3A_439 = arith.subf %sub3A_438, %mul3A_436 : vector<16xf32>
        %mul3A_440 = arith.mulf %bitcast3A_431, %sub3A_439 : vector<16xf32>
        %mul3A_441 = arith.mulf %mul3A_434, %mul3A_440 : vector<16xf32>
        %mul3A_442 = arith.mulf %mul3A_441, %mul3A_440 : vector<16xf32>
        %sub3A_443 = arith.constant 1.500000e+00 : f32
        %sub3A_444 = vector.broadcast %sub3A_443 : f32 to vector<16xf32>
        %sub3A_445 = arith.subf %sub3A_444, %mul3A_442 : vector<16xf32>
        %mul3A_446 = arith.mulf %mul3A_440, %sub3A_445 : vector<16xf32>
        %mul3A_447 = arith.mulf %mul3A_434, %mul3A_446 : vector<16xf32>
        %mul3A_448 = arith.mulf %mul3A_447, %mul3A_446 : vector<16xf32>
        %sub3A_449 = arith.constant 1.500000e+00 : f32
        %sub3A_450 = vector.broadcast %sub3A_449 : f32 to vector<16xf32>
        %sub3A_451 = arith.subf %sub3A_450, %mul3A_448 : vector<16xf32>
        %mul3A_452 = arith.mulf %mul3A_446, %sub3A_451 : vector<16xf32>
        %jit3A_453 = arith.constant 1.000000e+08 : f32
        %broadcast_in_dim3A_454 = vector.broadcast %jit3A_453 : f32 to vector<16xf32>
        %select_n3A_455 = arith.select %ge3A_425, %mul3A_452, %broadcast_in_dim3A_454 : vector<16xi1>, vector<16xf32>
        %gt3A = arith.constant 5.000000e-01 : f32
        %gt3A_456 = vector.broadcast %gt3A : f32 to vector<16xf32>
        %gt3A_457 = arith.cmpf ogt, %gather3A_418, %gt3A_456 : vector<16xf32>
        %jit3A_458 = arith.constant 1.000000e+00 : f32
        %broadcast_in_dim3A_459 = vector.broadcast %jit3A_458 : f32 to vector<16xf32>
        %select_n3A_460 = arith.select %gt3A_457, %broadcast_in_dim3A_459, %select_n3A_455 : vector<16xi1>, vector<16xf32>
        %mul3A_461 = arith.mulf %get3A_410, %select_n3A_460 : vector<16xf32>
        %sub3A_462 = arith.subf %get3A_398, %gather3A : vector<16xf32>
        %mul3A_463 = arith.mulf %mul3A_461, %get3A_386 : vector<16xf32>
        %sub3A_464 = arith.subf %sub3A_462, %mul3A_463 : vector<16xf32>
        %swap3A = arith.constant 0 : i32
        %swap3A_465 = arith.index_cast %swap3A : i32 to index
        %swap3A_466 = arith.index_cast %mul3A_379 : i32 to index
        %swap3A_467 = tpu.vector_load %arg27[%swap3A_465, %swap3A_466] {strides = array<i32>} : memref<2x4096xf32, #tpu.memory_space<vmem>>, vector<16xf32>,
        tpu.vector_store %arg27[%swap3A_465, %swap3A_466], %sub3A_464 {strides = array<i32>} : memref<2x4096xf32, #tpu.memory_space<vmem>>, vector<16xf32>,
        %sub3A_468 = arith.subf %get3A_402, %gather3A_414 : vector<16xf32>
        %mul3A_469 = arith.mulf %mul3A_461, %get3A_390 : vector<16xf32>
        %sub3A_470 = arith.subf %sub3A_468, %mul3A_469 : vector<16xf32>
        %swap3A_471 = arith.constant 0 : i32
        %swap3A_472 = arith.index_cast %swap3A_471 : i32 to index
        %swap3A_473 = arith.index_cast %mul3A_379 : i32 to index
        %swap3A_474 = tpu.vector_load %arg28[%swap3A_472, %swap3A_473] {strides = array<i32>} : memref<2x4096xf32, #tpu.memory_space<vmem>>, vector<16xf32>,
        tpu.vector_store %arg28[%swap3A_472, %swap3A_473], %sub3A_470 {strides = array<i32>} : memref<2x4096xf32, #tpu.memory_space<vmem>>, vector<16xf32>,
        %sub3A_475 = arith.subf %get3A_406, %gather3A_417 : vector<16xf32>
        %mul3A_476 = arith.mulf %mul3A_461, %get3A_394 : vector<16xf32>
        %sub3A_477 = arith.subf %sub3A_475, %mul3A_476 : vector<16xf32>
        %swap3A_478 = arith.constant 0 : i32
        %swap3A_479 = arith.index_cast %swap3A_478 : i32 to index
        %swap3A_480 = arith.index_cast %mul3A_379 : i32 to index
        %swap3A_481 = tpu.vector_load %arg29[%swap3A_479, %swap3A_480] {strides = array<i32>} : memref<2x4096xf32, #tpu.memory_space<vmem>>, vector<16xf32>,
        tpu.vector_store %arg29[%swap3A_479, %swap3A_480], %sub3A_477 {strides = array<i32>} : memref<2x4096xf32, #tpu.memory_space<vmem>>, vector<16xf32>,
        %scan3A_482 = arith.constant 1 : i32
        %scan3A_483 = arith.addi %scan3A_377, %scan3A_482 : i32
        %mul3A_484 = arith.constant 16 : i32
        %mul3A_485 = arith.muli %scan3A_483, %mul3A_484 : i32
        %get3A_486 = arith.constant 0 : i32
        %get3A_487 = arith.index_cast %get3A_486 : i32 to index
        %get3A_488 = arith.index_cast %mul3A_485 : i32 to index
        %get3A_489 = tpu.vector_load %arg18[%get3A_487, %get3A_488] {strides = array<i32>} : memref<2x4096xi32, #tpu.memory_space<vmem>>, vector<16xi32>,
        %get3A_490 = arith.constant 0 : i32
        %get3A_491 = arith.index_cast %get3A_490 : i32 to index
        %get3A_492 = arith.index_cast %mul3A_485 : i32 to index
        %get3A_493 = tpu.vector_load %arg20[%get3A_491, %get3A_492] {strides = array<i32>} : memref<2x4096xf32, #tpu.memory_space<vmem>>, vector<16xf32>,
        %get3A_494 = arith.constant 0 : i32
        %get3A_495 = arith.index_cast %get3A_494 : i32 to index
        %get3A_496 = arith.index_cast %mul3A_485 : i32 to index
        %get3A_497 = tpu.vector_load %arg21[%get3A_495, %get3A_496] {strides = array<i32>} : memref<2x4096xf32, #tpu.memory_space<vmem>>, vector<16xf32>,
        %get3A_498 = arith.constant 0 : i32
        %get3A_499 = arith.index_cast %get3A_498 : i32 to index
        %get3A_500 = arith.index_cast %mul3A_485 : i32 to index
        %get3A_501 = tpu.vector_load %arg22[%get3A_499, %get3A_500] {strides = array<i32>} : memref<2x4096xf32, #tpu.memory_space<vmem>>, vector<16xf32>,
        %get3A_502 = arith.constant 0 : i32
        %get3A_503 = arith.index_cast %get3A_502 : i32 to index
        %get3A_504 = arith.index_cast %mul3A_485 : i32 to index
        %get3A_505 = tpu.vector_load %arg24[%get3A_503, %get3A_504] {strides = array<i32>} : memref<2x4096xf32, #tpu.memory_space<vmem>>, vector<16xf32>,
        %get3A_506 = arith.constant 0 : i32
        %get3A_507 = arith.index_cast %get3A_506 : i32 to index
        %get3A_508 = arith.index_cast %mul3A_485 : i32 to index
        %get3A_509 = tpu.vector_load %arg25[%get3A_507, %get3A_508] {strides = array<i32>} : memref<2x4096xf32, #tpu.memory_space<vmem>>, vector<16xf32>,
        %get3A_510 = arith.constant 0 : i32
        %get3A_511 = arith.index_cast %get3A_510 : i32 to index
        %get3A_512 = arith.index_cast %mul3A_485 : i32 to index
        %get3A_513 = tpu.vector_load %arg26[%get3A_511, %get3A_512] {strides = array<i32>} : memref<2x4096xf32, #tpu.memory_space<vmem>>, vector<16xf32>,
        %get3A_514 = arith.constant 0 : i32
        %get3A_515 = arith.index_cast %get3A_514 : i32 to index
        %get3A_516 = arith.index_cast %mul3A_485 : i32 to index
        %get3A_517 = tpu.vector_load %arg23[%get3A_515, %get3A_516] {strides = array<i32>} : memref<2x4096xf32, #tpu.memory_space<vmem>>, vector<16xf32>,
        %broadcast_in_dim3A_518 = arith.constant 0 : i32
        %broadcast_in_dim3A_519 = vector.broadcast %broadcast_in_dim3A_518 : i32 to vector<16xi32>
        %gather3A_520 = tpu.vector_load_idx %arg30[%broadcast_in_dim3A_519, %get3A_489] : memref<3x5000xf32, #tpu.memory_space<vmem>>[vector<16xi32>, vector<16xi32>], vector<16xf32>,
        %broadcast_in_dim3A_521 = arith.constant 1 : i32
        %broadcast_in_dim3A_522 = vector.broadcast %broadcast_in_dim3A_521 : i32 to vector<16xi32>
        %gather3A_523 = tpu.vector_load_idx %arg30[%broadcast_in_dim3A_522, %get3A_489] : memref<3x5000xf32, #tpu.memory_space<vmem>>[vector<16xi32>, vector<16xi32>], vector<16xf32>,
        %broadcast_in_dim3A_524 = arith.constant 2 : i32
        %broadcast_in_dim3A_525 = vector.broadcast %broadcast_in_dim3A_524 : i32 to vector<16xi32>
        %gather3A_526 = tpu.vector_load_idx %arg30[%broadcast_in_dim3A_525, %get3A_489] : memref<3x5000xf32, #tpu.memory_space<vmem>>[vector<16xi32>, vector<16xi32>], vector<16xf32>,
        %gather3A_527 = tpu.vector_load_idx %arg31[%get3A_489] : memref<5000xf32, #tpu.memory_space<vmem>>[vector<16xi32>], vector<16xf32>,
        %mul3A_528 = arith.mulf %get3A_493, %get3A_493 : vector<16xf32>
        %mul3A_529 = arith.mulf %get3A_497, %get3A_497 : vector<16xf32>
        %add3A_530 = arith.addf %mul3A_528, %mul3A_529 : vector<16xf32>
        %mul3A_531 = arith.mulf %get3A_501, %get3A_501 : vector<16xf32>
        %add3A_532 = arith.addf %add3A_530, %mul3A_531 : vector<16xf32>
        %ge3A_533 = arith.constant 1.000000e-16 : f32
        %ge3A_534 = vector.broadcast %ge3A_533 : f32 to vector<16xf32>
        %ge3A_535 = arith.cmpf oge, %add3A_532, %ge3A_534 : vector<16xf32>
        %bitcast3A_536 = vector.bitcast %add3A_532 : vector<16xf32> to vector<16xi32>
        %shift_right_arithmetic3A_537 = arith.constant 1 : i32
        %shift_right_arithmetic3A_538 = vector.broadcast %shift_right_arithmetic3A_537 : i32 to vector<16xi32>
        %shift_right_arithmetic3A_539 = arith.shrsi %bitcast3A_536, %shift_right_arithmetic3A_538 : vector<16xi32>
        %sub3A_540 = arith.constant 1597463007 : i32
        %sub3A_541 = vector.broadcast %sub3A_540 : i32 to vector<16xi32>
        %sub3A_542 = arith.subi %sub3A_541, %shift_right_arithmetic3A_539 : vector<16xi32>
        %bitcast3A_543 = vector.bitcast %sub3A_542 : vector<16xi32> to vector<16xf32>
        %mul3A_544 = arith.constant 5.000000e-01 : f32
        %mul3A_545 = vector.broadcast %mul3A_544 : f32 to vector<16xf32>
        %mul3A_546 = arith.mulf %mul3A_545, %add3A_532 : vector<16xf32>
        %mul3A_547 = arith.mulf %mul3A_546, %bitcast3A_543 : vector<16xf32>
        %mul3A_548 = arith.mulf %mul3A_547, %bitcast3A_543 : vector<16xf32>
        %sub3A_549 = arith.constant 1.500000e+00 : f32
        %sub3A_550 = vector.broadcast %sub3A_549 : f32 to vector<16xf32>
        %sub3A_551 = arith.subf %sub3A_550, %mul3A_548 : vector<16xf32>
        %mul3A_552 = arith.mulf %bitcast3A_543, %sub3A_551 : vector<16xf32>
        %mul3A_553 = arith.mulf %mul3A_546, %mul3A_552 : vector<16xf32>
        %mul3A_554 = arith.mulf %mul3A_553, %mul3A_552 : vector<16xf32>
        %sub3A_555 = arith.constant 1.500000e+00 : f32
        %sub3A_556 = vector.broadcast %sub3A_555 : f32 to vector<16xf32>
        %sub3A_557 = arith.subf %sub3A_556, %mul3A_554 : vector<16xf32>
        %mul3A_558 = arith.mulf %mul3A_552, %sub3A_557 : vector<16xf32>
        %mul3A_559 = arith.mulf %mul3A_546, %mul3A_558 : vector<16xf32>
        %mul3A_560 = arith.mulf %mul3A_559, %mul3A_558 : vector<16xf32>
        %sub3A_561 = arith.constant 1.500000e+00 : f32
        %sub3A_562 = vector.broadcast %sub3A_561 : f32 to vector<16xf32>
        %sub3A_563 = arith.subf %sub3A_562, %mul3A_560 : vector<16xf32>
        %mul3A_564 = arith.mulf %mul3A_558, %sub3A_563 : vector<16xf32>
        %jit3A_565 = arith.constant 1.000000e+08 : f32
        %broadcast_in_dim3A_566 = vector.broadcast %jit3A_565 : f32 to vector<16xf32>
        %select_n3A_567 = arith.select %ge3A_535, %mul3A_564, %broadcast_in_dim3A_566 : vector<16xi1>, vector<16xf32>
        %gt3A_568 = arith.constant 5.000000e-01 : f32
        %gt3A_569 = vector.broadcast %gt3A_568 : f32 to vector<16xf32>
        %gt3A_570 = arith.cmpf ogt, %gather3A_527, %gt3A_569 : vector<16xf32>
        %jit3A_571 = arith.constant 1.000000e+00 : f32
        %broadcast_in_dim3A_572 = vector.broadcast %jit3A_571 : f32 to vector<16xf32>
        %select_n3A_573 = arith.select %gt3A_570, %broadcast_in_dim3A_572, %select_n3A_567 : vector<16xi1>, vector<16xf32>
        %mul3A_574 = arith.mulf %get3A_517, %select_n3A_573 : vector<16xf32>
        %sub3A_575 = arith.subf %get3A_505, %gather3A_520 : vector<16xf32>
        %mul3A_576 = arith.mulf %mul3A_574, %get3A_493 : vector<16xf32>
        %sub3A_577 = arith.subf %sub3A_575, %mul3A_576 : vector<16xf32>
        %swap3A_578 = arith.constant 0 : i32
        %swap3A_579 = arith.index_cast %swap3A_578 : i32 to index
        %swap3A_580 = arith.index_cast %mul3A_485 : i32 to index
        %swap3A_581 = tpu.vector_load %arg27[%swap3A_579, %swap3A_580] {strides = array<i32>} : memref<2x4096xf32, #tpu.memory_space<vmem>>, vector<16xf32>,
        tpu.vector_store %arg27[%swap3A_579, %swap3A_580], %sub3A_577 {strides = array<i32>} : memref<2x4096xf32, #tpu.memory_space<vmem>>, vector<16xf32>,
        %sub3A_582 = arith.subf %get3A_509, %gather3A_523 : vector<16xf32>
        %mul3A_583 = arith.mulf %mul3A_574, %get3A_497 : vector<16xf32>
        %sub3A_584 = arith.subf %sub3A_582, %mul3A_583 : vector<16xf32>
        %swap3A_585 = arith.constant 0 : i32
        %swap3A_586 = arith.index_cast %swap3A_585 : i32 to index
        %swap3A_587 = arith.index_cast %mul3A_485 : i32 to index
        %swap3A_588 = tpu.vector_load %arg28[%swap3A_586, %swap3A_587] {strides = array<i32>} : memref<2x4096xf32, #tpu.memory_space<vmem>>, vector<16xf32>,
        tpu.vector_store %arg28[%swap3A_586, %swap3A_587], %sub3A_584 {strides = array<i32>} : memref<2x4096xf32, #tpu.memory_space<vmem>>, vector<16xf32>,
        %sub3A_589 = arith.subf %get3A_513, %gather3A_526 : vector<16xf32>
        %mul3A_590 = arith.mulf %mul3A_574, %get3A_501 : vector<16xf32>
        %sub3A_591 = arith.subf %sub3A_589, %mul3A_590 : vector<16xf32>
        %swap3A_592 = arith.constant 0 : i32
        %swap3A_593 = arith.index_cast %swap3A_592 : i32 to index
        %swap3A_594 = arith.index_cast %mul3A_485 : i32 to index
        %swap3A_595 = tpu.vector_load %arg29[%swap3A_593, %swap3A_594] {strides = array<i32>} : memref<2x4096xf32, #tpu.memory_space<vmem>>, vector<16xf32>,
        tpu.vector_store %arg29[%swap3A_593, %swap3A_594], %sub3A_591 {strides = array<i32>} : memref<2x4096xf32, #tpu.memory_space<vmem>>, vector<16xf32>,
        %scan3A_596 = arith.constant 2 : i32
        %scan3A_597 = arith.addi %scan3A_377, %scan3A_596 : i32
        %mul3A_598 = arith.constant 16 : i32
        %mul3A_599 = arith.muli %scan3A_597, %mul3A_598 : i32
        %get3A_600 = arith.constant 0 : i32
        %get3A_601 = arith.index_cast %get3A_600 : i32 to index
        %get3A_602 = arith.index_cast %mul3A_599 : i32 to index
        %get3A_603 = tpu.vector_load %arg18[%get3A_601, %get3A_602] {strides = array<i32>} : memref<2x4096xi32, #tpu.memory_space<vmem>>, vector<16xi32>,
        %get3A_604 = arith.constant 0 : i32
        %get3A_605 = arith.index_cast %get3A_604 : i32 to index
        %get3A_606 = arith.index_cast %mul3A_599 : i32 to index
        %get3A_607 = tpu.vector_load %arg20[%get3A_605, %get3A_606] {strides = array<i32>} : memref<2x4096xf32, #tpu.memory_space<vmem>>, vector<16xf32>,
        %get3A_608 = arith.constant 0 : i32
        %get3A_609 = arith.index_cast %get3A_608 : i32 to index
        %get3A_610 = arith.index_cast %mul3A_599 : i32 to index
        %get3A_611 = tpu.vector_load %arg21[%get3A_609, %get3A_610] {strides = array<i32>} : memref<2x4096xf32, #tpu.memory_space<vmem>>, vector<16xf32>,
        %get3A_612 = arith.constant 0 : i32
        %get3A_613 = arith.index_cast %get3A_612 : i32 to index
        %get3A_614 = arith.index_cast %mul3A_599 : i32 to index
        %get3A_615 = tpu.vector_load %arg22[%get3A_613, %get3A_614] {strides = array<i32>} : memref<2x4096xf32, #tpu.memory_space<vmem>>, vector<16xf32>,
        %get3A_616 = arith.constant 0 : i32
        %get3A_617 = arith.index_cast %get3A_616 : i32 to index
        %get3A_618 = arith.index_cast %mul3A_599 : i32 to index
        %get3A_619 = tpu.vector_load %arg24[%get3A_617, %get3A_618] {strides = array<i32>} : memref<2x4096xf32, #tpu.memory_space<vmem>>, vector<16xf32>,
        %get3A_620 = arith.constant 0 : i32
        %get3A_621 = arith.index_cast %get3A_620 : i32 to index
        %get3A_622 = arith.index_cast %mul3A_599 : i32 to index
        %get3A_623 = tpu.vector_load %arg25[%get3A_621, %get3A_622] {strides = array<i32>} : memref<2x4096xf32, #tpu.memory_space<vmem>>, vector<16xf32>,
        %get3A_624 = arith.constant 0 : i32
        %get3A_625 = arith.index_cast %get3A_624 : i32 to index
        %get3A_626 = arith.index_cast %mul3A_599 : i32 to index
        %get3A_627 = tpu.vector_load %arg26[%get3A_625, %get3A_626] {strides = array<i32>} : memref<2x4096xf32, #tpu.memory_space<vmem>>, vector<16xf32>,
        %get3A_628 = arith.constant 0 : i32
        %get3A_629 = arith.index_cast %get3A_628 : i32 to index
        %get3A_630 = arith.index_cast %mul3A_599 : i32 to index
        %get3A_631 = tpu.vector_load %arg23[%get3A_629, %get3A_630] {strides = array<i32>} : memref<2x4096xf32, #tpu.memory_space<vmem>>, vector<16xf32>,
        %broadcast_in_dim3A_632 = arith.constant 0 : i32
        %broadcast_in_dim3A_633 = vector.broadcast %broadcast_in_dim3A_632 : i32 to vector<16xi32>
        %gather3A_634 = tpu.vector_load_idx %arg30[%broadcast_in_dim3A_633, %get3A_603] : memref<3x5000xf32, #tpu.memory_space<vmem>>[vector<16xi32>, vector<16xi32>], vector<16xf32>,
        %broadcast_in_dim3A_635 = arith.constant 1 : i32
        %broadcast_in_dim3A_636 = vector.broadcast %broadcast_in_dim3A_635 : i32 to vector<16xi32>
        %gather3A_637 = tpu.vector_load_idx %arg30[%broadcast_in_dim3A_636, %get3A_603] : memref<3x5000xf32, #tpu.memory_space<vmem>>[vector<16xi32>, vector<16xi32>], vector<16xf32>,
        %broadcast_in_dim3A_638 = arith.constant 2 : i32
        %broadcast_in_dim3A_639 = vector.broadcast %broadcast_in_dim3A_638 : i32 to vector<16xi32>
        %gather3A_640 = tpu.vector_load_idx %arg30[%broadcast_in_dim3A_639, %get3A_603] : memref<3x5000xf32, #tpu.memory_space<vmem>>[vector<16xi32>, vector<16xi32>], vector<16xf32>,
        %gather3A_641 = tpu.vector_load_idx %arg31[%get3A_603] : memref<5000xf32, #tpu.memory_space<vmem>>[vector<16xi32>], vector<16xf32>,
        %mul3A_642 = arith.mulf %get3A_607, %get3A_607 : vector<16xf32>
        %mul3A_643 = arith.mulf %get3A_611, %get3A_611 : vector<16xf32>
        %add3A_644 = arith.addf %mul3A_642, %mul3A_643 : vector<16xf32>
        %mul3A_645 = arith.mulf %get3A_615, %get3A_615 : vector<16xf32>
        %add3A_646 = arith.addf %add3A_644, %mul3A_645 : vector<16xf32>
        %ge3A_647 = arith.constant 1.000000e-16 : f32
        %ge3A_648 = vector.broadcast %ge3A_647 : f32 to vector<16xf32>
        %ge3A_649 = arith.cmpf oge, %add3A_646, %ge3A_648 : vector<16xf32>
        %bitcast3A_650 = vector.bitcast %add3A_646 : vector<16xf32> to vector<16xi32>
        %shift_right_arithmetic3A_651 = arith.constant 1 : i32
        %shift_right_arithmetic3A_652 = vector.broadcast %shift_right_arithmetic3A_651 : i32 to vector<16xi32>
        %shift_right_arithmetic3A_653 = arith.shrsi %bitcast3A_650, %shift_right_arithmetic3A_652 : vector<16xi32>
        %sub3A_654 = arith.constant 1597463007 : i32
        %sub3A_655 = vector.broadcast %sub3A_654 : i32 to vector<16xi32>
        %sub3A_656 = arith.subi %sub3A_655, %shift_right_arithmetic3A_653 : vector<16xi32>
        %bitcast3A_657 = vector.bitcast %sub3A_656 : vector<16xi32> to vector<16xf32>
        %mul3A_658 = arith.constant 5.000000e-01 : f32
        %mul3A_659 = vector.broadcast %mul3A_658 : f32 to vector<16xf32>
        %mul3A_660 = arith.mulf %mul3A_659, %add3A_646 : vector<16xf32>
        %mul3A_661 = arith.mulf %mul3A_660, %bitcast3A_657 : vector<16xf32>
        %mul3A_662 = arith.mulf %mul3A_661, %bitcast3A_657 : vector<16xf32>
        %sub3A_663 = arith.constant 1.500000e+00 : f32
        %sub3A_664 = vector.broadcast %sub3A_663 : f32 to vector<16xf32>
        %sub3A_665 = arith.subf %sub3A_664, %mul3A_662 : vector<16xf32>
        %mul3A_666 = arith.mulf %bitcast3A_657, %sub3A_665 : vector<16xf32>
        %mul3A_667 = arith.mulf %mul3A_660, %mul3A_666 : vector<16xf32>
        %mul3A_668 = arith.mulf %mul3A_667, %mul3A_666 : vector<16xf32>
        %sub3A_669 = arith.constant 1.500000e+00 : f32
        %sub3A_670 = vector.broadcast %sub3A_669 : f32 to vector<16xf32>
        %sub3A_671 = arith.subf %sub3A_670, %mul3A_668 : vector<16xf32>
        %mul3A_672 = arith.mulf %mul3A_666, %sub3A_671 : vector<16xf32>
        %mul3A_673 = arith.mulf %mul3A_660, %mul3A_672 : vector<16xf32>
        %mul3A_674 = arith.mulf %mul3A_673, %mul3A_672 : vector<16xf32>
        %sub3A_675 = arith.constant 1.500000e+00 : f32
        %sub3A_676 = vector.broadcast %sub3A_675 : f32 to vector<16xf32>
        %sub3A_677 = arith.subf %sub3A_676, %mul3A_674 : vector<16xf32>
        %mul3A_678 = arith.mulf %mul3A_672, %sub3A_677 : vector<16xf32>
        %jit3A_679 = arith.constant 1.000000e+08 : f32
        %broadcast_in_dim3A_680 = vector.broadcast %jit3A_679 : f32 to vector<16xf32>
        %select_n3A_681 = arith.select %ge3A_649, %mul3A_678, %broadcast_in_dim3A_680 : vector<16xi1>, vector<16xf32>
        %gt3A_682 = arith.constant 5.000000e-01 : f32
        %gt3A_683 = vector.broadcast %gt3A_682 : f32 to vector<16xf32>
        %gt3A_684 = arith.cmpf ogt, %gather3A_641, %gt3A_683 : vector<16xf32>
        %jit3A_685 = arith.constant 1.000000e+00 : f32
        %broadcast_in_dim3A_686 = vector.broadcast %jit3A_685 : f32 to vector<16xf32>
        %select_n3A_687 = arith.select %gt3A_684, %broadcast_in_dim3A_686, %select_n3A_681 : vector<16xi1>, vector<16xf32>
        %mul3A_688 = arith.mulf %get3A_631, %select_n3A_687 : vector<16xf32>
        %sub3A_689 = arith.subf %get3A_619, %gather3A_634 : vector<16xf32>
        %mul3A_690 = arith.mulf %mul3A_688, %get3A_607 : vector<16xf32>
        %sub3A_691 = arith.subf %sub3A_689, %mul3A_690 : vector<16xf32>
        %swap3A_692 = arith.constant 0 : i32
        %swap3A_693 = arith.index_cast %swap3A_692 : i32 to index
        %swap3A_694 = arith.index_cast %mul3A_599 : i32 to index
        %swap3A_695 = tpu.vector_load %arg27[%swap3A_693, %swap3A_694] {strides = array<i32>} : memref<2x4096xf32, #tpu.memory_space<vmem>>, vector<16xf32>,
        tpu.vector_store %arg27[%swap3A_693, %swap3A_694], %sub3A_691 {strides = array<i32>} : memref<2x4096xf32, #tpu.memory_space<vmem>>, vector<16xf32>,
        %sub3A_696 = arith.subf %get3A_623, %gather3A_637 : vector<16xf32>
        %mul3A_697 = arith.mulf %mul3A_688, %get3A_611 : vector<16xf32>
        %sub3A_698 = arith.subf %sub3A_696, %mul3A_697 : vector<16xf32>
        %swap3A_699 = arith.constant 0 : i32
        %swap3A_700 = arith.index_cast %swap3A_699 : i32 to index
        %swap3A_701 = arith.index_cast %mul3A_599 : i32 to index
        %swap3A_702 = tpu.vector_load %arg28[%swap3A_700, %swap3A_701] {strides = array<i32>} : memref<2x4096xf32, #tpu.memory_space<vmem>>, vector<16xf32>,
        tpu.vector_store %arg28[%swap3A_700, %swap3A_701], %sub3A_698 {strides = array<i32>} : memref<2x4096xf32, #tpu.memory_space<vmem>>, vector<16xf32>,
        %sub3A_703 = arith.subf %get3A_627, %gather3A_640 : vector<16xf32>
        %mul3A_704 = arith.mulf %mul3A_688, %get3A_615 : vector<16xf32>
        %sub3A_705 = arith.subf %sub3A_703, %mul3A_704 : vector<16xf32>
        %swap3A_706 = arith.constant 0 : i32
        %swap3A_707 = arith.index_cast %swap3A_706 : i32 to index
        %swap3A_708 = arith.index_cast %mul3A_599 : i32 to index
        %swap3A_709 = tpu.vector_load %arg29[%swap3A_707, %swap3A_708] {strides = array<i32>} : memref<2x4096xf32, #tpu.memory_space<vmem>>, vector<16xf32>,
        tpu.vector_store %arg29[%swap3A_707, %swap3A_708], %sub3A_705 {strides = array<i32>} : memref<2x4096xf32, #tpu.memory_space<vmem>>, vector<16xf32>,
        %scan3A_710 = arith.constant 3 : i32
        %scan3A_711 = arith.addi %scan3A_377, %scan3A_710 : i32
        %mul3A_712 = arith.constant 16 : i32
        %mul3A_713 = arith.muli %scan3A_711, %mul3A_712 : i32
        %get3A_714 = arith.constant 0 : i32
        %get3A_715 = arith.index_cast %get3A_714 : i32 to index
        %get3A_716 = arith.index_cast %mul3A_713 : i32 to index
        %get3A_717 = tpu.vector_load %arg18[%get3A_715, %get3A_716] {strides = array<i32>} : memref<2x4096xi32, #tpu.memory_space<vmem>>, vector<16xi32>,
        %get3A_718 = arith.constant 0 : i32
        %get3A_719 = arith.index_cast %get3A_718 : i32 to index
        %get3A_720 = arith.index_cast %mul3A_713 : i32 to index
        %get3A_721 = tpu.vector_load %arg20[%get3A_719, %get3A_720] {strides = array<i32>} : memref<2x4096xf32, #tpu.memory_space<vmem>>, vector<16xf32>,
        %get3A_722 = arith.constant 0 : i32
        %get3A_723 = arith.index_cast %get3A_722 : i32 to index
        %get3A_724 = arith.index_cast %mul3A_713 : i32 to index
        %get3A_725 = tpu.vector_load %arg21[%get3A_723, %get3A_724] {strides = array<i32>} : memref<2x4096xf32, #tpu.memory_space<vmem>>, vector<16xf32>,
        %get3A_726 = arith.constant 0 : i32
        %get3A_727 = arith.index_cast %get3A_726 : i32 to index
        %get3A_728 = arith.index_cast %mul3A_713 : i32 to index
        %get3A_729 = tpu.vector_load %arg22[%get3A_727, %get3A_728] {strides = array<i32>} : memref<2x4096xf32, #tpu.memory_space<vmem>>, vector<16xf32>,
        %get3A_730 = arith.constant 0 : i32
        %get3A_731 = arith.index_cast %get3A_730 : i32 to index
        %get3A_732 = arith.index_cast %mul3A_713 : i32 to index
        %get3A_733 = tpu.vector_load %arg24[%get3A_731, %get3A_732] {strides = array<i32>} : memref<2x4096xf32, #tpu.memory_space<vmem>>, vector<16xf32>,
        %get3A_734 = arith.constant 0 : i32
        %get3A_735 = arith.index_cast %get3A_734 : i32 to index
        %get3A_736 = arith.index_cast %mul3A_713 : i32 to index
        %get3A_737 = tpu.vector_load %arg25[%get3A_735, %get3A_736] {strides = array<i32>} : memref<2x4096xf32, #tpu.memory_space<vmem>>, vector<16xf32>,
        %get3A_738 = arith.constant 0 : i32
        %get3A_739 = arith.index_cast %get3A_738 : i32 to index
        %get3A_740 = arith.index_cast %mul3A_713 : i32 to index
        %get3A_741 = tpu.vector_load %arg26[%get3A_739, %get3A_740] {strides = array<i32>} : memref<2x4096xf32, #tpu.memory_space<vmem>>, vector<16xf32>,
        %get3A_742 = arith.constant 0 : i32
        %get3A_743 = arith.index_cast %get3A_742 : i32 to index
        %get3A_744 = arith.index_cast %mul3A_713 : i32 to index
        %get3A_745 = tpu.vector_load %arg23[%get3A_743, %get3A_744] {strides = array<i32>} : memref<2x4096xf32, #tpu.memory_space<vmem>>, vector<16xf32>,
        %broadcast_in_dim3A_746 = arith.constant 0 : i32
        %broadcast_in_dim3A_747 = vector.broadcast %broadcast_in_dim3A_746 : i32 to vector<16xi32>
        %gather3A_748 = tpu.vector_load_idx %arg30[%broadcast_in_dim3A_747, %get3A_717] : memref<3x5000xf32, #tpu.memory_space<vmem>>[vector<16xi32>, vector<16xi32>], vector<16xf32>,
        %broadcast_in_dim3A_749 = arith.constant 1 : i32
        %broadcast_in_dim3A_750 = vector.broadcast %broadcast_in_dim3A_749 : i32 to vector<16xi32>
        %gather3A_751 = tpu.vector_load_idx %arg30[%broadcast_in_dim3A_750, %get3A_717] : memref<3x5000xf32, #tpu.memory_space<vmem>>[vector<16xi32>, vector<16xi32>], vector<16xf32>,
        %broadcast_in_dim3A_752 = arith.constant 2 : i32
        %broadcast_in_dim3A_753 = vector.broadcast %broadcast_in_dim3A_752 : i32 to vector<16xi32>
        %gather3A_754 = tpu.vector_load_idx %arg30[%broadcast_in_dim3A_753, %get3A_717] : memref<3x5000xf32, #tpu.memory_space<vmem>>[vector<16xi32>, vector<16xi32>], vector<16xf32>,
        %gather3A_755 = tpu.vector_load_idx %arg31[%get3A_717] : memref<5000xf32, #tpu.memory_space<vmem>>[vector<16xi32>], vector<16xf32>,
        %mul3A_756 = arith.mulf %get3A_721, %get3A_721 : vector<16xf32>
        %mul3A_757 = arith.mulf %get3A_725, %get3A_725 : vector<16xf32>
        %add3A_758 = arith.addf %mul3A_756, %mul3A_757 : vector<16xf32>
        %mul3A_759 = arith.mulf %get3A_729, %get3A_729 : vector<16xf32>
        %add3A_760 = arith.addf %add3A_758, %mul3A_759 : vector<16xf32>
        %ge3A_761 = arith.constant 1.000000e-16 : f32
        %ge3A_762 = vector.broadcast %ge3A_761 : f32 to vector<16xf32>
        %ge3A_763 = arith.cmpf oge, %add3A_760, %ge3A_762 : vector<16xf32>
        %bitcast3A_764 = vector.bitcast %add3A_760 : vector<16xf32> to vector<16xi32>
        %shift_right_arithmetic3A_765 = arith.constant 1 : i32
        %shift_right_arithmetic3A_766 = vector.broadcast %shift_right_arithmetic3A_765 : i32 to vector<16xi32>
        %shift_right_arithmetic3A_767 = arith.shrsi %bitcast3A_764, %shift_right_arithmetic3A_766 : vector<16xi32>
        %sub3A_768 = arith.constant 1597463007 : i32
        %sub3A_769 = vector.broadcast %sub3A_768 : i32 to vector<16xi32>
        %sub3A_770 = arith.subi %sub3A_769, %shift_right_arithmetic3A_767 : vector<16xi32>
        %bitcast3A_771 = vector.bitcast %sub3A_770 : vector<16xi32> to vector<16xf32>
        %mul3A_772 = arith.constant 5.000000e-01 : f32
        %mul3A_773 = vector.broadcast %mul3A_772 : f32 to vector<16xf32>
        %mul3A_774 = arith.mulf %mul3A_773, %add3A_760 : vector<16xf32>
        %mul3A_775 = arith.mulf %mul3A_774, %bitcast3A_771 : vector<16xf32>
        %mul3A_776 = arith.mulf %mul3A_775, %bitcast3A_771 : vector<16xf32>
        %sub3A_777 = arith.constant 1.500000e+00 : f32
        %sub3A_778 = vector.broadcast %sub3A_777 : f32 to vector<16xf32>
        %sub3A_779 = arith.subf %sub3A_778, %mul3A_776 : vector<16xf32>
        %mul3A_780 = arith.mulf %bitcast3A_771, %sub3A_779 : vector<16xf32>
        %mul3A_781 = arith.mulf %mul3A_774, %mul3A_780 : vector<16xf32>
        %mul3A_782 = arith.mulf %mul3A_781, %mul3A_780 : vector<16xf32>
        %sub3A_783 = arith.constant 1.500000e+00 : f32
        %sub3A_784 = vector.broadcast %sub3A_783 : f32 to vector<16xf32>
        %sub3A_785 = arith.subf %sub3A_784, %mul3A_782 : vector<16xf32>
        %mul3A_786 = arith.mulf %mul3A_780, %sub3A_785 : vector<16xf32>
        %mul3A_787 = arith.mulf %mul3A_774, %mul3A_786 : vector<16xf32>
        %mul3A_788 = arith.mulf %mul3A_787, %mul3A_786 : vector<16xf32>
        %sub3A_789 = arith.constant 1.500000e+00 : f32
        %sub3A_790 = vector.broadcast %sub3A_789 : f32 to vector<16xf32>
        %sub3A_791 = arith.subf %sub3A_790, %mul3A_788 : vector<16xf32>
        %mul3A_792 = arith.mulf %mul3A_786, %sub3A_791 : vector<16xf32>
        %jit3A_793 = arith.constant 1.000000e+08 : f32
        %broadcast_in_dim3A_794 = vector.broadcast %jit3A_793 : f32 to vector<16xf32>
        %select_n3A_795 = arith.select %ge3A_763, %mul3A_792, %broadcast_in_dim3A_794 : vector<16xi1>, vector<16xf32>
        %gt3A_796 = arith.constant 5.000000e-01 : f32
        %gt3A_797 = vector.broadcast %gt3A_796 : f32 to vector<16xf32>
        %gt3A_798 = arith.cmpf ogt, %gather3A_755, %gt3A_797 : vector<16xf32>
        %jit3A_799 = arith.constant 1.000000e+00 : f32
        %broadcast_in_dim3A_800 = vector.broadcast %jit3A_799 : f32 to vector<16xf32>
        %select_n3A_801 = arith.select %gt3A_798, %broadcast_in_dim3A_800, %select_n3A_795 : vector<16xi1>, vector<16xf32>
        %mul3A_802 = arith.mulf %get3A_745, %select_n3A_801 : vector<16xf32>
        %sub3A_803 = arith.subf %get3A_733, %gather3A_748 : vector<16xf32>
        %mul3A_804 = arith.mulf %mul3A_802, %get3A_721 : vector<16xf32>
        %sub3A_805 = arith.subf %sub3A_803, %mul3A_804 : vector<16xf32>
        %swap3A_806 = arith.constant 0 : i32
        %swap3A_807 = arith.index_cast %swap3A_806 : i32 to index
        %swap3A_808 = arith.index_cast %mul3A_713 : i32 to index
        %swap3A_809 = tpu.vector_load %arg27[%swap3A_807, %swap3A_808] {strides = array<i32>} : memref<2x4096xf32, #tpu.memory_space<vmem>>, vector<16xf32>,
        tpu.vector_store %arg27[%swap3A_807, %swap3A_808], %sub3A_805 {strides = array<i32>} : memref<2x4096xf32, #tpu.memory_space<vmem>>, vector<16xf32>,
        %sub3A_810 = arith.subf %get3A_737, %gather3A_751 : vector<16xf32>
        %mul3A_811 = arith.mulf %mul3A_802, %get3A_725 : vector<16xf32>
        %sub3A_812 = arith.subf %sub3A_810, %mul3A_811 : vector<16xf32>
        %swap3A_813 = arith.constant 0 : i32
        %swap3A_814 = arith.index_cast %swap3A_813 : i32 to index
        %swap3A_815 = arith.index_cast %mul3A_713 : i32 to index
        %swap3A_816 = tpu.vector_load %arg28[%swap3A_814, %swap3A_815] {strides = array<i32>} : memref<2x4096xf32, #tpu.memory_space<vmem>>, vector<16xf32>,
        tpu.vector_store %arg28[%swap3A_814, %swap3A_815], %sub3A_812 {strides = array<i32>} : memref<2x4096xf32, #tpu.memory_space<vmem>>, vector<16xf32>,
        %sub3A_817 = arith.subf %get3A_741, %gather3A_754 : vector<16xf32>
        %mul3A_818 = arith.mulf %mul3A_802, %get3A_729 : vector<16xf32>
        %sub3A_819 = arith.subf %sub3A_817, %mul3A_818 : vector<16xf32>
        %swap3A_820 = arith.constant 0 : i32
        %swap3A_821 = arith.index_cast %swap3A_820 : i32 to index
        %swap3A_822 = arith.index_cast %mul3A_713 : i32 to index
        %swap3A_823 = tpu.vector_load %arg29[%swap3A_821, %swap3A_822] {strides = array<i32>} : memref<2x4096xf32, #tpu.memory_space<vmem>>, vector<16xf32>,
        tpu.vector_store %arg29[%swap3A_821, %swap3A_822], %sub3A_819 {strides = array<i32>} : memref<2x4096xf32, #tpu.memory_space<vmem>>, vector<16xf32>,
      }
      %scan3A_373 = arith.constant 72 : i32
      %run_scoped3A_374 = arith.constant 0 : i32
      "tpu.region"() ({
        %run_scoped3A_377 = tpu.sem_alloc : memref<!tpu.dma_semaphore, #tpu.memory_space<semaphore_mem>>
        %dma_start3A_378 = arith.constant 0 : i32
        %dma_start3A_379 = tpu.memref_slice %arg27[%run_scoped3A_374, %dma_start3A_378] : memref<2x4096xf32, #tpu.memory_space<vmem>> -> memref<1x1152xf32, #tpu.memory_space<vmem>>
        %dma_start3A_380 = tpu.memref_squeeze %dma_start3A_379 : memref<1x1152xf32, #tpu.memory_space<vmem>> -> memref<1152xf32, #tpu.memory_space<vmem>>
        %dma_start3A_381 = arith.constant 1998848 : i32
        %dma_start3A_382 = tpu.memref_slice %arg15[%dma_start3A_381] : memref<2000000xf32, #tpu.memory_space<hbm>> -> memref<1152xf32, #tpu.memory_space<hbm>>
        %dma_start3A_383 = arith.constant 1998848 : i32
        %dma_start3A_384 = tpu.memref_slice %arg15[%dma_start3A_383] : memref<2000000xf32, #tpu.memory_space<hbm>> -> memref<1152xf32, #tpu.memory_space<hbm>>
        %dma_start3A_385 = arith.constant 0 : i32
        %dma_start3A_386 = tpu.memref_slice %arg27[%run_scoped3A_374, %dma_start3A_385] : memref<2x4096xf32, #tpu.memory_space<vmem>> -> memref<1x1152xf32, #tpu.memory_space<vmem>>
        %dma_start3A_387 = tpu.memref_squeeze %dma_start3A_386 : memref<1x1152xf32, #tpu.memory_space<vmem>> -> memref<1152xf32, #tpu.memory_space<vmem>>
        tpu.enqueue_dma source(%dma_start3A_387 : memref<1152xf32, #tpu.memory_space<vmem>>) target(%dma_start3A_384 : memref<1152xf32, #tpu.memory_space<hbm>>) target_semaphore(%run_scoped3A_377 : memref<!tpu.dma_semaphore, #tpu.memory_space<semaphore_mem>>)
        %dma_wait3A_388 = arith.constant 0 : i32
        %dma_wait3A_389 = tpu.memref_slice %arg27[%run_scoped3A_374, %dma_wait3A_388] : memref<2x4096xf32, #tpu.memory_space<vmem>> -> memref<1x1152xf32, #tpu.memory_space<vmem>>
        %dma_wait3A_390 = tpu.memref_squeeze %dma_wait3A_389 : memref<1x1152xf32, #tpu.memory_space<vmem>> -> memref<1152xf32, #tpu.memory_space<vmem>>
        %dma_wait3A_391 = arith.constant 1998848 : i32
        %dma_wait3A_392 = tpu.memref_slice %arg15[%dma_wait3A_391] : memref<2000000xf32, #tpu.memory_space<hbm>> -> memref<1152xf32, #tpu.memory_space<hbm>>
        %dma_wait3A_393 = arith.constant 1998848 : i32
        %dma_wait3A_394 = tpu.memref_slice %arg15[%dma_wait3A_393] : memref<2000000xf32, #tpu.memory_space<hbm>> -> memref<1152xf32, #tpu.memory_space<hbm>>
        %dma_wait3A_395 = arith.constant 0 : i32
        %dma_wait3A_396 = tpu.memref_slice %arg27[%run_scoped3A_374, %dma_wait3A_395] : memref<2x4096xf32, #tpu.memory_space<vmem>> -> memref<1x1152xf32, #tpu.memory_space<vmem>>
        %dma_wait3A_397 = tpu.memref_squeeze %dma_wait3A_396 : memref<1x1152xf32, #tpu.memory_space<vmem>> -> memref<1152xf32, #tpu.memory_space<vmem>>
        tpu.wait_dma2 semaphore(%run_scoped3A_377 : memref<!tpu.dma_semaphore, #tpu.memory_space<semaphore_mem>>) src(%dma_wait3A_397 : memref<1152xf32, #tpu.memory_space<vmem>>) dst(%dma_wait3A_394 : memref<1152xf32, #tpu.memory_space<hbm>>)
        tpu.yield
      }) : () -> ()
      %run_scoped3A_375 = arith.constant 0 : i32
      "tpu.region"() ({
        %run_scoped3A_377 = tpu.sem_alloc : memref<!tpu.dma_semaphore, #tpu.memory_space<semaphore_mem>>
        %dma_start3A_378 = arith.constant 0 : i32
        %dma_start3A_379 = tpu.memref_slice %arg28[%run_scoped3A_375, %dma_start3A_378] : memref<2x4096xf32, #tpu.memory_space<vmem>> -> memref<1x1152xf32, #tpu.memory_space<vmem>>
        %dma_start3A_380 = tpu.memref_squeeze %dma_start3A_379 : memref<1x1152xf32, #tpu.memory_space<vmem>> -> memref<1152xf32, #tpu.memory_space<vmem>>
        %dma_start3A_381 = arith.constant 1998848 : i32
        %dma_start3A_382 = tpu.memref_slice %arg16[%dma_start3A_381] : memref<2000000xf32, #tpu.memory_space<hbm>> -> memref<1152xf32, #tpu.memory_space<hbm>>
        %dma_start3A_383 = arith.constant 1998848 : i32
        %dma_start3A_384 = tpu.memref_slice %arg16[%dma_start3A_383] : memref<2000000xf32, #tpu.memory_space<hbm>> -> memref<1152xf32, #tpu.memory_space<hbm>>
        %dma_start3A_385 = arith.constant 0 : i32
        %dma_start3A_386 = tpu.memref_slice %arg28[%run_scoped3A_375, %dma_start3A_385] : memref<2x4096xf32, #tpu.memory_space<vmem>> -> memref<1x1152xf32, #tpu.memory_space<vmem>>
        %dma_start3A_387 = tpu.memref_squeeze %dma_start3A_386 : memref<1x1152xf32, #tpu.memory_space<vmem>> -> memref<1152xf32, #tpu.memory_space<vmem>>
        tpu.enqueue_dma source(%dma_start3A_387 : memref<1152xf32, #tpu.memory_space<vmem>>) target(%dma_start3A_384 : memref<1152xf32, #tpu.memory_space<hbm>>) target_semaphore(%run_scoped3A_377 : memref<!tpu.dma_semaphore, #tpu.memory_space<semaphore_mem>>)
        %dma_wait3A_388 = arith.constant 0 : i32
        %dma_wait3A_389 = tpu.memref_slice %arg28[%run_scoped3A_375, %dma_wait3A_388] : memref<2x4096xf32, #tpu.memory_space<vmem>> -> memref<1x1152xf32, #tpu.memory_space<vmem>>
        %dma_wait3A_390 = tpu.memref_squeeze %dma_wait3A_389 : memref<1x1152xf32, #tpu.memory_space<vmem>> -> memref<1152xf32, #tpu.memory_space<vmem>>
        %dma_wait3A_391 = arith.constant 1998848 : i32
        %dma_wait3A_392 = tpu.memref_slice %arg16[%dma_wait3A_391] : memref<2000000xf32, #tpu.memory_space<hbm>> -> memref<1152xf32, #tpu.memory_space<hbm>>
        %dma_wait3A_393 = arith.constant 1998848 : i32
        %dma_wait3A_394 = tpu.memref_slice %arg16[%dma_wait3A_393] : memref<2000000xf32, #tpu.memory_space<hbm>> -> memref<1152xf32, #tpu.memory_space<hbm>>
        %dma_wait3A_395 = arith.constant 0 : i32
        %dma_wait3A_396 = tpu.memref_slice %arg28[%run_scoped3A_375, %dma_wait3A_395] : memref<2x4096xf32, #tpu.memory_space<vmem>> -> memref<1x1152xf32, #tpu.memory_space<vmem>>
        %dma_wait3A_397 = tpu.memref_squeeze %dma_wait3A_396 : memref<1x1152xf32, #tpu.memory_space<vmem>> -> memref<1152xf32, #tpu.memory_space<vmem>>
        tpu.wait_dma2 semaphore(%run_scoped3A_377 : memref<!tpu.dma_semaphore, #tpu.memory_space<semaphore_mem>>) src(%dma_wait3A_397 : memref<1152xf32, #tpu.memory_space<vmem>>) dst(%dma_wait3A_394 : memref<1152xf32, #tpu.memory_space<hbm>>)
        tpu.yield
      }) : () -> ()
      %run_scoped3A_376 = arith.constant 0 : i32
      "tpu.region"() ({
        %run_scoped3A_377 = tpu.sem_alloc : memref<!tpu.dma_semaphore, #tpu.memory_space<semaphore_mem>>
        %dma_start3A_378 = arith.constant 0 : i32
        %dma_start3A_379 = tpu.memref_slice %arg29[%run_scoped3A_376, %dma_start3A_378] : memref<2x4096xf32, #tpu.memory_space<vmem>> -> memref<1x1152xf32, #tpu.memory_space<vmem>>
        %dma_start3A_380 = tpu.memref_squeeze %dma_start3A_379 : memref<1x1152xf32, #tpu.memory_space<vmem>> -> memref<1152xf32, #tpu.memory_space<vmem>>
        %dma_start3A_381 = arith.constant 1998848 : i32
        %dma_start3A_382 = tpu.memref_slice %arg17[%dma_start3A_381] : memref<2000000xf32, #tpu.memory_space<hbm>> -> memref<1152xf32, #tpu.memory_space<hbm>>
        %dma_start3A_383 = arith.constant 1998848 : i32
        %dma_start3A_384 = tpu.memref_slice %arg17[%dma_start3A_383] : memref<2000000xf32, #tpu.memory_space<hbm>> -> memref<1152xf32, #tpu.memory_space<hbm>>
        %dma_start3A_385 = arith.constant 0 : i32
        %dma_start3A_386 = tpu.memref_slice %arg29[%run_scoped3A_376, %dma_start3A_385] : memref<2x4096xf32, #tpu.memory_space<vmem>> -> memref<1x1152xf32, #tpu.memory_space<vmem>>
        %dma_start3A_387 = tpu.memref_squeeze %dma_start3A_386 : memref<1x1152xf32, #tpu.memory_space<vmem>> -> memref<1152xf32, #tpu.memory_space<vmem>>
        tpu.enqueue_dma source(%dma_start3A_387 : memref<1152xf32, #tpu.memory_space<vmem>>) target(%dma_start3A_384 : memref<1152xf32, #tpu.memory_space<hbm>>) target_semaphore(%run_scoped3A_377 : memref<!tpu.dma_semaphore, #tpu.memory_space<semaphore_mem>>)
        %dma_wait3A_388 = arith.constant 0 : i32
        %dma_wait3A_389 = tpu.memref_slice %arg29[%run_scoped3A_376, %dma_wait3A_388] : memref<2x4096xf32, #tpu.memory_space<vmem>> -> memref<1x1152xf32, #tpu.memory_space<vmem>>
        %dma_wait3A_390 = tpu.memref_squeeze %dma_wait3A_389 : memref<1x1152xf32, #tpu.memory_space<vmem>> -> memref<1152xf32, #tpu.memory_space<vmem>>
        %dma_wait3A_391 = arith.constant 1998848 : i32
        %dma_wait3A_392 = tpu.memref_slice %arg17[%dma_wait3A_391] : memref<2000000xf32, #tpu.memory_space<hbm>> -> memref<1152xf32, #tpu.memory_space<hbm>>
        %dma_wait3A_393 = arith.constant 1998848 : i32
        %dma_wait3A_394 = tpu.memref_slice %arg17[%dma_wait3A_393] : memref<2000000xf32, #tpu.memory_space<hbm>> -> memref<1152xf32, #tpu.memory_space<hbm>>
        %dma_wait3A_395 = arith.constant 0 : i32
        %dma_wait3A_396 = tpu.memref_slice %arg29[%run_scoped3A_376, %dma_wait3A_395] : memref<2x4096xf32, #tpu.memory_space<vmem>> -> memref<1x1152xf32, #tpu.memory_space<vmem>>
        %dma_wait3A_397 = tpu.memref_squeeze %dma_wait3A_396 : memref<1x1152xf32, #tpu.memory_space<vmem>> -> memref<1152xf32, #tpu.memory_space<vmem>>
        tpu.wait_dma2 semaphore(%run_scoped3A_377 : memref<!tpu.dma_semaphore, #tpu.memory_space<semaphore_mem>>) src(%dma_wait3A_397 : memref<1152xf32, #tpu.memory_space<vmem>>) dst(%dma_wait3A_394 : memref<1152xf32, #tpu.memory_space<hbm>>)
        tpu.yield
      }) : () -> ()
    } else {
    }
    return
  }
}

</mosaic_0001>

<sc_bundles>
// kernel: _run.3.cloned.1.call-start
scs
__scs_entry_jumppad:
0x0: {  	(pc) =	sbr.rel $0x88, $3  }
0x1: {  	(tag) =	ssettag $0x0;
	lr =	simm.s32 $0x1  }
0x2: {  	[smem:$0x3F94] =	sst lr;
	_ =	strace $0xD0000000  }
0x3: {  	_ = 	snop  }
0x4: {  	_ = 	snop  }
0x5: {  	_ = 	snop  }
0x6: {  	_ = 	snop  }
0x7: {  	_ = 	snop  }
__scs_overlays_trampoline_lowered:
0x8: {  	[smem:$0x3FA3] =	sst s0  }
0x9: {  	[smem:$0x3FA4] =	sst s1  }
0xa: {  	[smem:$0x3FA5] =	sst s2  }
0xb: {  	[smem:$0x3FA6] =	sst s3  }
0xc: {  	[smem:$0x3FA7] =	sst s4  }
0xd: {  	[smem:$0x3FA8] =	sst s5  }
0xe: {  	[smem:$0x3FA9] =	sst s6  }
0xf: {  	[smem:$0x3FAA] =	sst s7  }
0x10: {  	[smem:$0x3FAB] =	sst s8  }
0x11: {  	[smem:$0x3FAC] =	sst s9;
	s0 =	simm.s32 @!p0 $0x0  }
0x12: {  	s1 =	sld [smem:$0x3F92];
	s0 =	simm.s32 @p0 $0x1  }
0x13: {  	[smem:$0x3FAD] =	sst s0;
	s0 =	simm.s32 @!p1 $0x0  }
0x14: {  	s2 =	sld [smem:$0x3F91];
	s0 =	simm.s32 @p1 $0x1  }
0x15: {  	[smem:$0x3FAE] =	sst s0;
	s0 =	simm.s32 @!p2 $0x0  }
0x16: {  	s3 =	sld [smem:$0x3FDB];
	s0 =	simm.s32 @p2 $0x1  }
0x17: {  	s4 =	simm.s32 $0x1BF5;
	[smem:$0x3FB0] =	sst s0  }
0x18: {  	s0 =	sld [smem:$0x3F93];
	_ =	swait.ge [sflag:s4], $0x0  }
0x19: {  	s7 =	sld [smem:$0x3F94]  }
0x1a: {  	s8 =	sadd.s32 $0xFFFFE003, lr  }
0x1b: {  	s9 =	sadd.s32 $0xFFFFFEF7, lr;
	s5 =	simm.s32 $0xFFFFFFFF;
	p2 =	slt.u32 s8, $0xFFFFF086  }
0x1c: {  	p1 =	slt.u32 s9, $0xF7A;
	s5 =	simm.s32 @!p2 $0x0  }
0x1d: {  	s5 =	simm.s32 @p1 $0x1;
	p0 =	seq.s32 s7, s2  }
0x1e: {  	s7 =	smul.u32 @!p0 $0xF7A, s2;
	p2 =	seq.s32 @!p0 s5, $0x0  }
0x1f: {  	s9 =	smul.u32 $0xF7A, s1;
	s8 =	simm.s32 @!p0 $0x1BF5;
	p2 =	por !p2, p0  }
0x20: {  	[sflag:s8] =	ssyncset.s32 @!p0 $0xFFFFF086;
	s6 =	sadd.s32 @!p0 s3, s7;
	s7 =	simm.s32 @!p0 $0x108  }
0x21: {  	s3 =	sadd.s32 s3, s9;
	s6 =	sadd.s32 @!p0 $0x88, s6;
	s7 =	simm.s32 @p2 $0x1082  }
0x22: {  	[simem:s7], [sflag:s8] =	dma.local @!p0 [hbm:s6], $0xF7A  }
0x23: {  	s9 =	sor.u32 $0xD0000000, s2;
	s6 =	simm.s32 $0x108;
	_ =	swait.ge @!p0 [sflag:s8], $0x0  }
0x24: {  	s3 =	sadd.s32 $0x88, s3;
	s6 =	simm.s32 @!p1 $0x1082;
	[sflag:s4] =	ssyncset.s32 $0xFFFFF086  }
0x25: {  	[simem:s6], [sflag:s4] =	dma.local [hbm:s3], $0xF7A  }
0x26: {  	[smem:$0x3F94] =	sst s1;
	(tag) =	ssettag s2;
	_ =	strace s9  }
0x27: {  	s1 =	sld [smem:$0x3FA4]  }
0x28: {  	s2 =	sld [smem:$0x3FA5]  }
0x29: {  	s4 =	sld [smem:$0x3FA7]  }
0x2a: {  	p0 =	seq.s32 s5, $0x0;
	s5 =	sld [smem:$0x3FA8]  }
0x2b: {  	s6 =	sld [smem:$0x3FA9]  }
0x2c: {  	s7 =	sld [smem:$0x3FAA]  }
0x2d: {  	s3 =	simm.s32 $0x108;
	s8 =	sld [smem:$0x3FAB]  }
0x2e: {  	s3 =	simm.s32 @!p0 $0x1082;
	s9 =	sld [smem:$0x3FAC]  }
0x2f: {  	lr =	sadd.s32 s0, s3;
	s0 =	sld [smem:$0x3FA3]  }
0x30: {  	s3 =	sld [smem:$0x3FA6]  }
0x31: {  	[smem:$0x3FAF] =	sst s10  }
0x32: {  	s10 =	sld [smem:$0x3FAD];
	_ =	sdelay $0x3  }
0x33: {  	p0 =	seq.s32 s10, $0x1;
	s10 =	sld [smem:$0x3FAF];
	_ =	sdelay $0x3  }
0x34: {  	[smem:$0x3FAF] =	sst s10  }
0x35: {  	s10 =	sld [smem:$0x3FAE];
	_ =	sdelay $0x3  }
0x36: {  	p1 =	seq.s32 s10, $0x1;
	s10 =	sld [smem:$0x3FAF];
	_ =	sdelay $0x3  }
0x37: {  	[smem:$0x3FAF] =	sst s10  }
0x38: {  	s10 =	sld [smem:$0x3FB0]  }
0x39: {  	_ = 	snop;
	(pc) =	sbr.ind lr, $3  }
0x3a: {  	_ = 	snop  }
0x3b: {  	_ = 	snop  }
0x3c: {  	p2 =	seq.s32 s10, $0x1;
	s10 =	sld [smem:$0x3FAF]  }
0x3d: {  	_ =	shalt  }
0x3e: {  	_ =	shalt  }
0x3f: {  	_ =	shalt  }
0x40: {  	_ =	shalt  }
0x41: {  	_ =	shalt  }
0x42: {  	_ =	shalt  }
0x43: {  	_ =	shalt  }
0x44: {  	_ =	shalt  }
0x45: {  	_ =	shalt  }
0x46: {  	_ =	shalt  }
0x47: {  	_ =	shalt  }
0x48: {  	_ =	shalt  }
0x49: {  	_ =	shalt  }
0x4a: {  	_ =	shalt  }
0x4b: {  	_ =	shalt  }
0x4c: {  	_ =	shalt  }
0x4d: {  	_ =	shalt  }
0x4e: {  	_ =	shalt  }
0x4f: {  	_ =	shalt  }
0x50: {  	_ =	shalt  }
0x51: {  	_ =	shalt  }
0x52: {  	_ =	shalt  }
0x53: {  	_ =	shalt  }
0x54: {  	_ =	shalt  }
0x55: {  	_ =	shalt  }
0x56: {  	_ =	shalt  }
0x57: {  	_ =	shalt  }
0x58: {  	_ =	shalt  }
0x59: {  	_ =	shalt  }
0x5a: {  	_ =	shalt  }
0x5b: {  	_ =	shalt  }
0x5c: {  	_ =	shalt  }
0x5d: {  	_ =	shalt  }
0x5e: {  	_ =	shalt  }
0x5f: {  	_ =	shalt  }
0x60: {  	_ =	shalt  }
0x61: {  	_ =	shalt  }
0x62: {  	_ =	shalt  }
0x63: {  	_ =	shalt  }
0x64: {  	_ =	shalt  }
0x65: {  	_ =	shalt  }
0x66: {  	_ =	shalt  }
0x67: {  	_ =	shalt  }
0x68: {  	_ =	shalt  }
0x69: {  	_ =	shalt  }
0x6a: {  	_ =	shalt  }
0x6b: {  	_ =	shalt  }
0x6c: {  	_ =	shalt  }
0x6d: {  	_ =	shalt  }
0x6e: {  	_ =	shalt  }
0x6f: {  	_ =	shalt  }
0x70: {  	_ =	shalt  }
0x71: {  	_ =	shalt  }
0x72: {  	_ =	shalt  }
0x73: {  	_ =	shalt  }
0x74: {  	_ =	shalt  }
0x75: {  	_ =	shalt  }
0x76: {  	_ =	shalt  }
0x77: {  	_ =	shalt  }
0x78: {  	_ =	shalt  }
0x79: {  	_ =	shalt  }
0x7a: {  	_ =	shalt  }
0x7b: {  	_ =	shalt  }
0x7c: {  	_ =	shalt  }
0x7d: {  	_ =	shalt  }
0x7e: {  	_ =	shalt  }
0x7f: {  	_ =	shalt  }
0x80: {  	_ =	shalt  }
0x81: {  	_ =	shalt  }
0x82: {  	_ =	shalt  }
0x83: {  	_ =	shalt  }
0x84: {  	_ =	shalt  }
0x85: {  	_ =	shalt  }
0x86: {  	_ =	shalt  }
0x87: {  	_ =	shalt  }
.Lfunc_end0:
.L_simem_size_0:
called_computation_lowered:
.L_overlay_start_0:
0x88: {  	s2 =	sld [smem:$0x3FD9]  }
0x89: {  	s3 =	sld [smem:$0x3FFE];
	_ =	sdelay $0x1  }
0x8a: {  	s1 =	srdreg.scid  }
0x8b: {  	s0 =	sand.u32 $0x1, s1  }
0x8c: {  	s22 =	sshll.u32 s0, $0xA;
	s2 =	sadd.s32 s3, s2  }
0x8d: {  	s2 =	sadd.s32 s2, s22  }
0x8e: {  	[smem:$0x3FBB] =	sst s2  }
0x8f: {  	_ = 	snop  }
0x90: {  	s2 =	sld [smem:$0x3FC9]  }
0x91: {  	s3 =	sld [smem:$0x3FC8]  }
0x92: {  	s4 =	sld [smem:$0x3FC7]  }
0x93: {  	s5 =	sld [smem:$0x3FC6]  }
0x94: {  	s6 =	sld [smem:$0x3FC5]  }
0x95: {  	s7 =	sld [smem:$0x3FC4]  }
0x96: {  	s8 =	sld [smem:$0x3FC3]  }
0x97: {  	s9 =	sld [smem:$0x3FC2]  }
0x98: {  	s10 =	sld [smem:$0x3FC1]  }
0x99: {  	s11 =	sld [smem:$0x3FC0]  }
0x9a: {  	s15 =	sld [smem:$0x3FD0]  }
0x9b: {  	s12 =	sld [smem:$0x3FBF]  }
0x9c: {  	s13 =	sld [smem:$0x3FBE]  }
0x9d: {  	s16 =	simm.s32 $0xA;
	s17 =	simm.s32 $0x10;
	s14 =	sld [smem:$0x3FBD]  }
0x9e: {  	[smem:s17], [sflag:s16] =	dma.local [hbm:s15], $0x1  }
0x9f: {  	_ =	swait.eq [sflag:s16], $0x1  }
0xa0: {  	s15 =	sld [smem:$0x10];
	[sflag:s16] =	ssyncset.done $0x0  }
0xa1: {  	s17 =	sld [smem:$0x11];
	[sflag:s16] =	ssyncadd.s32 $0xFFFFFFFF  }
0xa2: {  	s18 =	sld [smem:$0x12];
	(tm) =	ssettm $0x1  }
0xa3: {  	s23 =	sld [smem:$0x3FFB];
	_ =	sdelay $0x3  }
0xa4: {  	_ =	strace s23  }
0xa5: {  	s16 =	sld [smem:$0x3FFC];
	_ =	sdelay $0x3  }
0xa6: {  	_ =	strace s16  }
0xa7: {  	s16 =	sld [smem:$0x3FFD];
	_ =	sdelay $0x3  }
0xa8: {  	_ =	strace s16  }
0xa9: {  	_ =	strace $0x8FFFFFFF  }
0xaa: {  	s24 =	sld [smem:$0x3FDB];
	_ =	sdelay $0x1  }
0xab: {  	s19 =	simm.s32 $_scs_section_size  }
0xac: {  	s20 =	simm.s32 $_size__tile_task_arg_handler_lowered;
	s21 =	simm.s32 $_tile_task_arg_handler_lowered  }
0xad: {  	s28 =	simm.s32 $0x1BFF;
	s26 =	sshll.u32 s21, $0x1;
	s19 =	sadd.s32 s19, s24  }
0xae: {  	s25 =	sshll.u32 s20, $0x1;
	s22 =	simm.s32 $0x60;
	s20 =	sadd.s32 s26, s19  }
0xaf: {  	[timem:s22], [sflag:s28] =	dma.local [hbm:s20], s25  }
0xb0: {  	_ =	swait.ge [sflag:s28], s25  }
0xb1: {  	s29 =	simm.s32 $_tile_overlayer_lowered;
	s16 =	ssub.s32 $0x0, s25;
	[sflag:s28] =	ssyncset.done $0x0  }
0xb2: {  	s30 =	simm.s32 $_size__tile_overlayer_lowered;
	s20 =	sshll.u32 s29, $0x1;
	[sflag:s28] =	ssyncadd.s32 s16  }
0xb3: {  	s31 =	sshll.u32 s30, $0x1;
	s20 =	sadd.s32 s20, s19;
	s16 =	simm.s32 $0x0  }
0xb4: {  	[timem:s16], [sflag:s28] =	dma.local [hbm:s20], s31  }
0xb5: {  	_ =	swait.ge [sflag:s28], s31  }
0xb6: {  	s23 =	ssub.s32 $0x0, s31;
	[sflag:s28] =	ssyncset.done $0x0  }
0xb7: {  	[sflag:s28] =	ssyncadd.s32 s23;
	_ =	sdelay $0x1  }
0xb8: {  	s24 =	simm.s32 $0x1B8B  }
0xb9: {  	_ =	swait.ge [sflag:s24], $0x1  }
0xba: {  	[sflag:s24] =	ssyncset.done $0x0  }
0xbb: {  	s25 =	simm.s32 $0x1B8E;
	[sflag:s24] =	ssyncadd.s32 $0xFFFFFFFF  }
0xbc: {  	s26 =	simm.s32 $execute0_lowered;
	[smem:$0x3FD2] =	sst s25  }
0xbd: {  	s20 =	sshll.u32 s26, $0x1;
	_ =	strace $0x80000046;
	[dreg:$0x1] =	wrdreg $0xFFFFFFFF  }
0xbe: {  	s19 =	sadd.s32 s19, s20;
	s28 =	simm.s32 $_size_execute0_lowered;
	[dreg:$0x0] =	wrdreg $0x0  }
0xbf: {  	s20 =	sshll.u32 s28, $0x1;
	[dreg:$0x2] =	wrdreg s19  }
0xc0: {  	[dreg:$0x3] =	wrdreg s20  }
0xc1: {  	[dreg:$0x4] =	wrdreg $0xC0  }
0xc2: {  	_ =	task [dreg:s16], $0x5FFFF  }
0xc3: {  	[dreg:$0x1] =	wrdreg $0xFFFFFFFF  }
0xc4: {  	[dreg:$0x0] =	wrdreg $0x30  }
0xc5: {  	[dreg:$0x2] =	wrdreg $0x0  }
0xc6: {  	[dreg:$0x3] =	wrdreg s17  }
0xc7: {  	[dreg:$0x4] =	wrdreg s18  }
0xc8: {  	[dreg:$0x5] =	wrdreg $0x9  }
0xc9: {  	_ =	task [dreg:s16], $0x6FFFF  }
0xca: {  	[dreg:$0x1] =	wrdreg $0xFFFFFFFF  }
0xcb: {  	[dreg:$0x0] =	wrdreg $0x60  }
0xcc: {  	[dreg:$0x2] =	wrdreg s2  }
0xcd: {  	[dreg:$0x3] =	wrdreg s3  }
0xce: {  	[dreg:$0x4] =	wrdreg s4  }
0xcf: {  	[dreg:$0x5] =	wrdreg s5  }
0xd0: {  	[dreg:$0x6] =	wrdreg s6  }
0xd1: {  	[dreg:$0x7] =	wrdreg s7  }
0xd2: {  	[dreg:$0x8] =	wrdreg s8  }
0xd3: {  	[dreg:$0x9] =	wrdreg s9  }
0xd4: {  	[dreg:$0xa] =	wrdreg s10  }
0xd5: {  	[dreg:$0xb] =	wrdreg s11  }
0xd6: {  	[dreg:$0xc] =	wrdreg s12  }
0xd7: {  	[dreg:$0xd] =	wrdreg s13  }
0xd8: {  	[dreg:$0xe] =	wrdreg s14  }
0xd9: {  	[dreg:$0xf] =	wrdreg s15  }
0xda: {  	_ =	task.clear_ibuf [dreg:s16], $0x10FFFF;
	_ =	strace $0x90000046  }
0xdb: {  	s29 =	simm.s32 $0x9;
	_ =	strace $0x80000048  }
0xdc: {  	_ =	swait.ge [sflag:s29], $0x1  }
0xdd: {  	[sflag:s29] =	ssyncadd.s32 $0xFFFFFFFF  }
0xde: {  	_ =	strace $0x90000048  }
0xdf: {  	_ =	sfence  }
0xe0: {  	s30 =	sld [smem:$0x0];
	_ =	sdelay $0x2  }
0xe1: {  	s31 =	sshll.u32 s1, $0xD;
	s1 =	sshrl.u32 s1, $0x2  }
0xe2: {  	s3 =	sand.u32 $0x4000, s31;
	s1 =	sadd.s32 s1, s30  }
0xe3: {  	s0 =	sor.u32 s3, s0;
	s1 =	sshll.u32 s1, $0x11  }
0xe4: {  	s0 =	sor.u32 s1, s0  }
0xe5: {  	s0 =	sadd.s32 $0x8F2B, s0  }
0xe6: {  	[sflag:s0] =	ssyncadd.remote.s32 $0x1  }
0xe7: {  	_ =	sfence.sel $0xFFFF  }
0xe8: {  	[dreg:$0x0] =	wrdreg $0xFFFFFFFF;
	(pc) =	sbr.abs _section_cstart, $3  }
0xe9: {  	[dreg:$0x1] =	wrdreg $0xFFFFFFFF  }
0xea: {  	_ =	task.clear_ibuf [dreg:s16], $0x2FFFF;
	_ =	strace $0x9FFFFFFF  }
0xeb: {  	(tm) =	ssettm $0x7FFFFFFF  }
tec
_tile_task_arg_handler_lowered:
.L_overlay_start_1:
0x0: {  	(tag) =	ssettag $0x1  }
0x1: {  	s0 =	rddreg [dreg:$0x0]  }
0x2: {  	s1 =	rddreg [dreg:$0x1]  }
0x3: {  	s2 =	rddreg [dreg:$0x2]  }
0x4: {  	s3 =	rddreg [dreg:$0x3]  }
0x5: {  	s4 =	rddreg [dreg:$0x4]  }
0x6: {  	s5 =	rddreg [dreg:$0x5]  }
0x7: {  	s6 =	rddreg [dreg:$0x6]  }
0x8: {  	s7 =	rddreg [dreg:$0x7]  }
0x9: {  	s8 =	rddreg [dreg:$0x8]  }
0xa: {  	s9 =	rddreg [dreg:$0x9]  }
0xb: {  	s10 =	rddreg [dreg:$0xa]  }
0xc: {  	s11 =	rddreg [dreg:$0xb]  }
0xd: {  	s12 =	rddreg [dreg:$0xc]  }
0xe: {  	s13 =	rddreg [dreg:$0xd]  }
0xf: {  	[smem:s0] =	sst s1  }
0x10: {  	[smem:s0+$0x1] =	sst s2  }
0x11: {  	[smem:s0+$0x2] =	sst s3  }
0x12: {  	[smem:s0+$0x3] =	sst s4  }
0x13: {  	[smem:s0+$0x4] =	sst s5  }
0x14: {  	[smem:s0+$0x5] =	sst s6  }
0x15: {  	[smem:s0+$0x6] =	sst s7  }
0x16: {  	[smem:s0+$0x7] =	sst s8  }
0x17: {  	[smem:s0+$0x8] =	sst s9  }
0x18: {  	[smem:s0+$0x9] =	sst s10  }
0x19: {  	[smem:s0+$0xA] =	sst s11  }
0x1a: {  	[smem:s0+$0xB] =	sst s12  }
0x1b: {  	[smem:s0+$0xC] =	sst s13;
	_ =	shalt  }
.Lfunc_end2:
execute0_lowered:
.L_overlay_start_2:
0x1c: {  	(tag) =	ssettag $0x2  }
0x1d: {  	s5 =	rddreg [dreg:$0x0]  }
0x1e: {  	s6 =	rddreg [dreg:$0x1]  }
0x1f: {  	s7 =	rddreg [dreg:$0x2]  }
0x20: {  	s4 =	rddreg [dreg:$0x3]  }
0x21: {  	s8 =	rddreg [dreg:$0x4]  }
0x22: {  	s13 =	rddreg [dreg:$0xc]  }
0x23: {  	s14 =	rddreg [dreg:$0xd];
	s15 =	simm.s32 $0x0;
	s0 =	srdreg.scid  }
0x24: {  	s1 =	stileid.u32;
	s16 =	simm.s32 $0x18000;
	[smem:$0x7FF] =	sst s15  }
0x25: {  	s0 =	sand.u32 $0x1, s0;
	s1 =	sshll.u32 s1, $0x1;
	s21 =	sadd.s32 $0x3D000, s8  }
0x26: {  	s10 =	smov.u32 s4;
	s22 =	sadd.s32 $0x3D000, s4;
	s2 =	sld [smem:$0x2]  }
0x27: {  	s4 =	smov.u32 s5;
	s23 =	sadd.s32 $0x3D000, s5;
	s17 =	sld [smem:$0x0]  }
0x28: {  	s12 =	smov.u32 s6;
	s24 =	sadd.s32 $0x3D000, s6;
	s18 =	sld [smem:$0x1]  }
0x29: {  	s9 =	smov.u32 s7;
	s19 =	ssub.s32 $0x2, s0;
	[dreg:$0xe] =	wrdreg s2  }
0x2a: {  	s20 =	sshrl.u32 s19, $0x1;
	_ =	strace $0x80000047;
	[dreg:$0xf] =	wrdreg s21  }
0x2b: {  	s0 =	sor.u32 s0, s1;
	s1 =	ssub.s32 s19, s20;
	[dreg:$0x10] =	wrdreg s22  }
0x2c: {  	s26 =	sadd.s32 $0x3D000, s7;
	s1 =	smax.u32 s1, $0x1;
	[dreg:$0x11] =	wrdreg s23  }
0x2d: {  	s11 =	smov.u32 s13;
	s28 =	sadd.s32 $0x3D000, s13;
	[dreg:$0x12] =	wrdreg s1  }
0x2e: {  	s29 =	sadd.s32 $0x3D000, s14;
	s8 =	simm.s32 $0x1BA98;
	[dreg:$0x13] =	wrdreg s24  }
.Ltmp0:
0x2f: {  	s3 =	ssub.s32 $0x207, s0;
	[dreg:$0x14] =	wrdreg s26;
	(pc) =	sbr.rel .LBB3_1-.Ltmp0, $4  }
0x30: {  	p0 =	sne.s32 s0, $0x8;
	s19 =	sshrl.u32 s3, $0x5;
	[dreg:$0x15] =	wrdreg s28  }
0x31: {  	s20 =	sshll.u32 s0, $0xC;
	s30 =	sadd.s32 $0x3D000, s17;
	[dreg:$0x16] =	wrdreg s29  }
0x32: {  	s0 =	sshll.u32 s0, $0x9;
	s31 =	sadd.s32 $0x3D000, s18;
	[dreg:$0x17] =	wrdreg s30  }
0x33: {  	s25 =	sor.u32 $0x1FFFC000, s0;
	[dreg:$0x18] =	wrdreg s31;
	s1 =	simm.s32 $0x0  }
.LBB3_11:
0x34: {  	s1 =	sadd.s32 $0x1, s1;
	s0 =	rddreg [dreg:$0x12]  }
0x35: {  	p1 =	sne.s32 s1, s0  }
.Ltmp1:
0x36: {  	_ = 	snop;
	(pc) =	sbr.rel @!p1 .LBB3_12-.Ltmp1, $1  }
0x37: {  	_ =	sdelay $0x3  }
.LBB3_1:
0x38: {  	[dreg:$0x19] =	wrdreg s1  }
0x39: {  	s0 =	rddreg [dreg:$0x6];
	s24 =	simm.s32 $0x9  }
0x3a: {  	[tilespmem:s16], [sflag:$0x9] =	stream.linear.gather [hbm4b:s0+s15], $0x1388, $0x38;
	[tilespmem:$0x1CE20] =	vst v63  }
0x3b: {  	_ =	swait.ge [sflag:s24], $0x1388  }
0x3c: {  	[sflag:s24] =	ssyncset.done $0x0  }
0x3d: {  	[sflag:s24] =	ssyncadd.s32 $0xFFFFEC78  }
0x3e: {  	s2 =	simm.s32 $0x19388;
	s26 =	rddreg [dreg:$0x7]  }
0x3f: {  	[tilespmem:s2], [sflag:$0x9] =	stream.linear.gather [hbm4b:s26+s15], $0x1388, $0x38;
	[tilespmem:$0x1CE20] =	vst v63  }
0x40: {  	_ =	swait.ge [sflag:s24], $0x1388  }
0x41: {  	[sflag:s24] =	ssyncset.done $0x0  }
0x42: {  	[sflag:s24] =	ssyncadd.s32 $0xFFFFEC78  }
0x43: {  	s29 =	simm.s32 $0x1A710;
	s28 =	rddreg [dreg:$0x8]  }
0x44: {  	[tilespmem:s29], [sflag:$0x9] =	stream.linear.gather [hbm4b:s28+s15], $0x1388, $0x38;
	[tilespmem:$0x1CE20] =	vst v63  }
0x45: {  	_ =	swait.ge [sflag:s24], $0x1388  }
0x46: {  	[sflag:s24] =	ssyncset.done $0x0  }
0x47: {  	[sflag:s24] =	ssyncadd.s32 $0xFFFFEC78  }
.Ltmp2:
0x48: {  	s31 =	rddreg [dreg:$0x5];
	(pc) =	sbr.rel .LBB3_2-.Ltmp2, $4  }
0x49: {  	[tilespmem:s8], [sflag:$0x9] =	stream.linear.gather [hbm4b:s31+s15], $0x1388, $0x38;
	[tilespmem:$0x1CE20] =	vst v63  }
0x4a: {  	_ =	swait.ge [sflag:s24], $0x1388  }
0x4b: {  	[sflag:s24] =	ssyncset.done $0x0  }
0x4c: {  	p1 =	por $0x1, $0x1;
	s30 =	simm.s32 $0x0;
	[sflag:s24] =	ssyncadd.s32 $0xFFFFEC78  }
.LBB3_6:
0x4d: {  	p2 =	sne.s32 s30, s19  }
.Ltmp3:
0x4e: {  	_ = 	snop;
	(pc) =	sbr.rel @!p2 .LBB3_7-.Ltmp3, $3  }
0x4f: {  	_ =	sdelay $0x1  }
0x50: {  	s0 =	sadd.s32 $0x1, s30  }
0x51: {  	p1 =	por !p1, !p1;
	s30 =	smov.u32 s0  }
.LBB3_2:
0x52: {  	p2 =	sge.u32 s30, s19  }
0x53: {  	s1 =	sshll.u32 @!p2 s30, $0x11  }
0x54: {  	s0 =	sand.u32 $0x1, s30;
	s6 =	rddreg [dreg:$0x4];
	s1 =	sor.u32 @!p2 s20, s1  }
0x55: {  	s2 =	sadd.s32 @!p2 $0x1, s0;
	s3 =	sshll.u32 @!p2 s0, $0xC;
	s1 =	sshrl.u32 @!p2 s1, $0x3  }
0x56: {  	s7 =	simm.s32 @!p2 $0x0;
	s5 =	sor.u32 @!p2 $0x2000, s3;
	s6 =	sadd.s32 @!p2 s6, s1  }
0x57: {  	[tilespmem:s5], [sflag:s2] =	stream.linear.gather @!p2 [hbm4b:s6+s7], $0x1000, $0x38;
	[tilespmem:$0x1CE20] =	vst v63  }
0x58: {  	s13 =	sadd.s32 @!p2 s10, s1;
	s6 =	sadd.s32 @!p2 $0x3, s0  }
0x59: {  	[tilespmem:s3], [sflag:s6] =	stream.linear.gather @!p2 [hbm4b:s13+s7], $0x1000, $0x38;
	[tilespmem:$0x1CE20] =	vst v63  }
0x5a: {  	s14 =	sadd.s32 @!p2 s4, s1;
	s13 =	sor.u32 @!p2 $0x4000, s3  }
0x5b: {  	[tilespmem:s13], [sflag:s6] =	stream.linear.gather @!p2 [hbm4b:s14+s7], $0x1000, $0x38;
	[tilespmem:$0x1CE20] =	vst v63  }
0x5c: {  	s13 =	sor.u32 @!p2 $0x6000, s3;
	s14 =	sadd.s32 @!p2 s12, s1  }
0x5d: {  	[tilespmem:s13], [sflag:s6] =	stream.linear.gather @!p2 [hbm4b:s14+s7], $0x1000, $0x38;
	[tilespmem:$0x1CE20] =	vst v63  }
0x5e: {  	s13 =	sor.u32 @!p2 $0x8000, s3;
	s14 =	sadd.s32 @!p2 s9, s1  }
0x5f: {  	[tilespmem:s13], [sflag:s6] =	stream.linear.gather @!p2 [hbm4b:s14+s7], $0x1000, $0x38;
	[tilespmem:$0x1CE20] =	vst v63  }
0x60: {  	s1 =	sadd.s32 @!p2 s11, s1;
	s13 =	sor.u32 @!p2 $0xA000, s3  }
0x61: {  	[tilespmem:s13], [sflag:s6] =	stream.linear.gather @!p2 [hbm4b:s1+s7], $0x1000, $0x38;
	[tilespmem:$0x1CE20] =	vst v63  }
0x62: {  	_ =	swait.ge @!p2 [sflag:s2], $0x1000  }
0x63: {  	[sflag:s2] =	ssyncset.done @!p2 $0x0  }
0x64: {  	s1 =	sor.u32 @!p2 $0xC000, s3;
	[sflag:s2] =	ssyncadd.s32 @!p2 $0xFFFFF000  }
0x65: {  	s6 =	simm.s32 @!p2 $0x1000;
	s2 =	sadd.s32 @!p2 $0x5, s0;
	s7 =	rddreg [dreg:$0x9]  }
0x66: {  	[tilespmem:s1], [sflag:s2] =	stream.indirect.gather @!p2 [hbm4b:s7+s6], $0x1, s5, s6, $0xb8;
	[tilespmem:$0x1CE20] =	vst v63  }
0x67: {  	s1 =	sor.u32 @!p2 $0xE000, s3;
	s7 =	rddreg [dreg:$0xa]  }
0x68: {  	[tilespmem:s1], [sflag:s2] =	stream.indirect.gather @!p2 [hbm4b:s7+s6], $0x1, s5, s6, $0xb8;
	[tilespmem:$0x1CE20] =	vst v63  }
0x69: {  	s1 =	sor.u32 @!p2 $0x10000, s3;
	s3 =	rddreg [dreg:$0xb]  }
0x6a: {  	[tilespmem:s1], [sflag:s2] =	stream.indirect.gather @!p2 [hbm4b:s3+s6], $0x1, s5, s6, $0xb8;
	[tilespmem:$0x1CE20] =	vst v63  }
0x6b: {  	p2 =	seq.s32 s30, $0x0  }
.Ltmp4:
0x6c: {  	_ = 	snop;
	(pc) =	sbr.rel @p2 .LBB3_6-.Ltmp4, $1  }
0x6d: {  	_ =	sdelay $0x3  }
0x6e: {  	s31 =	sxor.u32 $0x1, s0  }
0x6f: {  	s0 =	sadd.s32 $0x3, s31  }
0x70: {  	_ =	swait.ge [sflag:s0], $0x1000  }
0x71: {  	[sflag:s0] =	ssyncset.done $0x0  }
0x72: {  	[sflag:s0] =	ssyncadd.s32 $0xFFFFF000  }
0x73: {  	_ =	swait.ge [sflag:s0], $0x1000  }
0x74: {  	[sflag:s0] =	ssyncset.done $0x0  }
0x75: {  	[sflag:s0] =	ssyncadd.s32 $0xFFFFF000  }
0x76: {  	_ =	swait.ge [sflag:s0], $0x1000  }
0x77: {  	[sflag:s0] =	ssyncset.done $0x0  }
0x78: {  	[sflag:s0] =	ssyncadd.s32 $0xFFFFF000  }
0x79: {  	_ =	swait.ge [sflag:s0], $0x1000  }
0x7a: {  	[sflag:s0] =	ssyncset.done $0x0  }
0x7b: {  	[sflag:s0] =	ssyncadd.s32 $0xFFFFF000  }
0x7c: {  	_ =	swait.ge [sflag:s0], $0x1000  }
0x7d: {  	[sflag:s0] =	ssyncset.done $0x0  }
0x7e: {  	s14 =	sadd.s32 $0x5, s31;
	[sflag:s0] =	ssyncadd.s32 $0xFFFFF000  }
0x7f: {  	_ =	swait.ge [sflag:s14], $0x1000  }
0x80: {  	[sflag:s14] =	ssyncset.done $0x0  }
0x81: {  	[sflag:s14] =	ssyncadd.s32 $0xFFFFF000  }
0x82: {  	_ =	swait.ge [sflag:s14], $0x1000  }
0x83: {  	[sflag:s14] =	ssyncset.done $0x0  }
0x84: {  	[sflag:s14] =	ssyncadd.s32 $0xFFFFF000  }
0x85: {  	_ =	swait.ge [sflag:s14], $0x1000  }
0x86: {  	p2 =	slt.u32 s30, $0x3;
	[sflag:s14] =	ssyncset.done $0x0  }
0x87: {  	s0 =	sadd.s32 @!p2 $0x7, s31;
	[sflag:s14] =	ssyncadd.s32 $0xFFFFF000  }
0x88: {  	s1 =	simm.s32 $0x1;
	_ =	swait.ge @!p2 [sflag:s0], $0x1000  }
0x89: {  	s1 =	simm.s32 @!p1 $0x0;
	[sflag:s0] =	ssyncset.done @!p2 $0x0  }
0x8a: {  	s1 =	sshll.u32 s1, $0xE;
	[sflag:s0] =	ssyncadd.s32 @!p2 $0xFFFFF000  }
0x8b: {  	s1 =	sshrl.u32 s1, $0x2;
	_ =	swait.ge @!p2 [sflag:s0], $0x1000  }
0x8c: {  	v0 =	vmov s1;
	[sflag:s0] =	ssyncset.done @!p2 $0x0  }
0x8d: {  	[sflag:s0] =	ssyncadd.s32 @!p2 $0xFFFFF000  }
0x8e: {  	_ =	swait.ge @!p2 [sflag:s0], $0x1000  }
0x8f: {  	[sflag:s0] =	ssyncset.done @!p2 $0x0  }
0x90: {  	s14 =	simm.s32 $0x4030;
	[sflag:s0] =	ssyncadd.s32 @!p2 $0xFFFFF000  }
0x91: {  	s21 =	simm.s32 $0x6030;
	v1 =	vld.idx.msk [tilespmem:v0+s14+$0xFFFFFFD0 ss:$0x1], $0xffff  }
0x92: {  	v2 =	vld.idx.msk [tilespmem:v0+s21+$0xFFFFFFD0 ss:$0x1], $0xffff  }
0x93: {  	s3 =	simm.s32 $0x8030  }
0x94: {  	v3 =	vld.idx.msk [tilespmem:v0+s3+$0xFFFFFFD0 ss:$0x1], $0xffff;
	_ =	sdelay $0x2  }
0x95: {  	v4 =	vmul.f32 v1, v1;
	v5 =	vmul.f32 v2, v2;
	_ =	sdelay $0x1  }
0x96: {  	v4 =	vadd.f32 v5, v4;
	v5 =	vmul.f32 v3, v3;
	_ =	sdelay $0x1  }
0x97: {  	v4 =	vadd.f32 v5, v4;
	_ =	sdelay $0x1  }
0x98: {  	v5 =	vshra.s32 v4, $0x1;
	v6 =	vmul.f32 $5.000000000e-01, v4  }
0x99: {  	v5 =	vsub.s32 $0x5F3759DF, v5  }
0x9a: {  	v7 =	vmul.f32 v5, v6;
	_ =	sdelay $0x1  }
0x9b: {  	v7 =	vmul.f32 v5, v7;
	_ =	sdelay $0x1  }
0x9c: {  	v7 =	vsub.f32 $1.500000000e+00, v7;
	_ =	sdelay $0x1  }
0x9d: {  	v5 =	vmul.f32 v5, v7;
	_ =	sdelay $0x1  }
0x9e: {  	v7 =	vmul.f32 v5, v6;
	_ =	sdelay $0x1  }
0x9f: {  	s6 =	simm.s32 $0x20;
	v7 =	vmul.f32 v7, v5  }
0xa0: {  	v8 =	vld.idx.msk [tilespmem:v0+s6+$0xFFFFFFE0 ss:$0x1], $0xffff  }
0xa1: {  	v7 =	vsub.f32 $1.500000000e+00, v7;
	_ =	sdelay $0x1  }
0xa2: {  	v5 =	vmul.f32 v7, v5;
	_ =	sdelay $0x1  }
0xa3: {  	v6 =	vmul.f32 v5, v6  }
0xa4: {  	s2 =	simm.s32 $0xE030;
	v9 =	vadd.s32 $0x1388, v8  }
0xa5: {  	v12 =	vld.idx.msk [tilespmem:v0+s2+$0xFFFFFFD0 ss:$0x1], $0xffff;
	v6 =	vmul.f32 v6, v5  }
0xa6: {  	s5 =	simm.s32 $0xA030;
	v10 =	vld.idx.msk [tilespmem:v8+s8+$0x0], $0xffff  }
0xa7: {  	s7 =	simm.s32 $0xC030;
	v13 =	vld.idx.msk [tilespmem:v0+s5+$0xFFFFFFD0 ss:$0x1], $0xffff;
	v11 =	vadd.s32 $0x2710, v8;
	v6 =	vsub.f32 $1.500000000e+00, v6  }
0xa8: {  	v14 =	vld.idx.msk [tilespmem:v0+s7+$0xFFFFFFD0 ss:$0x1], $0xffff  }
0xa9: {  	vm0 =	vge.f32 v4, $1.000000020e-16;
	v4 =	vld.idx.msk [tilespmem:v9+s16+$0x0], $0xffff;
	v5 =	vmul.f32 v6, v5  }
0xaa: {  	s26 =	simm.s32 $0x10030;
	v6 =	vld.idx.msk [tilespmem:v8+s16+$0x0], $0xffff  }
0xab: {  	vm10 =	vgt.f32 v10, $5.000000000e-01;
	v7 =	vld.idx.msk [tilespmem:v0+s26+$0xFFFFFFD0 ss:$0x1], $0xffff;
	v5 =	vnsel vm0, $0x4CBEBC20, v5  }
0xac: {  	v8 =	vld.idx.msk [tilespmem:v11+s16+$0x0], $0xffff;
	v5 =	vsel vm10, $0x3F800000, v5  }
0xad: {  	v5 =	vmul.f32 v5, v13;
	_ =	sdelay $0x1  }
0xae: {  	v6 =	vsub.f32 v14, v6;
	v1 =	vmul.f32 v5, v1  }
0xaf: {  	v4 =	vsub.f32 v12, v4;
	v2 =	vmul.f32 v5, v2  }
0xb0: {  	v3 =	vmul.f32 v5, v3;
	v5 =	vsub.f32 v7, v8;
	v1 =	vsub.f32 v6, v1  }
0xb1: {  	s22 =	simm.s32 $0x12030;
	v2 =	vsub.f32 v4, v2  }
0xb2: {  	s23 =	simm.s32 $0x14030;
	[tilespmem:v0+s22+$0xFFFFFFD0 ss:$0x1] =	vst.idx.msk $0xffff, v1;
	v1 =	vsub.f32 v5, v3  }
0xb3: {  	s24 =	simm.s32 $0x16030;
	[tilespmem:v0+s23+$0xFFFFFFD0 ss:$0x1] =	vst.idx.msk $0xffff, v2  }
0xb4: {  	[tilespmem:v0+s24+$0xFFFFFFD0 ss:$0x1] =	vst.idx.msk $0xffff, v1  }
0xb5: {  	v1 =	vld.idx.msk [tilespmem:v0+s14+$0xFFFFFFE0 ss:$0x1], $0xffff  }
0xb6: {  	v2 =	vld.idx.msk [tilespmem:v0+s21+$0xFFFFFFE0 ss:$0x1], $0xffff;
	_ =	sdelay $0x1  }
0xb7: {  	v3 =	vld.idx.msk [tilespmem:v0+s3+$0xFFFFFFE0 ss:$0x1], $0xffff;
	_ =	sdelay $0x2  }
0xb8: {  	v4 =	vmul.f32 v1, v1;
	v5 =	vmul.f32 v2, v2;
	_ =	sdelay $0x1  }
0xb9: {  	v4 =	vadd.f32 v5, v4;
	v5 =	vmul.f32 v3, v3;
	_ =	sdelay $0x1  }
0xba: {  	v4 =	vadd.f32 v5, v4;
	_ =	sdelay $0x1  }
0xbb: {  	v5 =	vshra.s32 v4, $0x1;
	v6 =	vmul.f32 $5.000000000e-01, v4  }
0xbc: {  	v5 =	vsub.s32 $0x5F3759DF, v5  }
0xbd: {  	v7 =	vmul.f32 v5, v6;
	_ =	sdelay $0x1  }
0xbe: {  	v7 =	vmul.f32 v5, v7;
	_ =	sdelay $0x1  }
0xbf: {  	v7 =	vsub.f32 $1.500000000e+00, v7;
	_ =	sdelay $0x1  }
0xc0: {  	v5 =	vmul.f32 v5, v7;
	_ =	sdelay $0x1  }
0xc1: {  	v7 =	vmul.f32 v5, v6;
	_ =	sdelay $0x1  }
0xc2: {  	v7 =	vmul.f32 v7, v5  }
0xc3: {  	v8 =	vld.idx.msk [tilespmem:v0+s6+$0xFFFFFFF0 ss:$0x1], $0xffff  }
0xc4: {  	v7 =	vsub.f32 $1.500000000e+00, v7;
	_ =	sdelay $0x1  }
0xc5: {  	v5 =	vmul.f32 v7, v5;
	_ =	sdelay $0x1  }
0xc6: {  	v6 =	vmul.f32 v5, v6  }
0xc7: {  	v46 =	vadd.s32 $0x1388, v8  }
0xc8: {  	v48 =	vld.idx.msk [tilespmem:v0+s2+$0xFFFFFFE0 ss:$0x1], $0xffff;
	v6 =	vmul.f32 v6, v5  }
0xc9: {  	v47 =	vld.idx.msk [tilespmem:v8+s8+$0x0], $0xffff  }
0xca: {  	v50 =	vld.idx.msk [tilespmem:v0+s5+$0xFFFFFFE0 ss:$0x1], $0xffff;
	v49 =	vadd.s32 $0x2710, v8;
	v6 =	vsub.f32 $1.500000000e+00, v6  }
0xcb: {  	v51 =	vld.idx.msk [tilespmem:v0+s7+$0xFFFFFFE0 ss:$0x1], $0xffff  }
0xcc: {  	vm11 =	vge.f32 v4, $1.000000020e-16;
	v4 =	vld.idx.msk [tilespmem:v46+s16+$0x0], $0xffff;
	v5 =	vmul.f32 v6, v5  }
0xcd: {  	v6 =	vld.idx.msk [tilespmem:v8+s16+$0x0], $0xffff  }
0xce: {  	vm12 =	vgt.f32 v47, $5.000000000e-01;
	v7 =	vld.idx.msk [tilespmem:v0+s26+$0xFFFFFFE0 ss:$0x1], $0xffff;
	v5 =	vnsel vm11, $0x4CBEBC20, v5  }
0xcf: {  	v8 =	vld.idx.msk [tilespmem:v49+s16+$0x0], $0xffff;
	v5 =	vsel vm12, $0x3F800000, v5  }
0xd0: {  	v5 =	vmul.f32 v5, v50;
	_ =	sdelay $0x1  }
0xd1: {  	v6 =	vsub.f32 v51, v6;
	v1 =	vmul.f32 v5, v1  }
0xd2: {  	v4 =	vsub.f32 v48, v4;
	v2 =	vmul.f32 v5, v2  }
0xd3: {  	v3 =	vmul.f32 v5, v3;
	v5 =	vsub.f32 v7, v8;
	v1 =	vsub.f32 v6, v1  }
0xd4: {  	v2 =	vsub.f32 v4, v2  }
0xd5: {  	[tilespmem:v0+s22+$0xFFFFFFE0 ss:$0x1] =	vst.idx.msk $0xffff, v1;
	v1 =	vsub.f32 v5, v3  }
0xd6: {  	[tilespmem:v0+s23+$0xFFFFFFE0 ss:$0x1] =	vst.idx.msk $0xffff, v2  }
0xd7: {  	[tilespmem:v0+s24+$0xFFFFFFE0 ss:$0x1] =	vst.idx.msk $0xffff, v1  }
0xd8: {  	v1 =	vld.idx.msk [tilespmem:v0+s14+$0xFFFFFFF0 ss:$0x1], $0xffff  }
0xd9: {  	v2 =	vld.idx.msk [tilespmem:v0+s21+$0xFFFFFFF0 ss:$0x1], $0xffff;
	_ =	sdelay $0x1  }
0xda: {  	v3 =	vld.idx.msk [tilespmem:v0+s3+$0xFFFFFFF0 ss:$0x1], $0xffff;
	_ =	sdelay $0x2  }
0xdb: {  	v4 =	vmul.f32 v1, v1;
	v5 =	vmul.f32 v2, v2;
	_ =	sdelay $0x1  }
0xdc: {  	v4 =	vadd.f32 v5, v4;
	v5 =	vmul.f32 v3, v3;
	_ =	sdelay $0x1  }
0xdd: {  	v4 =	vadd.f32 v5, v4;
	_ =	sdelay $0x1  }
0xde: {  	v5 =	vshra.s32 v4, $0x1;
	v6 =	vmul.f32 $5.000000000e-01, v4  }
0xdf: {  	v5 =	vsub.s32 $0x5F3759DF, v5  }
0xe0: {  	v7 =	vmul.f32 v5, v6;
	_ =	sdelay $0x1  }
0xe1: {  	v7 =	vmul.f32 v5, v7;
	_ =	sdelay $0x1  }
0xe2: {  	v7 =	vsub.f32 $1.500000000e+00, v7;
	_ =	sdelay $0x1  }
0xe3: {  	v5 =	vmul.f32 v5, v7;
	_ =	sdelay $0x1  }
0xe4: {  	v7 =	vmul.f32 v5, v6;
	_ =	sdelay $0x1  }
0xe5: {  	v7 =	vmul.f32 v7, v5  }
0xe6: {  	v8 =	vld.idx.msk [tilespmem:v0+s6+$0x0 ss:$0x1], $0xffff  }
0xe7: {  	v7 =	vsub.f32 $1.500000000e+00, v7;
	_ =	sdelay $0x1  }
0xe8: {  	v5 =	vmul.f32 v7, v5;
	_ =	sdelay $0x1  }
0xe9: {  	v6 =	vmul.f32 v5, v6;
	_ =	sdelay $0x1  }
0xea: {  	v53 =	vld.idx.msk [tilespmem:v0+s7+$0xFFFFFFF0 ss:$0x1], $0xffff;
	v6 =	vmul.f32 v6, v5  }
0xeb: {  	v52 =	vadd.s32 $0x1388, v8;
	v54 =	vld.idx.msk [tilespmem:v8+s8+$0x0], $0xffff  }
0xec: {  	v55 =	vld.idx.msk [tilespmem:v0+s5+$0xFFFFFFF0 ss:$0x1], $0xffff;
	v7 =	vadd.s32 $0x2710, v8;
	v6 =	vsub.f32 $1.500000000e+00, v6  }
0xed: {  	v56 =	vld.idx.msk [tilespmem:v0+s26+$0xFFFFFFF0 ss:$0x1], $0xffff  }
0xee: {  	vm13 =	vge.f32 v4, $1.000000020e-16;
	v4 =	vld.idx.msk [tilespmem:v0+s2+$0xFFFFFFF0 ss:$0x1], $0xffff;
	v5 =	vmul.f32 v6, v5  }
0xef: {  	v8 =	vld.idx.msk [tilespmem:v8+s16+$0x0], $0xffff  }
0xf0: {  	vm14 =	vgt.f32 v54, $5.000000000e-01;
	v6 =	vld.idx.msk [tilespmem:v52+s16+$0x0], $0xffff;
	v5 =	vnsel vm13, $0x4CBEBC20, v5  }
0xf1: {  	v7 =	vld.idx.msk [tilespmem:v7+s16+$0x0], $0xffff;
	v5 =	vsel vm14, $0x3F800000, v5  }
0xf2: {  	v5 =	vmul.f32 v5, v55;
	_ =	sdelay $0x1  }
0xf3: {  	v8 =	vsub.f32 v53, v8;
	v1 =	vmul.f32 v5, v1  }
0xf4: {  	v4 =	vsub.f32 v4, v6;
	v2 =	vmul.f32 v5, v2  }
0xf5: {  	v3 =	vmul.f32 v5, v3;
	v5 =	vsub.f32 v56, v7;
	v1 =	vsub.f32 v8, v1  }
0xf6: {  	v2 =	vsub.f32 v4, v2  }
0xf7: {  	[tilespmem:v0+s22+$0xFFFFFFF0 ss:$0x1] =	vst.idx.msk $0xffff, v1;
	v1 =	vsub.f32 v5, v3  }
0xf8: {  	[tilespmem:v0+s23+$0xFFFFFFF0 ss:$0x1] =	vst.idx.msk $0xffff, v2  }
0xf9: {  	[tilespmem:v0+s24+$0xFFFFFFF0 ss:$0x1] =	vst.idx.msk $0xffff, v1  }
0xfa: {  	v2 =	vld.idx.msk [tilespmem:v0+s14+$0x0 ss:$0x1], $0xffff  }
0xfb: {  	v4 =	vld.idx.msk [tilespmem:v0+s21+$0x0 ss:$0x1], $0xffff;
	_ =	sdelay $0x1  }
0xfc: {  	v6 =	vld.idx.msk [tilespmem:v0+s3+$0x0 ss:$0x1], $0xffff;
	_ =	sdelay $0x2  }
0xfd: {  	v1 =	vmul.f32 v2, v2;
	v3 =	vmul.f32 v4, v4;
	_ =	sdelay $0x1  }
0xfe: {  	v5 =	vmul.f32 v6, v6;
	v1 =	vadd.f32 v3, v1;
	_ =	sdelay $0x1  }
0xff: {  	v1 =	vadd.f32 v5, v1;
	_ =	sdelay $0x1  }
0x100: {  	v3 =	vshra.s32 v1, $0x1;
	v5 =	vmul.f32 $5.000000000e-01, v1  }
0x101: {  	v3 =	vsub.s32 $0x5F3759DF, v3  }
0x102: {  	v7 =	vmul.f32 v3, v5;
	_ =	sdelay $0x1  }
0x103: {  	v7 =	vmul.f32 v3, v7;
	_ =	sdelay $0x1  }
0x104: {  	v7 =	vsub.f32 $1.500000000e+00, v7;
	_ =	sdelay $0x1  }
0x105: {  	v3 =	vmul.f32 v3, v7;
	_ =	sdelay $0x1  }
0x106: {  	v7 =	vmul.f32 v3, v5;
	_ =	sdelay $0x1  }
0x107: {  	v7 =	vmul.f32 v7, v3  }
0x108: {  	v8 =	vld.idx.msk [tilespmem:v0+s6+$0x10 ss:$0x1], $0xffff  }
0x109: {  	v7 =	vsub.f32 $1.500000000e+00, v7;
	_ =	sdelay $0x1  }
0x10a: {  	v3 =	vmul.f32 v7, v3;
	_ =	sdelay $0x1  }
0x10b: {  	v5 =	vmul.f32 v3, v5  }
0x10c: {  	v57 =	vld.idx.msk [tilespmem:v0+s7+$0x0 ss:$0x1], $0xffff  }
0x10d: {  	v61 =	vld.idx.msk [tilespmem:v0+s2+$0x0 ss:$0x1], $0xffff;
	v58 =	vadd.s32 $0x1388, v8;
	v5 =	vmul.f32 v5, v3  }
0x10e: {  	v59 =	vadd.s32 $0x2710, v8;
	v60 =	vld.idx.msk [tilespmem:v8+s8+$0x0], $0xffff  }
0x10f: {  	v62 =	vld.idx.msk [tilespmem:v0+s26+$0x0 ss:$0x1], $0xffff;
	v5 =	vsub.f32 $1.500000000e+00, v5  }
0x110: {  	v7 =	vld.idx.msk [tilespmem:v0+s5+$0x0 ss:$0x1], $0xffff  }
0x111: {  	v8 =	vld.idx.msk [tilespmem:v8+s16+$0x0], $0xffff;
	v3 =	vmul.f32 v5, v3  }
0x112: {  	vm15 =	vge.f32 v1, $1.000000020e-16;
	v5 =	vld.idx.msk [tilespmem:v58+s16+$0x0], $0xffff  }
0x113: {  	v63 =	vld.idx.msk [tilespmem:v59+s16+$0x0], $0xffff;
	vm1 =	vgt.f32 v60, $5.000000000e-01;
	v1 =	vnsel vm15, $0x4CBEBC20, v3  }
0x114: {  	v1 =	vsel vm1, $0x3F800000, v1  }
0x115: {  	s29 =	simm.s32 $0x16070;
	s13 =	simm.s32 $0x10070;
	v7 =	vmul.f32 v1, v7  }
0x116: {  	s28 =	sshll.u32 s31, $0xC;
	s1 =	simm.s32 $0x6070;
	s0 =	simm.s32 $0xA070;
	v1 =	vsub.f32 v57, v8  }
0x117: {  	s26 =	simm.s32 $0x0;
	s7 =	simm.s32 $0x12070;
	s21 =	simm.s32 $0x14070;
	v3 =	vsub.f32 v61, v5;
	v2 =	vmul.f32 v7, v2;
	v5 =	vmul.f32 v7, v4  }
0x118: {  	s2 =	simm.s32 $0x8070;
	s3 =	simm.s32 $0xC070;
	s5 =	simm.s32 $0xE070;
	v4 =	vsub.f32 v62, v63;
	v6 =	vmul.f32 v7, v6  }
.LBB3_4:
0x119: {  	s26 =	sadd.s32 $0x4, s26;
	v1 =	vsub.f32 v1, v2;
	v2 =	vsub.f32 v3, v5;
	s6 =	sadd.s32 $0x40, s6;
	s14 =	sadd.s32 $0x40, s14  }
0x11a: {  	p2 =	slt.u32 s26, $0xFC;
	v3 =	vsub.f32 v4, v6  }
0x11b: {  	[tilespmem:v0+s22+$0x0 ss:$0x1] =	vst.idx.msk $0xffff, v1;
	s22 =	smov.u32 s7  }
0x11c: {  	[tilespmem:v0+s23+$0x0 ss:$0x1] =	vst.idx.msk $0xffff, v2;
	s23 =	smov.u32 s21  }
0x11d: {  	[tilespmem:v0+s24+$0x0 ss:$0x1] =	vst.idx.msk $0xffff, v3;
	s24 =	smov.u32 s29  }
0x11e: {  	v1 =	vld.idx.msk [tilespmem:v0+s14+$0xFFFFFFD0 ss:$0x1], $0xffff  }
0x11f: {  	v2 =	vld.idx.msk [tilespmem:v0+s1+$0xFFFFFFD0 ss:$0x1], $0xffff;
	_ =	sdelay $0x1  }
0x120: {  	v3 =	vld.idx.msk [tilespmem:v0+s2+$0xFFFFFFD0 ss:$0x1], $0xffff;
	_ =	sdelay $0x3  }
0x121: {  	v4 =	vmul.f32 v1, v1;
	v5 =	vmul.f32 v2, v2;
	_ =	sdelay $0x1  }
0x122: {  	v4 =	vadd.f32 v5, v4;
	v5 =	vmul.f32 v3, v3;
	_ =	sdelay $0x1  }
0x123: {  	v4 =	vadd.f32 v5, v4;
	_ =	sdelay $0x1  }
0x124: {  	v5 =	vshra.s32 v4, $0x1;
	v6 =	vmul.f32 $5.000000000e-01, v4  }
0x125: {  	v5 =	vsub.s32 $0x5F3759DF, v5  }
0x126: {  	v7 =	vmul.f32 v5, v6;
	_ =	sdelay $0x1  }
0x127: {  	v7 =	vmul.f32 v5, v7;
	_ =	sdelay $0x1  }
0x128: {  	v7 =	vsub.f32 $1.500000000e+00, v7;
	_ =	sdelay $0x1  }
0x129: {  	v5 =	vmul.f32 v5, v7;
	_ =	sdelay $0x1  }
0x12a: {  	v7 =	vmul.f32 v5, v6;
	_ =	sdelay $0x1  }
0x12b: {  	v7 =	vmul.f32 v7, v5;
	v8 =	vld.idx.msk [tilespmem:v0+s6+$0xFFFFFFE0 ss:$0x1], $0xffff;
	_ =	sdelay $0x1  }
0x12c: {  	v7 =	vsub.f32 $1.500000000e+00, v7;
	_ =	sdelay $0x1  }
0x12d: {  	v5 =	vmul.f32 v7, v5;
	_ =	sdelay $0x1  }
0x12e: {  	v7 =	vadd.s32 $0x1388, v8;
	v9 =	vadd.s32 $0x2710, v8;
	v6 =	vmul.f32 v5, v6  }
0x12f: {  	v10 =	vld.idx.msk [tilespmem:v0+s13+$0xFFFFFFD0 ss:$0x1], $0xffff  }
0x130: {  	v6 =	vmul.f32 v6, v5;
	v11 =	vld.idx.msk [tilespmem:v8+s8+$0x0], $0xffff  }
0x131: {  	v12 =	vld.idx.msk [tilespmem:v0+s5+$0xFFFFFFD0 ss:$0x1], $0xffff  }
0x132: {  	v6 =	vsub.f32 $1.500000000e+00, v6;
	v13 =	vld.idx.msk [tilespmem:v0+s0+$0xFFFFFFD0 ss:$0x1], $0xffff  }
0x133: {  	v14 =	vld.idx.msk [tilespmem:v0+s3+$0xFFFFFFD0 ss:$0x1], $0xffff  }
0x134: {  	v5 =	vmul.f32 v6, v5;
	v8 =	vld.idx.msk [tilespmem:v8+s16+$0x0], $0xffff  }
0x135: {  	vm0 =	vge.f32 v4, $1.000000020e-16;
	v6 =	vld.idx.msk [tilespmem:v7+s16+$0x0], $0xffff  }
0x136: {  	v5 =	vnsel vm0, $0x4CBEBC20, v5;
	vm0 =	vgt.f32 v11, $5.000000000e-01;
	v4 =	vld.idx.msk [tilespmem:v9+s16+$0x0], $0xffff  }
0x137: {  	v5 =	vsel vm0, $0x3F800000, v5  }
0x138: {  	v5 =	vmul.f32 v5, v13;
	_ =	sdelay $0x1  }
0x139: {  	v7 =	vsub.f32 v14, v8;
	v1 =	vmul.f32 v5, v1;
	v2 =	vmul.f32 v5, v2  }
0x13a: {  	v3 =	vmul.f32 v5, v3;
	v6 =	vsub.f32 v12, v6  }
0x13b: {  	v1 =	vsub.f32 v7, v1;
	v4 =	vsub.f32 v10, v4  }
0x13c: {  	v2 =	vsub.f32 v6, v2  }
0x13d: {  	[tilespmem:v0+s7+$0xFFFFFFD0 ss:$0x1] =	vst.idx.msk $0xffff, v1;
	v1 =	vsub.f32 v4, v3  }
0x13e: {  	[tilespmem:v0+s21+$0xFFFFFFD0 ss:$0x1] =	vst.idx.msk $0xffff, v2  }
0x13f: {  	[tilespmem:v0+s29+$0xFFFFFFD0 ss:$0x1] =	vst.idx.msk $0xffff, v1  }
0x140: {  	v1 =	vld.idx.msk [tilespmem:v0+s14+$0xFFFFFFE0 ss:$0x1], $0xffff  }
0x141: {  	v2 =	vld.idx.msk [tilespmem:v0+s1+$0xFFFFFFE0 ss:$0x1], $0xffff;
	_ =	sdelay $0x1  }
0x142: {  	v3 =	vld.idx.msk [tilespmem:v0+s2+$0xFFFFFFE0 ss:$0x1], $0xffff;
	_ =	sdelay $0x3  }
0x143: {  	v4 =	vmul.f32 v1, v1;
	v5 =	vmul.f32 v2, v2;
	_ =	sdelay $0x1  }
0x144: {  	v4 =	vadd.f32 v5, v4;
	v5 =	vmul.f32 v3, v3;
	_ =	sdelay $0x1  }
0x145: {  	v4 =	vadd.f32 v5, v4;
	_ =	sdelay $0x1  }
0x146: {  	v5 =	vshra.s32 v4, $0x1;
	v6 =	vmul.f32 $5.000000000e-01, v4  }
0x147: {  	v5 =	vsub.s32 $0x5F3759DF, v5  }
0x148: {  	v7 =	vmul.f32 v5, v6;
	_ =	sdelay $0x1  }
0x149: {  	v7 =	vmul.f32 v5, v7;
	_ =	sdelay $0x1  }
0x14a: {  	v7 =	vsub.f32 $1.500000000e+00, v7;
	_ =	sdelay $0x1  }
0x14b: {  	v5 =	vmul.f32 v5, v7;
	_ =	sdelay $0x1  }
0x14c: {  	v7 =	vmul.f32 v5, v6;
	_ =	sdelay $0x1  }
0x14d: {  	v7 =	vmul.f32 v7, v5;
	v8 =	vld.idx.msk [tilespmem:v0+s6+$0xFFFFFFF0 ss:$0x1], $0xffff;
	_ =	sdelay $0x1  }
0x14e: {  	v7 =	vsub.f32 $1.500000000e+00, v7;
	_ =	sdelay $0x1  }
0x14f: {  	v5 =	vmul.f32 v7, v5;
	_ =	sdelay $0x1  }
0x150: {  	v6 =	vmul.f32 v5, v6  }
0x151: {  	v7 =	vld.idx.msk [tilespmem:v0+s13+$0xFFFFFFE0 ss:$0x1], $0xffff  }
0x152: {  	v9 =	vadd.s32 $0x1388, v8;
	v6 =	vmul.f32 v6, v5;
	v10 =	vld.idx.msk [tilespmem:v8+s8+$0x0], $0xffff  }
0x153: {  	v12 =	vadd.s32 $0x2710, v8;
	v11 =	vld.idx.msk [tilespmem:v0+s5+$0xFFFFFFE0 ss:$0x1], $0xffff  }
0x154: {  	v6 =	vsub.f32 $1.500000000e+00, v6;
	v13 =	vld.idx.msk [tilespmem:v0+s0+$0xFFFFFFE0 ss:$0x1], $0xffff  }
0x155: {  	v14 =	vld.idx.msk [tilespmem:v0+s3+$0xFFFFFFE0 ss:$0x1], $0xffff  }
0x156: {  	v5 =	vmul.f32 v6, v5;
	v8 =	vld.idx.msk [tilespmem:v8+s16+$0x0], $0xffff  }
0x157: {  	vm0 =	vge.f32 v4, $1.000000020e-16;
	v6 =	vld.idx.msk [tilespmem:v9+s16+$0x0], $0xffff  }
0x158: {  	v5 =	vnsel vm0, $0x4CBEBC20, v5;
	vm0 =	vgt.f32 v10, $5.000000000e-01;
	v4 =	vld.idx.msk [tilespmem:v12+s16+$0x0], $0xffff  }
0x159: {  	v5 =	vsel vm0, $0x3F800000, v5  }
0x15a: {  	v5 =	vmul.f32 v5, v13;
	_ =	sdelay $0x1  }
0x15b: {  	v8 =	vsub.f32 v14, v8;
	v1 =	vmul.f32 v5, v1;
	v2 =	vmul.f32 v5, v2  }
0x15c: {  	v3 =	vmul.f32 v5, v3;
	v6 =	vsub.f32 v11, v6  }
0x15d: {  	v1 =	vsub.f32 v8, v1;
	v4 =	vsub.f32 v7, v4  }
0x15e: {  	v2 =	vsub.f32 v6, v2  }
0x15f: {  	[tilespmem:v0+s7+$0xFFFFFFE0 ss:$0x1] =	vst.idx.msk $0xffff, v1;
	v1 =	vsub.f32 v4, v3  }
0x160: {  	[tilespmem:v0+s21+$0xFFFFFFE0 ss:$0x1] =	vst.idx.msk $0xffff, v2  }
0x161: {  	[tilespmem:v0+s29+$0xFFFFFFE0 ss:$0x1] =	vst.idx.msk $0xffff, v1  }
0x162: {  	v1 =	vld.idx.msk [tilespmem:v0+s14+$0xFFFFFFF0 ss:$0x1], $0xffff  }
0x163: {  	v2 =	vld.idx.msk [tilespmem:v0+s1+$0xFFFFFFF0 ss:$0x1], $0xffff;
	_ =	sdelay $0x1  }
0x164: {  	v3 =	vld.idx.msk [tilespmem:v0+s2+$0xFFFFFFF0 ss:$0x1], $0xffff;
	_ =	sdelay $0x2  }
0x165: {  	v4 =	vmul.f32 v1, v1  }
0x166: {  	v5 =	vmul.f32 v2, v2;
	_ =	sdelay $0x1  }
0x167: {  	v4 =	vadd.f32 v5, v4;
	v5 =	vmul.f32 v3, v3;
	_ =	sdelay $0x1  }
0x168: {  	v4 =	vadd.f32 v5, v4;
	_ =	sdelay $0x1  }
0x169: {  	v5 =	vshra.s32 v4, $0x1;
	v6 =	vmul.f32 $5.000000000e-01, v4  }
0x16a: {  	v5 =	vsub.s32 $0x5F3759DF, v5  }
0x16b: {  	v7 =	vmul.f32 v5, v6;
	_ =	sdelay $0x1  }
0x16c: {  	v7 =	vmul.f32 v5, v7;
	_ =	sdelay $0x1  }
0x16d: {  	v7 =	vsub.f32 $1.500000000e+00, v7;
	_ =	sdelay $0x1  }
0x16e: {  	v5 =	vmul.f32 v5, v7;
	_ =	sdelay $0x1  }
0x16f: {  	v7 =	vmul.f32 v5, v6;
	_ =	sdelay $0x1  }
0x170: {  	v7 =	vmul.f32 v7, v5;
	v8 =	vld.idx.msk [tilespmem:v0+s6+$0x0 ss:$0x1], $0xffff;
	_ =	sdelay $0x1  }
0x171: {  	v7 =	vsub.f32 $1.500000000e+00, v7;
	_ =	sdelay $0x1  }
0x172: {  	v5 =	vmul.f32 v7, v5;
	_ =	sdelay $0x1  }
0x173: {  	v7 =	vadd.s32 $0x1388, v8;
	v9 =	vadd.s32 $0x2710, v8;
	v6 =	vmul.f32 v5, v6  }
0x174: {  	v10 =	vld.idx.msk [tilespmem:v0+s3+$0xFFFFFFF0 ss:$0x1], $0xffff  }
0x175: {  	v6 =	vmul.f32 v6, v5;
	v11 =	vld.idx.msk [tilespmem:v8+s8+$0x0], $0xffff  }
0x176: {  	v8 =	vld.idx.msk [tilespmem:v8+s16+$0x0], $0xffff  }
0x177: {  	v6 =	vsub.f32 $1.500000000e+00, v6;
	v12 =	vld.idx.msk [tilespmem:v0+s0+$0xFFFFFFF0 ss:$0x1], $0xffff  }
0x178: {  	v9 =	vld.idx.msk [tilespmem:v9+s16+$0x0], $0xffff  }
0x179: {  	v5 =	vmul.f32 v6, v5;
	v7 =	vld.idx.msk [tilespmem:v7+s16+$0x0], $0xffff  }
0x17a: {  	vm0 =	vge.f32 v4, $1.000000020e-16;
	v6 =	vld.idx.msk [tilespmem:v0+s5+$0xFFFFFFF0 ss:$0x1], $0xffff  }
0x17b: {  	v5 =	vnsel vm0, $0x4CBEBC20, v5;
	vm0 =	vgt.f32 v11, $5.000000000e-01;
	v4 =	vld.idx.msk [tilespmem:v0+s13+$0xFFFFFFF0 ss:$0x1], $0xffff  }
0x17c: {  	v5 =	vsel vm0, $0x3F800000, v5  }
0x17d: {  	v5 =	vmul.f32 v5, v12;
	_ =	sdelay $0x1  }
0x17e: {  	v8 =	vsub.f32 v10, v8;
	v1 =	vmul.f32 v5, v1;
	v2 =	vmul.f32 v5, v2  }
0x17f: {  	v3 =	vmul.f32 v5, v3;
	v6 =	vsub.f32 v6, v7  }
0x180: {  	v1 =	vsub.f32 v8, v1;
	v4 =	vsub.f32 v4, v9  }
0x181: {  	v2 =	vsub.f32 v6, v2  }
0x182: {  	[tilespmem:v0+s7+$0xFFFFFFF0 ss:$0x1] =	vst.idx.msk $0xffff, v1;
	v1 =	vsub.f32 v4, v3  }
0x183: {  	[tilespmem:v0+s21+$0xFFFFFFF0 ss:$0x1] =	vst.idx.msk $0xffff, v2  }
0x184: {  	[tilespmem:v0+s29+$0xFFFFFFF0 ss:$0x1] =	vst.idx.msk $0xffff, v1  }
0x185: {  	v2 =	vld.idx.msk [tilespmem:v0+s14+$0x0 ss:$0x1], $0xffff  }
0x186: {  	v4 =	vld.idx.msk [tilespmem:v0+s1+$0x0 ss:$0x1], $0xffff  }
0x187: {  	v6 =	vld.idx.msk [tilespmem:v0+s2+$0x0 ss:$0x1], $0xffff  }
0x188: {  	v1 =	vld.idx.msk [tilespmem:v0+s6+$0x10 ss:$0x1], $0xffff  }
0x189: {  	v3 =	vld.idx.msk [tilespmem:v0+s0+$0x0 ss:$0x1], $0xffff  }
0x18a: {  	v5 =	vld.idx.msk [tilespmem:v0+s3+$0x0 ss:$0x1], $0xffff  }
0x18b: {  	v8 =	vmul.f32 v2, v2;
	v7 =	vld.idx.msk [tilespmem:v0+s5+$0x0 ss:$0x1], $0xffff  }
0x18c: {  	v10 =	vmul.f32 v4, v4;
	v9 =	vld.idx.msk [tilespmem:v0+s13+$0x0 ss:$0x1], $0xffff  }
0x18d: {  	v11 =	vmul.f32 v6, v6  }
0x18e: {  	v12 =	vadd.s32 $0x1388, v1;
	v8 =	vadd.f32 v10, v8  }
0x18f: {  	v10 =	vadd.s32 $0x2710, v1  }
0x190: {  	v8 =	vadd.f32 v11, v8;
	v13 =	vld.idx.msk [tilespmem:v1+s8+$0x0], $0xffff  }
0x191: {  	v1 =	vld.idx.msk [tilespmem:v1+s16+$0x0], $0xffff  }
0x192: {  	v11 =	vshra.s32 v8, $0x1;
	v14 =	vmul.f32 $5.000000000e-01, v8  }
0x193: {  	v11 =	vsub.s32 $0x5F3759DF, v11;
	v12 =	vld.idx.msk [tilespmem:v12+s16+$0x0], $0xffff  }
0x194: {  	v15 =	vmul.f32 v11, v14;
	v10 =	vld.idx.msk [tilespmem:v10+s16+$0x0], $0xffff;
	_ =	sdelay $0x1  }
0x195: {  	v15 =	vmul.f32 v11, v15;
	_ =	sdelay $0x1  }
0x196: {  	v15 =	vsub.f32 $1.500000000e+00, v15;
	_ =	sdelay $0x1  }
0x197: {  	v11 =	vmul.f32 v11, v15;
	_ =	sdelay $0x1  }
0x198: {  	v15 =	vmul.f32 v11, v14;
	_ =	sdelay $0x1  }
0x199: {  	v15 =	vmul.f32 v15, v11;
	_ =	sdelay $0x1  }
0x19a: {  	v15 =	vsub.f32 $1.500000000e+00, v15;
	_ =	sdelay $0x1  }
0x19b: {  	v11 =	vmul.f32 v15, v11;
	_ =	sdelay $0x1  }
0x19c: {  	v14 =	vmul.f32 v11, v14;
	_ =	sdelay $0x1  }
0x19d: {  	v14 =	vmul.f32 v14, v11;
	_ =	sdelay $0x1  }
0x19e: {  	v14 =	vsub.f32 $1.500000000e+00, v14;
	_ =	sdelay $0x1  }
0x19f: {  	vm0 =	vge.f32 v8, $1.000000020e-16;
	v8 =	vmul.f32 v14, v11  }
0x1a0: {  	vm1 =	vgt.f32 v13, $5.000000000e-01  }
0x1a1: {  	v8 =	vnsel vm0, $0x4CBEBC20, v8  }
.Ltmp5:
0x1a2: {  	v8 =	vsel vm1, $0x3F800000, v8;
	(pc) =	sbr.rel @p2 .LBB3_4-.Ltmp5, $4  }
0x1a3: {  	v8 =	vmul.f32 v8, v3  }
0x1a4: {  	s7 =	sadd.s32 $0x40, s7;
	s21 =	sadd.s32 $0x40, s21;
	s29 =	sadd.s32 $0x40, s29;
	v1 =	vsub.f32 v5, v1  }
0x1a5: {  	s0 =	sadd.s32 $0x40, s0;
	s5 =	sadd.s32 $0x40, s5;
	s13 =	sadd.s32 $0x40, s13;
	v3 =	vsub.f32 v7, v12;
	v2 =	vmul.f32 v8, v2;
	v5 =	vmul.f32 v8, v4  }
0x1a6: {  	s1 =	sadd.s32 $0x40, s1;
	s2 =	sadd.s32 $0x40, s2;
	s3 =	sadd.s32 $0x40, s3;
	v4 =	vsub.f32 v9, v10;
	v6 =	vmul.f32 v8, v6  }
0x1a7: {  	_ =	sdelay $0x1  }
0x1a8: {  	v1 =	vsub.f32 v1, v2  }
0x1a9: {  	v62 =	vsub.f32 v3, v5;
	s0 =	sshll.u32 s30, $0xE  }
0x1aa: {  	v63 =	vsub.f32 v4, v6;
	s0 =	sadd.s32 s25, s0;
	[tilespmem:v0+s22+$0x0 ss:$0x1] =	vst.idx.msk $0xffff, v1  }
0x1ab: {  	s2 =	rddreg [dreg:$0xd];
	s0 =	sand.u32 $0x1FFFFE00, s0;
	[tilespmem:v0+s23+$0x0 ss:$0x1] =	vst.idx.msk $0xffff, v62  }
0x1ac: {  	s1 =	sadd.s32 $0x7, s31;
	s3 =	sor.u32 $0x12000, s28;
	s2 =	sadd.s32 s2, s0;
	[tilespmem:v0+s24+$0x0 ss:$0x1] =	vst.idx.msk $0xffff, v63  }
0x1ad: {  	[hbm4b:s2+s15] =	stream.linear.scatter [tilespmem:s3], [sflag:s1], $0x1000, $0x38;
	[tilespmem:$0x1CE20] =	vst v63  }
.Ltmp6:
0x1ae: {  	_ = 	snop;
	(pc) =	sbr.rel .LBB3_6-.Ltmp6, $4  }
0x1af: {  	s29 =	sor.u32 $0x14000, s28;
	s26 =	sadd.s32 s17, s0  }
0x1b0: {  	[hbm4b:s26+s15] =	stream.linear.scatter [tilespmem:s29], [sflag:s1], $0x1000, $0x38;
	[tilespmem:$0x1CE20] =	vst v63  }
0x1b1: {  	s31 =	sor.u32 $0x16000, s28;
	s0 =	sadd.s32 s18, s0  }
0x1b2: {  	[hbm4b:s0+s15] =	stream.linear.scatter [tilespmem:s31], [sflag:s1], $0x1000, $0x38;
	[tilespmem:$0x1CE20] =	vst v63  }
.LBB3_7:
0x1b3: {  	s0 =	simm.s32 $0x7  }
0x1b4: {  	_ =	swait.ge [sflag:s0], $0x1000  }
0x1b5: {  	[sflag:s0] =	ssyncset.done $0x0  }
0x1b6: {  	[sflag:s0] =	ssyncadd.s32 $0xFFFFF000  }
0x1b7: {  	_ =	swait.ge [sflag:s0], $0x1000  }
0x1b8: {  	[sflag:s0] =	ssyncset.done $0x0  }
0x1b9: {  	[sflag:s0] =	ssyncadd.s32 $0xFFFFF000  }
0x1ba: {  	_ =	swait.ge [sflag:s0], $0x1000  }
0x1bb: {  	[sflag:s0] =	ssyncset.done $0x0  }
0x1bc: {  	s31 =	simm.s32 $0x8;
	[sflag:s0] =	ssyncadd.s32 $0xFFFFF000  }
0x1bd: {  	_ =	swait.ge [sflag:s31], $0x1000  }
0x1be: {  	[sflag:s31] =	ssyncset.done $0x0  }
0x1bf: {  	[sflag:s31] =	ssyncadd.s32 $0xFFFFF000  }
0x1c0: {  	_ =	swait.ge [sflag:s31], $0x1000  }
.Ltmp7:
0x1c1: {  	[sflag:s31] =	ssyncset.done $0x0;
	(pc) =	sbr.rel @p0 .LBB3_11-.Ltmp7, $4  }
0x1c2: {  	[sflag:s31] =	ssyncadd.s32 $0xFFFFF000  }
0x1c3: {  	_ =	swait.ge [sflag:s31], $0x1000  }
0x1c4: {  	[sflag:s31] =	ssyncset.done $0x0  }
0x1c5: {  	s1 =	rddreg [dreg:$0x19];
	[sflag:s31] =	ssyncadd.s32 $0xFFFFF000  }
0x1c6: {  	s0 =	simm.s32 $0x0;
	s1 =	rddreg [dreg:$0xf];
	s2 =	simm.s32 $0x2000  }
0x1c7: {  	[tilespmem:s2], [sflag:$0x1] =	stream.linear.gather [hbm4b:s1+s0], $0x480, $0x38;
	[tilespmem:$0x1CE20] =	vst v63  }
0x1c8: {  	s30 =	rddreg [dreg:$0x10]  }
0x1c9: {  	[tilespmem:s0], [sflag:$0x3] =	stream.linear.gather [hbm4b:s30+s0], $0x480, $0x38;
	[tilespmem:$0x1CE20] =	vst v63  }
0x1ca: {  	s31 =	rddreg [dreg:$0x11];
	s3 =	simm.s32 $0x4000  }
0x1cb: {  	[tilespmem:s3], [sflag:$0x3] =	stream.linear.gather [hbm4b:s31+s0], $0x480, $0x38;
	[tilespmem:$0x1CE20] =	vst v63  }
0x1cc: {  	s5 =	simm.s32 $0x6000;
	s3 =	rddreg [dreg:$0x13]  }
0x1cd: {  	[tilespmem:s5], [sflag:$0x3] =	stream.linear.gather [hbm4b:s3+s0], $0x480, $0x38;
	[tilespmem:$0x1CE20] =	vst v63  }
0x1ce: {  	s6 =	rddreg [dreg:$0x14];
	s7 =	simm.s32 $0x8000  }
0x1cf: {  	[tilespmem:s7], [sflag:$0x3] =	stream.linear.gather [hbm4b:s6+s0], $0x480, $0x38;
	[tilespmem:$0x1CE20] =	vst v63  }
0x1d0: {  	s13 =	rddreg [dreg:$0x15];
	s14 =	simm.s32 $0xA000;
	s21 =	simm.s32 $0x1  }
0x1d1: {  	[tilespmem:s14], [sflag:$0x3] =	stream.linear.gather [hbm4b:s13+s0], $0x480, $0x38;
	[tilespmem:$0x1CE20] =	vst v63  }
0x1d2: {  	_ =	swait.ge [sflag:s21], $0x480  }
0x1d3: {  	[sflag:s21] =	ssyncset.done $0x0  }
0x1d4: {  	[sflag:s21] =	ssyncadd.s32 $0xFFFFFB80  }
0x1d5: {  	s22 =	simm.s32 $0x480;
	s23 =	simm.s32 $0xC000;
	s0 =	rddreg [dreg:$0x9]  }
0x1d6: {  	[tilespmem:s23], [sflag:$0x5] =	stream.indirect.gather [hbm4b:s0+s22], $0x1, s2, s22, $0xb8;
	[tilespmem:$0x1CE20] =	vst v63  }
0x1d7: {  	s26 =	simm.s32 $0xE000;
	s24 =	rddreg [dreg:$0xa]  }
0x1d8: {  	[tilespmem:s26], [sflag:$0x5] =	stream.indirect.gather [hbm4b:s24+s22], $0x1, s2, s22, $0xb8;
	[tilespmem:$0x1CE20] =	vst v63  }
0x1d9: {  	s29 =	simm.s32 $0x10000;
	s30 =	simm.s32 $0x3;
	s28 =	rddreg [dreg:$0xb]  }
0x1da: {  	[tilespmem:s29], [sflag:$0x5] =	stream.indirect.gather [hbm4b:s28+s22], $0x1, s2, s22, $0xb8;
	[tilespmem:$0x1CE20] =	vst v63  }
0x1db: {  	_ =	swait.ge [sflag:s30], $0x480  }
0x1dc: {  	[sflag:s30] =	ssyncset.done $0x0  }
0x1dd: {  	[sflag:s30] =	ssyncadd.s32 $0xFFFFFB80  }
0x1de: {  	_ =	swait.ge [sflag:s30], $0x480  }
0x1df: {  	[sflag:s30] =	ssyncset.done $0x0  }
0x1e0: {  	[sflag:s30] =	ssyncadd.s32 $0xFFFFFB80  }
0x1e1: {  	_ =	swait.ge [sflag:s30], $0x480  }
0x1e2: {  	[sflag:s30] =	ssyncset.done $0x0  }
0x1e3: {  	[sflag:s30] =	ssyncadd.s32 $0xFFFFFB80  }
0x1e4: {  	_ =	swait.ge [sflag:s30], $0x480  }
0x1e5: {  	[sflag:s30] =	ssyncset.done $0x0  }
0x1e6: {  	[sflag:s30] =	ssyncadd.s32 $0xFFFFFB80  }
0x1e7: {  	_ =	swait.ge [sflag:s30], $0x480  }
0x1e8: {  	[sflag:s30] =	ssyncset.done $0x0  }
0x1e9: {  	s31 =	simm.s32 $0x5;
	[sflag:s30] =	ssyncadd.s32 $0xFFFFFB80  }
0x1ea: {  	_ =	swait.ge [sflag:s31], $0x480  }
0x1eb: {  	[sflag:s31] =	ssyncset.done $0x0  }
0x1ec: {  	[sflag:s31] =	ssyncadd.s32 $0xFFFFFB80  }
0x1ed: {  	_ =	swait.ge [sflag:s31], $0x480  }
0x1ee: {  	[sflag:s31] =	ssyncset.done $0x0  }
0x1ef: {  	[sflag:s31] =	ssyncadd.s32 $0xFFFFFB80  }
0x1f0: {  	_ =	swait.ge [sflag:s31], $0x480  }
0x1f1: {  	[sflag:s31] =	ssyncset.done $0x0  }
0x1f2: {  	s6 =	simm.s32 $0x0;
	[sflag:s31] =	ssyncadd.s32 $0xFFFFFB80  }
0x1f3: {  	v20 =	vld [tilespmem:s6+$0x4000]  }
0x1f4: {  	v26 =	vld [tilespmem:s6+$0x6000];
	_ =	sdelay $0x1  }
0x1f5: {  	v27 =	vld [tilespmem:s6+$0x8000];
	_ =	sdelay $0x1  }
0x1f6: {  	v10 =	vld [tilespmem:s6+$0x6010]  }
0x1f7: {  	v12 =	vld [tilespmem:s6+$0x4010];
	v0 =	vmul.f32 v20, v20;
	v1 =	vmul.f32 v26, v26;
	_ =	sdelay $0x1  }
0x1f8: {  	v14 =	vld [tilespmem:s6+$0x8010];
	v2 =	vmul.f32 v27, v27;
	v0 =	vadd.f32 v1, v0;
	_ =	sdelay $0x1  }
0x1f9: {  	v6 =	vld [tilespmem:s6+$0x4020];
	v9 =	vadd.f32 v2, v0  }
0x1fa: {  	v7 =	vld [tilespmem:s6+$0x6020];
	v1 =	vmul.f32 v12, v12;
	v0 =	vmul.f32 v10, v10  }
0x1fb: {  	v8 =	vld [tilespmem:s6+$0x8020];
	v2 =	vshra.s32 v9, $0x1;
	v3 =	vmul.f32 $5.000000000e-01, v9  }
0x1fc: {  	v0 =	vadd.f32 v0, v1;
	v1 =	vmul.f32 v14, v14;
	v2 =	vsub.s32 $0x5F3759DF, v2  }
0x1fd: {  	v4 =	vmul.f32 v2, v3  }
0x1fe: {  	v5 =	vmul.f32 v6, v6;
	v19 =	vadd.f32 v1, v0  }
0x1ff: {  	v11 =	vmul.f32 v7, v7;
	v0 =	vmul.f32 v2, v4  }
0x200: {  	v13 =	vmul.f32 v8, v8;
	v1 =	vmul.f32 $5.000000000e-01, v19;
	v4 =	vshra.s32 v19, $0x1  }
0x201: {  	v5 =	vadd.f32 v11, v5;
	v15 =	vsub.s32 $0x5F3759DF, v4;
	v0 =	vsub.f32 $1.500000000e+00, v0  }
0x202: {  	v4 =	vmul.f32 v15, v1  }
0x203: {  	v13 =	vadd.f32 v13, v5;
	v5 =	vld [tilespmem:s6+$0x4030];
	v0 =	vmul.f32 v2, v0  }
0x204: {  	v2 =	vld [tilespmem:s6+$0x6030];
	v4 =	vmul.f32 v15, v4  }
0x205: {  	v11 =	vmul.f32 v0, v3  }
0x206: {  	v17 =	vshra.s32 v13, $0x1;
	v21 =	vmul.f32 $5.000000000e-01, v13;
	v16 =	vsub.f32 $1.500000000e+00, v4;
	v4 =	vld [tilespmem:s6+$0x8030]  }
0x207: {  	v17 =	vsub.s32 $0x5F3759DF, v17;
	v11 =	vmul.f32 v11, v0  }
0x208: {  	v16 =	vmul.f32 v15, v16;
	v15 =	vmul.f32 v17, v21  }
0x209: {  	v22 =	vmul.f32 v5, v5;
	v18 =	vmul.f32 v2, v2  }
0x20a: {  	v11 =	vsub.f32 $1.500000000e+00, v11;
	v15 =	vmul.f32 v17, v15  }
0x20b: {  	v23 =	vmul.f32 v16, v1;
	v18 =	vadd.f32 v18, v22;
	v22 =	vmul.f32 v4, v4  }
0x20c: {  	v24 =	vmul.f32 v11, v0;
	v0 =	vsub.f32 $1.500000000e+00, v15  }
0x20d: {  	v15 =	vmul.f32 v23, v16;
	v11 =	vadd.f32 v22, v18  }
0x20e: {  	v25 =	vld [tilespmem:s6+$0x0];
	v3 =	vmul.f32 v24, v3;
	v18 =	vmul.f32 v17, v0  }
0x20f: {  	v0 =	vsub.f32 $1.500000000e+00, v15;
	v22 =	vshra.s32 v11, $0x1;
	v17 =	vmul.f32 $5.000000000e-01, v11  }
0x210: {  	s14 =	simm.s32 $0x40;
	v23 =	vmul.f32 v3, v24;
	v3 =	vmul.f32 v18, v21;
	v22 =	vsub.s32 $0x5F3759DF, v22  }
0x211: {  	v28 =	vmul.f32 v0, v16;
	v0 =	vld [tilespmem:s14+$0x4000];
	v16 =	vmul.f32 v22, v17  }
0x212: {  	v29 =	vmul.f32 v3, v18;
	v3 =	vld [tilespmem:s14+$0x6000]  }
0x213: {  	v23 =	vsub.f32 $1.500000000e+00, v23;
	v30 =	vmul.f32 v28, v1;
	v16 =	vmul.f32 v22, v16  }
0x214: {  	v1 =	vld [tilespmem:s14+$0x8000]  }
0x215: {  	v23 =	vmul.f32 v23, v24;
	v24 =	vmul.f32 v30, v28;
	v30 =	vsub.f32 $1.500000000e+00, v16  }
0x216: {  	v33 =	vld.idx.msk [tilespmem:v25+s8+$0x0], $0xffff;
	v29 =	vsub.f32 $1.500000000e+00, v29;
	v34 =	vmul.f32 v0, v0  }
0x217: {  	v35 =	vmul.f32 v3, v3;
	v22 =	vmul.f32 v22, v30  }
0x218: {  	v36 =	vld [tilespmem:s6+$0xA000];
	v31 =	vadd.s32 $0x2710, v25;
	v32 =	vadd.s32 $0x1388, v25;
	v29 =	vmul.f32 v29, v18  }
0x219: {  	v60 =	vld [tilespmem:s6+$0xE000];
	v30 =	vmul.f32 v1, v1;
	v34 =	vadd.f32 v35, v34;
	v37 =	vmul.f32 v22, v17  }
0x21a: {  	vm0 =	vge.f32 v9, $1.000000020e-16;
	v15 =	vld [tilespmem:s6+$0x10];
	v24 =	vsub.f32 $1.500000000e+00, v24;
	v21 =	vmul.f32 v29, v21  }
0x21b: {  	vm14 =	vgt.f32 v33, $5.000000000e-01;
	v9 =	vadd.f32 v30, v34;
	v30 =	vld.idx.msk [tilespmem:v25+s16+$0x0], $0xffff;
	v25 =	vmul.f32 v37, v22  }
0x21c: {  	v61 =	vld [tilespmem:s6+$0xC000];
	v23 =	vnsel vm0, $0x4CBEBC20, v23;
	v28 =	vmul.f32 v24, v28;
	v21 =	vmul.f32 v21, v29  }
0x21d: {  	v32 =	vld.idx.msk [tilespmem:v32+s16+$0x0], $0xffff;
	vm15 =	vge.f32 v19, $1.000000020e-16;
	v23 =	vsel vm14, $0x3F800000, v23;
	v25 =	vsub.f32 $1.500000000e+00, v25  }
0x21e: {  	v62 =	vmul.f32 v23, v36;
	v23 =	vnsel vm15, $0x4CBEBC20, v28;
	v28 =	vld [tilespmem:s6+$0x10000];
	v19 =	vsub.f32 $1.500000000e+00, v21  }
0x21f: {  	v24 =	vshra.s32 v9, $0x1;
	v21 =	vmul.f32 $5.000000000e-01, v9;
	v25 =	vmul.f32 v25, v22;
	v22 =	vld.idx.msk [tilespmem:v31+s16+$0x0], $0xffff  }
0x220: {  	v16 =	vadd.s32 $0x1388, v15;
	v24 =	vsub.s32 $0x5F3759DF, v24  }
0x221: {  	v18 =	vadd.s32 $0x2710, v15;
	v27 =	vmul.f32 v62, v27;
	v63 =	vmul.f32 v24, v21  }
0x222: {  	v19 =	vmul.f32 v19, v29;
	v29 =	vsub.f32 v60, v32;
	v31 =	vmul.f32 v62, v26  }
0x223: {  	s1 =	simm.s32 $0x100;
	s0 =	simm.s32 $0x4;
	v20 =	vmul.f32 v62, v20;
	v30 =	vsub.f32 v61, v30;
	v26 =	vmul.f32 v24, v63  }
.LBB3_9:
0x224: {  	s0 =	sadd.s32 $0x4, s0;
	v29 =	vsub.f32 v29, v31;
	v22 =	vsub.f32 v28, v22;
	v17 =	vmul.f32 v25, v17  }
0x225: {  	p1 =	slt.u32 s0, $0x44;
	v26 =	vsub.f32 $1.500000000e+00, v26;
	v20 =	vsub.f32 v30, v20;
	v28 =	vld [tilespmem:s6+$0x10010]  }
0x226: {  	v30 =	vld [tilespmem:s14+$0x6010];
	[tilespmem:s6+$0x14000] =	vst v29;
	v22 =	vsub.f32 v22, v27;
	v17 =	vmul.f32 v17, v25  }
0x227: {  	v24 =	vmul.f32 v24, v26;
	[tilespmem:s6+$0x12000] =	vst v20;
	v26 =	vld [tilespmem:s6+$0xA010]  }
0x228: {  	v27 =	vld [tilespmem:s14+$0x8010];
	[tilespmem:s6+$0x16000] =	vst v22;
	v17 =	vsub.f32 $1.500000000e+00, v17  }
0x229: {  	v20 =	vmul.f32 v24, v21;
	v22 =	vld.idx.msk [tilespmem:v15+s8+$0x0], $0xffff  }
0x22a: {  	v29 =	vld [tilespmem:s14+$0x4010];
	v25 =	vmul.f32 v17, v25  }
0x22b: {  	v17 =	vmul.f32 v20, v24;
	v15 =	vld.idx.msk [tilespmem:v15+s16+$0x0], $0xffff  }
0x22c: {  	v18 =	vld.idx.msk [tilespmem:v18+s16+$0x0], $0xffff  }
0x22d: {  	v17 =	vsub.f32 $1.500000000e+00, v17;
	v16 =	vld.idx.msk [tilespmem:v16+s16+$0x0], $0xffff  }
0x22e: {  	v31 =	vmul.f32 v30, v30;
	v32 =	vld [tilespmem:s6+$0xE010]  }
0x22f: {  	vm0 =	vgt.f32 v22, $5.000000000e-01;
	v17 =	vmul.f32 v17, v24;
	v24 =	vmul.f32 v29, v29;
	v33 =	vld [tilespmem:s6+$0xC010]  }
0x230: {  	v22 =	vsel vm0, $0x3F800000, v23;
	v20 =	vld [tilespmem:s14+$0x0]  }
0x231: {  	v22 =	vmul.f32 v22, v26;
	v23 =	vadd.f32 v31, v24;
	v24 =	vmul.f32 v27, v27  }
0x232: {  	v21 =	vmul.f32 v17, v21;
	v18 =	vsub.f32 v28, v18  }
0x233: {  	v23 =	vadd.f32 v24, v23;
	v24 =	vmul.f32 v22, v12;
	v16 =	vsub.f32 v32, v16;
	v26 =	vld [tilespmem:s6+$0x20];
	v12 =	vmovc v29  }
0x234: {  	v28 =	vmul.f32 v22, v10;
	v10 =	vmovc v30;
	v22 =	vmul.f32 v22, v14;
	v15 =	vsub.f32 v33, v15  }
0x235: {  	v21 =	vmul.f32 v21, v17;
	v14 =	vmovc v27;
	v29 =	vshra.s32 v23, $0x1;
	v30 =	vmul.f32 $5.000000000e-01, v23;
	v31 =	vld [tilespmem:s14+$0x4020]  }
0x236: {  	v18 =	vsub.f32 v18, v22;
	v27 =	vsub.s32 $0x5F3759DF, v29;
	v29 =	vld [tilespmem:s14+$0x6020];
	v15 =	vsub.f32 v15, v24  }
0x237: {  	v22 =	vadd.s32 $0x2710, v20;
	v16 =	vsub.f32 v16, v28;
	v32 =	vmul.f32 v27, v30;
	v33 =	vld [tilespmem:s14+$0x8020]  }
0x238: {  	v21 =	vsub.f32 $1.500000000e+00, v21;
	v24 =	vadd.s32 $0x1388, v20;
	[tilespmem:s6+$0x16010] =	vst v18  }
0x239: {  	v18 =	vmul.f32 v27, v32;
	[tilespmem:s6+$0x14010] =	vst v16;
	v16 =	vadd.s32 $0x2710, v26  }
0x23a: {  	v21 =	vmul.f32 v21, v17;
	v17 =	vmul.f32 v31, v31;
	[tilespmem:s6+$0x12010] =	vst v15;
	v28 =	vld [tilespmem:s6+$0x10020]  }
0x23b: {  	v32 =	vadd.s32 $0x1388, v26;
	v15 =	vsub.f32 $1.500000000e+00, v18;
	v18 =	vmul.f32 v29, v29;
	v34 =	vld.idx.msk [tilespmem:v26+s8+$0x0], $0xffff  }
0x23c: {  	v35 =	vmul.f32 v33, v33;
	v36 =	vld [tilespmem:s6+$0xC020]  }
0x23d: {  	v27 =	vmul.f32 v27, v15;
	v15 =	vadd.f32 v18, v17;
	v17 =	vld [tilespmem:s6+$0xA020]  }
0x23e: {  	v16 =	vld.idx.msk [tilespmem:v16+s16+$0x0], $0xffff  }
0x23f: {  	vm0 =	vge.f32 v13, $1.000000020e-16;
	v18 =	vmul.f32 v27, v30;
	v26 =	vld.idx.msk [tilespmem:v26+s16+$0x0], $0xffff;
	v13 =	vadd.f32 v35, v15  }
0x240: {  	v19 =	vnsel vm0, $0x4CBEBC20, v19;
	v32 =	vld.idx.msk [tilespmem:v32+s16+$0x0], $0xffff  }
0x241: {  	vm0 =	vgt.f32 v34, $5.000000000e-01;
	v18 =	vmul.f32 v18, v27;
	v35 =	vshra.s32 v13, $0x1;
	v37 =	vld [tilespmem:s6+$0xE020]  }
0x242: {  	v19 =	vsel vm0, $0x3F800000, v19;
	v15 =	vld [tilespmem:s14+$0x10]  }
0x243: {  	v34 =	vmul.f32 $5.000000000e-01, v13  }
0x244: {  	v35 =	vsub.s32 $0x5F3759DF, v35;
	v17 =	vmul.f32 v19, v17;
	v18 =	vsub.f32 $1.500000000e+00, v18  }
0x245: {  	v19 =	vmul.f32 v35, v34;
	v28 =	vsub.f32 v28, v16;
	v26 =	vsub.f32 v36, v26;
	v36 =	vld [tilespmem:s6+$0x30]  }
0x246: {  	v39 =	vmul.f32 v17, v8;
	v38 =	vld [tilespmem:s14+$0x6030];
	v32 =	vsub.f32 v37, v32;
	v37 =	vmul.f32 v17, v7;
	v7 =	vmovc v29  }
0x247: {  	v8 =	vmovc v33;
	v27 =	vmul.f32 v18, v27;
	v17 =	vmul.f32 v17, v6;
	v6 =	vmovc v31;
	v16 =	vadd.s32 $0x1388, v15;
	v29 =	vld [tilespmem:s14+$0x4030]  }
0x248: {  	v19 =	vmul.f32 v35, v19;
	v28 =	vsub.f32 v28, v39;
	v31 =	vsub.f32 v32, v37  }
0x249: {  	v18 =	vadd.s32 $0x2710, v15;
	v30 =	vmul.f32 v27, v30;
	v17 =	vsub.f32 v26, v17;
	v32 =	vld [tilespmem:s14+$0x8030]  }
0x24a: {  	v19 =	vsub.f32 $1.500000000e+00, v19;
	[tilespmem:s6+$0x16020] =	vst v28;
	v26 =	vadd.s32 $0x1388, v36  }
0x24b: {  	v28 =	vmul.f32 v30, v27;
	v30 =	vmul.f32 v38, v38;
	[tilespmem:s6+$0x12020] =	vst v17;
	v17 =	vadd.s32 $0x2710, v36  }
0x24c: {  	v33 =	vmul.f32 v29, v29;
	[tilespmem:s6+$0x14020] =	vst v31;
	v31 =	vld [tilespmem:s6+$0xA030]  }
0x24d: {  	v19 =	vmul.f32 v35, v19;
	v28 =	vsub.f32 $1.500000000e+00, v28;
	v35 =	vld.idx.msk [tilespmem:v36+s8+$0x0], $0xffff  }
0x24e: {  	vm0 =	vge.f32 v23, $1.000000020e-16;
	v23 =	vadd.f32 v30, v33;
	v30 =	vmul.f32 v32, v32;
	v33 =	vld.idx.msk [tilespmem:v36+s16+$0x0], $0xffff  }
0x24f: {  	v27 =	vmul.f32 v28, v27;
	v28 =	vmul.f32 v19, v34;
	v26 =	vld.idx.msk [tilespmem:v26+s16+$0x0], $0xffff  }
0x250: {  	v30 =	vadd.f32 v30, v23;
	v36 =	vld.idx.msk [tilespmem:v17+s16+$0x0], $0xffff  }
0x251: {  	v23 =	vnsel vm0, $0x4CBEBC20, v27;
	v27 =	vmul.f32 v28, v19;
	vm0 =	vge.f32 v11, $1.000000020e-16;
	v28 =	vld [tilespmem:s6+$0xE030]  }
0x252: {  	v25 =	vnsel vm0, $0x4CBEBC20, v25;
	v37 =	vshra.s32 v30, $0x1;
	v17 =	vmul.f32 $5.000000000e-01, v30;
	v39 =	vld [tilespmem:s6+$0xC030];
	v11 =	vmovc v30  }
0x253: {  	v27 =	vsub.f32 $1.500000000e+00, v27;
	vm0 =	vgt.f32 v35, $5.000000000e-01;
	v30 =	vsub.s32 $0x5F3759DF, v37;
	v37 =	vld [tilespmem:s6+$0x10030]  }
0x254: {  	s1 =	sadd.s32 $0x100, s1;
	v25 =	vsel vm0, $0x3F800000, v25;
	v35 =	vmul.f32 v30, v17  }
0x255: {  	s2 =	sshra.s32 s1, $0x2;
	v25 =	vmul.f32 v25, v31  }
0x256: {  	v40 =	vld [tilespmem:s2+$0x4000];
	v31 =	vmul.f32 v30, v35;
	v26 =	vsub.f32 v28, v26  }
0x257: {  	v35 =	vld [tilespmem:s2+$0x8000];
	v28 =	vsub.f32 v39, v33;
	v33 =	vmul.f32 v25, v5;
	v39 =	vmul.f32 v25, v2;
	v2 =	vmovc v38  }
0x258: {  	v19 =	vmul.f32 v27, v19;
	v25 =	vmul.f32 v25, v4;
	v5 =	vmovc v29;
	v38 =	vld [tilespmem:s2+$0x6000];
	v27 =	vsub.f32 v37, v36  }
0x259: {  	v4 =	vmov v32;
	v28 =	vsub.f32 v28, v33;
	v26 =	vsub.f32 v26, v39  }
0x25a: {  	v29 =	vmul.f32 v19, v34;
	v31 =	vsub.f32 $1.500000000e+00, v31;
	v25 =	vsub.f32 v27, v25  }
0x25b: {  	[tilespmem:s6+$0x12030] =	vst v28  }
0x25c: {  	v27 =	vmul.f32 v40, v40;
	v28 =	vmul.f32 v29, v19;
	[tilespmem:s6+$0x16030] =	vst v25  }
0x25d: {  	v29 =	vmul.f32 v35, v35;
	v25 =	vmul.f32 v38, v38;
	v32 =	vld [tilespmem:s14+$0xA000];
	[tilespmem:s6+$0x14030] =	vst v26;
	s6 =	smov.u32 s14;
	s14 =	smov.u32 s2  }
0x25e: {  	v30 =	vmul.f32 v30, v31;
	v28 =	vsub.f32 $1.500000000e+00, v28;
	v26 =	vld.idx.msk [tilespmem:v20+s8+$0x0], $0xffff  }
0x25f: {  	v25 =	vadd.f32 v25, v27;
	v27 =	vld [tilespmem:s6+$0xE000]  }
0x260: {  	v19 =	vmul.f32 v28, v19;
	v31 =	vld.idx.msk [tilespmem:v24+s16+$0x0], $0xffff;
	v24 =	vmul.f32 v30, v17  }
0x261: {  	vm0 =	vge.f32 v9, $1.000000020e-16;
	v20 =	vld.idx.msk [tilespmem:v20+s16+$0x0], $0xffff;
	v9 =	vadd.f32 v29, v25  }
0x262: {  	v25 =	vnsel vm0, $0x4CBEBC20, v21;
	v33 =	vld [tilespmem:s6+$0xC000];
	v28 =	vmul.f32 v24, v30  }
0x263: {  	v24 =	vshra.s32 v9, $0x1;
	v21 =	vmul.f32 $5.000000000e-01, v9  }
0x264: {  	vm0 =	vgt.f32 v26, $5.000000000e-01;
	v24 =	vsub.s32 $0x5F3759DF, v24;
	v22 =	vld.idx.msk [tilespmem:v22+s16+$0x0], $0xffff;
	v26 =	vsub.f32 $1.500000000e+00, v28  }
.Ltmp8:
0x265: {  	v25 =	vsel vm0, $0x3F800000, v25;
	v34 =	vmul.f32 v24, v21;
	v28 =	vld [tilespmem:s6+$0x10000];
	(pc) =	sbr.rel @p1 .LBB3_9-.Ltmp8, $4  }
0x266: {  	v32 =	vmul.f32 v25, v32;
	v29 =	vsub.f32 v27, v31;
	v25 =	vmul.f32 v26, v30  }
0x267: {  	v30 =	vsub.f32 v33, v20  }
0x268: {  	v31 =	vmul.f32 v32, v3;
	v27 =	vmul.f32 v32, v1;
	v1 =	vmovc v35;
	v3 =	vmov v38  }
0x269: {  	v26 =	vmul.f32 v24, v34;
	v20 =	vmul.f32 v32, v0;
	v0 =	vmov v40  }
0x26a: {  	v29 =	vsub.f32 v29, v31;
	v22 =	vsub.f32 v28, v22  }
0x26b: {  	v30 =	vsub.f32 v30, v20  }
0x26c: {  	v20 =	vld [tilespmem:s14+$0x6010];
	[tilespmem:s6+$0x14000] =	vst v29;
	v27 =	vsub.f32 v22, v27  }
0x26d: {  	v36 =	vld [tilespmem:s6+$0x10010];
	[tilespmem:s6+$0x12000] =	vst v30  }
0x26e: {  	v22 =	vld [tilespmem:s14+$0x8010];
	[tilespmem:s6+$0x16000] =	vst v27  }
0x26f: {  	v27 =	vld.idx.msk [tilespmem:v15+s8+$0x0], $0xffff  }
0x270: {  	v37 =	vld [tilespmem:s6+$0xA010]  }
0x271: {  	v38 =	vld [tilespmem:s6+$0xE010]  }
0x272: {  	v39 =	vld [tilespmem:s6+$0xC010]  }
0x273: {  	v18 =	vld.idx.msk [tilespmem:v18+s16+$0x0], $0xffff  }
0x274: {  	v16 =	vld.idx.msk [tilespmem:v16+s16+$0x0], $0xffff;
	vm0 =	vgt.f32 v27, $5.000000000e-01  }
0x275: {  	v29 =	vld.idx.msk [tilespmem:v15+s16+$0x0], $0xffff;
	v23 =	vsel vm0, $0x3F800000, v23  }
0x276: {  	v23 =	vmul.f32 v23, v37  }
0x277: {  	v40 =	vld [tilespmem:s6+$0x20]  }
0x278: {  	v15 =	vld [tilespmem:s14+$0x4010];
	v18 =	vsub.f32 v36, v18;
	v14 =	vmul.f32 v23, v14  }
0x279: {  	v28 =	vld [tilespmem:s14+$0x0];
	v16 =	vsub.f32 v38, v16;
	v41 =	vmul.f32 v23, v10  }
0x27a: {  	v27 =	vsub.f32 v39, v29;
	v10 =	vld [tilespmem:s14+$0x4020];
	v23 =	vmul.f32 v23, v12;
	v18 =	vsub.f32 v18, v14  }
0x27b: {  	v12 =	vld [tilespmem:s14+$0x6020];
	v16 =	vsub.f32 v16, v41  }
0x27c: {  	v14 =	vld [tilespmem:s14+$0x8020];
	v23 =	vsub.f32 v27, v23;
	[tilespmem:s6+$0x16010] =	vst v18  }
0x27d: {  	[tilespmem:s6+$0x14010] =	vst v16  }
0x27e: {  	v43 =	vld [tilespmem:s6+$0x10020];
	v42 =	vadd.s32 $0x2710, v40;
	[tilespmem:s6+$0x12010] =	vst v23  }
0x27f: {  	v45 =	vld.idx.msk [tilespmem:v40+s8+$0x0], $0xffff  }
0x280: {  	v46 =	vld [tilespmem:s6+$0xC020];
	v44 =	vadd.s32 $0x1388, v40  }
0x281: {  	v47 =	vld [tilespmem:s6+$0xA020]  }
0x282: {  	v49 =	vld [tilespmem:s6+$0xE020]  }
0x283: {  	vm4 =	vge.f32 v13, $1.000000020e-16;
	v16 =	vld.idx.msk [tilespmem:v42+s16+$0x0], $0xffff  }
0x284: {  	v19 =	vnsel vm4, $0x4CBEBC20, v19;
	v31 =	vld.idx.msk [tilespmem:v40+s16+$0x0], $0xffff;
	vm5 =	vgt.f32 v45, $5.000000000e-01  }
0x285: {  	v48 =	vld.idx.msk [tilespmem:v44+s16+$0x0], $0xffff;
	v19 =	vsel vm5, $0x3F800000, v19  }
0x286: {  	v19 =	vmul.f32 v19, v47  }
0x287: {  	v50 =	vld [tilespmem:s6+$0x30]  }
0x288: {  	v16 =	vsub.f32 v43, v16;
	v51 =	vmul.f32 v19, v8  }
0x289: {  	v30 =	vld [tilespmem:s14+$0x10];
	v29 =	vsub.f32 v46, v31;
	v52 =	vmul.f32 v19, v6  }
0x28a: {  	v13 =	vsub.f32 v49, v48;
	v8 =	vld [tilespmem:s14+$0x6030];
	v19 =	vmul.f32 v19, v7;
	v16 =	vsub.f32 v16, v51  }
0x28b: {  	v6 =	vld [tilespmem:s14+$0x4030];
	v53 =	vsub.f32 v29, v52  }
0x28c: {  	v17 =	vmul.f32 v25, v17;
	v7 =	vld [tilespmem:s14+$0x8030];
	v13 =	vsub.f32 v13, v19;
	[tilespmem:s6+$0x16020] =	vst v16  }
0x28d: {  	[tilespmem:s6+$0x12020] =	vst v53  }
0x28e: {  	v57 =	vld [tilespmem:s6+$0xA030];
	v17 =	vmul.f32 v17, v25;
	[tilespmem:s6+$0x14020] =	vst v13  }
0x28f: {  	v54 =	vadd.s32 $0x2710, v50;
	v18 =	vld.idx.msk [tilespmem:v50+s8+$0x0], $0xffff  }
0x290: {  	v61 =	vld [tilespmem:s6+$0xC030];
	v17 =	vsub.f32 $1.500000000e+00, v17;
	v56 =	vadd.s32 $0x1388, v50  }
0x291: {  	v63 =	vld [tilespmem:s6+$0x10030];
	v55 =	vsub.f32 $1.500000000e+00, v26;
	v60 =	vmul.f32 v20, v20;
	v62 =	vmul.f32 v15, v15  }
0x292: {  	vm6 =	vge.f32 v11, $1.000000020e-16;
	v34 =	vld [tilespmem:s6+$0xE030];
	v17 =	vmul.f32 v17, v25  }
0x293: {  	v33 =	vmul.f32 v22, v22;
	v32 =	vadd.f32 v60, v62;
	v13 =	vmul.f32 v24, v55;
	v58 =	vld.idx.msk [tilespmem:v50+s16+$0x0], $0xffff  }
0x294: {  	v17 =	vnsel vm6, $0x4CBEBC20, v17;
	v16 =	vld.idx.msk [tilespmem:v54+s16+$0x0], $0xffff;
	vm7 =	vgt.f32 v18, $5.000000000e-01  }
0x295: {  	v35 =	vadd.f32 v33, v32;
	v19 =	vld.idx.msk [tilespmem:v56+s16+$0x0], $0xffff;
	v59 =	vmul.f32 v13, v21;
	v17 =	vsel vm7, $0x3F800000, v17  }
0x296: {  	v17 =	vmul.f32 v17, v57  }
0x297: {  	v36 =	vshra.s32 v35, $0x1;
	v37 =	vmul.f32 $5.000000000e-01, v35;
	v31 =	vmul.f32 v59, v13  }
0x298: {  	v39 =	vsub.s32 $0x5F3759DF, v36;
	v11 =	vsub.f32 v61, v58;
	v5 =	vmul.f32 v17, v5  }
0x299: {  	v18 =	vsub.f32 $1.500000000e+00, v31;
	v16 =	vsub.f32 v63, v16;
	v4 =	vmul.f32 v17, v4  }
0x29a: {  	v38 =	vsub.f32 v34, v19;
	v2 =	vmul.f32 v17, v2;
	v5 =	vsub.f32 v11, v5  }
0x29b: {  	v41 =	vmul.f32 v39, v37;
	v13 =	vmul.f32 v18, v13;
	v4 =	vsub.f32 v16, v4  }
0x29c: {  	v42 =	vadd.s32 $0x1388, v28;
	v2 =	vsub.f32 v38, v2;
	[tilespmem:s6+$0x12030] =	vst v5  }
0x29d: {  	v40 =	vmul.f32 v13, v21;
	v17 =	vmul.f32 v39, v41;
	[tilespmem:s6+$0x16030] =	vst v4  }
0x29e: {  	v43 =	vld [tilespmem:s14+$0xA000];
	[tilespmem:s6+$0x14030] =	vst v2  }
0x29f: {  	v44 =	vadd.s32 $0x2710, v28;
	v17 =	vsub.f32 $1.500000000e+00, v17;
	v5 =	vmul.f32 v40, v13;
	v2 =	vld.idx.msk [tilespmem:v28+s8+$0x0], $0xffff  }
0x2a0: {  	v45 =	vld [tilespmem:s14+$0xE000]  }
0x2a1: {  	v46 =	vmul.f32 v39, v17;
	v5 =	vsub.f32 $1.500000000e+00, v5;
	v4 =	vld.idx.msk [tilespmem:v42+s16+$0x0], $0xffff  }
0x2a2: {  	v47 =	vld.idx.msk [tilespmem:v28+s16+$0x0], $0xffff  }
0x2a3: {  	v48 =	vmul.f32 v46, v37;
	v49 =	vld [tilespmem:s14+$0xC000];
	v5 =	vmul.f32 v5, v13  }
0x2a4: {  	vm8 =	vge.f32 v9, $1.000000020e-16;
	v51 =	vmul.f32 v12, v12;
	v50 =	vmul.f32 v10, v10;
	v18 =	vld.idx.msk [tilespmem:v44+s16+$0x0], $0xffff  }
0x2a5: {  	v52 =	vld [tilespmem:s14+$0x10000];
	v9 =	vmul.f32 v48, v46;
	v5 =	vnsel vm8, $0x4CBEBC20, v5;
	vm9 =	vgt.f32 v2, $5.000000000e-01  }
0x2a6: {  	v53 =	vmul.f32 v14, v14;
	v5 =	vsel vm9, $0x3F800000, v5  }
0x2a7: {  	v9 =	vsub.f32 $1.500000000e+00, v9;
	v2 =	vadd.f32 v51, v50;
	v5 =	vmul.f32 v5, v43  }
0x2a8: {  	v4 =	vsub.f32 v45, v4;
	v16 =	vsub.f32 v49, v47  }
0x2a9: {  	v9 =	vmul.f32 v9, v46;
	v2 =	vadd.f32 v53, v2;
	v3 =	vmul.f32 v5, v3  }
0x2aa: {  	v54 =	vsub.f32 v52, v18;
	v0 =	vmul.f32 v5, v0;
	v1 =	vmul.f32 v5, v1  }
0x2ab: {  	v11 =	vshra.s32 v2, $0x1;
	v56 =	vmul.f32 $5.000000000e-01, v2;
	v3 =	vsub.f32 v4, v3  }
0x2ac: {  	v57 =	vsub.s32 $0x5F3759DF, v11;
	v0 =	vsub.f32 v16, v0  }
0x2ad: {  	v58 =	vmul.f32 v9, v37;
	v1 =	vsub.f32 v54, v1;
	v59 =	vmul.f32 v57, v56;
	[tilespmem:s14+$0x14000] =	vst v3  }
0x2ae: {  	v55 =	vld [tilespmem:s14+$0x10010];
	[tilespmem:s14+$0x12000] =	vst v0  }
0x2af: {  	v60 =	vadd.s32 $0x2710, v30;
	v61 =	vld [tilespmem:s14+$0xA010];
	v11 =	vmul.f32 v58, v9;
	[tilespmem:s14+$0x16000] =	vst v1;
	v0 =	vmul.f32 v57, v59  }
0x2b0: {  	v62 =	vadd.s32 $0x1388, v30;
	v1 =	vld.idx.msk [tilespmem:v30+s8+$0x0], $0xffff  }
0x2b1: {  	v27 =	vld [tilespmem:s14+$0xE010];
	v11 =	vsub.f32 $1.500000000e+00, v11;
	v0 =	vsub.f32 $1.500000000e+00, v0  }
0x2b2: {  	v24 =	vmul.f32 v8, v8;
	v26 =	vmul.f32 v6, v6;
	v29 =	vld [tilespmem:s14+$0xC010]  }
0x2b3: {  	v63 =	vld.idx.msk [tilespmem:v30+s16+$0x0], $0xffff;
	v9 =	vmul.f32 v11, v9;
	v0 =	vmul.f32 v57, v0  }
0x2b4: {  	vm10 =	vge.f32 v35, $1.000000020e-16;
	v4 =	vld.idx.msk [tilespmem:v60+s16+$0x0], $0xffff;
	v11 =	vadd.f32 v24, v26;
	v30 =	vmul.f32 v7, v7  }
0x2b5: {  	v25 =	vld.idx.msk [tilespmem:v62+s16+$0x0], $0xffff;
	v9 =	vnsel vm10, $0x4CBEBC20, v9;
	vm11 =	vgt.f32 v1, $5.000000000e-01;
	v28 =	vmul.f32 v0, v56  }
0x2b6: {  	v11 =	vadd.f32 v30, v11;
	v9 =	vsel vm11, $0x3F800000, v9  }
0x2b7: {  	v9 =	vmul.f32 v9, v61;
	v1 =	vmul.f32 v28, v0  }
0x2b8: {  	v31 =	vld [tilespmem:s14+$0x20];
	v35 =	vshra.s32 v11, $0x1;
	v36 =	vmul.f32 $5.000000000e-01, v11  }
0x2b9: {  	v4 =	vsub.f32 v55, v4;
	v16 =	vmul.f32 v9, v22;
	v1 =	vsub.f32 $1.500000000e+00, v1  }
0x2ba: {  	v3 =	vsub.f32 v27, v25;
	v33 =	vsub.f32 v29, v63;
	v32 =	vmul.f32 v9, v20  }
0x2bb: {  	v9 =	vmul.f32 v9, v15;
	v4 =	vsub.f32 v4, v16;
	v0 =	vmul.f32 v1, v0  }
0x2bc: {  	v34 =	vsub.f32 v3, v32;
	v3 =	vsub.s32 $0x5F3759DF, v35  }
0x2bd: {  	v9 =	vsub.f32 v33, v9;
	v38 =	vmul.f32 v3, v36;
	[tilespmem:s14+$0x16010] =	vst v4;
	v37 =	vmul.f32 v0, v56  }
0x2be: {  	v40 =	vld [tilespmem:s14+$0x10020];
	v39 =	vadd.s32 $0x2710, v31;
	[tilespmem:s14+$0x14010] =	vst v34  }
0x2bf: {  	v44 =	vld [tilespmem:s14+$0xA020];
	[tilespmem:s14+$0x12010] =	vst v9;
	v1 =	vmul.f32 v3, v38;
	v4 =	vmul.f32 v37, v0  }
0x2c0: {  	v41 =	vadd.s32 $0x1388, v31;
	v42 =	vld.idx.msk [tilespmem:v31+s8+$0x0], $0xffff  }
0x2c1: {  	v49 =	vld [tilespmem:s14+$0xE020];
	v1 =	vsub.f32 $1.500000000e+00, v1;
	v4 =	vsub.f32 $1.500000000e+00, v4  }
0x2c2: {  	v43 =	vld [tilespmem:s14+$0xC020]  }
0x2c3: {  	v45 =	vld.idx.msk [tilespmem:v39+s16+$0x0], $0xffff;
	v1 =	vmul.f32 v3, v1;
	v0 =	vmul.f32 v4, v0  }
0x2c4: {  	vm12 =	vge.f32 v2, $1.000000020e-16;
	v46 =	vld.idx.msk [tilespmem:v31+s16+$0x0], $0xffff  }
0x2c5: {  	v47 =	vld.idx.msk [tilespmem:v41+s16+$0x0], $0xffff;
	vm13 =	vgt.f32 v42, $5.000000000e-01;
	v48 =	vmul.f32 v1, v36;
	v0 =	vnsel vm12, $0x4CBEBC20, v0  }
0x2c6: {  	v0 =	vsel vm13, $0x3F800000, v0  }
0x2c7: {  	v5 =	vmul.f32 v48, v1;
	v0 =	vmul.f32 v0, v44  }
0x2c8: {  	v50 =	vld [tilespmem:s14+$0x30]  }
0x2c9: {  	v4 =	vsub.f32 v40, v45;
	v5 =	vsub.f32 $1.500000000e+00, v5;
	v14 =	vmul.f32 v0, v14  }
0x2ca: {  	v3 =	vsub.f32 v43, v46;
	v2 =	vsub.f32 v49, v47;
	v10 =	vmul.f32 v0, v10  }
0x2cb: {  	v0 =	vmul.f32 v0, v12;
	v1 =	vmul.f32 v5, v1;
	v4 =	vsub.f32 v4, v14  }
0x2cc: {  	v3 =	vsub.f32 v3, v10  }
0x2cd: {  	v0 =	vsub.f32 v2, v0;
	v51 =	vmul.f32 v1, v36;
	[tilespmem:s14+$0x16020] =	vst v4  }
0x2ce: {  	[tilespmem:s14+$0x12020] =	vst v3  }
0x2cf: {  	v58 =	vld [tilespmem:s14+$0xC030];
	[tilespmem:s14+$0x14020] =	vst v0;
	v54 =	vmul.f32 v51, v1  }
0x2d0: {  	v53 =	vadd.s32 $0x2710, v50;
	v56 =	vld.idx.msk [tilespmem:v50+s8+$0x0], $0xffff  }
0x2d1: {  	v52 =	vadd.s32 $0x1388, v50;
	v59 =	vld [tilespmem:s14+$0x10030];
	v0 =	vsub.f32 $1.500000000e+00, v54  }
0x2d2: {  	v55 =	vld [tilespmem:s14+$0xA030]  }
0x2d3: {  	v60 =	vld [tilespmem:s14+$0xE030];
	v0 =	vmul.f32 v0, v1  }
0x2d4: {  	vm14 =	vge.f32 v11, $1.000000020e-16;
	v9 =	vld.idx.msk [tilespmem:v50+s16+$0x0], $0xffff  }
0x2d5: {  	v57 =	vld.idx.msk [tilespmem:v53+s16+$0x0], $0xffff;
	vm15 =	vgt.f32 v56, $5.000000000e-01;
	v0 =	vnsel vm14, $0x4CBEBC20, v0  }
0x2d6: {  	v4 =	vld.idx.msk [tilespmem:v52+s16+$0x0], $0xffff;
	v0 =	vsel vm15, $0x3F800000, v0  }
0x2d7: {  	v0 =	vmul.f32 v0, v55;
	_ =	sdelay $0x1  }
0x2d8: {  	v61 =	vsub.f32 v58, v9;
	v62 =	vmul.f32 v0, v6  }
0x2d9: {  	v1 =	vsub.f32 v59, v57;
	v63 =	vmul.f32 v0, v7  }
0x2da: {  	v4 =	vsub.f32 v60, v4;
	v0 =	vmul.f32 v0, v8;
	v2 =	vsub.f32 v61, v62  }
0x2db: {  	v1 =	vsub.f32 v1, v63  }
0x2dc: {  	v0 =	vsub.f32 v4, v0;
	[tilespmem:s14+$0x12030] =	vst v2  }
0x2dd: {  	[tilespmem:s14+$0x16030] =	vst v1  }
0x2de: {  	s0 =	rddreg [dreg:$0x16];
	s1 =	simm.s32 $0x12000;
	s28 =	simm.s32 $0x9;
	[tilespmem:s14+$0x14030] =	vst v0  }
0x2df: {  	[hbm4b:s0+s15] =	stream.linear.scatter [tilespmem:s1], [sflag:$0x9], $0x480, $0x38;
	[tilespmem:$0x1CE20] =	vst v63  }
0x2e0: {  	_ =	swait.ge [sflag:s28], $0x480  }
0x2e1: {  	[sflag:s28] =	ssyncset.done $0x0  }
0x2e2: {  	s2 =	simm.s32 $0x14000;
	s29 =	rddreg [dreg:$0x17];
	[sflag:s28] =	ssyncadd.s32 $0xFFFFFB80  }
0x2e3: {  	[hbm4b:s29+s15] =	stream.linear.scatter [tilespmem:s2], [sflag:$0x9], $0x480, $0x38;
	[tilespmem:$0x1CE20] =	vst v63  }
0x2e4: {  	_ =	swait.ge [sflag:s28], $0x480  }
0x2e5: {  	s31 =	simm.s32 $0x16000;
	[sflag:s28] =	ssyncset.done $0x0  }
.Ltmp9:
0x2e6: {  	s30 =	rddreg [dreg:$0x18];
	[sflag:s28] =	ssyncadd.s32 $0xFFFFFB80;
	(pc) =	sbr.rel .LBB3_11-.Ltmp9, $4  }
0x2e7: {  	[hbm4b:s30+s15] =	stream.linear.scatter [tilespmem:s31], [sflag:$0x9], $0x480, $0x38;
	[tilespmem:$0x1CE20] =	vst v63  }
0x2e8: {  	_ =	swait.ge [sflag:s28], $0x480  }
0x2e9: {  	[sflag:s28] =	ssyncset.done $0x0  }
0x2ea: {  	s1 =	rddreg [dreg:$0x19];
	[sflag:s28] =	ssyncadd.s32 $0xFFFFFB80  }
.LBB3_12:
0x2eb: {  	_ =	sfence.sel $0x180000  }
0x2ec: {  	[bflag:$0x0] =	sbarrier.arrive $0xFFFF  }
0x2ed: {  	_ =	strace $0x90000047  }
0x2ee: {  	s0 =	stileid.u32;
	[bflag:$0x2] =	sbarrier.arrive $0xFFFF  }
0x2ef: {  	p0 =	sne.s32 s0, $0x0;
	s0 =	rddreg [dreg:$0xe]  }
0x2f0: {  	s0 =	sadd.s32 @!p0 $0x100000, s0  }
0x2f1: {  	[sflag:s0] =	ssyncadd.tile.s32 @!p0 $0x1;
	_ =	shalt  }
.Lfunc_end3:
_tile_overlayer_lowered:
.L_overlay_start_3:
0x2f2: {  	(tag) =	ssettag $0x3  }
0x2f3: {  	s0 =	rddreg [dreg:$0x0];
	s2 =	stileid.u32  }
0x2f4: {  	s1 =	rddreg [dreg:$0x1];
	p0 =	sne.s32 s2, $0x0  }
0x2f5: {  	s3 =	rddreg [dreg:$0x2];
	[bflag:$0x3] =	sbarrier.arrive $0xFFFF;
	s2 =	simm.s32 @!p0 $0x1C09  }
0x2f6: {  	[timem:s3], [sflag:s2] =	dma.local @!p0 [hbm:s0], s1  }
0x2f7: {  	s0 =	simm.s32 @!p0 $0x9  }
0x2f8: {  	_ =	swait.ge @!p0 [sflag:s0], s1  }
0x2f9: {  	s1 =	ssub.s32 @!p0 $0x0, s1;
	[sflag:s0] =	ssyncset.done @!p0 $0x0  }
0x2fa: {  	[sflag:s0] =	ssyncadd.s32 @!p0 s1  }
0x2fb: {  	[bflag:$0x3] =	sbarrier.arrive $0xFFFF  }
0x2fc: {  	_ =	shalt  }

</sc_bundles>
